<compile_context>
chip_gen: v7x
topology: tpu7x:2x2x1
jax: 0.10.2.dev20260603
libtpu: 0.0.44.dev20260713+nightly
codegen_flags: <defaults>
</compile_context>

<pallas_src>
import functools

import jax
import jax.numpy as jnp
from jax import lax
from jax.experimental import pallas as pl
from jax.experimental.pallas import tpu as pltpu
from jax.experimental.pallas import tpu_sc as plsc

NC = 2
NS = 16
CHUNK = 88
RING = 4
PF = 2


@functools.lru_cache(maxsize=None)
def _segsum_builder(N, D, C, RPT, ACC_R):
    HD = D // NC
    mesh = plsc.VectorSubcoreMesh(core_axis_name="c", subcore_axis_name="s")

    @functools.partial(
        pl.kernel,
        mesh=mesh,
        compiler_params=pltpu.CompilerParams(use_tc_tiling_on_sc=False),
        out_type=jax.ShapeDtypeStruct((NC, ACC_R, HD), jnp.float32),
        scratch_types=[
            pltpu.VMEM((C, CHUNK), jnp.int32),
            pltpu.VMEM((C, CHUNK), jnp.int32),
        ]
        + [pltpu.VMEM((CHUNK, HD), jnp.float32) for _ in range(RING)]
        + [pltpu.VMEM_SHARED((ACC_R, HD), jnp.float32)]
        + [pltpu.SemaphoreType.DMA for _ in range(2 * RING)],
    )
    def segsum(xs_hbm, src_hbm, dst_hbm, zeros_hbm, out_hbm,
               src_v, dst_v, *refs):
        rows = refs[:RING]
        acc_s = refs[RING]
        gsem = refs[RING + 1:RING + 1 + RING]
        ssem = refs[RING + 1 + RING:]
        c = lax.axis_index("c")
        s = lax.axis_index("s")
        xh = xs_hbm.at[c]
        pltpu.sync_copy(zeros_hbm, acc_s.at[pl.ds(s * RPT, RPT)])
        pltpu.sync_copy(src_hbm.at[s], src_v)
        pltpu.sync_copy(dst_hbm.at[s], dst_v)
        for b in range(PF):
            pltpu.async_copy(xh.at[src_v.at[b]], rows[b], gsem[b])
        plsc.subcore_barrier()

        def group(jj, carry):
            for b in range(RING):
                j = jj * RING + b
                bp = (b + PF) % RING
                @pl.when(j + PF < C)
                def _():
                    pltpu.async_copy(
                        xh.at[src_v.at[j + PF]], rows[bp], gsem[bp])
                pltpu.make_async_copy(
                    xh.at[src_v.at[j]], rows[b], gsem[b]).wait()
                pltpu.sync_copy(rows[b], acc_s.at[dst_v.at[j]], add=True)
            return carry

        lax.fori_loop(0, C // RING, group, 0)
        plsc.subcore_barrier()
        pltpu.sync_copy(acc_s.at[pl.ds(s * RPT, RPT)],
                        out_hbm.at[c, pl.ds(s * RPT, RPT)])

    return segsum


def _mlp_body(x_ref, p_ref, w1_ref, b1_ref, w2_ref, b2_ref, o_ref):
    h = jnp.concatenate(
        [x_ref[0] + p_ref[0], x_ref[1] + p_ref[1]], axis=-1)
    a = jnp.maximum(
        jnp.dot(h, w1_ref[...], preferred_element_type=jnp.float32)
        + b1_ref[...], 0.0)
    o = (jnp.dot(a, w2_ref[...], preferred_element_type=jnp.float32)
         + b2_ref[...])
    hd = o.shape[-1] // 2
    o_ref[0] = o[:, :hd]
    o_ref[1] = o[:, hd:]


def _mlp_last_body(x_ref, p_ref, w1_ref, b1_ref, w2_ref, b2_ref, gs_ref):
    h = jnp.concatenate(
        [x_ref[0] + p_ref[0], x_ref[1] + p_ref[1]], axis=-1)
    a = jnp.maximum(
        jnp.dot(h, w1_ref[...], preferred_element_type=jnp.float32)
        + b1_ref[...], 0.0)
    o = (jnp.dot(a, w2_ref[...], preferred_element_type=jnp.float32)
         + b2_ref[...])
    gs_ref[...] = jnp.sum(o, axis=0, keepdims=True)[None]


def _heads_body(ps_ref, w1a_ref, b1a_ref, v2a_ref, c2a_ref,
                w1b_ref, b1b_ref, v2b_ref, c2b_ref, o_ref):
    g = jnp.sum(ps_ref[...], axis=0)
    za = jnp.maximum(
        jnp.dot(g, w1a_ref[...], preferred_element_type=jnp.float32)
        + b1a_ref[...], 0.0)
    oa = jnp.sum(za * v2a_ref[...], axis=1, keepdims=True) + c2a_ref[...]
    zb = jnp.maximum(
        jnp.dot(g, w1b_ref[...], preferred_element_type=jnp.float32)
        + b1b_ref[...], 0.0)
    ob = jnp.sum(zb * v2b_ref[...], axis=1, keepdims=True) + c2b_ref[...]
    lane = lax.broadcasted_iota(jnp.int32, (1, 128), 1)
    o_ref[...] = jnp.where(lane == 0, oa, jnp.where(lane == 1, ob, 0.0))


def kernel(X, edge_index, edge_weights, params):
    N, D = X.shape
    H = params[2].shape[0]
    E = edge_index.shape[1]
    HD = D // NC
    num_layers = (len(params) - 8) // 4

    C = -(-E // (NS * CHUNK))
    C = -(-C // RING) * RING
    E_pad = NS * C * CHUNK
    RPT = -(-(-(-(N + 1) // NS)) // 8) * 8
    ACC_R = RPT * NS

    src = edge_index[0]
    dst = edge_index[1]
    pad = E_pad - E
    src_p = jnp.concatenate(
        [src, jnp.zeros((pad,), jnp.int32)]).reshape(NS, C, CHUNK)
    dst_p = jnp.concatenate(
        [dst, jnp.full((pad,), N, jnp.int32)]).reshape(NS, C, CHUNK)
    zeros_t = jnp.zeros((RPT, HD), jnp.float32)

    segsum = _segsum_builder(N, D, C, RPT, ACC_R)

    BLK = 2000
    grid = N // BLK
    split_spec = pl.BlockSpec((NC, BLK, HD), lambda i: (0, i, 0))
    full2 = lambda shape: pl.BlockSpec(shape, lambda i: (0, 0))

    mlp = pl.pallas_call(
        _mlp_body,
        grid=(grid,),
        in_specs=[split_spec, split_spec, full2((D, H)), full2((1, H)),
                  full2((H, H)), full2((1, H))],
        out_specs=split_spec,
        out_shape=jax.ShapeDtypeStruct((NC, N, HD), jnp.float32),
    )
    mlp_last = pl.pallas_call(
        _mlp_last_body,
        grid=(grid,),
        in_specs=[split_spec, split_spec, full2((D, H)), full2((1, H)),
                  full2((H, H)), full2((1, H))],
        out_specs=pl.BlockSpec((1, 1, H), lambda i: (i, 0, 0)),
        out_shape=jax.ShapeDtypeStruct((grid, 1, H), jnp.float32),
    )
    heads = pl.pallas_call(
        _heads_body,
        grid=(1,),
        in_specs=[pl.BlockSpec((grid, 1, H), lambda i: (0, 0, 0)),
                  full2((H, H)), full2((1, H)), full2((1, H)), full2((1, 1)),
                  full2((H, H)), full2((1, H)), full2((1, H)), full2((1, 1))],
        out_specs=full2((1, 128)),
        out_shape=jax.ShapeDtypeStruct((1, 128), jnp.float32),
    )

    xs = jnp.stack([X[:, :HD], X[:, HD:]], axis=0)
    for i in range(num_layers):
        W1, b1, W2, b2 = params[4 * i: 4 * i + 4]
        parts = segsum(xs, src_p, dst_p, zeros_t)
        if i < num_layers - 1:
            xs = mlp(xs, parts, W1, b1.reshape(1, H), W2, b2.reshape(1, H))
        else:
            gs = mlp_last(xs, parts, W1, b1.reshape(1, H), W2,
                          b2.reshape(1, H))

    Wo1a, bo1a, Wo2a, bo2a, Wo1b, bo1b, Wo2b, bo2b = params[4 * num_layers:]
    out = heads(gs,
                Wo1a, bo1a.reshape(1, H), Wo2a.reshape(1, H),
                bo2a.reshape(1, 1),
                Wo1b, bo1b.reshape(1, H), Wo2b.reshape(1, H),
                bo2b.reshape(1, 1))
    return out[0, :2]

# --- scband reference (transcript-rebuilt; emitter-appended) ---
"""Pipeline reference for scband-predictor-23845658428324 (READ-ONLY COPY).

The authoritative reference and input builder live on the scoring server;
editing this copy changes nothing except your own understanding.
"""

import jax, jax.numpy as jnp
import numpy as np

N = 10000
E = 320000
D = 128
H = 128
L = 5
HEADS = 2


def _init_params(key):
    params = []
    ks = jax.random.split(key, 4 * L + 4 * HEADS)
    idx = 0
    in_dim = D
    for i in range(L):
        W1 = jax.random.normal(ks[idx], (in_dim, H), dtype=jnp.float32) * (1.0 / np.sqrt(in_dim)); idx += 1
        b1 = jnp.zeros((H,), dtype=jnp.float32)
        W2 = jax.random.normal(ks[idx], (H, H), dtype=jnp.float32) * (1.0 / np.sqrt(H)); idx += 1
        b2 = jnp.zeros((H,), dtype=jnp.float32)
        params += [W1, b1, W2, b2]
        in_dim = H
    for h in range(HEADS):
        Wo1 = jax.random.normal(ks[idx], (H, H), dtype=jnp.float32) * (1.0 / np.sqrt(H)); idx += 1
        bo1 = jnp.zeros((H,), dtype=jnp.float32)
        Wo2 = jax.random.normal(ks[idx], (H, 1), dtype=jnp.float32) * (1.0 / np.sqrt(H)); idx += 1
        bo2 = jnp.zeros((1,), dtype=jnp.float32)
        params += [Wo1, bo1, Wo2, bo2]
    return params


def setup_inputs(seed: int = 0):
    key = jax.random.key(seed)
    k1, k2, k3, k4 = jax.random.split(key, 4)
    X = jax.random.normal(k1, (N, D), dtype=jnp.float32)
    edge_index = jax.random.randint(k2, (2, E), 0, N, dtype=jnp.int32)
    edge_weights = jax.random.uniform(k3, (E,), dtype=jnp.float32)
    params = _init_params(k4)
    return {"X": X, "edge_index": edge_index, "edge_weights": edge_weights, "params": params}


def _forward(X, params, edge_index):
    # GIN path: edge_weights unused (matches torch module when gnn='gin')
    src = edge_index[0]
    dst = edge_index[1]
    x = X
    for i in range(L):
        W1, b1, W2, b2 = params[4 * i: 4 * i + 4]
        # GINConv with eps=0: h = nn((1+eps)*x + sum_{j in N(i)} x_j)
        agg = jax.ops.segment_sum(x[src], dst, num_segments=N)
        h = x + agg
        x = jnp.maximum(h @ W1 + b1, 0.0) @ W2 + b2
    g = x.sum(axis=0)
    outs = []
    for hd in range(HEADS):
        Wo1, bo1, Wo2, bo2 = params[4 * L + 4 * hd: 4 * L + 4 * hd + 4]
        outs.append(jnp.maximum(g @ Wo1 + bo1, 0.0) @ Wo2 + bo2)
    return jnp.concatenate(outs, axis=-1)


def reference(X, edge_index, edge_weights, params):
    return _forward(X, params, edge_index)

if __name__ == "__main__":
    import jax
    _d = setup_inputs()
    print(jax.jit(kernel)(*tuple(_d.values())))

</pallas_src>

<mosaic_0001>
#map = affine_map<(d0, d1) -> (0, 0, 0)>
#map1 = affine_map<(d0, d1) -> (0, 0)>
module attributes {stable_mosaic.version = 14 : i64} {
  func.func @segsum(%arg0: i32, %arg1: i32, %arg2: memref<2x10000x64xf32, #tpu.memory_space<hbm>>, %arg3: memref<16x228x88xi32, #tpu.memory_space<hbm>>, %arg4: memref<16x228x88xi32, #tpu.memory_space<hbm>>, %arg5: memref<632x64xf32, #tpu.memory_space<hbm>>, %arg6: memref<2x10112x64xf32, #tpu.memory_space<hbm>>, %arg7: memref<228x88xi32, #tpu.memory_space<vmem>>, %arg8: memref<228x88xi32, #tpu.memory_space<vmem>>, %arg9: memref<88x64xf32, #tpu.memory_space<vmem>>, %arg10: memref<88x64xf32, #tpu.memory_space<vmem>>, %arg11: memref<88x64xf32, #tpu.memory_space<vmem>>, %arg12: memref<88x64xf32, #tpu.memory_space<vmem>>, %arg13: memref<10112x64xf32, #tpu.memory_space<vmem_shared>>, %arg14: memref<!tpu.dma_semaphore, #tpu.memory_space<semaphore_mem>>, %arg15: memref<!tpu.dma_semaphore, #tpu.memory_space<semaphore_mem>>, %arg16: memref<!tpu.dma_semaphore, #tpu.memory_space<semaphore_mem>>, %arg17: memref<!tpu.dma_semaphore, #tpu.memory_space<semaphore_mem>>, %arg18: memref<!tpu.dma_semaphore, #tpu.memory_space<semaphore_mem>>, %arg19: memref<!tpu.dma_semaphore, #tpu.memory_space<semaphore_mem>>, %arg20: memref<!tpu.dma_semaphore, #tpu.memory_space<semaphore_mem>>, %arg21: memref<!tpu.dma_semaphore, #tpu.memory_space<semaphore_mem>>) attributes {dimension_semantics = [#tpu.dimension_semantics<core_parallel>, #tpu.dimension_semantics<subcore_parallel>], iteration_bounds = array<i64: 2, 16>, scalar_prefetch = 0 : i64, scratch_operands = 15 : i64, tpu.core_type = #tpu.core_type<sc_vector_subcore>, window_params = [{transform_indices = #map}, {transform_indices = #map}, {transform_indices = #map}, {transform_indices = #map1}, {transform_indices = #map}]} {
    %mul3A = arith.constant 632 : i32
    %mul3A_0 = arith.muli %arg1, %mul3A : i32
    "tpu.region"() ({
      %run_scoped3A = tpu.sem_alloc : memref<!tpu.dma_semaphore, #tpu.memory_space<semaphore_mem>>
      %dma_start3A_32 = arith.constant 0 : i32
      %dma_start3A_33 = tpu.memref_slice %arg13[%mul3A_0, %dma_start3A_32] : memref<10112x64xf32, #tpu.memory_space<vmem_shared>> -> memref<632x64xf32, #tpu.memory_space<vmem_shared>>
      tpu.enqueue_dma source(%arg5 : memref<632x64xf32, #tpu.memory_space<hbm>>) target(%dma_start3A_33 : memref<632x64xf32, #tpu.memory_space<vmem_shared>>) target_semaphore(%run_scoped3A : memref<!tpu.dma_semaphore, #tpu.memory_space<semaphore_mem>>)
      %dma_wait3A = arith.constant 0 : i32
      %dma_wait3A_34 = tpu.memref_slice %arg13[%mul3A_0, %dma_wait3A] : memref<10112x64xf32, #tpu.memory_space<vmem_shared>> -> memref<632x64xf32, #tpu.memory_space<vmem_shared>>
      tpu.wait_dma2 semaphore(%run_scoped3A : memref<!tpu.dma_semaphore, #tpu.memory_space<semaphore_mem>>) src(%arg5 : memref<632x64xf32, #tpu.memory_space<hbm>>) dst(%dma_wait3A_34 : memref<632x64xf32, #tpu.memory_space<vmem_shared>>)
      tpu.yield
    }) : () -> ()
    "tpu.region"() ({
      %run_scoped3A = tpu.sem_alloc : memref<!tpu.dma_semaphore, #tpu.memory_space<semaphore_mem>>
      %dma_start3A_32 = arith.constant 0 : i32
      %dma_start3A_33 = arith.constant 0 : i32
      %dma_start3A_34 = tpu.memref_slice %arg3[%arg1, %dma_start3A_32, %dma_start3A_33] : memref<16x228x88xi32, #tpu.memory_space<hbm>> -> memref<1x228x88xi32, #tpu.memory_space<hbm>>
      %dma_start3A_35 = tpu.memref_squeeze %dma_start3A_34 : memref<1x228x88xi32, #tpu.memory_space<hbm>> -> memref<228x88xi32, #tpu.memory_space<hbm>>
      %dma_start3A_36 = arith.constant 0 : i32
      %dma_start3A_37 = arith.constant 0 : i32
      %dma_start3A_38 = tpu.memref_slice %arg3[%arg1, %dma_start3A_36, %dma_start3A_37] : memref<16x228x88xi32, #tpu.memory_space<hbm>> -> memref<1x228x88xi32, #tpu.memory_space<hbm>>
      %dma_start3A_39 = tpu.memref_squeeze %dma_start3A_38 : memref<1x228x88xi32, #tpu.memory_space<hbm>> -> memref<228x88xi32, #tpu.memory_space<hbm>>
      tpu.enqueue_dma source(%dma_start3A_39 : memref<228x88xi32, #tpu.memory_space<hbm>>) target(%arg7 : memref<228x88xi32, #tpu.memory_space<vmem>>) target_semaphore(%run_scoped3A : memref<!tpu.dma_semaphore, #tpu.memory_space<semaphore_mem>>)
      %dma_wait3A = arith.constant 0 : i32
      %dma_wait3A_40 = arith.constant 0 : i32
      %dma_wait3A_41 = tpu.memref_slice %arg3[%arg1, %dma_wait3A, %dma_wait3A_40] : memref<16x228x88xi32, #tpu.memory_space<hbm>> -> memref<1x228x88xi32, #tpu.memory_space<hbm>>
      %dma_wait3A_42 = tpu.memref_squeeze %dma_wait3A_41 : memref<1x228x88xi32, #tpu.memory_space<hbm>> -> memref<228x88xi32, #tpu.memory_space<hbm>>
      %dma_wait3A_43 = arith.constant 0 : i32
      %dma_wait3A_44 = arith.constant 0 : i32
      %dma_wait3A_45 = tpu.memref_slice %arg3[%arg1, %dma_wait3A_43, %dma_wait3A_44] : memref<16x228x88xi32, #tpu.memory_space<hbm>> -> memref<1x228x88xi32, #tpu.memory_space<hbm>>
      %dma_wait3A_46 = tpu.memref_squeeze %dma_wait3A_45 : memref<1x228x88xi32, #tpu.memory_space<hbm>> -> memref<228x88xi32, #tpu.memory_space<hbm>>
      tpu.wait_dma2 semaphore(%run_scoped3A : memref<!tpu.dma_semaphore, #tpu.memory_space<semaphore_mem>>) src(%dma_wait3A_46 : memref<228x88xi32, #tpu.memory_space<hbm>>) dst(%arg7 : memref<228x88xi32, #tpu.memory_space<vmem>>)
      tpu.yield
    }) : () -> ()
    "tpu.region"() ({
      %run_scoped3A = tpu.sem_alloc : memref<!tpu.dma_semaphore, #tpu.memory_space<semaphore_mem>>
      %dma_start3A_32 = arith.constant 0 : i32
      %dma_start3A_33 = arith.constant 0 : i32
      %dma_start3A_34 = tpu.memref_slice %arg4[%arg1, %dma_start3A_32, %dma_start3A_33] : memref<16x228x88xi32, #tpu.memory_space<hbm>> -> memref<1x228x88xi32, #tpu.memory_space<hbm>>
      %dma_start3A_35 = tpu.memref_squeeze %dma_start3A_34 : memref<1x228x88xi32, #tpu.memory_space<hbm>> -> memref<228x88xi32, #tpu.memory_space<hbm>>
      %dma_start3A_36 = arith.constant 0 : i32
      %dma_start3A_37 = arith.constant 0 : i32
      %dma_start3A_38 = tpu.memref_slice %arg4[%arg1, %dma_start3A_36, %dma_start3A_37] : memref<16x228x88xi32, #tpu.memory_space<hbm>> -> memref<1x228x88xi32, #tpu.memory_space<hbm>>
      %dma_start3A_39 = tpu.memref_squeeze %dma_start3A_38 : memref<1x228x88xi32, #tpu.memory_space<hbm>> -> memref<228x88xi32, #tpu.memory_space<hbm>>
      tpu.enqueue_dma source(%dma_start3A_39 : memref<228x88xi32, #tpu.memory_space<hbm>>) target(%arg8 : memref<228x88xi32, #tpu.memory_space<vmem>>) target_semaphore(%run_scoped3A : memref<!tpu.dma_semaphore, #tpu.memory_space<semaphore_mem>>)
      %dma_wait3A = arith.constant 0 : i32
      %dma_wait3A_40 = arith.constant 0 : i32
      %dma_wait3A_41 = tpu.memref_slice %arg4[%arg1, %dma_wait3A, %dma_wait3A_40] : memref<16x228x88xi32, #tpu.memory_space<hbm>> -> memref<1x228x88xi32, #tpu.memory_space<hbm>>
      %dma_wait3A_42 = tpu.memref_squeeze %dma_wait3A_41 : memref<1x228x88xi32, #tpu.memory_space<hbm>> -> memref<228x88xi32, #tpu.memory_space<hbm>>
      %dma_wait3A_43 = arith.constant 0 : i32
      %dma_wait3A_44 = arith.constant 0 : i32
      %dma_wait3A_45 = tpu.memref_slice %arg4[%arg1, %dma_wait3A_43, %dma_wait3A_44] : memref<16x228x88xi32, #tpu.memory_space<hbm>> -> memref<1x228x88xi32, #tpu.memory_space<hbm>>
      %dma_wait3A_46 = tpu.memref_squeeze %dma_wait3A_45 : memref<1x228x88xi32, #tpu.memory_space<hbm>> -> memref<228x88xi32, #tpu.memory_space<hbm>>
      tpu.wait_dma2 semaphore(%run_scoped3A : memref<!tpu.dma_semaphore, #tpu.memory_space<semaphore_mem>>) src(%dma_wait3A_46 : memref<228x88xi32, #tpu.memory_space<hbm>>) dst(%arg8 : memref<228x88xi32, #tpu.memory_space<vmem>>)
      tpu.yield
    }) : () -> ()
    %dma_start3A = arith.constant 0 : i32
    %dma_start3A_1 = arith.constant 0 : i32
    %dma_start3A_2 = tpu.memref_slice %arg7[%dma_start3A, %dma_start3A_1] : memref<228x88xi32, #tpu.memory_space<vmem>> -> memref<1x88xi32, #tpu.memory_space<vmem>>
    %dma_start3A_3 = tpu.memref_squeeze %dma_start3A_2 : memref<1x88xi32, #tpu.memory_space<vmem>> -> memref<88xi32, #tpu.memory_space<vmem>>
    %dma_start3A_4 = arith.constant 0 : i32
    %dma_start3A_5 = arith.constant 0 : i32
    %dma_start3A_6 = tpu.memref_slice %arg2[%arg0, %dma_start3A_4, %dma_start3A_5] : memref<2x10000x64xf32, #tpu.memory_space<hbm>> -> memref<1x10000x64xf32, #tpu.memory_space<hbm>>
    %dma_start3A_7 = tpu.memref_squeeze %dma_start3A_6 : memref<1x10000x64xf32, #tpu.memory_space<hbm>> -> memref<10000x64xf32, #tpu.memory_space<hbm>>
    %dma_start3A_8 = arith.constant 0 : i32
    %dma_start3A_9 = arith.constant 0 : i32
    %dma_start3A_10 = tpu.memref_slice %dma_start3A_7[%dma_start3A_8, %dma_start3A_9] : memref<10000x64xf32, #tpu.memory_space<hbm>> -> memref<10000x64xf32, #tpu.memory_space<hbm>>
    tpu.enqueue_indirect_dma source(%dma_start3A_10 : memref<10000x64xf32, #tpu.memory_space<hbm>>) target(%arg9 : memref<88x64xf32, #tpu.memory_space<vmem>>) offsets(%dma_start3A_3 : memref<88xi32, #tpu.memory_space<vmem>>) semaphore(%arg14 : memref<!tpu.dma_semaphore, #tpu.memory_space<semaphore_mem>>)
    %dma_start3A_11 = arith.constant 1 : i32
    %dma_start3A_12 = arith.constant 0 : i32
    %dma_start3A_13 = tpu.memref_slice %arg7[%dma_start3A_11, %dma_start3A_12] : memref<228x88xi32, #tpu.memory_space<vmem>> -> memref<1x88xi32, #tpu.memory_space<vmem>>
    %dma_start3A_14 = tpu.memref_squeeze %dma_start3A_13 : memref<1x88xi32, #tpu.memory_space<vmem>> -> memref<88xi32, #tpu.memory_space<vmem>>
    %dma_start3A_15 = arith.constant 0 : i32
    %dma_start3A_16 = arith.constant 0 : i32
    %dma_start3A_17 = tpu.memref_slice %arg2[%arg0, %dma_start3A_15, %dma_start3A_16] : memref<2x10000x64xf32, #tpu.memory_space<hbm>> -> memref<1x10000x64xf32, #tpu.memory_space<hbm>>
    %dma_start3A_18 = tpu.memref_squeeze %dma_start3A_17 : memref<1x10000x64xf32, #tpu.memory_space<hbm>> -> memref<10000x64xf32, #tpu.memory_space<hbm>>
    %dma_start3A_19 = arith.constant 0 : i32
    %dma_start3A_20 = arith.constant 0 : i32
    %dma_start3A_21 = tpu.memref_slice %dma_start3A_18[%dma_start3A_19, %dma_start3A_20] : memref<10000x64xf32, #tpu.memory_space<hbm>> -> memref<10000x64xf32, #tpu.memory_space<hbm>>
    tpu.enqueue_indirect_dma source(%dma_start3A_21 : memref<10000x64xf32, #tpu.memory_space<hbm>>) target(%arg10 : memref<88x64xf32, #tpu.memory_space<vmem>>) offsets(%dma_start3A_14 : memref<88xi32, #tpu.memory_space<vmem>>) semaphore(%arg15 : memref<!tpu.dma_semaphore, #tpu.memory_space<semaphore_mem>>)
    %barrier3A = arith.constant 0 : index
    tpu.barrier barrier_id(%barrier3A)
    %scan3A = arith.constant 0 : i32
    %scan3A_22 = arith.constant 0 : i32
    %scan3A_23 = arith.constant 57 : i32
    %scan3A_24 = arith.addi %scan3A_22, %scan3A_23 : i32
    %scan3A_25 = arith.constant 1 : i32
    scf.for %scan3A_32 = %scan3A_22 to %scan3A_24 step %scan3A_25  : i32 {
      %mul3A_33 = arith.constant 4 : i32
      %mul3A_34 = arith.muli %scan3A_32, %mul3A_33 : i32
      %add3A = arith.constant 0 : i32
      %add3A_35 = arith.addi %mul3A_34, %add3A : i32
      %add3A_36 = arith.constant 2 : i32
      %add3A_37 = arith.addi %add3A_35, %add3A_36 : i32
      %lt3A = arith.constant 228 : i32
      %lt3A_38 = arith.cmpi slt, %add3A_37, %lt3A : i32
      %convert_element_type3A = arith.extui %lt3A_38 : i1 to i32
      %cond3A = arith.constant 0 : i32
      %cond3A_39 = arith.cmpi ne, %convert_element_type3A, %cond3A : i32
      scf.if %cond3A_39 {
        %add3A_112 = arith.constant 2 : i32
        %add3A_113 = arith.addi %add3A_35, %add3A_112 : i32
        %dma_start3A_114 = arith.constant 0 : i32
        %dma_start3A_115 = tpu.memref_slice %arg7[%add3A_113, %dma_start3A_114] : memref<228x88xi32, #tpu.memory_space<vmem>> -> memref<1x88xi32, #tpu.memory_space<vmem>>
        %dma_start3A_116 = tpu.memref_squeeze %dma_start3A_115 : memref<1x88xi32, #tpu.memory_space<vmem>> -> memref<88xi32, #tpu.memory_space<vmem>>
        %dma_start3A_117 = arith.constant 0 : i32
        %dma_start3A_118 = arith.constant 0 : i32
        %dma_start3A_119 = tpu.memref_slice %arg2[%arg0, %dma_start3A_117, %dma_start3A_118] : memref<2x10000x64xf32, #tpu.memory_space<hbm>> -> memref<1x10000x64xf32, #tpu.memory_space<hbm>>
        %dma_start3A_120 = tpu.memref_squeeze %dma_start3A_119 : memref<1x10000x64xf32, #tpu.memory_space<hbm>> -> memref<10000x64xf32, #tpu.memory_space<hbm>>
        %dma_start3A_121 = arith.constant 0 : i32
        %dma_start3A_122 = arith.constant 0 : i32
        %dma_start3A_123 = tpu.memref_slice %dma_start3A_120[%dma_start3A_121, %dma_start3A_122] : memref<10000x64xf32, #tpu.memory_space<hbm>> -> memref<10000x64xf32, #tpu.memory_space<hbm>>
        tpu.enqueue_indirect_dma source(%dma_start3A_123 : memref<10000x64xf32, #tpu.memory_space<hbm>>) target(%arg11 : memref<88x64xf32, #tpu.memory_space<vmem>>) offsets(%dma_start3A_116 : memref<88xi32, #tpu.memory_space<vmem>>) semaphore(%arg16 : memref<!tpu.dma_semaphore, #tpu.memory_space<semaphore_mem>>)
      } else {
      }
      %dma_wait3A = arith.constant 0 : i32
      %dma_wait3A_40 = tpu.memref_slice %arg7[%add3A_35, %dma_wait3A] : memref<228x88xi32, #tpu.memory_space<vmem>> -> memref<1x88xi32, #tpu.memory_space<vmem>>
      %dma_wait3A_41 = tpu.memref_squeeze %dma_wait3A_40 : memref<1x88xi32, #tpu.memory_space<vmem>> -> memref<88xi32, #tpu.memory_space<vmem>>
      %dma_wait3A_42 = arith.constant 0 : i32
      %dma_wait3A_43 = arith.constant 0 : i32
      %dma_wait3A_44 = tpu.memref_slice %arg2[%arg0, %dma_wait3A_42, %dma_wait3A_43] : memref<2x10000x64xf32, #tpu.memory_space<hbm>> -> memref<1x10000x64xf32, #tpu.memory_space<hbm>>
      %dma_wait3A_45 = tpu.memref_squeeze %dma_wait3A_44 : memref<1x10000x64xf32, #tpu.memory_space<hbm>> -> memref<10000x64xf32, #tpu.memory_space<hbm>>
      %dma_wait3A_46 = arith.constant 0 : i32
      %dma_wait3A_47 = arith.constant 0 : i32
      %dma_wait3A_48 = tpu.memref_slice %dma_wait3A_45[%dma_wait3A_46, %dma_wait3A_47] : memref<10000x64xf32, #tpu.memory_space<hbm>> -> memref<10000x64xf32, #tpu.memory_space<hbm>>
      tpu.wait_indirect_dma semaphore(%arg14 : memref<!tpu.dma_semaphore, #tpu.memory_space<semaphore_mem>>) src(%dma_wait3A_48 : memref<10000x64xf32, #tpu.memory_space<hbm>>) dst(%arg9 : memref<88x64xf32, #tpu.memory_space<vmem>>)
      "tpu.region"() ({
        %run_scoped3A = tpu.sem_alloc : memref<!tpu.dma_semaphore, #tpu.memory_space<semaphore_mem>>
        %dma_start3A_112 = arith.constant 0 : i32
        %dma_start3A_113 = tpu.memref_slice %arg8[%add3A_35, %dma_start3A_112] : memref<228x88xi32, #tpu.memory_space<vmem>> -> memref<1x88xi32, #tpu.memory_space<vmem>>
        %dma_start3A_114 = tpu.memref_squeeze %dma_start3A_113 : memref<1x88xi32, #tpu.memory_space<vmem>> -> memref<88xi32, #tpu.memory_space<vmem>>
        %dma_start3A_115 = arith.constant 0 : i32
        %dma_start3A_116 = arith.constant 0 : i32
        %dma_start3A_117 = tpu.memref_slice %arg13[%dma_start3A_115, %dma_start3A_116] : memref<10112x64xf32, #tpu.memory_space<vmem_shared>> -> memref<10112x64xf32, #tpu.memory_space<vmem_shared>>
        tpu.enqueue_indirect_dma source(%arg9 : memref<88x64xf32, #tpu.memory_space<vmem>>) target(%dma_start3A_117 : memref<10112x64xf32, #tpu.memory_space<vmem_shared>>) offsets(%dma_start3A_114 : memref<88xi32, #tpu.memory_space<vmem>>) semaphore(%run_scoped3A : memref<!tpu.dma_semaphore, #tpu.memory_space<semaphore_mem>>) {add = true}
        %dma_wait3A_118 = arith.constant 0 : i32
        %dma_wait3A_119 = tpu.memref_slice %arg8[%add3A_35, %dma_wait3A_118] : memref<228x88xi32, #tpu.memory_space<vmem>> -> memref<1x88xi32, #tpu.memory_space<vmem>>
        %dma_wait3A_120 = tpu.memref_squeeze %dma_wait3A_119 : memref<1x88xi32, #tpu.memory_space<vmem>> -> memref<88xi32, #tpu.memory_space<vmem>>
        %dma_wait3A_121 = arith.constant 0 : i32
        %dma_wait3A_122 = arith.constant 0 : i32
        %dma_wait3A_123 = tpu.memref_slice %arg13[%dma_wait3A_121, %dma_wait3A_122] : memref<10112x64xf32, #tpu.memory_space<vmem_shared>> -> memref<10112x64xf32, #tpu.memory_space<vmem_shared>>
        tpu.wait_indirect_dma semaphore(%run_scoped3A : memref<!tpu.dma_semaphore, #tpu.memory_space<semaphore_mem>>) src(%arg9 : memref<88x64xf32, #tpu.memory_space<vmem>>) dst(%dma_wait3A_123 : memref<10112x64xf32, #tpu.memory_space<vmem_shared>>)
        tpu.yield
      }) : () -> ()
      %mul3A_49 = arith.constant 4 : i32
      %mul3A_50 = arith.muli %scan3A_32, %mul3A_49 : i32
      %add3A_51 = arith.constant 1 : i32
      %add3A_52 = arith.addi %mul3A_50, %add3A_51 : i32
      %add3A_53 = arith.constant 2 : i32
      %add3A_54 = arith.addi %add3A_52, %add3A_53 : i32
      %lt3A_55 = arith.constant 228 : i32
      %lt3A_56 = arith.cmpi slt, %add3A_54, %lt3A_55 : i32
      %convert_element_type3A_57 = arith.extui %lt3A_56 : i1 to i32
      %cond3A_58 = arith.constant 0 : i32
      %cond3A_59 = arith.cmpi ne, %convert_element_type3A_57, %cond3A_58 : i32
      scf.if %cond3A_59 {
        %add3A_112 = arith.constant 2 : i32
        %add3A_113 = arith.addi %add3A_52, %add3A_112 : i32
        %dma_start3A_114 = arith.constant 0 : i32
        %dma_start3A_115 = tpu.memref_slice %arg7[%add3A_113, %dma_start3A_114] : memref<228x88xi32, #tpu.memory_space<vmem>> -> memref<1x88xi32, #tpu.memory_space<vmem>>
        %dma_start3A_116 = tpu.memref_squeeze %dma_start3A_115 : memref<1x88xi32, #tpu.memory_space<vmem>> -> memref<88xi32, #tpu.memory_space<vmem>>
        %dma_start3A_117 = arith.constant 0 : i32
        %dma_start3A_118 = arith.constant 0 : i32
        %dma_start3A_119 = tpu.memref_slice %arg2[%arg0, %dma_start3A_117, %dma_start3A_118] : memref<2x10000x64xf32, #tpu.memory_space<hbm>> -> memref<1x10000x64xf32, #tpu.memory_space<hbm>>
        %dma_start3A_120 = tpu.memref_squeeze %dma_start3A_119 : memref<1x10000x64xf32, #tpu.memory_space<hbm>> -> memref<10000x64xf32, #tpu.memory_space<hbm>>
        %dma_start3A_121 = arith.constant 0 : i32
        %dma_start3A_122 = arith.constant 0 : i32
        %dma_start3A_123 = tpu.memref_slice %dma_start3A_120[%dma_start3A_121, %dma_start3A_122] : memref<10000x64xf32, #tpu.memory_space<hbm>> -> memref<10000x64xf32, #tpu.memory_space<hbm>>
        tpu.enqueue_indirect_dma source(%dma_start3A_123 : memref<10000x64xf32, #tpu.memory_space<hbm>>) target(%arg12 : memref<88x64xf32, #tpu.memory_space<vmem>>) offsets(%dma_start3A_116 : memref<88xi32, #tpu.memory_space<vmem>>) semaphore(%arg17 : memref<!tpu.dma_semaphore, #tpu.memory_space<semaphore_mem>>)
      } else {
      }
      %dma_wait3A_60 = arith.constant 0 : i32
      %dma_wait3A_61 = tpu.memref_slice %arg7[%add3A_52, %dma_wait3A_60] : memref<228x88xi32, #tpu.memory_space<vmem>> -> memref<1x88xi32, #tpu.memory_space<vmem>>
      %dma_wait3A_62 = tpu.memref_squeeze %dma_wait3A_61 : memref<1x88xi32, #tpu.memory_space<vmem>> -> memref<88xi32, #tpu.memory_space<vmem>>
      %dma_wait3A_63 = arith.constant 0 : i32
      %dma_wait3A_64 = arith.constant 0 : i32
      %dma_wait3A_65 = tpu.memref_slice %arg2[%arg0, %dma_wait3A_63, %dma_wait3A_64] : memref<2x10000x64xf32, #tpu.memory_space<hbm>> -> memref<1x10000x64xf32, #tpu.memory_space<hbm>>
      %dma_wait3A_66 = tpu.memref_squeeze %dma_wait3A_65 : memref<1x10000x64xf32, #tpu.memory_space<hbm>> -> memref<10000x64xf32, #tpu.memory_space<hbm>>
      %dma_wait3A_67 = arith.constant 0 : i32
      %dma_wait3A_68 = arith.constant 0 : i32
      %dma_wait3A_69 = tpu.memref_slice %dma_wait3A_66[%dma_wait3A_67, %dma_wait3A_68] : memref<10000x64xf32, #tpu.memory_space<hbm>> -> memref<10000x64xf32, #tpu.memory_space<hbm>>
      tpu.wait_indirect_dma semaphore(%arg15 : memref<!tpu.dma_semaphore, #tpu.memory_space<semaphore_mem>>) src(%dma_wait3A_69 : memref<10000x64xf32, #tpu.memory_space<hbm>>) dst(%arg10 : memref<88x64xf32, #tpu.memory_space<vmem>>)
      "tpu.region"() ({
        %run_scoped3A = tpu.sem_alloc : memref<!tpu.dma_semaphore, #tpu.memory_space<semaphore_mem>>
        %dma_start3A_112 = arith.constant 0 : i32
        %dma_start3A_113 = tpu.memref_slice %arg8[%add3A_52, %dma_start3A_112] : memref<228x88xi32, #tpu.memory_space<vmem>> -> memref<1x88xi32, #tpu.memory_space<vmem>>
        %dma_start3A_114 = tpu.memref_squeeze %dma_start3A_113 : memref<1x88xi32, #tpu.memory_space<vmem>> -> memref<88xi32, #tpu.memory_space<vmem>>
        %dma_start3A_115 = arith.constant 0 : i32
        %dma_start3A_116 = arith.constant 0 : i32
        %dma_start3A_117 = tpu.memref_slice %arg13[%dma_start3A_115, %dma_start3A_116] : memref<10112x64xf32, #tpu.memory_space<vmem_shared>> -> memref<10112x64xf32, #tpu.memory_space<vmem_shared>>
        tpu.enqueue_indirect_dma source(%arg10 : memref<88x64xf32, #tpu.memory_space<vmem>>) target(%dma_start3A_117 : memref<10112x64xf32, #tpu.memory_space<vmem_shared>>) offsets(%dma_start3A_114 : memref<88xi32, #tpu.memory_space<vmem>>) semaphore(%run_scoped3A : memref<!tpu.dma_semaphore, #tpu.memory_space<semaphore_mem>>) {add = true}
        %dma_wait3A_118 = arith.constant 0 : i32
        %dma_wait3A_119 = tpu.memref_slice %arg8[%add3A_52, %dma_wait3A_118] : memref<228x88xi32, #tpu.memory_space<vmem>> -> memref<1x88xi32, #tpu.memory_space<vmem>>
        %dma_wait3A_120 = tpu.memref_squeeze %dma_wait3A_119 : memref<1x88xi32, #tpu.memory_space<vmem>> -> memref<88xi32, #tpu.memory_space<vmem>>
        %dma_wait3A_121 = arith.constant 0 : i32
        %dma_wait3A_122 = arith.constant 0 : i32
        %dma_wait3A_123 = tpu.memref_slice %arg13[%dma_wait3A_121, %dma_wait3A_122] : memref<10112x64xf32, #tpu.memory_space<vmem_shared>> -> memref<10112x64xf32, #tpu.memory_space<vmem_shared>>
        tpu.wait_indirect_dma semaphore(%run_scoped3A : memref<!tpu.dma_semaphore, #tpu.memory_space<semaphore_mem>>) src(%arg10 : memref<88x64xf32, #tpu.memory_space<vmem>>) dst(%dma_wait3A_123 : memref<10112x64xf32, #tpu.memory_space<vmem_shared>>)
        tpu.yield
      }) : () -> ()
      %mul3A_70 = arith.constant 4 : i32
      %mul3A_71 = arith.muli %scan3A_32, %mul3A_70 : i32
      %add3A_72 = arith.constant 2 : i32
      %add3A_73 = arith.addi %mul3A_71, %add3A_72 : i32
      %add3A_74 = arith.constant 2 : i32
      %add3A_75 = arith.addi %add3A_73, %add3A_74 : i32
      %lt3A_76 = arith.constant 228 : i32
      %lt3A_77 = arith.cmpi slt, %add3A_75, %lt3A_76 : i32
      %convert_element_type3A_78 = arith.extui %lt3A_77 : i1 to i32
      %cond3A_79 = arith.constant 0 : i32
      %cond3A_80 = arith.cmpi ne, %convert_element_type3A_78, %cond3A_79 : i32
      scf.if %cond3A_80 {
        %add3A_112 = arith.constant 2 : i32
        %add3A_113 = arith.addi %add3A_73, %add3A_112 : i32
        %dma_start3A_114 = arith.constant 0 : i32
        %dma_start3A_115 = tpu.memref_slice %arg7[%add3A_113, %dma_start3A_114] : memref<228x88xi32, #tpu.memory_space<vmem>> -> memref<1x88xi32, #tpu.memory_space<vmem>>
        %dma_start3A_116 = tpu.memref_squeeze %dma_start3A_115 : memref<1x88xi32, #tpu.memory_space<vmem>> -> memref<88xi32, #tpu.memory_space<vmem>>
        %dma_start3A_117 = arith.constant 0 : i32
        %dma_start3A_118 = arith.constant 0 : i32
        %dma_start3A_119 = tpu.memref_slice %arg2[%arg0, %dma_start3A_117, %dma_start3A_118] : memref<2x10000x64xf32, #tpu.memory_space<hbm>> -> memref<1x10000x64xf32, #tpu.memory_space<hbm>>
        %dma_start3A_120 = tpu.memref_squeeze %dma_start3A_119 : memref<1x10000x64xf32, #tpu.memory_space<hbm>> -> memref<10000x64xf32, #tpu.memory_space<hbm>>
        %dma_start3A_121 = arith.constant 0 : i32
        %dma_start3A_122 = arith.constant 0 : i32
        %dma_start3A_123 = tpu.memref_slice %dma_start3A_120[%dma_start3A_121, %dma_start3A_122] : memref<10000x64xf32, #tpu.memory_space<hbm>> -> memref<10000x64xf32, #tpu.memory_space<hbm>>
        tpu.enqueue_indirect_dma source(%dma_start3A_123 : memref<10000x64xf32, #tpu.memory_space<hbm>>) target(%arg9 : memref<88x64xf32, #tpu.memory_space<vmem>>) offsets(%dma_start3A_116 : memref<88xi32, #tpu.memory_space<vmem>>) semaphore(%arg14 : memref<!tpu.dma_semaphore, #tpu.memory_space<semaphore_mem>>)
      } else {
      }
      %dma_wait3A_81 = arith.constant 0 : i32
      %dma_wait3A_82 = tpu.memref_slice %arg7[%add3A_73, %dma_wait3A_81] : memref<228x88xi32, #tpu.memory_space<vmem>> -> memref<1x88xi32, #tpu.memory_space<vmem>>
      %dma_wait3A_83 = tpu.memref_squeeze %dma_wait3A_82 : memref<1x88xi32, #tpu.memory_space<vmem>> -> memref<88xi32, #tpu.memory_space<vmem>>
      %dma_wait3A_84 = arith.constant 0 : i32
      %dma_wait3A_85 = arith.constant 0 : i32
      %dma_wait3A_86 = tpu.memref_slice %arg2[%arg0, %dma_wait3A_84, %dma_wait3A_85] : memref<2x10000x64xf32, #tpu.memory_space<hbm>> -> memref<1x10000x64xf32, #tpu.memory_space<hbm>>
      %dma_wait3A_87 = tpu.memref_squeeze %dma_wait3A_86 : memref<1x10000x64xf32, #tpu.memory_space<hbm>> -> memref<10000x64xf32, #tpu.memory_space<hbm>>
      %dma_wait3A_88 = arith.constant 0 : i32
      %dma_wait3A_89 = arith.constant 0 : i32
      %dma_wait3A_90 = tpu.memref_slice %dma_wait3A_87[%dma_wait3A_88, %dma_wait3A_89] : memref<10000x64xf32, #tpu.memory_space<hbm>> -> memref<10000x64xf32, #tpu.memory_space<hbm>>
      tpu.wait_indirect_dma semaphore(%arg16 : memref<!tpu.dma_semaphore, #tpu.memory_space<semaphore_mem>>) src(%dma_wait3A_90 : memref<10000x64xf32, #tpu.memory_space<hbm>>) dst(%arg11 : memref<88x64xf32, #tpu.memory_space<vmem>>)
      "tpu.region"() ({
        %run_scoped3A = tpu.sem_alloc : memref<!tpu.dma_semaphore, #tpu.memory_space<semaphore_mem>>
        %dma_start3A_112 = arith.constant 0 : i32
        %dma_start3A_113 = tpu.memref_slice %arg8[%add3A_73, %dma_start3A_112] : memref<228x88xi32, #tpu.memory_space<vmem>> -> memref<1x88xi32, #tpu.memory_space<vmem>>
        %dma_start3A_114 = tpu.memref_squeeze %dma_start3A_113 : memref<1x88xi32, #tpu.memory_space<vmem>> -> memref<88xi32, #tpu.memory_space<vmem>>
        %dma_start3A_115 = arith.constant 0 : i32
        %dma_start3A_116 = arith.constant 0 : i32
        %dma_start3A_117 = tpu.memref_slice %arg13[%dma_start3A_115, %dma_start3A_116] : memref<10112x64xf32, #tpu.memory_space<vmem_shared>> -> memref<10112x64xf32, #tpu.memory_space<vmem_shared>>
        tpu.enqueue_indirect_dma source(%arg11 : memref<88x64xf32, #tpu.memory_space<vmem>>) target(%dma_start3A_117 : memref<10112x64xf32, #tpu.memory_space<vmem_shared>>) offsets(%dma_start3A_114 : memref<88xi32, #tpu.memory_space<vmem>>) semaphore(%run_scoped3A : memref<!tpu.dma_semaphore, #tpu.memory_space<semaphore_mem>>) {add = true}
        %dma_wait3A_118 = arith.constant 0 : i32
        %dma_wait3A_119 = tpu.memref_slice %arg8[%add3A_73, %dma_wait3A_118] : memref<228x88xi32, #tpu.memory_space<vmem>> -> memref<1x88xi32, #tpu.memory_space<vmem>>
        %dma_wait3A_120 = tpu.memref_squeeze %dma_wait3A_119 : memref<1x88xi32, #tpu.memory_space<vmem>> -> memref<88xi32, #tpu.memory_space<vmem>>
        %dma_wait3A_121 = arith.constant 0 : i32
        %dma_wait3A_122 = arith.constant 0 : i32
        %dma_wait3A_123 = tpu.memref_slice %arg13[%dma_wait3A_121, %dma_wait3A_122] : memref<10112x64xf32, #tpu.memory_space<vmem_shared>> -> memref<10112x64xf32, #tpu.memory_space<vmem_shared>>
        tpu.wait_indirect_dma semaphore(%run_scoped3A : memref<!tpu.dma_semaphore, #tpu.memory_space<semaphore_mem>>) src(%arg11 : memref<88x64xf32, #tpu.memory_space<vmem>>) dst(%dma_wait3A_123 : memref<10112x64xf32, #tpu.memory_space<vmem_shared>>)
        tpu.yield
      }) : () -> ()
      %mul3A_91 = arith.constant 4 : i32
      %mul3A_92 = arith.muli %scan3A_32, %mul3A_91 : i32
      %add3A_93 = arith.constant 3 : i32
      %add3A_94 = arith.addi %mul3A_92, %add3A_93 : i32
      %add3A_95 = arith.constant 2 : i32
      %add3A_96 = arith.addi %add3A_94, %add3A_95 : i32
      %lt3A_97 = arith.constant 228 : i32
      %lt3A_98 = arith.cmpi slt, %add3A_96, %lt3A_97 : i32
      %convert_element_type3A_99 = arith.extui %lt3A_98 : i1 to i32
      %cond3A_100 = arith.constant 0 : i32
      %cond3A_101 = arith.cmpi ne, %convert_element_type3A_99, %cond3A_100 : i32
      scf.if %cond3A_101 {
        %add3A_112 = arith.constant 2 : i32
        %add3A_113 = arith.addi %add3A_94, %add3A_112 : i32
        %dma_start3A_114 = arith.constant 0 : i32
        %dma_start3A_115 = tpu.memref_slice %arg7[%add3A_113, %dma_start3A_114] : memref<228x88xi32, #tpu.memory_space<vmem>> -> memref<1x88xi32, #tpu.memory_space<vmem>>
        %dma_start3A_116 = tpu.memref_squeeze %dma_start3A_115 : memref<1x88xi32, #tpu.memory_space<vmem>> -> memref<88xi32, #tpu.memory_space<vmem>>
        %dma_start3A_117 = arith.constant 0 : i32
        %dma_start3A_118 = arith.constant 0 : i32
        %dma_start3A_119 = tpu.memref_slice %arg2[%arg0, %dma_start3A_117, %dma_start3A_118] : memref<2x10000x64xf32, #tpu.memory_space<hbm>> -> memref<1x10000x64xf32, #tpu.memory_space<hbm>>
        %dma_start3A_120 = tpu.memref_squeeze %dma_start3A_119 : memref<1x10000x64xf32, #tpu.memory_space<hbm>> -> memref<10000x64xf32, #tpu.memory_space<hbm>>
        %dma_start3A_121 = arith.constant 0 : i32
        %dma_start3A_122 = arith.constant 0 : i32
        %dma_start3A_123 = tpu.memref_slice %dma_start3A_120[%dma_start3A_121, %dma_start3A_122] : memref<10000x64xf32, #tpu.memory_space<hbm>> -> memref<10000x64xf32, #tpu.memory_space<hbm>>
        tpu.enqueue_indirect_dma source(%dma_start3A_123 : memref<10000x64xf32, #tpu.memory_space<hbm>>) target(%arg10 : memref<88x64xf32, #tpu.memory_space<vmem>>) offsets(%dma_start3A_116 : memref<88xi32, #tpu.memory_space<vmem>>) semaphore(%arg15 : memref<!tpu.dma_semaphore, #tpu.memory_space<semaphore_mem>>)
      } else {
      }
      %dma_wait3A_102 = arith.constant 0 : i32
      %dma_wait3A_103 = tpu.memref_slice %arg7[%add3A_94, %dma_wait3A_102] : memref<228x88xi32, #tpu.memory_space<vmem>> -> memref<1x88xi32, #tpu.memory_space<vmem>>
      %dma_wait3A_104 = tpu.memref_squeeze %dma_wait3A_103 : memref<1x88xi32, #tpu.memory_space<vmem>> -> memref<88xi32, #tpu.memory_space<vmem>>
      %dma_wait3A_105 = arith.constant 0 : i32
      %dma_wait3A_106 = arith.constant 0 : i32
      %dma_wait3A_107 = tpu.memref_slice %arg2[%arg0, %dma_wait3A_105, %dma_wait3A_106] : memref<2x10000x64xf32, #tpu.memory_space<hbm>> -> memref<1x10000x64xf32, #tpu.memory_space<hbm>>
      %dma_wait3A_108 = tpu.memref_squeeze %dma_wait3A_107 : memref<1x10000x64xf32, #tpu.memory_space<hbm>> -> memref<10000x64xf32, #tpu.memory_space<hbm>>
      %dma_wait3A_109 = arith.constant 0 : i32
      %dma_wait3A_110 = arith.constant 0 : i32
      %dma_wait3A_111 = tpu.memref_slice %dma_wait3A_108[%dma_wait3A_109, %dma_wait3A_110] : memref<10000x64xf32, #tpu.memory_space<hbm>> -> memref<10000x64xf32, #tpu.memory_space<hbm>>
      tpu.wait_indirect_dma semaphore(%arg17 : memref<!tpu.dma_semaphore, #tpu.memory_space<semaphore_mem>>) src(%dma_wait3A_111 : memref<10000x64xf32, #tpu.memory_space<hbm>>) dst(%arg12 : memref<88x64xf32, #tpu.memory_space<vmem>>)
      "tpu.region"() ({
        %run_scoped3A = tpu.sem_alloc : memref<!tpu.dma_semaphore, #tpu.memory_space<semaphore_mem>>
        %dma_start3A_112 = arith.constant 0 : i32
        %dma_start3A_113 = tpu.memref_slice %arg8[%add3A_94, %dma_start3A_112] : memref<228x88xi32, #tpu.memory_space<vmem>> -> memref<1x88xi32, #tpu.memory_space<vmem>>
        %dma_start3A_114 = tpu.memref_squeeze %dma_start3A_113 : memref<1x88xi32, #tpu.memory_space<vmem>> -> memref<88xi32, #tpu.memory_space<vmem>>
        %dma_start3A_115 = arith.constant 0 : i32
        %dma_start3A_116 = arith.constant 0 : i32
        %dma_start3A_117 = tpu.memref_slice %arg13[%dma_start3A_115, %dma_start3A_116] : memref<10112x64xf32, #tpu.memory_space<vmem_shared>> -> memref<10112x64xf32, #tpu.memory_space<vmem_shared>>
        tpu.enqueue_indirect_dma source(%arg12 : memref<88x64xf32, #tpu.memory_space<vmem>>) target(%dma_start3A_117 : memref<10112x64xf32, #tpu.memory_space<vmem_shared>>) offsets(%dma_start3A_114 : memref<88xi32, #tpu.memory_space<vmem>>) semaphore(%run_scoped3A : memref<!tpu.dma_semaphore, #tpu.memory_space<semaphore_mem>>) {add = true}
        %dma_wait3A_118 = arith.constant 0 : i32
        %dma_wait3A_119 = tpu.memref_slice %arg8[%add3A_94, %dma_wait3A_118] : memref<228x88xi32, #tpu.memory_space<vmem>> -> memref<1x88xi32, #tpu.memory_space<vmem>>
        %dma_wait3A_120 = tpu.memref_squeeze %dma_wait3A_119 : memref<1x88xi32, #tpu.memory_space<vmem>> -> memref<88xi32, #tpu.memory_space<vmem>>
        %dma_wait3A_121 = arith.constant 0 : i32
        %dma_wait3A_122 = arith.constant 0 : i32
        %dma_wait3A_123 = tpu.memref_slice %arg13[%dma_wait3A_121, %dma_wait3A_122] : memref<10112x64xf32, #tpu.memory_space<vmem_shared>> -> memref<10112x64xf32, #tpu.memory_space<vmem_shared>>
        tpu.wait_indirect_dma semaphore(%run_scoped3A : memref<!tpu.dma_semaphore, #tpu.memory_space<semaphore_mem>>) src(%arg12 : memref<88x64xf32, #tpu.memory_space<vmem>>) dst(%dma_wait3A_123 : memref<10112x64xf32, #tpu.memory_space<vmem_shared>>)
        tpu.yield
      }) : () -> ()
    }
    %scan3A_26 = arith.constant 57 : i32
    %barrier3A_27 = arith.constant 0 : index
    tpu.barrier barrier_id(%barrier3A_27)
    %mul3A_28 = arith.constant 632 : i32
    %mul3A_29 = arith.muli %arg1, %mul3A_28 : i32
    %mul3A_30 = arith.constant 632 : i32
    %mul3A_31 = arith.muli %arg1, %mul3A_30 : i32
    "tpu.region"() ({
      %run_scoped3A = tpu.sem_alloc : memref<!tpu.dma_semaphore, #tpu.memory_space<semaphore_mem>>
      %dma_start3A_32 = arith.constant 0 : i32
      %dma_start3A_33 = tpu.memref_slice %arg6[%arg0, %mul3A_31, %dma_start3A_32] : memref<2x10112x64xf32, #tpu.memory_space<hbm>> -> memref<1x632x64xf32, #tpu.memory_space<hbm>>
      %dma_start3A_34 = tpu.memref_squeeze %dma_start3A_33 : memref<1x632x64xf32, #tpu.memory_space<hbm>> -> memref<632x64xf32, #tpu.memory_space<hbm>>
      %dma_start3A_35 = arith.constant 0 : i32
      %dma_start3A_36 = tpu.memref_slice %arg13[%mul3A_29, %dma_start3A_35] : memref<10112x64xf32, #tpu.memory_space<vmem_shared>> -> memref<632x64xf32, #tpu.memory_space<vmem_shared>>
      tpu.enqueue_dma source(%dma_start3A_36 : memref<632x64xf32, #tpu.memory_space<vmem_shared>>) target(%dma_start3A_34 : memref<632x64xf32, #tpu.memory_space<hbm>>) target_semaphore(%run_scoped3A : memref<!tpu.dma_semaphore, #tpu.memory_space<semaphore_mem>>)
      %dma_wait3A = arith.constant 0 : i32
      %dma_wait3A_37 = tpu.memref_slice %arg6[%arg0, %mul3A_31, %dma_wait3A] : memref<2x10112x64xf32, #tpu.memory_space<hbm>> -> memref<1x632x64xf32, #tpu.memory_space<hbm>>
      %dma_wait3A_38 = tpu.memref_squeeze %dma_wait3A_37 : memref<1x632x64xf32, #tpu.memory_space<hbm>> -> memref<632x64xf32, #tpu.memory_space<hbm>>
      %dma_wait3A_39 = arith.constant 0 : i32
      %dma_wait3A_40 = tpu.memref_slice %arg13[%mul3A_29, %dma_wait3A_39] : memref<10112x64xf32, #tpu.memory_space<vmem_shared>> -> memref<632x64xf32, #tpu.memory_space<vmem_shared>>
      tpu.wait_dma2 semaphore(%run_scoped3A : memref<!tpu.dma_semaphore, #tpu.memory_space<semaphore_mem>>) src(%dma_wait3A_40 : memref<632x64xf32, #tpu.memory_space<vmem_shared>>) dst(%dma_wait3A_38 : memref<632x64xf32, #tpu.memory_space<hbm>>)
      tpu.yield
    }) : () -> ()
    return
  }
}

#map = affine_map<(d0, d1) -> (0, 0, 0)>
#map1 = affine_map<(d0, d1) -> (0, 0)>
module attributes {stable_mosaic.version = 14 : i64} {
  func.func @segsum(%arg0: i32, %arg1: i32, %arg2: memref<2x10000x64xf32, #tpu.memory_space<hbm>>, %arg3: memref<16x228x88xi32, #tpu.memory_space<hbm>>, %arg4: memref<16x228x88xi32, #tpu.memory_space<hbm>>, %arg5: memref<632x64xf32, #tpu.memory_space<hbm>>, %arg6: memref<2x10112x64xf32, #tpu.memory_space<hbm>>, %arg7: memref<228x88xi32, #tpu.memory_space<vmem>>, %arg8: memref<228x88xi32, #tpu.memory_space<vmem>>, %arg9: memref<88x64xf32, #tpu.memory_space<vmem>>, %arg10: memref<88x64xf32, #tpu.memory_space<vmem>>, %arg11: memref<88x64xf32, #tpu.memory_space<vmem>>, %arg12: memref<88x64xf32, #tpu.memory_space<vmem>>, %arg13: memref<10112x64xf32, #tpu.memory_space<vmem_shared>>, %arg14: memref<!tpu.dma_semaphore, #tpu.memory_space<semaphore_mem>>, %arg15: memref<!tpu.dma_semaphore, #tpu.memory_space<semaphore_mem>>, %arg16: memref<!tpu.dma_semaphore, #tpu.memory_space<semaphore_mem>>, %arg17: memref<!tpu.dma_semaphore, #tpu.memory_space<semaphore_mem>>, %arg18: memref<!tpu.dma_semaphore, #tpu.memory_space<semaphore_mem>>, %arg19: memref<!tpu.dma_semaphore, #tpu.memory_space<semaphore_mem>>, %arg20: memref<!tpu.dma_semaphore, #tpu.memory_space<semaphore_mem>>, %arg21: memref<!tpu.dma_semaphore, #tpu.memory_space<semaphore_mem>>) attributes {dimension_semantics = [#tpu.dimension_semantics<core_parallel>, #tpu.dimension_semantics<subcore_parallel>], iteration_bounds = array<i64: 2, 16>, scalar_prefetch = 0 : i64, scratch_operands = 15 : i64, tpu.core_type = #tpu.core_type<sc_vector_subcore>, window_params = [{transform_indices = #map}, {transform_indices = #map}, {transform_indices = #map}, {transform_indices = #map1}, {transform_indices = #map}]} {
    %mul3A = arith.constant 632 : i32
    %mul3A_0 = arith.muli %arg1, %mul3A : i32
    "tpu.region"() ({
      %run_scoped3A = tpu.sem_alloc : memref<!tpu.dma_semaphore, #tpu.memory_space<semaphore_mem>>
      %dma_start3A_32 = arith.constant 0 : i32
      %dma_start3A_33 = tpu.memref_slice %arg13[%mul3A_0, %dma_start3A_32] : memref<10112x64xf32, #tpu.memory_space<vmem_shared>> -> memref<632x64xf32, #tpu.memory_space<vmem_shared>>
      tpu.enqueue_dma source(%arg5 : memref<632x64xf32, #tpu.memory_space<hbm>>) target(%dma_start3A_33 : memref<632x64xf32, #tpu.memory_space<vmem_shared>>) target_semaphore(%run_scoped3A : memref<!tpu.dma_semaphore, #tpu.memory_space<semaphore_mem>>)
      %dma_wait3A = arith.constant 0 : i32
      %dma_wait3A_34 = tpu.memref_slice %arg13[%mul3A_0, %dma_wait3A] : memref<10112x64xf32, #tpu.memory_space<vmem_shared>> -> memref<632x64xf32, #tpu.memory_space<vmem_shared>>
      tpu.wait_dma2 semaphore(%run_scoped3A : memref<!tpu.dma_semaphore, #tpu.memory_space<semaphore_mem>>) src(%arg5 : memref<632x64xf32, #tpu.memory_space<hbm>>) dst(%dma_wait3A_34 : memref<632x64xf32, #tpu.memory_space<vmem_shared>>)
      tpu.yield
    }) : () -> ()
    "tpu.region"() ({
      %run_scoped3A = tpu.sem_alloc : memref<!tpu.dma_semaphore, #tpu.memory_space<semaphore_mem>>
      %dma_start3A_32 = arith.constant 0 : i32
      %dma_start3A_33 = arith.constant 0 : i32
      %dma_start3A_34 = tpu.memref_slice %arg3[%arg1, %dma_start3A_32, %dma_start3A_33] : memref<16x228x88xi32, #tpu.memory_space<hbm>> -> memref<1x228x88xi32, #tpu.memory_space<hbm>>
      %dma_start3A_35 = tpu.memref_squeeze %dma_start3A_34 : memref<1x228x88xi32, #tpu.memory_space<hbm>> -> memref<228x88xi32, #tpu.memory_space<hbm>>
      %dma_start3A_36 = arith.constant 0 : i32
      %dma_start3A_37 = arith.constant 0 : i32
      %dma_start3A_38 = tpu.memref_slice %arg3[%arg1, %dma_start3A_36, %dma_start3A_37] : memref<16x228x88xi32, #tpu.memory_space<hbm>> -> memref<1x228x88xi32, #tpu.memory_space<hbm>>
      %dma_start3A_39 = tpu.memref_squeeze %dma_start3A_38 : memref<1x228x88xi32, #tpu.memory_space<hbm>> -> memref<228x88xi32, #tpu.memory_space<hbm>>
      tpu.enqueue_dma source(%dma_start3A_39 : memref<228x88xi32, #tpu.memory_space<hbm>>) target(%arg7 : memref<228x88xi32, #tpu.memory_space<vmem>>) target_semaphore(%run_scoped3A : memref<!tpu.dma_semaphore, #tpu.memory_space<semaphore_mem>>)
      %dma_wait3A = arith.constant 0 : i32
      %dma_wait3A_40 = arith.constant 0 : i32
      %dma_wait3A_41 = tpu.memref_slice %arg3[%arg1, %dma_wait3A, %dma_wait3A_40] : memref<16x228x88xi32, #tpu.memory_space<hbm>> -> memref<1x228x88xi32, #tpu.memory_space<hbm>>
      %dma_wait3A_42 = tpu.memref_squeeze %dma_wait3A_41 : memref<1x228x88xi32, #tpu.memory_space<hbm>> -> memref<228x88xi32, #tpu.memory_space<hbm>>
      %dma_wait3A_43 = arith.constant 0 : i32
      %dma_wait3A_44 = arith.constant 0 : i32
      %dma_wait3A_45 = tpu.memref_slice %arg3[%arg1, %dma_wait3A_43, %dma_wait3A_44] : memref<16x228x88xi32, #tpu.memory_space<hbm>> -> memref<1x228x88xi32, #tpu.memory_space<hbm>>
      %dma_wait3A_46 = tpu.memref_squeeze %dma_wait3A_45 : memref<1x228x88xi32, #tpu.memory_space<hbm>> -> memref<228x88xi32, #tpu.memory_space<hbm>>
      tpu.wait_dma2 semaphore(%run_scoped3A : memref<!tpu.dma_semaphore, #tpu.memory_space<semaphore_mem>>) src(%dma_wait3A_46 : memref<228x88xi32, #tpu.memory_space<hbm>>) dst(%arg7 : memref<228x88xi32, #tpu.memory_space<vmem>>)
      tpu.yield
    }) : () -> ()
    "tpu.region"() ({
      %run_scoped3A = tpu.sem_alloc : memref<!tpu.dma_semaphore, #tpu.memory_space<semaphore_mem>>
      %dma_start3A_32 = arith.constant 0 : i32
      %dma_start3A_33 = arith.constant 0 : i32
      %dma_start3A_34 = tpu.memref_slice %arg4[%arg1, %dma_start3A_32, %dma_start3A_33] : memref<16x228x88xi32, #tpu.memory_space<hbm>> -> memref<1x228x88xi32, #tpu.memory_space<hbm>>
      %dma_start3A_35 = tpu.memref_squeeze %dma_start3A_34 : memref<1x228x88xi32, #tpu.memory_space<hbm>> -> memref<228x88xi32, #tpu.memory_space<hbm>>
      %dma_start3A_36 = arith.constant 0 : i32
      %dma_start3A_37 = arith.constant 0 : i32
      %dma_start3A_38 = tpu.memref_slice %arg4[%arg1, %dma_start3A_36, %dma_start3A_37] : memref<16x228x88xi32, #tpu.memory_space<hbm>> -> memref<1x228x88xi32, #tpu.memory_space<hbm>>
      %dma_start3A_39 = tpu.memref_squeeze %dma_start3A_38 : memref<1x228x88xi32, #tpu.memory_space<hbm>> -> memref<228x88xi32, #tpu.memory_space<hbm>>
      tpu.enqueue_dma source(%dma_start3A_39 : memref<228x88xi32, #tpu.memory_space<hbm>>) target(%arg8 : memref<228x88xi32, #tpu.memory_space<vmem>>) target_semaphore(%run_scoped3A : memref<!tpu.dma_semaphore, #tpu.memory_space<semaphore_mem>>)
      %dma_wait3A = arith.constant 0 : i32
      %dma_wait3A_40 = arith.constant 0 : i32
      %dma_wait3A_41 = tpu.memref_slice %arg4[%arg1, %dma_wait3A, %dma_wait3A_40] : memref<16x228x88xi32, #tpu.memory_space<hbm>> -> memref<1x228x88xi32, #tpu.memory_space<hbm>>
      %dma_wait3A_42 = tpu.memref_squeeze %dma_wait3A_41 : memref<1x228x88xi32, #tpu.memory_space<hbm>> -> memref<228x88xi32, #tpu.memory_space<hbm>>
      %dma_wait3A_43 = arith.constant 0 : i32
      %dma_wait3A_44 = arith.constant 0 : i32
      %dma_wait3A_45 = tpu.memref_slice %arg4[%arg1, %dma_wait3A_43, %dma_wait3A_44] : memref<16x228x88xi32, #tpu.memory_space<hbm>> -> memref<1x228x88xi32, #tpu.memory_space<hbm>>
      %dma_wait3A_46 = tpu.memref_squeeze %dma_wait3A_45 : memref<1x228x88xi32, #tpu.memory_space<hbm>> -> memref<228x88xi32, #tpu.memory_space<hbm>>
      tpu.wait_dma2 semaphore(%run_scoped3A : memref<!tpu.dma_semaphore, #tpu.memory_space<semaphore_mem>>) src(%dma_wait3A_46 : memref<228x88xi32, #tpu.memory_space<hbm>>) dst(%arg8 : memref<228x88xi32, #tpu.memory_space<vmem>>)
      tpu.yield
    }) : () -> ()
    %dma_start3A = arith.constant 0 : i32
    %dma_start3A_1 = arith.constant 0 : i32
    %dma_start3A_2 = tpu.memref_slice %arg7[%dma_start3A, %dma_start3A_1] : memref<228x88xi32, #tpu.memory_space<vmem>> -> memref<1x88xi32, #tpu.memory_space<vmem>>
    %dma_start3A_3 = tpu.memref_squeeze %dma_start3A_2 : memref<1x88xi32, #tpu.memory_space<vmem>> -> memref<88xi32, #tpu.memory_space<vmem>>
    %dma_start3A_4 = arith.constant 0 : i32
    %dma_start3A_5 = arith.constant 0 : i32
    %dma_start3A_6 = tpu.memref_slice %arg2[%arg0, %dma_start3A_4, %dma_start3A_5] : memref<2x10000x64xf32, #tpu.memory_space<hbm>> -> memref<1x10000x64xf32, #tpu.memory_space<hbm>>
    %dma_start3A_7 = tpu.memref_squeeze %dma_start3A_6 : memref<1x10000x64xf32, #tpu.memory_space<hbm>> -> memref<10000x64xf32, #tpu.memory_space<hbm>>
    %dma_start3A_8 = arith.constant 0 : i32
    %dma_start3A_9 = arith.constant 0 : i32
    %dma_start3A_10 = tpu.memref_slice %dma_start3A_7[%dma_start3A_8, %dma_start3A_9] : memref<10000x64xf32, #tpu.memory_space<hbm>> -> memref<10000x64xf32, #tpu.memory_space<hbm>>
    tpu.enqueue_indirect_dma source(%dma_start3A_10 : memref<10000x64xf32, #tpu.memory_space<hbm>>) target(%arg9 : memref<88x64xf32, #tpu.memory_space<vmem>>) offsets(%dma_start3A_3 : memref<88xi32, #tpu.memory_space<vmem>>) semaphore(%arg14 : memref<!tpu.dma_semaphore, #tpu.memory_space<semaphore_mem>>)
    %dma_start3A_11 = arith.constant 1 : i32
    %dma_start3A_12 = arith.constant 0 : i32
    %dma_start3A_13 = tpu.memref_slice %arg7[%dma_start3A_11, %dma_start3A_12] : memref<228x88xi32, #tpu.memory_space<vmem>> -> memref<1x88xi32, #tpu.memory_space<vmem>>
    %dma_start3A_14 = tpu.memref_squeeze %dma_start3A_13 : memref<1x88xi32, #tpu.memory_space<vmem>> -> memref<88xi32, #tpu.memory_space<vmem>>
    %dma_start3A_15 = arith.constant 0 : i32
    %dma_start3A_16 = arith.constant 0 : i32
    %dma_start3A_17 = tpu.memref_slice %arg2[%arg0, %dma_start3A_15, %dma_start3A_16] : memref<2x10000x64xf32, #tpu.memory_space<hbm>> -> memref<1x10000x64xf32, #tpu.memory_space<hbm>>
    %dma_start3A_18 = tpu.memref_squeeze %dma_start3A_17 : memref<1x10000x64xf32, #tpu.memory_space<hbm>> -> memref<10000x64xf32, #tpu.memory_space<hbm>>
    %dma_start3A_19 = arith.constant 0 : i32
    %dma_start3A_20 = arith.constant 0 : i32
    %dma_start3A_21 = tpu.memref_slice %dma_start3A_18[%dma_start3A_19, %dma_start3A_20] : memref<10000x64xf32, #tpu.memory_space<hbm>> -> memref<10000x64xf32, #tpu.memory_space<hbm>>
    tpu.enqueue_indirect_dma source(%dma_start3A_21 : memref<10000x64xf32, #tpu.memory_space<hbm>>) target(%arg10 : memref<88x64xf32, #tpu.memory_space<vmem>>) offsets(%dma_start3A_14 : memref<88xi32, #tpu.memory_space<vmem>>) semaphore(%arg15 : memref<!tpu.dma_semaphore, #tpu.memory_space<semaphore_mem>>)
    %barrier3A = arith.constant 0 : index
    tpu.barrier barrier_id(%barrier3A)
    %scan3A = arith.constant 0 : i32
    %scan3A_22 = arith.constant 0 : i32
    %scan3A_23 = arith.constant 57 : i32
    %scan3A_24 = arith.addi %scan3A_22, %scan3A_23 : i32
    %scan3A_25 = arith.constant 1 : i32
    scf.for %scan3A_32 = %scan3A_22 to %scan3A_24 step %scan3A_25  : i32 {
      %mul3A_33 = arith.constant 4 : i32
      %mul3A_34 = arith.muli %scan3A_32, %mul3A_33 : i32
      %add3A = arith.constant 0 : i32
      %add3A_35 = arith.addi %mul3A_34, %add3A : i32
      %add3A_36 = arith.constant 2 : i32
      %add3A_37 = arith.addi %add3A_35, %add3A_36 : i32
      %lt3A = arith.constant 228 : i32
      %lt3A_38 = arith.cmpi slt, %add3A_37, %lt3A : i32
      %convert_element_type3A = arith.extui %lt3A_38 : i1 to i32
      %cond3A = arith.constant 0 : i32
      %cond3A_39 = arith.cmpi ne, %convert_element_type3A, %cond3A : i32
      scf.if %cond3A_39 {
        %add3A_112 = arith.constant 2 : i32
        %add3A_113 = arith.addi %add3A_35, %add3A_112 : i32
        %dma_start3A_114 = arith.constant 0 : i32
        %dma_start3A_115 = tpu.memref_slice %arg7[%add3A_113, %dma_start3A_114] : memref<228x88xi32, #tpu.memory_space<vmem>> -> memref<1x88xi32, #tpu.memory_space<vmem>>
        %dma_start3A_116 = tpu.memref_squeeze %dma_start3A_115 : memref<1x88xi32, #tpu.memory_space<vmem>> -> memref<88xi32, #tpu.memory_space<vmem>>
        %dma_start3A_117 = arith.constant 0 : i32
        %dma_start3A_118 = arith.constant 0 : i32
        %dma_start3A_119 = tpu.memref_slice %arg2[%arg0, %dma_start3A_117, %dma_start3A_118] : memref<2x10000x64xf32, #tpu.memory_space<hbm>> -> memref<1x10000x64xf32, #tpu.memory_space<hbm>>
        %dma_start3A_120 = tpu.memref_squeeze %dma_start3A_119 : memref<1x10000x64xf32, #tpu.memory_space<hbm>> -> memref<10000x64xf32, #tpu.memory_space<hbm>>
        %dma_start3A_121 = arith.constant 0 : i32
        %dma_start3A_122 = arith.constant 0 : i32
        %dma_start3A_123 = tpu.memref_slice %dma_start3A_120[%dma_start3A_121, %dma_start3A_122] : memref<10000x64xf32, #tpu.memory_space<hbm>> -> memref<10000x64xf32, #tpu.memory_space<hbm>>
        tpu.enqueue_indirect_dma source(%dma_start3A_123 : memref<10000x64xf32, #tpu.memory_space<hbm>>) target(%arg11 : memref<88x64xf32, #tpu.memory_space<vmem>>) offsets(%dma_start3A_116 : memref<88xi32, #tpu.memory_space<vmem>>) semaphore(%arg16 : memref<!tpu.dma_semaphore, #tpu.memory_space<semaphore_mem>>)
      } else {
      }
      %dma_wait3A = arith.constant 0 : i32
      %dma_wait3A_40 = tpu.memref_slice %arg7[%add3A_35, %dma_wait3A] : memref<228x88xi32, #tpu.memory_space<vmem>> -> memref<1x88xi32, #tpu.memory_space<vmem>>
      %dma_wait3A_41 = tpu.memref_squeeze %dma_wait3A_40 : memref<1x88xi32, #tpu.memory_space<vmem>> -> memref<88xi32, #tpu.memory_space<vmem>>
      %dma_wait3A_42 = arith.constant 0 : i32
      %dma_wait3A_43 = arith.constant 0 : i32
      %dma_wait3A_44 = tpu.memref_slice %arg2[%arg0, %dma_wait3A_42, %dma_wait3A_43] : memref<2x10000x64xf32, #tpu.memory_space<hbm>> -> memref<1x10000x64xf32, #tpu.memory_space<hbm>>
      %dma_wait3A_45 = tpu.memref_squeeze %dma_wait3A_44 : memref<1x10000x64xf32, #tpu.memory_space<hbm>> -> memref<10000x64xf32, #tpu.memory_space<hbm>>
      %dma_wait3A_46 = arith.constant 0 : i32
      %dma_wait3A_47 = arith.constant 0 : i32
      %dma_wait3A_48 = tpu.memref_slice %dma_wait3A_45[%dma_wait3A_46, %dma_wait3A_47] : memref<10000x64xf32, #tpu.memory_space<hbm>> -> memref<10000x64xf32, #tpu.memory_space<hbm>>
      tpu.wait_indirect_dma semaphore(%arg14 : memref<!tpu.dma_semaphore, #tpu.memory_space<semaphore_mem>>) src(%dma_wait3A_48 : memref<10000x64xf32, #tpu.memory_space<hbm>>) dst(%arg9 : memref<88x64xf32, #tpu.memory_space<vmem>>)
      "tpu.region"() ({
        %run_scoped3A = tpu.sem_alloc : memref<!tpu.dma_semaphore, #tpu.memory_space<semaphore_mem>>
        %dma_start3A_112 = arith.constant 0 : i32
        %dma_start3A_113 = tpu.memref_slice %arg8[%add3A_35, %dma_start3A_112] : memref<228x88xi32, #tpu.memory_space<vmem>> -> memref<1x88xi32, #tpu.memory_space<vmem>>
        %dma_start3A_114 = tpu.memref_squeeze %dma_start3A_113 : memref<1x88xi32, #tpu.memory_space<vmem>> -> memref<88xi32, #tpu.memory_space<vmem>>
        %dma_start3A_115 = arith.constant 0 : i32
        %dma_start3A_116 = arith.constant 0 : i32
        %dma_start3A_117 = tpu.memref_slice %arg13[%dma_start3A_115, %dma_start3A_116] : memref<10112x64xf32, #tpu.memory_space<vmem_shared>> -> memref<10112x64xf32, #tpu.memory_space<vmem_shared>>
        tpu.enqueue_indirect_dma source(%arg9 : memref<88x64xf32, #tpu.memory_space<vmem>>) target(%dma_start3A_117 : memref<10112x64xf32, #tpu.memory_space<vmem_shared>>) offsets(%dma_start3A_114 : memref<88xi32, #tpu.memory_space<vmem>>) semaphore(%run_scoped3A : memref<!tpu.dma_semaphore, #tpu.memory_space<semaphore_mem>>) {add = true}
        %dma_wait3A_118 = arith.constant 0 : i32
        %dma_wait3A_119 = tpu.memref_slice %arg8[%add3A_35, %dma_wait3A_118] : memref<228x88xi32, #tpu.memory_space<vmem>> -> memref<1x88xi32, #tpu.memory_space<vmem>>
        %dma_wait3A_120 = tpu.memref_squeeze %dma_wait3A_119 : memref<1x88xi32, #tpu.memory_space<vmem>> -> memref<88xi32, #tpu.memory_space<vmem>>
        %dma_wait3A_121 = arith.constant 0 : i32
        %dma_wait3A_122 = arith.constant 0 : i32
        %dma_wait3A_123 = tpu.memref_slice %arg13[%dma_wait3A_121, %dma_wait3A_122] : memref<10112x64xf32, #tpu.memory_space<vmem_shared>> -> memref<10112x64xf32, #tpu.memory_space<vmem_shared>>
        tpu.wait_indirect_dma semaphore(%run_scoped3A : memref<!tpu.dma_semaphore, #tpu.memory_space<semaphore_mem>>) src(%arg9 : memref<88x64xf32, #tpu.memory_space<vmem>>) dst(%dma_wait3A_123 : memref<10112x64xf32, #tpu.memory_space<vmem_shared>>)
        tpu.yield
      }) : () -> ()
      %mul3A_49 = arith.constant 4 : i32
      %mul3A_50 = arith.muli %scan3A_32, %mul3A_49 : i32
      %add3A_51 = arith.constant 1 : i32
      %add3A_52 = arith.addi %mul3A_50, %add3A_51 : i32
      %add3A_53 = arith.constant 2 : i32
      %add3A_54 = arith.addi %add3A_52, %add3A_53 : i32
      %lt3A_55 = arith.constant 228 : i32
      %lt3A_56 = arith.cmpi slt, %add3A_54, %lt3A_55 : i32
      %convert_element_type3A_57 = arith.extui %lt3A_56 : i1 to i32
      %cond3A_58 = arith.constant 0 : i32
      %cond3A_59 = arith.cmpi ne, %convert_element_type3A_57, %cond3A_58 : i32
      scf.if %cond3A_59 {
        %add3A_112 = arith.constant 2 : i32
        %add3A_113 = arith.addi %add3A_52, %add3A_112 : i32
        %dma_start3A_114 = arith.constant 0 : i32
        %dma_start3A_115 = tpu.memref_slice %arg7[%add3A_113, %dma_start3A_114] : memref<228x88xi32, #tpu.memory_space<vmem>> -> memref<1x88xi32, #tpu.memory_space<vmem>>
        %dma_start3A_116 = tpu.memref_squeeze %dma_start3A_115 : memref<1x88xi32, #tpu.memory_space<vmem>> -> memref<88xi32, #tpu.memory_space<vmem>>
        %dma_start3A_117 = arith.constant 0 : i32
        %dma_start3A_118 = arith.constant 0 : i32
        %dma_start3A_119 = tpu.memref_slice %arg2[%arg0, %dma_start3A_117, %dma_start3A_118] : memref<2x10000x64xf32, #tpu.memory_space<hbm>> -> memref<1x10000x64xf32, #tpu.memory_space<hbm>>
        %dma_start3A_120 = tpu.memref_squeeze %dma_start3A_119 : memref<1x10000x64xf32, #tpu.memory_space<hbm>> -> memref<10000x64xf32, #tpu.memory_space<hbm>>
        %dma_start3A_121 = arith.constant 0 : i32
        %dma_start3A_122 = arith.constant 0 : i32
        %dma_start3A_123 = tpu.memref_slice %dma_start3A_120[%dma_start3A_121, %dma_start3A_122] : memref<10000x64xf32, #tpu.memory_space<hbm>> -> memref<10000x64xf32, #tpu.memory_space<hbm>>
        tpu.enqueue_indirect_dma source(%dma_start3A_123 : memref<10000x64xf32, #tpu.memory_space<hbm>>) target(%arg12 : memref<88x64xf32, #tpu.memory_space<vmem>>) offsets(%dma_start3A_116 : memref<88xi32, #tpu.memory_space<vmem>>) semaphore(%arg17 : memref<!tpu.dma_semaphore, #tpu.memory_space<semaphore_mem>>)
      } else {
      }
      %dma_wait3A_60 = arith.constant 0 : i32
      %dma_wait3A_61 = tpu.memref_slice %arg7[%add3A_52, %dma_wait3A_60] : memref<228x88xi32, #tpu.memory_space<vmem>> -> memref<1x88xi32, #tpu.memory_space<vmem>>
      %dma_wait3A_62 = tpu.memref_squeeze %dma_wait3A_61 : memref<1x88xi32, #tpu.memory_space<vmem>> -> memref<88xi32, #tpu.memory_space<vmem>>
      %dma_wait3A_63 = arith.constant 0 : i32
      %dma_wait3A_64 = arith.constant 0 : i32
      %dma_wait3A_65 = tpu.memref_slice %arg2[%arg0, %dma_wait3A_63, %dma_wait3A_64] : memref<2x10000x64xf32, #tpu.memory_space<hbm>> -> memref<1x10000x64xf32, #tpu.memory_space<hbm>>
      %dma_wait3A_66 = tpu.memref_squeeze %dma_wait3A_65 : memref<1x10000x64xf32, #tpu.memory_space<hbm>> -> memref<10000x64xf32, #tpu.memory_space<hbm>>
      %dma_wait3A_67 = arith.constant 0 : i32
      %dma_wait3A_68 = arith.constant 0 : i32
      %dma_wait3A_69 = tpu.memref_slice %dma_wait3A_66[%dma_wait3A_67, %dma_wait3A_68] : memref<10000x64xf32, #tpu.memory_space<hbm>> -> memref<10000x64xf32, #tpu.memory_space<hbm>>
      tpu.wait_indirect_dma semaphore(%arg15 : memref<!tpu.dma_semaphore, #tpu.memory_space<semaphore_mem>>) src(%dma_wait3A_69 : memref<10000x64xf32, #tpu.memory_space<hbm>>) dst(%arg10 : memref<88x64xf32, #tpu.memory_space<vmem>>)
      "tpu.region"() ({
        %run_scoped3A = tpu.sem_alloc : memref<!tpu.dma_semaphore, #tpu.memory_space<semaphore_mem>>
        %dma_start3A_112 = arith.constant 0 : i32
        %dma_start3A_113 = tpu.memref_slice %arg8[%add3A_52, %dma_start3A_112] : memref<228x88xi32, #tpu.memory_space<vmem>> -> memref<1x88xi32, #tpu.memory_space<vmem>>
        %dma_start3A_114 = tpu.memref_squeeze %dma_start3A_113 : memref<1x88xi32, #tpu.memory_space<vmem>> -> memref<88xi32, #tpu.memory_space<vmem>>
        %dma_start3A_115 = arith.constant 0 : i32
        %dma_start3A_116 = arith.constant 0 : i32
        %dma_start3A_117 = tpu.memref_slice %arg13[%dma_start3A_115, %dma_start3A_116] : memref<10112x64xf32, #tpu.memory_space<vmem_shared>> -> memref<10112x64xf32, #tpu.memory_space<vmem_shared>>
        tpu.enqueue_indirect_dma source(%arg10 : memref<88x64xf32, #tpu.memory_space<vmem>>) target(%dma_start3A_117 : memref<10112x64xf32, #tpu.memory_space<vmem_shared>>) offsets(%dma_start3A_114 : memref<88xi32, #tpu.memory_space<vmem>>) semaphore(%run_scoped3A : memref<!tpu.dma_semaphore, #tpu.memory_space<semaphore_mem>>) {add = true}
        %dma_wait3A_118 = arith.constant 0 : i32
        %dma_wait3A_119 = tpu.memref_slice %arg8[%add3A_52, %dma_wait3A_118] : memref<228x88xi32, #tpu.memory_space<vmem>> -> memref<1x88xi32, #tpu.memory_space<vmem>>
        %dma_wait3A_120 = tpu.memref_squeeze %dma_wait3A_119 : memref<1x88xi32, #tpu.memory_space<vmem>> -> memref<88xi32, #tpu.memory_space<vmem>>
        %dma_wait3A_121 = arith.constant 0 : i32
        %dma_wait3A_122 = arith.constant 0 : i32
        %dma_wait3A_123 = tpu.memref_slice %arg13[%dma_wait3A_121, %dma_wait3A_122] : memref<10112x64xf32, #tpu.memory_space<vmem_shared>> -> memref<10112x64xf32, #tpu.memory_space<vmem_shared>>
        tpu.wait_indirect_dma semaphore(%run_scoped3A : memref<!tpu.dma_semaphore, #tpu.memory_space<semaphore_mem>>) src(%arg10 : memref<88x64xf32, #tpu.memory_space<vmem>>) dst(%dma_wait3A_123 : memref<10112x64xf32, #tpu.memory_space<vmem_shared>>)
        tpu.yield
      }) : () -> ()
      %mul3A_70 = arith.constant 4 : i32
      %mul3A_71 = arith.muli %scan3A_32, %mul3A_70 : i32
      %add3A_72 = arith.constant 2 : i32
      %add3A_73 = arith.addi %mul3A_71, %add3A_72 : i32
      %add3A_74 = arith.constant 2 : i32
      %add3A_75 = arith.addi %add3A_73, %add3A_74 : i32
      %lt3A_76 = arith.constant 228 : i32
      %lt3A_77 = arith.cmpi slt, %add3A_75, %lt3A_76 : i32
      %convert_element_type3A_78 = arith.extui %lt3A_77 : i1 to i32
      %cond3A_79 = arith.constant 0 : i32
      %cond3A_80 = arith.cmpi ne, %convert_element_type3A_78, %cond3A_79 : i32
      scf.if %cond3A_80 {
        %add3A_112 = arith.constant 2 : i32
        %add3A_113 = arith.addi %add3A_73, %add3A_112 : i32
        %dma_start3A_114 = arith.constant 0 : i32
        %dma_start3A_115 = tpu.memref_slice %arg7[%add3A_113, %dma_start3A_114] : memref<228x88xi32, #tpu.memory_space<vmem>> -> memref<1x88xi32, #tpu.memory_space<vmem>>
        %dma_start3A_116 = tpu.memref_squeeze %dma_start3A_115 : memref<1x88xi32, #tpu.memory_space<vmem>> -> memref<88xi32, #tpu.memory_space<vmem>>
        %dma_start3A_117 = arith.constant 0 : i32
        %dma_start3A_118 = arith.constant 0 : i32
        %dma_start3A_119 = tpu.memref_slice %arg2[%arg0, %dma_start3A_117, %dma_start3A_118] : memref<2x10000x64xf32, #tpu.memory_space<hbm>> -> memref<1x10000x64xf32, #tpu.memory_space<hbm>>
        %dma_start3A_120 = tpu.memref_squeeze %dma_start3A_119 : memref<1x10000x64xf32, #tpu.memory_space<hbm>> -> memref<10000x64xf32, #tpu.memory_space<hbm>>
        %dma_start3A_121 = arith.constant 0 : i32
        %dma_start3A_122 = arith.constant 0 : i32
        %dma_start3A_123 = tpu.memref_slice %dma_start3A_120[%dma_start3A_121, %dma_start3A_122] : memref<10000x64xf32, #tpu.memory_space<hbm>> -> memref<10000x64xf32, #tpu.memory_space<hbm>>
        tpu.enqueue_indirect_dma source(%dma_start3A_123 : memref<10000x64xf32, #tpu.memory_space<hbm>>) target(%arg9 : memref<88x64xf32, #tpu.memory_space<vmem>>) offsets(%dma_start3A_116 : memref<88xi32, #tpu.memory_space<vmem>>) semaphore(%arg14 : memref<!tpu.dma_semaphore, #tpu.memory_space<semaphore_mem>>)
      } else {
      }
      %dma_wait3A_81 = arith.constant 0 : i32
      %dma_wait3A_82 = tpu.memref_slice %arg7[%add3A_73, %dma_wait3A_81] : memref<228x88xi32, #tpu.memory_space<vmem>> -> memref<1x88xi32, #tpu.memory_space<vmem>>
      %dma_wait3A_83 = tpu.memref_squeeze %dma_wait3A_82 : memref<1x88xi32, #tpu.memory_space<vmem>> -> memref<88xi32, #tpu.memory_space<vmem>>
      %dma_wait3A_84 = arith.constant 0 : i32
      %dma_wait3A_85 = arith.constant 0 : i32
      %dma_wait3A_86 = tpu.memref_slice %arg2[%arg0, %dma_wait3A_84, %dma_wait3A_85] : memref<2x10000x64xf32, #tpu.memory_space<hbm>> -> memref<1x10000x64xf32, #tpu.memory_space<hbm>>
      %dma_wait3A_87 = tpu.memref_squeeze %dma_wait3A_86 : memref<1x10000x64xf32, #tpu.memory_space<hbm>> -> memref<10000x64xf32, #tpu.memory_space<hbm>>
      %dma_wait3A_88 = arith.constant 0 : i32
      %dma_wait3A_89 = arith.constant 0 : i32
      %dma_wait3A_90 = tpu.memref_slice %dma_wait3A_87[%dma_wait3A_88, %dma_wait3A_89] : memref<10000x64xf32, #tpu.memory_space<hbm>> -> memref<10000x64xf32, #tpu.memory_space<hbm>>
      tpu.wait_indirect_dma semaphore(%arg16 : memref<!tpu.dma_semaphore, #tpu.memory_space<semaphore_mem>>) src(%dma_wait3A_90 : memref<10000x64xf32, #tpu.memory_space<hbm>>) dst(%arg11 : memref<88x64xf32, #tpu.memory_space<vmem>>)
      "tpu.region"() ({
        %run_scoped3A = tpu.sem_alloc : memref<!tpu.dma_semaphore, #tpu.memory_space<semaphore_mem>>
        %dma_start3A_112 = arith.constant 0 : i32
        %dma_start3A_113 = tpu.memref_slice %arg8[%add3A_73, %dma_start3A_112] : memref<228x88xi32, #tpu.memory_space<vmem>> -> memref<1x88xi32, #tpu.memory_space<vmem>>
        %dma_start3A_114 = tpu.memref_squeeze %dma_start3A_113 : memref<1x88xi32, #tpu.memory_space<vmem>> -> memref<88xi32, #tpu.memory_space<vmem>>
        %dma_start3A_115 = arith.constant 0 : i32
        %dma_start3A_116 = arith.constant 0 : i32
        %dma_start3A_117 = tpu.memref_slice %arg13[%dma_start3A_115, %dma_start3A_116] : memref<10112x64xf32, #tpu.memory_space<vmem_shared>> -> memref<10112x64xf32, #tpu.memory_space<vmem_shared>>
        tpu.enqueue_indirect_dma source(%arg11 : memref<88x64xf32, #tpu.memory_space<vmem>>) target(%dma_start3A_117 : memref<10112x64xf32, #tpu.memory_space<vmem_shared>>) offsets(%dma_start3A_114 : memref<88xi32, #tpu.memory_space<vmem>>) semaphore(%run_scoped3A : memref<!tpu.dma_semaphore, #tpu.memory_space<semaphore_mem>>) {add = true}
        %dma_wait3A_118 = arith.constant 0 : i32
        %dma_wait3A_119 = tpu.memref_slice %arg8[%add3A_73, %dma_wait3A_118] : memref<228x88xi32, #tpu.memory_space<vmem>> -> memref<1x88xi32, #tpu.memory_space<vmem>>
        %dma_wait3A_120 = tpu.memref_squeeze %dma_wait3A_119 : memref<1x88xi32, #tpu.memory_space<vmem>> -> memref<88xi32, #tpu.memory_space<vmem>>
        %dma_wait3A_121 = arith.constant 0 : i32
        %dma_wait3A_122 = arith.constant 0 : i32
        %dma_wait3A_123 = tpu.memref_slice %arg13[%dma_wait3A_121, %dma_wait3A_122] : memref<10112x64xf32, #tpu.memory_space<vmem_shared>> -> memref<10112x64xf32, #tpu.memory_space<vmem_shared>>
        tpu.wait_indirect_dma semaphore(%run_scoped3A : memref<!tpu.dma_semaphore, #tpu.memory_space<semaphore_mem>>) src(%arg11 : memref<88x64xf32, #tpu.memory_space<vmem>>) dst(%dma_wait3A_123 : memref<10112x64xf32, #tpu.memory_space<vmem_shared>>)
        tpu.yield
      }) : () -> ()
      %mul3A_91 = arith.constant 4 : i32
      %mul3A_92 = arith.muli %scan3A_32, %mul3A_91 : i32
      %add3A_93 = arith.constant 3 : i32
      %add3A_94 = arith.addi %mul3A_92, %add3A_93 : i32
      %add3A_95 = arith.constant 2 : i32
      %add3A_96 = arith.addi %add3A_94, %add3A_95 : i32
      %lt3A_97 = arith.constant 228 : i32
      %lt3A_98 = arith.cmpi slt, %add3A_96, %lt3A_97 : i32
      %convert_element_type3A_99 = arith.extui %lt3A_98 : i1 to i32
      %cond3A_100 = arith.constant 0 : i32
      %cond3A_101 = arith.cmpi ne, %convert_element_type3A_99, %cond3A_100 : i32
      scf.if %cond3A_101 {
        %add3A_112 = arith.constant 2 : i32
        %add3A_113 = arith.addi %add3A_94, %add3A_112 : i32
        %dma_start3A_114 = arith.constant 0 : i32
        %dma_start3A_115 = tpu.memref_slice %arg7[%add3A_113, %dma_start3A_114] : memref<228x88xi32, #tpu.memory_space<vmem>> -> memref<1x88xi32, #tpu.memory_space<vmem>>
        %dma_start3A_116 = tpu.memref_squeeze %dma_start3A_115 : memref<1x88xi32, #tpu.memory_space<vmem>> -> memref<88xi32, #tpu.memory_space<vmem>>
        %dma_start3A_117 = arith.constant 0 : i32
        %dma_start3A_118 = arith.constant 0 : i32
        %dma_start3A_119 = tpu.memref_slice %arg2[%arg0, %dma_start3A_117, %dma_start3A_118] : memref<2x10000x64xf32, #tpu.memory_space<hbm>> -> memref<1x10000x64xf32, #tpu.memory_space<hbm>>
        %dma_start3A_120 = tpu.memref_squeeze %dma_start3A_119 : memref<1x10000x64xf32, #tpu.memory_space<hbm>> -> memref<10000x64xf32, #tpu.memory_space<hbm>>
        %dma_start3A_121 = arith.constant 0 : i32
        %dma_start3A_122 = arith.constant 0 : i32
        %dma_start3A_123 = tpu.memref_slice %dma_start3A_120[%dma_start3A_121, %dma_start3A_122] : memref<10000x64xf32, #tpu.memory_space<hbm>> -> memref<10000x64xf32, #tpu.memory_space<hbm>>
        tpu.enqueue_indirect_dma source(%dma_start3A_123 : memref<10000x64xf32, #tpu.memory_space<hbm>>) target(%arg10 : memref<88x64xf32, #tpu.memory_space<vmem>>) offsets(%dma_start3A_116 : memref<88xi32, #tpu.memory_space<vmem>>) semaphore(%arg15 : memref<!tpu.dma_semaphore, #tpu.memory_space<semaphore_mem>>)
      } else {
      }
      %dma_wait3A_102 = arith.constant 0 : i32
      %dma_wait3A_103 = tpu.memref_slice %arg7[%add3A_94, %dma_wait3A_102] : memref<228x88xi32, #tpu.memory_space<vmem>> -> memref<1x88xi32, #tpu.memory_space<vmem>>
      %dma_wait3A_104 = tpu.memref_squeeze %dma_wait3A_103 : memref<1x88xi32, #tpu.memory_space<vmem>> -> memref<88xi32, #tpu.memory_space<vmem>>
      %dma_wait3A_105 = arith.constant 0 : i32
      %dma_wait3A_106 = arith.constant 0 : i32
      %dma_wait3A_107 = tpu.memref_slice %arg2[%arg0, %dma_wait3A_105, %dma_wait3A_106] : memref<2x10000x64xf32, #tpu.memory_space<hbm>> -> memref<1x10000x64xf32, #tpu.memory_space<hbm>>
      %dma_wait3A_108 = tpu.memref_squeeze %dma_wait3A_107 : memref<1x10000x64xf32, #tpu.memory_space<hbm>> -> memref<10000x64xf32, #tpu.memory_space<hbm>>
      %dma_wait3A_109 = arith.constant 0 : i32
      %dma_wait3A_110 = arith.constant 0 : i32
      %dma_wait3A_111 = tpu.memref_slice %dma_wait3A_108[%dma_wait3A_109, %dma_wait3A_110] : memref<10000x64xf32, #tpu.memory_space<hbm>> -> memref<10000x64xf32, #tpu.memory_space<hbm>>
      tpu.wait_indirect_dma semaphore(%arg17 : memref<!tpu.dma_semaphore, #tpu.memory_space<semaphore_mem>>) src(%dma_wait3A_111 : memref<10000x64xf32, #tpu.memory_space<hbm>>) dst(%arg12 : memref<88x64xf32, #tpu.memory_space<vmem>>)
      "tpu.region"() ({
        %run_scoped3A = tpu.sem_alloc : memref<!tpu.dma_semaphore, #tpu.memory_space<semaphore_mem>>
        %dma_start3A_112 = arith.constant 0 : i32
        %dma_start3A_113 = tpu.memref_slice %arg8[%add3A_94, %dma_start3A_112] : memref<228x88xi32, #tpu.memory_space<vmem>> -> memref<1x88xi32, #tpu.memory_space<vmem>>
        %dma_start3A_114 = tpu.memref_squeeze %dma_start3A_113 : memref<1x88xi32, #tpu.memory_space<vmem>> -> memref<88xi32, #tpu.memory_space<vmem>>
        %dma_start3A_115 = arith.constant 0 : i32
        %dma_start3A_116 = arith.constant 0 : i32
        %dma_start3A_117 = tpu.memref_slice %arg13[%dma_start3A_115, %dma_start3A_116] : memref<10112x64xf32, #tpu.memory_space<vmem_shared>> -> memref<10112x64xf32, #tpu.memory_space<vmem_shared>>
        tpu.enqueue_indirect_dma source(%arg12 : memref<88x64xf32, #tpu.memory_space<vmem>>) target(%dma_start3A_117 : memref<10112x64xf32, #tpu.memory_space<vmem_shared>>) offsets(%dma_start3A_114 : memref<88xi32, #tpu.memory_space<vmem>>) semaphore(%run_scoped3A : memref<!tpu.dma_semaphore, #tpu.memory_space<semaphore_mem>>) {add = true}
        %dma_wait3A_118 = arith.constant 0 : i32
        %dma_wait3A_119 = tpu.memref_slice %arg8[%add3A_94, %dma_wait3A_118] : memref<228x88xi32, #tpu.memory_space<vmem>> -> memref<1x88xi32, #tpu.memory_space<vmem>>
        %dma_wait3A_120 = tpu.memref_squeeze %dma_wait3A_119 : memref<1x88xi32, #tpu.memory_space<vmem>> -> memref<88xi32, #tpu.memory_space<vmem>>
        %dma_wait3A_121 = arith.constant 0 : i32
        %dma_wait3A_122 = arith.constant 0 : i32
        %dma_wait3A_123 = tpu.memref_slice %arg13[%dma_wait3A_121, %dma_wait3A_122] : memref<10112x64xf32, #tpu.memory_space<vmem_shared>> -> memref<10112x64xf32, #tpu.memory_space<vmem_shared>>
        tpu.wait_indirect_dma semaphore(%run_scoped3A : memref<!tpu.dma_semaphore, #tpu.memory_space<semaphore_mem>>) src(%arg12 : memref<88x64xf32, #tpu.memory_space<vmem>>) dst(%dma_wait3A_123 : memref<10112x64xf32, #tpu.memory_space<vmem_shared>>)
        tpu.yield
      }) : () -> ()
    }
    %scan3A_26 = arith.constant 57 : i32
    %barrier3A_27 = arith.constant 0 : index
    tpu.barrier barrier_id(%barrier3A_27)
    %mul3A_28 = arith.constant 632 : i32
    %mul3A_29 = arith.muli %arg1, %mul3A_28 : i32
    %mul3A_30 = arith.constant 632 : i32
    %mul3A_31 = arith.muli %arg1, %mul3A_30 : i32
    "tpu.region"() ({
      %run_scoped3A = tpu.sem_alloc : memref<!tpu.dma_semaphore, #tpu.memory_space<semaphore_mem>>
      %dma_start3A_32 = arith.constant 0 : i32
      %dma_start3A_33 = tpu.memref_slice %arg6[%arg0, %mul3A_31, %dma_start3A_32] : memref<2x10112x64xf32, #tpu.memory_space<hbm>> -> memref<1x632x64xf32, #tpu.memory_space<hbm>>
      %dma_start3A_34 = tpu.memref_squeeze %dma_start3A_33 : memref<1x632x64xf32, #tpu.memory_space<hbm>> -> memref<632x64xf32, #tpu.memory_space<hbm>>
      %dma_start3A_35 = arith.constant 0 : i32
      %dma_start3A_36 = tpu.memref_slice %arg13[%mul3A_29, %dma_start3A_35] : memref<10112x64xf32, #tpu.memory_space<vmem_shared>> -> memref<632x64xf32, #tpu.memory_space<vmem_shared>>
      tpu.enqueue_dma source(%dma_start3A_36 : memref<632x64xf32, #tpu.memory_space<vmem_shared>>) target(%dma_start3A_34 : memref<632x64xf32, #tpu.memory_space<hbm>>) target_semaphore(%run_scoped3A : memref<!tpu.dma_semaphore, #tpu.memory_space<semaphore_mem>>)
      %dma_wait3A = arith.constant 0 : i32
      %dma_wait3A_37 = tpu.memref_slice %arg6[%arg0, %mul3A_31, %dma_wait3A] : memref<2x10112x64xf32, #tpu.memory_space<hbm>> -> memref<1x632x64xf32, #tpu.memory_space<hbm>>
      %dma_wait3A_38 = tpu.memref_squeeze %dma_wait3A_37 : memref<1x632x64xf32, #tpu.memory_space<hbm>> -> memref<632x64xf32, #tpu.memory_space<hbm>>
      %dma_wait3A_39 = arith.constant 0 : i32
      %dma_wait3A_40 = tpu.memref_slice %arg13[%mul3A_29, %dma_wait3A_39] : memref<10112x64xf32, #tpu.memory_space<vmem_shared>> -> memref<632x64xf32, #tpu.memory_space<vmem_shared>>
      tpu.wait_dma2 semaphore(%run_scoped3A : memref<!tpu.dma_semaphore, #tpu.memory_space<semaphore_mem>>) src(%dma_wait3A_40 : memref<632x64xf32, #tpu.memory_space<vmem_shared>>) dst(%dma_wait3A_38 : memref<632x64xf32, #tpu.memory_space<hbm>>)
      tpu.yield
    }) : () -> ()
    return
  }
}

#map = affine_map<(d0, d1) -> (0, 0, 0)>
#map1 = affine_map<(d0, d1) -> (0, 0)>
module attributes {stable_mosaic.version = 14 : i64} {
  func.func @segsum(%arg0: i32, %arg1: i32, %arg2: memref<2x10000x64xf32, #tpu.memory_space<hbm>>, %arg3: memref<16x228x88xi32, #tpu.memory_space<hbm>>, %arg4: memref<16x228x88xi32, #tpu.memory_space<hbm>>, %arg5: memref<632x64xf32, #tpu.memory_space<hbm>>, %arg6: memref<2x10112x64xf32, #tpu.memory_space<hbm>>, %arg7: memref<228x88xi32, #tpu.memory_space<vmem>>, %arg8: memref<228x88xi32, #tpu.memory_space<vmem>>, %arg9: memref<88x64xf32, #tpu.memory_space<vmem>>, %arg10: memref<88x64xf32, #tpu.memory_space<vmem>>, %arg11: memref<88x64xf32, #tpu.memory_space<vmem>>, %arg12: memref<88x64xf32, #tpu.memory_space<vmem>>, %arg13: memref<10112x64xf32, #tpu.memory_space<vmem_shared>>, %arg14: memref<!tpu.dma_semaphore, #tpu.memory_space<semaphore_mem>>, %arg15: memref<!tpu.dma_semaphore, #tpu.memory_space<semaphore_mem>>, %arg16: memref<!tpu.dma_semaphore, #tpu.memory_space<semaphore_mem>>, %arg17: memref<!tpu.dma_semaphore, #tpu.memory_space<semaphore_mem>>, %arg18: memref<!tpu.dma_semaphore, #tpu.memory_space<semaphore_mem>>, %arg19: memref<!tpu.dma_semaphore, #tpu.memory_space<semaphore_mem>>, %arg20: memref<!tpu.dma_semaphore, #tpu.memory_space<semaphore_mem>>, %arg21: memref<!tpu.dma_semaphore, #tpu.memory_space<semaphore_mem>>) attributes {dimension_semantics = [#tpu.dimension_semantics<core_parallel>, #tpu.dimension_semantics<subcore_parallel>], iteration_bounds = array<i64: 2, 16>, scalar_prefetch = 0 : i64, scratch_operands = 15 : i64, tpu.core_type = #tpu.core_type<sc_vector_subcore>, window_params = [{transform_indices = #map}, {transform_indices = #map}, {transform_indices = #map}, {transform_indices = #map1}, {transform_indices = #map}]} {
    %mul3A = arith.constant 632 : i32
    %mul3A_0 = arith.muli %arg1, %mul3A : i32
    "tpu.region"() ({
      %run_scoped3A = tpu.sem_alloc : memref<!tpu.dma_semaphore, #tpu.memory_space<semaphore_mem>>
      %dma_start3A_32 = arith.constant 0 : i32
      %dma_start3A_33 = tpu.memref_slice %arg13[%mul3A_0, %dma_start3A_32] : memref<10112x64xf32, #tpu.memory_space<vmem_shared>> -> memref<632x64xf32, #tpu.memory_space<vmem_shared>>
      tpu.enqueue_dma source(%arg5 : memref<632x64xf32, #tpu.memory_space<hbm>>) target(%dma_start3A_33 : memref<632x64xf32, #tpu.memory_space<vmem_shared>>) target_semaphore(%run_scoped3A : memref<!tpu.dma_semaphore, #tpu.memory_space<semaphore_mem>>)
      %dma_wait3A = arith.constant 0 : i32
      %dma_wait3A_34 = tpu.memref_slice %arg13[%mul3A_0, %dma_wait3A] : memref<10112x64xf32, #tpu.memory_space<vmem_shared>> -> memref<632x64xf32, #tpu.memory_space<vmem_shared>>
      tpu.wait_dma2 semaphore(%run_scoped3A : memref<!tpu.dma_semaphore, #tpu.memory_space<semaphore_mem>>) src(%arg5 : memref<632x64xf32, #tpu.memory_space<hbm>>) dst(%dma_wait3A_34 : memref<632x64xf32, #tpu.memory_space<vmem_shared>>)
      tpu.yield
    }) : () -> ()
    "tpu.region"() ({
      %run_scoped3A = tpu.sem_alloc : memref<!tpu.dma_semaphore, #tpu.memory_space<semaphore_mem>>
      %dma_start3A_32 = arith.constant 0 : i32
      %dma_start3A_33 = arith.constant 0 : i32
      %dma_start3A_34 = tpu.memref_slice %arg3[%arg1, %dma_start3A_32, %dma_start3A_33] : memref<16x228x88xi32, #tpu.memory_space<hbm>> -> memref<1x228x88xi32, #tpu.memory_space<hbm>>
      %dma_start3A_35 = tpu.memref_squeeze %dma_start3A_34 : memref<1x228x88xi32, #tpu.memory_space<hbm>> -> memref<228x88xi32, #tpu.memory_space<hbm>>
      %dma_start3A_36 = arith.constant 0 : i32
      %dma_start3A_37 = arith.constant 0 : i32
      %dma_start3A_38 = tpu.memref_slice %arg3[%arg1, %dma_start3A_36, %dma_start3A_37] : memref<16x228x88xi32, #tpu.memory_space<hbm>> -> memref<1x228x88xi32, #tpu.memory_space<hbm>>
      %dma_start3A_39 = tpu.memref_squeeze %dma_start3A_38 : memref<1x228x88xi32, #tpu.memory_space<hbm>> -> memref<228x88xi32, #tpu.memory_space<hbm>>
      tpu.enqueue_dma source(%dma_start3A_39 : memref<228x88xi32, #tpu.memory_space<hbm>>) target(%arg7 : memref<228x88xi32, #tpu.memory_space<vmem>>) target_semaphore(%run_scoped3A : memref<!tpu.dma_semaphore, #tpu.memory_space<semaphore_mem>>)
      %dma_wait3A = arith.constant 0 : i32
      %dma_wait3A_40 = arith.constant 0 : i32
      %dma_wait3A_41 = tpu.memref_slice %arg3[%arg1, %dma_wait3A, %dma_wait3A_40] : memref<16x228x88xi32, #tpu.memory_space<hbm>> -> memref<1x228x88xi32, #tpu.memory_space<hbm>>
      %dma_wait3A_42 = tpu.memref_squeeze %dma_wait3A_41 : memref<1x228x88xi32, #tpu.memory_space<hbm>> -> memref<228x88xi32, #tpu.memory_space<hbm>>
      %dma_wait3A_43 = arith.constant 0 : i32
      %dma_wait3A_44 = arith.constant 0 : i32
      %dma_wait3A_45 = tpu.memref_slice %arg3[%arg1, %dma_wait3A_43, %dma_wait3A_44] : memref<16x228x88xi32, #tpu.memory_space<hbm>> -> memref<1x228x88xi32, #tpu.memory_space<hbm>>
      %dma_wait3A_46 = tpu.memref_squeeze %dma_wait3A_45 : memref<1x228x88xi32, #tpu.memory_space<hbm>> -> memref<228x88xi32, #tpu.memory_space<hbm>>
      tpu.wait_dma2 semaphore(%run_scoped3A : memref<!tpu.dma_semaphore, #tpu.memory_space<semaphore_mem>>) src(%dma_wait3A_46 : memref<228x88xi32, #tpu.memory_space<hbm>>) dst(%arg7 : memref<228x88xi32, #tpu.memory_space<vmem>>)
      tpu.yield
    }) : () -> ()
    "tpu.region"() ({
      %run_scoped3A = tpu.sem_alloc : memref<!tpu.dma_semaphore, #tpu.memory_space<semaphore_mem>>
      %dma_start3A_32 = arith.constant 0 : i32
      %dma_start3A_33 = arith.constant 0 : i32
      %dma_start3A_34 = tpu.memref_slice %arg4[%arg1, %dma_start3A_32, %dma_start3A_33] : memref<16x228x88xi32, #tpu.memory_space<hbm>> -> memref<1x228x88xi32, #tpu.memory_space<hbm>>
      %dma_start3A_35 = tpu.memref_squeeze %dma_start3A_34 : memref<1x228x88xi32, #tpu.memory_space<hbm>> -> memref<228x88xi32, #tpu.memory_space<hbm>>
      %dma_start3A_36 = arith.constant 0 : i32
      %dma_start3A_37 = arith.constant 0 : i32
      %dma_start3A_38 = tpu.memref_slice %arg4[%arg1, %dma_start3A_36, %dma_start3A_37] : memref<16x228x88xi32, #tpu.memory_space<hbm>> -> memref<1x228x88xi32, #tpu.memory_space<hbm>>
      %dma_start3A_39 = tpu.memref_squeeze %dma_start3A_38 : memref<1x228x88xi32, #tpu.memory_space<hbm>> -> memref<228x88xi32, #tpu.memory_space<hbm>>
      tpu.enqueue_dma source(%dma_start3A_39 : memref<228x88xi32, #tpu.memory_space<hbm>>) target(%arg8 : memref<228x88xi32, #tpu.memory_space<vmem>>) target_semaphore(%run_scoped3A : memref<!tpu.dma_semaphore, #tpu.memory_space<semaphore_mem>>)
      %dma_wait3A = arith.constant 0 : i32
      %dma_wait3A_40 = arith.constant 0 : i32
      %dma_wait3A_41 = tpu.memref_slice %arg4[%arg1, %dma_wait3A, %dma_wait3A_40] : memref<16x228x88xi32, #tpu.memory_space<hbm>> -> memref<1x228x88xi32, #tpu.memory_space<hbm>>
      %dma_wait3A_42 = tpu.memref_squeeze %dma_wait3A_41 : memref<1x228x88xi32, #tpu.memory_space<hbm>> -> memref<228x88xi32, #tpu.memory_space<hbm>>
      %dma_wait3A_43 = arith.constant 0 : i32
      %dma_wait3A_44 = arith.constant 0 : i32
      %dma_wait3A_45 = tpu.memref_slice %arg4[%arg1, %dma_wait3A_43, %dma_wait3A_44] : memref<16x228x88xi32, #tpu.memory_space<hbm>> -> memref<1x228x88xi32, #tpu.memory_space<hbm>>
      %dma_wait3A_46 = tpu.memref_squeeze %dma_wait3A_45 : memref<1x228x88xi32, #tpu.memory_space<hbm>> -> memref<228x88xi32, #tpu.memory_space<hbm>>
      tpu.wait_dma2 semaphore(%run_scoped3A : memref<!tpu.dma_semaphore, #tpu.memory_space<semaphore_mem>>) src(%dma_wait3A_46 : memref<228x88xi32, #tpu.memory_space<hbm>>) dst(%arg8 : memref<228x88xi32, #tpu.memory_space<vmem>>)
      tpu.yield
    }) : () -> ()
    %dma_start3A = arith.constant 0 : i32
    %dma_start3A_1 = arith.constant 0 : i32
    %dma_start3A_2 = tpu.memref_slice %arg7[%dma_start3A, %dma_start3A_1] : memref<228x88xi32, #tpu.memory_space<vmem>> -> memref<1x88xi32, #tpu.memory_space<vmem>>
    %dma_start3A_3 = tpu.memref_squeeze %dma_start3A_2 : memref<1x88xi32, #tpu.memory_space<vmem>> -> memref<88xi32, #tpu.memory_space<vmem>>
    %dma_start3A_4 = arith.constant 0 : i32
    %dma_start3A_5 = arith.constant 0 : i32
    %dma_start3A_6 = tpu.memref_slice %arg2[%arg0, %dma_start3A_4, %dma_start3A_5] : memref<2x10000x64xf32, #tpu.memory_space<hbm>> -> memref<1x10000x64xf32, #tpu.memory_space<hbm>>
    %dma_start3A_7 = tpu.memref_squeeze %dma_start3A_6 : memref<1x10000x64xf32, #tpu.memory_space<hbm>> -> memref<10000x64xf32, #tpu.memory_space<hbm>>
    %dma_start3A_8 = arith.constant 0 : i32
    %dma_start3A_9 = arith.constant 0 : i32
    %dma_start3A_10 = tpu.memref_slice %dma_start3A_7[%dma_start3A_8, %dma_start3A_9] : memref<10000x64xf32, #tpu.memory_space<hbm>> -> memref<10000x64xf32, #tpu.memory_space<hbm>>
    tpu.enqueue_indirect_dma source(%dma_start3A_10 : memref<10000x64xf32, #tpu.memory_space<hbm>>) target(%arg9 : memref<88x64xf32, #tpu.memory_space<vmem>>) offsets(%dma_start3A_3 : memref<88xi32, #tpu.memory_space<vmem>>) semaphore(%arg14 : memref<!tpu.dma_semaphore, #tpu.memory_space<semaphore_mem>>)
    %dma_start3A_11 = arith.constant 1 : i32
    %dma_start3A_12 = arith.constant 0 : i32
    %dma_start3A_13 = tpu.memref_slice %arg7[%dma_start3A_11, %dma_start3A_12] : memref<228x88xi32, #tpu.memory_space<vmem>> -> memref<1x88xi32, #tpu.memory_space<vmem>>
    %dma_start3A_14 = tpu.memref_squeeze %dma_start3A_13 : memref<1x88xi32, #tpu.memory_space<vmem>> -> memref<88xi32, #tpu.memory_space<vmem>>
    %dma_start3A_15 = arith.constant 0 : i32
    %dma_start3A_16 = arith.constant 0 : i32
    %dma_start3A_17 = tpu.memref_slice %arg2[%arg0, %dma_start3A_15, %dma_start3A_16] : memref<2x10000x64xf32, #tpu.memory_space<hbm>> -> memref<1x10000x64xf32, #tpu.memory_space<hbm>>
    %dma_start3A_18 = tpu.memref_squeeze %dma_start3A_17 : memref<1x10000x64xf32, #tpu.memory_space<hbm>> -> memref<10000x64xf32, #tpu.memory_space<hbm>>
    %dma_start3A_19 = arith.constant 0 : i32
    %dma_start3A_20 = arith.constant 0 : i32
    %dma_start3A_21 = tpu.memref_slice %dma_start3A_18[%dma_start3A_19, %dma_start3A_20] : memref<10000x64xf32, #tpu.memory_space<hbm>> -> memref<10000x64xf32, #tpu.memory_space<hbm>>
    tpu.enqueue_indirect_dma source(%dma_start3A_21 : memref<10000x64xf32, #tpu.memory_space<hbm>>) target(%arg10 : memref<88x64xf32, #tpu.memory_space<vmem>>) offsets(%dma_start3A_14 : memref<88xi32, #tpu.memory_space<vmem>>) semaphore(%arg15 : memref<!tpu.dma_semaphore, #tpu.memory_space<semaphore_mem>>)
    %barrier3A = arith.constant 0 : index
    tpu.barrier barrier_id(%barrier3A)
    %scan3A = arith.constant 0 : i32
    %scan3A_22 = arith.constant 0 : i32
    %scan3A_23 = arith.constant 57 : i32
    %scan3A_24 = arith.addi %scan3A_22, %scan3A_23 : i32
    %scan3A_25 = arith.constant 1 : i32
    scf.for %scan3A_32 = %scan3A_22 to %scan3A_24 step %scan3A_25  : i32 {
      %mul3A_33 = arith.constant 4 : i32
      %mul3A_34 = arith.muli %scan3A_32, %mul3A_33 : i32
      %add3A = arith.constant 0 : i32
      %add3A_35 = arith.addi %mul3A_34, %add3A : i32
      %add3A_36 = arith.constant 2 : i32
      %add3A_37 = arith.addi %add3A_35, %add3A_36 : i32
      %lt3A = arith.constant 228 : i32
      %lt3A_38 = arith.cmpi slt, %add3A_37, %lt3A : i32
      %convert_element_type3A = arith.extui %lt3A_38 : i1 to i32
      %cond3A = arith.constant 0 : i32
      %cond3A_39 = arith.cmpi ne, %convert_element_type3A, %cond3A : i32
      scf.if %cond3A_39 {
        %add3A_112 = arith.constant 2 : i32
        %add3A_113 = arith.addi %add3A_35, %add3A_112 : i32
        %dma_start3A_114 = arith.constant 0 : i32
        %dma_start3A_115 = tpu.memref_slice %arg7[%add3A_113, %dma_start3A_114] : memref<228x88xi32, #tpu.memory_space<vmem>> -> memref<1x88xi32, #tpu.memory_space<vmem>>
        %dma_start3A_116 = tpu.memref_squeeze %dma_start3A_115 : memref<1x88xi32, #tpu.memory_space<vmem>> -> memref<88xi32, #tpu.memory_space<vmem>>
        %dma_start3A_117 = arith.constant 0 : i32
        %dma_start3A_118 = arith.constant 0 : i32
        %dma_start3A_119 = tpu.memref_slice %arg2[%arg0, %dma_start3A_117, %dma_start3A_118] : memref<2x10000x64xf32, #tpu.memory_space<hbm>> -> memref<1x10000x64xf32, #tpu.memory_space<hbm>>
        %dma_start3A_120 = tpu.memref_squeeze %dma_start3A_119 : memref<1x10000x64xf32, #tpu.memory_space<hbm>> -> memref<10000x64xf32, #tpu.memory_space<hbm>>
        %dma_start3A_121 = arith.constant 0 : i32
        %dma_start3A_122 = arith.constant 0 : i32
        %dma_start3A_123 = tpu.memref_slice %dma_start3A_120[%dma_start3A_121, %dma_start3A_122] : memref<10000x64xf32, #tpu.memory_space<hbm>> -> memref<10000x64xf32, #tpu.memory_space<hbm>>
        tpu.enqueue_indirect_dma source(%dma_start3A_123 : memref<10000x64xf32, #tpu.memory_space<hbm>>) target(%arg11 : memref<88x64xf32, #tpu.memory_space<vmem>>) offsets(%dma_start3A_116 : memref<88xi32, #tpu.memory_space<vmem>>) semaphore(%arg16 : memref<!tpu.dma_semaphore, #tpu.memory_space<semaphore_mem>>)
      } else {
      }
      %dma_wait3A = arith.constant 0 : i32
      %dma_wait3A_40 = tpu.memref_slice %arg7[%add3A_35, %dma_wait3A] : memref<228x88xi32, #tpu.memory_space<vmem>> -> memref<1x88xi32, #tpu.memory_space<vmem>>
      %dma_wait3A_41 = tpu.memref_squeeze %dma_wait3A_40 : memref<1x88xi32, #tpu.memory_space<vmem>> -> memref<88xi32, #tpu.memory_space<vmem>>
      %dma_wait3A_42 = arith.constant 0 : i32
      %dma_wait3A_43 = arith.constant 0 : i32
      %dma_wait3A_44 = tpu.memref_slice %arg2[%arg0, %dma_wait3A_42, %dma_wait3A_43] : memref<2x10000x64xf32, #tpu.memory_space<hbm>> -> memref<1x10000x64xf32, #tpu.memory_space<hbm>>
      %dma_wait3A_45 = tpu.memref_squeeze %dma_wait3A_44 : memref<1x10000x64xf32, #tpu.memory_space<hbm>> -> memref<10000x64xf32, #tpu.memory_space<hbm>>
      %dma_wait3A_46 = arith.constant 0 : i32
      %dma_wait3A_47 = arith.constant 0 : i32
      %dma_wait3A_48 = tpu.memref_slice %dma_wait3A_45[%dma_wait3A_46, %dma_wait3A_47] : memref<10000x64xf32, #tpu.memory_space<hbm>> -> memref<10000x64xf32, #tpu.memory_space<hbm>>
      tpu.wait_indirect_dma semaphore(%arg14 : memref<!tpu.dma_semaphore, #tpu.memory_space<semaphore_mem>>) src(%dma_wait3A_48 : memref<10000x64xf32, #tpu.memory_space<hbm>>) dst(%arg9 : memref<88x64xf32, #tpu.memory_space<vmem>>)
      "tpu.region"() ({
        %run_scoped3A = tpu.sem_alloc : memref<!tpu.dma_semaphore, #tpu.memory_space<semaphore_mem>>
        %dma_start3A_112 = arith.constant 0 : i32
        %dma_start3A_113 = tpu.memref_slice %arg8[%add3A_35, %dma_start3A_112] : memref<228x88xi32, #tpu.memory_space<vmem>> -> memref<1x88xi32, #tpu.memory_space<vmem>>
        %dma_start3A_114 = tpu.memref_squeeze %dma_start3A_113 : memref<1x88xi32, #tpu.memory_space<vmem>> -> memref<88xi32, #tpu.memory_space<vmem>>
        %dma_start3A_115 = arith.constant 0 : i32
        %dma_start3A_116 = arith.constant 0 : i32
        %dma_start3A_117 = tpu.memref_slice %arg13[%dma_start3A_115, %dma_start3A_116] : memref<10112x64xf32, #tpu.memory_space<vmem_shared>> -> memref<10112x64xf32, #tpu.memory_space<vmem_shared>>
        tpu.enqueue_indirect_dma source(%arg9 : memref<88x64xf32, #tpu.memory_space<vmem>>) target(%dma_start3A_117 : memref<10112x64xf32, #tpu.memory_space<vmem_shared>>) offsets(%dma_start3A_114 : memref<88xi32, #tpu.memory_space<vmem>>) semaphore(%run_scoped3A : memref<!tpu.dma_semaphore, #tpu.memory_space<semaphore_mem>>) {add = true}
        %dma_wait3A_118 = arith.constant 0 : i32
        %dma_wait3A_119 = tpu.memref_slice %arg8[%add3A_35, %dma_wait3A_118] : memref<228x88xi32, #tpu.memory_space<vmem>> -> memref<1x88xi32, #tpu.memory_space<vmem>>
        %dma_wait3A_120 = tpu.memref_squeeze %dma_wait3A_119 : memref<1x88xi32, #tpu.memory_space<vmem>> -> memref<88xi32, #tpu.memory_space<vmem>>
        %dma_wait3A_121 = arith.constant 0 : i32
        %dma_wait3A_122 = arith.constant 0 : i32
        %dma_wait3A_123 = tpu.memref_slice %arg13[%dma_wait3A_121, %dma_wait3A_122] : memref<10112x64xf32, #tpu.memory_space<vmem_shared>> -> memref<10112x64xf32, #tpu.memory_space<vmem_shared>>
        tpu.wait_indirect_dma semaphore(%run_scoped3A : memref<!tpu.dma_semaphore, #tpu.memory_space<semaphore_mem>>) src(%arg9 : memref<88x64xf32, #tpu.memory_space<vmem>>) dst(%dma_wait3A_123 : memref<10112x64xf32, #tpu.memory_space<vmem_shared>>)
        tpu.yield
      }) : () -> ()
      %mul3A_49 = arith.constant 4 : i32
      %mul3A_50 = arith.muli %scan3A_32, %mul3A_49 : i32
      %add3A_51 = arith.constant 1 : i32
      %add3A_52 = arith.addi %mul3A_50, %add3A_51 : i32
      %add3A_53 = arith.constant 2 : i32
      %add3A_54 = arith.addi %add3A_52, %add3A_53 : i32
      %lt3A_55 = arith.constant 228 : i32
      %lt3A_56 = arith.cmpi slt, %add3A_54, %lt3A_55 : i32
      %convert_element_type3A_57 = arith.extui %lt3A_56 : i1 to i32
      %cond3A_58 = arith.constant 0 : i32
      %cond3A_59 = arith.cmpi ne, %convert_element_type3A_57, %cond3A_58 : i32
      scf.if %cond3A_59 {
        %add3A_112 = arith.constant 2 : i32
        %add3A_113 = arith.addi %add3A_52, %add3A_112 : i32
        %dma_start3A_114 = arith.constant 0 : i32
        %dma_start3A_115 = tpu.memref_slice %arg7[%add3A_113, %dma_start3A_114] : memref<228x88xi32, #tpu.memory_space<vmem>> -> memref<1x88xi32, #tpu.memory_space<vmem>>
        %dma_start3A_116 = tpu.memref_squeeze %dma_start3A_115 : memref<1x88xi32, #tpu.memory_space<vmem>> -> memref<88xi32, #tpu.memory_space<vmem>>
        %dma_start3A_117 = arith.constant 0 : i32
        %dma_start3A_118 = arith.constant 0 : i32
        %dma_start3A_119 = tpu.memref_slice %arg2[%arg0, %dma_start3A_117, %dma_start3A_118] : memref<2x10000x64xf32, #tpu.memory_space<hbm>> -> memref<1x10000x64xf32, #tpu.memory_space<hbm>>
        %dma_start3A_120 = tpu.memref_squeeze %dma_start3A_119 : memref<1x10000x64xf32, #tpu.memory_space<hbm>> -> memref<10000x64xf32, #tpu.memory_space<hbm>>
        %dma_start3A_121 = arith.constant 0 : i32
        %dma_start3A_122 = arith.constant 0 : i32
        %dma_start3A_123 = tpu.memref_slice %dma_start3A_120[%dma_start3A_121, %dma_start3A_122] : memref<10000x64xf32, #tpu.memory_space<hbm>> -> memref<10000x64xf32, #tpu.memory_space<hbm>>
        tpu.enqueue_indirect_dma source(%dma_start3A_123 : memref<10000x64xf32, #tpu.memory_space<hbm>>) target(%arg12 : memref<88x64xf32, #tpu.memory_space<vmem>>) offsets(%dma_start3A_116 : memref<88xi32, #tpu.memory_space<vmem>>) semaphore(%arg17 : memref<!tpu.dma_semaphore, #tpu.memory_space<semaphore_mem>>)
      } else {
      }
      %dma_wait3A_60 = arith.constant 0 : i32
      %dma_wait3A_61 = tpu.memref_slice %arg7[%add3A_52, %dma_wait3A_60] : memref<228x88xi32, #tpu.memory_space<vmem>> -> memref<1x88xi32, #tpu.memory_space<vmem>>
      %dma_wait3A_62 = tpu.memref_squeeze %dma_wait3A_61 : memref<1x88xi32, #tpu.memory_space<vmem>> -> memref<88xi32, #tpu.memory_space<vmem>>
      %dma_wait3A_63 = arith.constant 0 : i32
      %dma_wait3A_64 = arith.constant 0 : i32
      %dma_wait3A_65 = tpu.memref_slice %arg2[%arg0, %dma_wait3A_63, %dma_wait3A_64] : memref<2x10000x64xf32, #tpu.memory_space<hbm>> -> memref<1x10000x64xf32, #tpu.memory_space<hbm>>
      %dma_wait3A_66 = tpu.memref_squeeze %dma_wait3A_65 : memref<1x10000x64xf32, #tpu.memory_space<hbm>> -> memref<10000x64xf32, #tpu.memory_space<hbm>>
      %dma_wait3A_67 = arith.constant 0 : i32
      %dma_wait3A_68 = arith.constant 0 : i32
      %dma_wait3A_69 = tpu.memref_slice %dma_wait3A_66[%dma_wait3A_67, %dma_wait3A_68] : memref<10000x64xf32, #tpu.memory_space<hbm>> -> memref<10000x64xf32, #tpu.memory_space<hbm>>
      tpu.wait_indirect_dma semaphore(%arg15 : memref<!tpu.dma_semaphore, #tpu.memory_space<semaphore_mem>>) src(%dma_wait3A_69 : memref<10000x64xf32, #tpu.memory_space<hbm>>) dst(%arg10 : memref<88x64xf32, #tpu.memory_space<vmem>>)
      "tpu.region"() ({
        %run_scoped3A = tpu.sem_alloc : memref<!tpu.dma_semaphore, #tpu.memory_space<semaphore_mem>>
        %dma_start3A_112 = arith.constant 0 : i32
        %dma_start3A_113 = tpu.memref_slice %arg8[%add3A_52, %dma_start3A_112] : memref<228x88xi32, #tpu.memory_space<vmem>> -> memref<1x88xi32, #tpu.memory_space<vmem>>
        %dma_start3A_114 = tpu.memref_squeeze %dma_start3A_113 : memref<1x88xi32, #tpu.memory_space<vmem>> -> memref<88xi32, #tpu.memory_space<vmem>>
        %dma_start3A_115 = arith.constant 0 : i32
        %dma_start3A_116 = arith.constant 0 : i32
        %dma_start3A_117 = tpu.memref_slice %arg13[%dma_start3A_115, %dma_start3A_116] : memref<10112x64xf32, #tpu.memory_space<vmem_shared>> -> memref<10112x64xf32, #tpu.memory_space<vmem_shared>>
        tpu.enqueue_indirect_dma source(%arg10 : memref<88x64xf32, #tpu.memory_space<vmem>>) target(%dma_start3A_117 : memref<10112x64xf32, #tpu.memory_space<vmem_shared>>) offsets(%dma_start3A_114 : memref<88xi32, #tpu.memory_space<vmem>>) semaphore(%run_scoped3A : memref<!tpu.dma_semaphore, #tpu.memory_space<semaphore_mem>>) {add = true}
        %dma_wait3A_118 = arith.constant 0 : i32
        %dma_wait3A_119 = tpu.memref_slice %arg8[%add3A_52, %dma_wait3A_118] : memref<228x88xi32, #tpu.memory_space<vmem>> -> memref<1x88xi32, #tpu.memory_space<vmem>>
        %dma_wait3A_120 = tpu.memref_squeeze %dma_wait3A_119 : memref<1x88xi32, #tpu.memory_space<vmem>> -> memref<88xi32, #tpu.memory_space<vmem>>
        %dma_wait3A_121 = arith.constant 0 : i32
        %dma_wait3A_122 = arith.constant 0 : i32
        %dma_wait3A_123 = tpu.memref_slice %arg13[%dma_wait3A_121, %dma_wait3A_122] : memref<10112x64xf32, #tpu.memory_space<vmem_shared>> -> memref<10112x64xf32, #tpu.memory_space<vmem_shared>>
        tpu.wait_indirect_dma semaphore(%run_scoped3A : memref<!tpu.dma_semaphore, #tpu.memory_space<semaphore_mem>>) src(%arg10 : memref<88x64xf32, #tpu.memory_space<vmem>>) dst(%dma_wait3A_123 : memref<10112x64xf32, #tpu.memory_space<vmem_shared>>)
        tpu.yield
      }) : () -> ()
      %mul3A_70 = arith.constant 4 : i32
      %mul3A_71 = arith.muli %scan3A_32, %mul3A_70 : i32
      %add3A_72 = arith.constant 2 : i32
      %add3A_73 = arith.addi %mul3A_71, %add3A_72 : i32
      %add3A_74 = arith.constant 2 : i32
      %add3A_75 = arith.addi %add3A_73, %add3A_74 : i32
      %lt3A_76 = arith.constant 228 : i32
      %lt3A_77 = arith.cmpi slt, %add3A_75, %lt3A_76 : i32
      %convert_element_type3A_78 = arith.extui %lt3A_77 : i1 to i32
      %cond3A_79 = arith.constant 0 : i32
      %cond3A_80 = arith.cmpi ne, %convert_element_type3A_78, %cond3A_79 : i32
      scf.if %cond3A_80 {
        %add3A_112 = arith.constant 2 : i32
        %add3A_113 = arith.addi %add3A_73, %add3A_112 : i32
        %dma_start3A_114 = arith.constant 0 : i32
        %dma_start3A_115 = tpu.memref_slice %arg7[%add3A_113, %dma_start3A_114] : memref<228x88xi32, #tpu.memory_space<vmem>> -> memref<1x88xi32, #tpu.memory_space<vmem>>
        %dma_start3A_116 = tpu.memref_squeeze %dma_start3A_115 : memref<1x88xi32, #tpu.memory_space<vmem>> -> memref<88xi32, #tpu.memory_space<vmem>>
        %dma_start3A_117 = arith.constant 0 : i32
        %dma_start3A_118 = arith.constant 0 : i32
        %dma_start3A_119 = tpu.memref_slice %arg2[%arg0, %dma_start3A_117, %dma_start3A_118] : memref<2x10000x64xf32, #tpu.memory_space<hbm>> -> memref<1x10000x64xf32, #tpu.memory_space<hbm>>
        %dma_start3A_120 = tpu.memref_squeeze %dma_start3A_119 : memref<1x10000x64xf32, #tpu.memory_space<hbm>> -> memref<10000x64xf32, #tpu.memory_space<hbm>>
        %dma_start3A_121 = arith.constant 0 : i32
        %dma_start3A_122 = arith.constant 0 : i32
        %dma_start3A_123 = tpu.memref_slice %dma_start3A_120[%dma_start3A_121, %dma_start3A_122] : memref<10000x64xf32, #tpu.memory_space<hbm>> -> memref<10000x64xf32, #tpu.memory_space<hbm>>
        tpu.enqueue_indirect_dma source(%dma_start3A_123 : memref<10000x64xf32, #tpu.memory_space<hbm>>) target(%arg9 : memref<88x64xf32, #tpu.memory_space<vmem>>) offsets(%dma_start3A_116 : memref<88xi32, #tpu.memory_space<vmem>>) semaphore(%arg14 : memref<!tpu.dma_semaphore, #tpu.memory_space<semaphore_mem>>)
      } else {
      }
      %dma_wait3A_81 = arith.constant 0 : i32
      %dma_wait3A_82 = tpu.memref_slice %arg7[%add3A_73, %dma_wait3A_81] : memref<228x88xi32, #tpu.memory_space<vmem>> -> memref<1x88xi32, #tpu.memory_space<vmem>>
      %dma_wait3A_83 = tpu.memref_squeeze %dma_wait3A_82 : memref<1x88xi32, #tpu.memory_space<vmem>> -> memref<88xi32, #tpu.memory_space<vmem>>
      %dma_wait3A_84 = arith.constant 0 : i32
      %dma_wait3A_85 = arith.constant 0 : i32
      %dma_wait3A_86 = tpu.memref_slice %arg2[%arg0, %dma_wait3A_84, %dma_wait3A_85] : memref<2x10000x64xf32, #tpu.memory_space<hbm>> -> memref<1x10000x64xf32, #tpu.memory_space<hbm>>
      %dma_wait3A_87 = tpu.memref_squeeze %dma_wait3A_86 : memref<1x10000x64xf32, #tpu.memory_space<hbm>> -> memref<10000x64xf32, #tpu.memory_space<hbm>>
      %dma_wait3A_88 = arith.constant 0 : i32
      %dma_wait3A_89 = arith.constant 0 : i32
      %dma_wait3A_90 = tpu.memref_slice %dma_wait3A_87[%dma_wait3A_88, %dma_wait3A_89] : memref<10000x64xf32, #tpu.memory_space<hbm>> -> memref<10000x64xf32, #tpu.memory_space<hbm>>
      tpu.wait_indirect_dma semaphore(%arg16 : memref<!tpu.dma_semaphore, #tpu.memory_space<semaphore_mem>>) src(%dma_wait3A_90 : memref<10000x64xf32, #tpu.memory_space<hbm>>) dst(%arg11 : memref<88x64xf32, #tpu.memory_space<vmem>>)
      "tpu.region"() ({
        %run_scoped3A = tpu.sem_alloc : memref<!tpu.dma_semaphore, #tpu.memory_space<semaphore_mem>>
        %dma_start3A_112 = arith.constant 0 : i32
        %dma_start3A_113 = tpu.memref_slice %arg8[%add3A_73, %dma_start3A_112] : memref<228x88xi32, #tpu.memory_space<vmem>> -> memref<1x88xi32, #tpu.memory_space<vmem>>
        %dma_start3A_114 = tpu.memref_squeeze %dma_start3A_113 : memref<1x88xi32, #tpu.memory_space<vmem>> -> memref<88xi32, #tpu.memory_space<vmem>>
        %dma_start3A_115 = arith.constant 0 : i32
        %dma_start3A_116 = arith.constant 0 : i32
        %dma_start3A_117 = tpu.memref_slice %arg13[%dma_start3A_115, %dma_start3A_116] : memref<10112x64xf32, #tpu.memory_space<vmem_shared>> -> memref<10112x64xf32, #tpu.memory_space<vmem_shared>>
        tpu.enqueue_indirect_dma source(%arg11 : memref<88x64xf32, #tpu.memory_space<vmem>>) target(%dma_start3A_117 : memref<10112x64xf32, #tpu.memory_space<vmem_shared>>) offsets(%dma_start3A_114 : memref<88xi32, #tpu.memory_space<vmem>>) semaphore(%run_scoped3A : memref<!tpu.dma_semaphore, #tpu.memory_space<semaphore_mem>>) {add = true}
        %dma_wait3A_118 = arith.constant 0 : i32
        %dma_wait3A_119 = tpu.memref_slice %arg8[%add3A_73, %dma_wait3A_118] : memref<228x88xi32, #tpu.memory_space<vmem>> -> memref<1x88xi32, #tpu.memory_space<vmem>>
        %dma_wait3A_120 = tpu.memref_squeeze %dma_wait3A_119 : memref<1x88xi32, #tpu.memory_space<vmem>> -> memref<88xi32, #tpu.memory_space<vmem>>
        %dma_wait3A_121 = arith.constant 0 : i32
        %dma_wait3A_122 = arith.constant 0 : i32
        %dma_wait3A_123 = tpu.memref_slice %arg13[%dma_wait3A_121, %dma_wait3A_122] : memref<10112x64xf32, #tpu.memory_space<vmem_shared>> -> memref<10112x64xf32, #tpu.memory_space<vmem_shared>>
        tpu.wait_indirect_dma semaphore(%run_scoped3A : memref<!tpu.dma_semaphore, #tpu.memory_space<semaphore_mem>>) src(%arg11 : memref<88x64xf32, #tpu.memory_space<vmem>>) dst(%dma_wait3A_123 : memref<10112x64xf32, #tpu.memory_space<vmem_shared>>)
        tpu.yield
      }) : () -> ()
      %mul3A_91 = arith.constant 4 : i32
      %mul3A_92 = arith.muli %scan3A_32, %mul3A_91 : i32
      %add3A_93 = arith.constant 3 : i32
      %add3A_94 = arith.addi %mul3A_92, %add3A_93 : i32
      %add3A_95 = arith.constant 2 : i32
      %add3A_96 = arith.addi %add3A_94, %add3A_95 : i32
      %lt3A_97 = arith.constant 228 : i32
      %lt3A_98 = arith.cmpi slt, %add3A_96, %lt3A_97 : i32
      %convert_element_type3A_99 = arith.extui %lt3A_98 : i1 to i32
      %cond3A_100 = arith.constant 0 : i32
      %cond3A_101 = arith.cmpi ne, %convert_element_type3A_99, %cond3A_100 : i32
      scf.if %cond3A_101 {
        %add3A_112 = arith.constant 2 : i32
        %add3A_113 = arith.addi %add3A_94, %add3A_112 : i32
        %dma_start3A_114 = arith.constant 0 : i32
        %dma_start3A_115 = tpu.memref_slice %arg7[%add3A_113, %dma_start3A_114] : memref<228x88xi32, #tpu.memory_space<vmem>> -> memref<1x88xi32, #tpu.memory_space<vmem>>
        %dma_start3A_116 = tpu.memref_squeeze %dma_start3A_115 : memref<1x88xi32, #tpu.memory_space<vmem>> -> memref<88xi32, #tpu.memory_space<vmem>>
        %dma_start3A_117 = arith.constant 0 : i32
        %dma_start3A_118 = arith.constant 0 : i32
        %dma_start3A_119 = tpu.memref_slice %arg2[%arg0, %dma_start3A_117, %dma_start3A_118] : memref<2x10000x64xf32, #tpu.memory_space<hbm>> -> memref<1x10000x64xf32, #tpu.memory_space<hbm>>
        %dma_start3A_120 = tpu.memref_squeeze %dma_start3A_119 : memref<1x10000x64xf32, #tpu.memory_space<hbm>> -> memref<10000x64xf32, #tpu.memory_space<hbm>>
        %dma_start3A_121 = arith.constant 0 : i32
        %dma_start3A_122 = arith.constant 0 : i32
        %dma_start3A_123 = tpu.memref_slice %dma_start3A_120[%dma_start3A_121, %dma_start3A_122] : memref<10000x64xf32, #tpu.memory_space<hbm>> -> memref<10000x64xf32, #tpu.memory_space<hbm>>
        tpu.enqueue_indirect_dma source(%dma_start3A_123 : memref<10000x64xf32, #tpu.memory_space<hbm>>) target(%arg10 : memref<88x64xf32, #tpu.memory_space<vmem>>) offsets(%dma_start3A_116 : memref<88xi32, #tpu.memory_space<vmem>>) semaphore(%arg15 : memref<!tpu.dma_semaphore, #tpu.memory_space<semaphore_mem>>)
      } else {
      }
      %dma_wait3A_102 = arith.constant 0 : i32
      %dma_wait3A_103 = tpu.memref_slice %arg7[%add3A_94, %dma_wait3A_102] : memref<228x88xi32, #tpu.memory_space<vmem>> -> memref<1x88xi32, #tpu.memory_space<vmem>>
      %dma_wait3A_104 = tpu.memref_squeeze %dma_wait3A_103 : memref<1x88xi32, #tpu.memory_space<vmem>> -> memref<88xi32, #tpu.memory_space<vmem>>
      %dma_wait3A_105 = arith.constant 0 : i32
      %dma_wait3A_106 = arith.constant 0 : i32
      %dma_wait3A_107 = tpu.memref_slice %arg2[%arg0, %dma_wait3A_105, %dma_wait3A_106] : memref<2x10000x64xf32, #tpu.memory_space<hbm>> -> memref<1x10000x64xf32, #tpu.memory_space<hbm>>
      %dma_wait3A_108 = tpu.memref_squeeze %dma_wait3A_107 : memref<1x10000x64xf32, #tpu.memory_space<hbm>> -> memref<10000x64xf32, #tpu.memory_space<hbm>>
      %dma_wait3A_109 = arith.constant 0 : i32
      %dma_wait3A_110 = arith.constant 0 : i32
      %dma_wait3A_111 = tpu.memref_slice %dma_wait3A_108[%dma_wait3A_109, %dma_wait3A_110] : memref<10000x64xf32, #tpu.memory_space<hbm>> -> memref<10000x64xf32, #tpu.memory_space<hbm>>
      tpu.wait_indirect_dma semaphore(%arg17 : memref<!tpu.dma_semaphore, #tpu.memory_space<semaphore_mem>>) src(%dma_wait3A_111 : memref<10000x64xf32, #tpu.memory_space<hbm>>) dst(%arg12 : memref<88x64xf32, #tpu.memory_space<vmem>>)
      "tpu.region"() ({
        %run_scoped3A = tpu.sem_alloc : memref<!tpu.dma_semaphore, #tpu.memory_space<semaphore_mem>>
        %dma_start3A_112 = arith.constant 0 : i32
        %dma_start3A_113 = tpu.memref_slice %arg8[%add3A_94, %dma_start3A_112] : memref<228x88xi32, #tpu.memory_space<vmem>> -> memref<1x88xi32, #tpu.memory_space<vmem>>
        %dma_start3A_114 = tpu.memref_squeeze %dma_start3A_113 : memref<1x88xi32, #tpu.memory_space<vmem>> -> memref<88xi32, #tpu.memory_space<vmem>>
        %dma_start3A_115 = arith.constant 0 : i32
        %dma_start3A_116 = arith.constant 0 : i32
        %dma_start3A_117 = tpu.memref_slice %arg13[%dma_start3A_115, %dma_start3A_116] : memref<10112x64xf32, #tpu.memory_space<vmem_shared>> -> memref<10112x64xf32, #tpu.memory_space<vmem_shared>>
        tpu.enqueue_indirect_dma source(%arg12 : memref<88x64xf32, #tpu.memory_space<vmem>>) target(%dma_start3A_117 : memref<10112x64xf32, #tpu.memory_space<vmem_shared>>) offsets(%dma_start3A_114 : memref<88xi32, #tpu.memory_space<vmem>>) semaphore(%run_scoped3A : memref<!tpu.dma_semaphore, #tpu.memory_space<semaphore_mem>>) {add = true}
        %dma_wait3A_118 = arith.constant 0 : i32
        %dma_wait3A_119 = tpu.memref_slice %arg8[%add3A_94, %dma_wait3A_118] : memref<228x88xi32, #tpu.memory_space<vmem>> -> memref<1x88xi32, #tpu.memory_space<vmem>>
        %dma_wait3A_120 = tpu.memref_squeeze %dma_wait3A_119 : memref<1x88xi32, #tpu.memory_space<vmem>> -> memref<88xi32, #tpu.memory_space<vmem>>
        %dma_wait3A_121 = arith.constant 0 : i32
        %dma_wait3A_122 = arith.constant 0 : i32
        %dma_wait3A_123 = tpu.memref_slice %arg13[%dma_wait3A_121, %dma_wait3A_122] : memref<10112x64xf32, #tpu.memory_space<vmem_shared>> -> memref<10112x64xf32, #tpu.memory_space<vmem_shared>>
        tpu.wait_indirect_dma semaphore(%run_scoped3A : memref<!tpu.dma_semaphore, #tpu.memory_space<semaphore_mem>>) src(%arg12 : memref<88x64xf32, #tpu.memory_space<vmem>>) dst(%dma_wait3A_123 : memref<10112x64xf32, #tpu.memory_space<vmem_shared>>)
        tpu.yield
      }) : () -> ()
    }
    %scan3A_26 = arith.constant 57 : i32
    %barrier3A_27 = arith.constant 0 : index
    tpu.barrier barrier_id(%barrier3A_27)
    %mul3A_28 = arith.constant 632 : i32
    %mul3A_29 = arith.muli %arg1, %mul3A_28 : i32
    %mul3A_30 = arith.constant 632 : i32
    %mul3A_31 = arith.muli %arg1, %mul3A_30 : i32
    "tpu.region"() ({
      %run_scoped3A = tpu.sem_alloc : memref<!tpu.dma_semaphore, #tpu.memory_space<semaphore_mem>>
      %dma_start3A_32 = arith.constant 0 : i32
      %dma_start3A_33 = tpu.memref_slice %arg6[%arg0, %mul3A_31, %dma_start3A_32] : memref<2x10112x64xf32, #tpu.memory_space<hbm>> -> memref<1x632x64xf32, #tpu.memory_space<hbm>>
      %dma_start3A_34 = tpu.memref_squeeze %dma_start3A_33 : memref<1x632x64xf32, #tpu.memory_space<hbm>> -> memref<632x64xf32, #tpu.memory_space<hbm>>
      %dma_start3A_35 = arith.constant 0 : i32
      %dma_start3A_36 = tpu.memref_slice %arg13[%mul3A_29, %dma_start3A_35] : memref<10112x64xf32, #tpu.memory_space<vmem_shared>> -> memref<632x64xf32, #tpu.memory_space<vmem_shared>>
      tpu.enqueue_dma source(%dma_start3A_36 : memref<632x64xf32, #tpu.memory_space<vmem_shared>>) target(%dma_start3A_34 : memref<632x64xf32, #tpu.memory_space<hbm>>) target_semaphore(%run_scoped3A : memref<!tpu.dma_semaphore, #tpu.memory_space<semaphore_mem>>)
      %dma_wait3A = arith.constant 0 : i32
      %dma_wait3A_37 = tpu.memref_slice %arg6[%arg0, %mul3A_31, %dma_wait3A] : memref<2x10112x64xf32, #tpu.memory_space<hbm>> -> memref<1x632x64xf32, #tpu.memory_space<hbm>>
      %dma_wait3A_38 = tpu.memref_squeeze %dma_wait3A_37 : memref<1x632x64xf32, #tpu.memory_space<hbm>> -> memref<632x64xf32, #tpu.memory_space<hbm>>
      %dma_wait3A_39 = arith.constant 0 : i32
      %dma_wait3A_40 = tpu.memref_slice %arg13[%mul3A_29, %dma_wait3A_39] : memref<10112x64xf32, #tpu.memory_space<vmem_shared>> -> memref<632x64xf32, #tpu.memory_space<vmem_shared>>
      tpu.wait_dma2 semaphore(%run_scoped3A : memref<!tpu.dma_semaphore, #tpu.memory_space<semaphore_mem>>) src(%dma_wait3A_40 : memref<632x64xf32, #tpu.memory_space<vmem_shared>>) dst(%dma_wait3A_38 : memref<632x64xf32, #tpu.memory_space<hbm>>)
      tpu.yield
    }) : () -> ()
    return
  }
}

#map = affine_map<(d0, d1) -> (0, 0, 0)>
#map1 = affine_map<(d0, d1) -> (0, 0)>
module attributes {stable_mosaic.version = 14 : i64} {
  func.func @segsum(%arg0: i32, %arg1: i32, %arg2: memref<2x10000x64xf32, #tpu.memory_space<hbm>>, %arg3: memref<16x228x88xi32, #tpu.memory_space<hbm>>, %arg4: memref<16x228x88xi32, #tpu.memory_space<hbm>>, %arg5: memref<632x64xf32, #tpu.memory_space<hbm>>, %arg6: memref<2x10112x64xf32, #tpu.memory_space<hbm>>, %arg7: memref<228x88xi32, #tpu.memory_space<vmem>>, %arg8: memref<228x88xi32, #tpu.memory_space<vmem>>, %arg9: memref<88x64xf32, #tpu.memory_space<vmem>>, %arg10: memref<88x64xf32, #tpu.memory_space<vmem>>, %arg11: memref<88x64xf32, #tpu.memory_space<vmem>>, %arg12: memref<88x64xf32, #tpu.memory_space<vmem>>, %arg13: memref<10112x64xf32, #tpu.memory_space<vmem_shared>>, %arg14: memref<!tpu.dma_semaphore, #tpu.memory_space<semaphore_mem>>, %arg15: memref<!tpu.dma_semaphore, #tpu.memory_space<semaphore_mem>>, %arg16: memref<!tpu.dma_semaphore, #tpu.memory_space<semaphore_mem>>, %arg17: memref<!tpu.dma_semaphore, #tpu.memory_space<semaphore_mem>>, %arg18: memref<!tpu.dma_semaphore, #tpu.memory_space<semaphore_mem>>, %arg19: memref<!tpu.dma_semaphore, #tpu.memory_space<semaphore_mem>>, %arg20: memref<!tpu.dma_semaphore, #tpu.memory_space<semaphore_mem>>, %arg21: memref<!tpu.dma_semaphore, #tpu.memory_space<semaphore_mem>>) attributes {dimension_semantics = [#tpu.dimension_semantics<core_parallel>, #tpu.dimension_semantics<subcore_parallel>], iteration_bounds = array<i64: 2, 16>, scalar_prefetch = 0 : i64, scratch_operands = 15 : i64, tpu.core_type = #tpu.core_type<sc_vector_subcore>, window_params = [{transform_indices = #map}, {transform_indices = #map}, {transform_indices = #map}, {transform_indices = #map1}, {transform_indices = #map}]} {
    %mul3A = arith.constant 632 : i32
    %mul3A_0 = arith.muli %arg1, %mul3A : i32
    "tpu.region"() ({
      %run_scoped3A = tpu.sem_alloc : memref<!tpu.dma_semaphore, #tpu.memory_space<semaphore_mem>>
      %dma_start3A_32 = arith.constant 0 : i32
      %dma_start3A_33 = tpu.memref_slice %arg13[%mul3A_0, %dma_start3A_32] : memref<10112x64xf32, #tpu.memory_space<vmem_shared>> -> memref<632x64xf32, #tpu.memory_space<vmem_shared>>
      tpu.enqueue_dma source(%arg5 : memref<632x64xf32, #tpu.memory_space<hbm>>) target(%dma_start3A_33 : memref<632x64xf32, #tpu.memory_space<vmem_shared>>) target_semaphore(%run_scoped3A : memref<!tpu.dma_semaphore, #tpu.memory_space<semaphore_mem>>)
      %dma_wait3A = arith.constant 0 : i32
      %dma_wait3A_34 = tpu.memref_slice %arg13[%mul3A_0, %dma_wait3A] : memref<10112x64xf32, #tpu.memory_space<vmem_shared>> -> memref<632x64xf32, #tpu.memory_space<vmem_shared>>
      tpu.wait_dma2 semaphore(%run_scoped3A : memref<!tpu.dma_semaphore, #tpu.memory_space<semaphore_mem>>) src(%arg5 : memref<632x64xf32, #tpu.memory_space<hbm>>) dst(%dma_wait3A_34 : memref<632x64xf32, #tpu.memory_space<vmem_shared>>)
      tpu.yield
    }) : () -> ()
    "tpu.region"() ({
      %run_scoped3A = tpu.sem_alloc : memref<!tpu.dma_semaphore, #tpu.memory_space<semaphore_mem>>
      %dma_start3A_32 = arith.constant 0 : i32
      %dma_start3A_33 = arith.constant 0 : i32
      %dma_start3A_34 = tpu.memref_slice %arg3[%arg1, %dma_start3A_32, %dma_start3A_33] : memref<16x228x88xi32, #tpu.memory_space<hbm>> -> memref<1x228x88xi32, #tpu.memory_space<hbm>>
      %dma_start3A_35 = tpu.memref_squeeze %dma_start3A_34 : memref<1x228x88xi32, #tpu.memory_space<hbm>> -> memref<228x88xi32, #tpu.memory_space<hbm>>
      %dma_start3A_36 = arith.constant 0 : i32
      %dma_start3A_37 = arith.constant 0 : i32
      %dma_start3A_38 = tpu.memref_slice %arg3[%arg1, %dma_start3A_36, %dma_start3A_37] : memref<16x228x88xi32, #tpu.memory_space<hbm>> -> memref<1x228x88xi32, #tpu.memory_space<hbm>>
      %dma_start3A_39 = tpu.memref_squeeze %dma_start3A_38 : memref<1x228x88xi32, #tpu.memory_space<hbm>> -> memref<228x88xi32, #tpu.memory_space<hbm>>
      tpu.enqueue_dma source(%dma_start3A_39 : memref<228x88xi32, #tpu.memory_space<hbm>>) target(%arg7 : memref<228x88xi32, #tpu.memory_space<vmem>>) target_semaphore(%run_scoped3A : memref<!tpu.dma_semaphore, #tpu.memory_space<semaphore_mem>>)
      %dma_wait3A = arith.constant 0 : i32
      %dma_wait3A_40 = arith.constant 0 : i32
      %dma_wait3A_41 = tpu.memref_slice %arg3[%arg1, %dma_wait3A, %dma_wait3A_40] : memref<16x228x88xi32, #tpu.memory_space<hbm>> -> memref<1x228x88xi32, #tpu.memory_space<hbm>>
      %dma_wait3A_42 = tpu.memref_squeeze %dma_wait3A_41 : memref<1x228x88xi32, #tpu.memory_space<hbm>> -> memref<228x88xi32, #tpu.memory_space<hbm>>
      %dma_wait3A_43 = arith.constant 0 : i32
      %dma_wait3A_44 = arith.constant 0 : i32
      %dma_wait3A_45 = tpu.memref_slice %arg3[%arg1, %dma_wait3A_43, %dma_wait3A_44] : memref<16x228x88xi32, #tpu.memory_space<hbm>> -> memref<1x228x88xi32, #tpu.memory_space<hbm>>
      %dma_wait3A_46 = tpu.memref_squeeze %dma_wait3A_45 : memref<1x228x88xi32, #tpu.memory_space<hbm>> -> memref<228x88xi32, #tpu.memory_space<hbm>>
      tpu.wait_dma2 semaphore(%run_scoped3A : memref<!tpu.dma_semaphore, #tpu.memory_space<semaphore_mem>>) src(%dma_wait3A_46 : memref<228x88xi32, #tpu.memory_space<hbm>>) dst(%arg7 : memref<228x88xi32, #tpu.memory_space<vmem>>)
      tpu.yield
    }) : () -> ()
    "tpu.region"() ({
      %run_scoped3A = tpu.sem_alloc : memref<!tpu.dma_semaphore, #tpu.memory_space<semaphore_mem>>
      %dma_start3A_32 = arith.constant 0 : i32
      %dma_start3A_33 = arith.constant 0 : i32
      %dma_start3A_34 = tpu.memref_slice %arg4[%arg1, %dma_start3A_32, %dma_start3A_33] : memref<16x228x88xi32, #tpu.memory_space<hbm>> -> memref<1x228x88xi32, #tpu.memory_space<hbm>>
      %dma_start3A_35 = tpu.memref_squeeze %dma_start3A_34 : memref<1x228x88xi32, #tpu.memory_space<hbm>> -> memref<228x88xi32, #tpu.memory_space<hbm>>
      %dma_start3A_36 = arith.constant 0 : i32
      %dma_start3A_37 = arith.constant 0 : i32
      %dma_start3A_38 = tpu.memref_slice %arg4[%arg1, %dma_start3A_36, %dma_start3A_37] : memref<16x228x88xi32, #tpu.memory_space<hbm>> -> memref<1x228x88xi32, #tpu.memory_space<hbm>>
      %dma_start3A_39 = tpu.memref_squeeze %dma_start3A_38 : memref<1x228x88xi32, #tpu.memory_space<hbm>> -> memref<228x88xi32, #tpu.memory_space<hbm>>
      tpu.enqueue_dma source(%dma_start3A_39 : memref<228x88xi32, #tpu.memory_space<hbm>>) target(%arg8 : memref<228x88xi32, #tpu.memory_space<vmem>>) target_semaphore(%run_scoped3A : memref<!tpu.dma_semaphore, #tpu.memory_space<semaphore_mem>>)
      %dma_wait3A = arith.constant 0 : i32
      %dma_wait3A_40 = arith.constant 0 : i32
      %dma_wait3A_41 = tpu.memref_slice %arg4[%arg1, %dma_wait3A, %dma_wait3A_40] : memref<16x228x88xi32, #tpu.memory_space<hbm>> -> memref<1x228x88xi32, #tpu.memory_space<hbm>>
      %dma_wait3A_42 = tpu.memref_squeeze %dma_wait3A_41 : memref<1x228x88xi32, #tpu.memory_space<hbm>> -> memref<228x88xi32, #tpu.memory_space<hbm>>
      %dma_wait3A_43 = arith.constant 0 : i32
      %dma_wait3A_44 = arith.constant 0 : i32
      %dma_wait3A_45 = tpu.memref_slice %arg4[%arg1, %dma_wait3A_43, %dma_wait3A_44] : memref<16x228x88xi32, #tpu.memory_space<hbm>> -> memref<1x228x88xi32, #tpu.memory_space<hbm>>
      %dma_wait3A_46 = tpu.memref_squeeze %dma_wait3A_45 : memref<1x228x88xi32, #tpu.memory_space<hbm>> -> memref<228x88xi32, #tpu.memory_space<hbm>>
      tpu.wait_dma2 semaphore(%run_scoped3A : memref<!tpu.dma_semaphore, #tpu.memory_space<semaphore_mem>>) src(%dma_wait3A_46 : memref<228x88xi32, #tpu.memory_space<hbm>>) dst(%arg8 : memref<228x88xi32, #tpu.memory_space<vmem>>)
      tpu.yield
    }) : () -> ()
    %dma_start3A = arith.constant 0 : i32
    %dma_start3A_1 = arith.constant 0 : i32
    %dma_start3A_2 = tpu.memref_slice %arg7[%dma_start3A, %dma_start3A_1] : memref<228x88xi32, #tpu.memory_space<vmem>> -> memref<1x88xi32, #tpu.memory_space<vmem>>
    %dma_start3A_3 = tpu.memref_squeeze %dma_start3A_2 : memref<1x88xi32, #tpu.memory_space<vmem>> -> memref<88xi32, #tpu.memory_space<vmem>>
    %dma_start3A_4 = arith.constant 0 : i32
    %dma_start3A_5 = arith.constant 0 : i32
    %dma_start3A_6 = tpu.memref_slice %arg2[%arg0, %dma_start3A_4, %dma_start3A_5] : memref<2x10000x64xf32, #tpu.memory_space<hbm>> -> memref<1x10000x64xf32, #tpu.memory_space<hbm>>
    %dma_start3A_7 = tpu.memref_squeeze %dma_start3A_6 : memref<1x10000x64xf32, #tpu.memory_space<hbm>> -> memref<10000x64xf32, #tpu.memory_space<hbm>>
    %dma_start3A_8 = arith.constant 0 : i32
    %dma_start3A_9 = arith.constant 0 : i32
    %dma_start3A_10 = tpu.memref_slice %dma_start3A_7[%dma_start3A_8, %dma_start3A_9] : memref<10000x64xf32, #tpu.memory_space<hbm>> -> memref<10000x64xf32, #tpu.memory_space<hbm>>
    tpu.enqueue_indirect_dma source(%dma_start3A_10 : memref<10000x64xf32, #tpu.memory_space<hbm>>) target(%arg9 : memref<88x64xf32, #tpu.memory_space<vmem>>) offsets(%dma_start3A_3 : memref<88xi32, #tpu.memory_space<vmem>>) semaphore(%arg14 : memref<!tpu.dma_semaphore, #tpu.memory_space<semaphore_mem>>)
    %dma_start3A_11 = arith.constant 1 : i32
    %dma_start3A_12 = arith.constant 0 : i32
    %dma_start3A_13 = tpu.memref_slice %arg7[%dma_start3A_11, %dma_start3A_12] : memref<228x88xi32, #tpu.memory_space<vmem>> -> memref<1x88xi32, #tpu.memory_space<vmem>>
    %dma_start3A_14 = tpu.memref_squeeze %dma_start3A_13 : memref<1x88xi32, #tpu.memory_space<vmem>> -> memref<88xi32, #tpu.memory_space<vmem>>
    %dma_start3A_15 = arith.constant 0 : i32
    %dma_start3A_16 = arith.constant 0 : i32
    %dma_start3A_17 = tpu.memref_slice %arg2[%arg0, %dma_start3A_15, %dma_start3A_16] : memref<2x10000x64xf32, #tpu.memory_space<hbm>> -> memref<1x10000x64xf32, #tpu.memory_space<hbm>>
    %dma_start3A_18 = tpu.memref_squeeze %dma_start3A_17 : memref<1x10000x64xf32, #tpu.memory_space<hbm>> -> memref<10000x64xf32, #tpu.memory_space<hbm>>
    %dma_start3A_19 = arith.constant 0 : i32
    %dma_start3A_20 = arith.constant 0 : i32
    %dma_start3A_21 = tpu.memref_slice %dma_start3A_18[%dma_start3A_19, %dma_start3A_20] : memref<10000x64xf32, #tpu.memory_space<hbm>> -> memref<10000x64xf32, #tpu.memory_space<hbm>>
    tpu.enqueue_indirect_dma source(%dma_start3A_21 : memref<10000x64xf32, #tpu.memory_space<hbm>>) target(%arg10 : memref<88x64xf32, #tpu.memory_space<vmem>>) offsets(%dma_start3A_14 : memref<88xi32, #tpu.memory_space<vmem>>) semaphore(%arg15 : memref<!tpu.dma_semaphore, #tpu.memory_space<semaphore_mem>>)
    %barrier3A = arith.constant 0 : index
    tpu.barrier barrier_id(%barrier3A)
    %scan3A = arith.constant 0 : i32
    %scan3A_22 = arith.constant 0 : i32
    %scan3A_23 = arith.constant 57 : i32
    %scan3A_24 = arith.addi %scan3A_22, %scan3A_23 : i32
    %scan3A_25 = arith.constant 1 : i32
    scf.for %scan3A_32 = %scan3A_22 to %scan3A_24 step %scan3A_25  : i32 {
      %mul3A_33 = arith.constant 4 : i32
      %mul3A_34 = arith.muli %scan3A_32, %mul3A_33 : i32
      %add3A = arith.constant 0 : i32
      %add3A_35 = arith.addi %mul3A_34, %add3A : i32
      %add3A_36 = arith.constant 2 : i32
      %add3A_37 = arith.addi %add3A_35, %add3A_36 : i32
      %lt3A = arith.constant 228 : i32
      %lt3A_38 = arith.cmpi slt, %add3A_37, %lt3A : i32
      %convert_element_type3A = arith.extui %lt3A_38 : i1 to i32
      %cond3A = arith.constant 0 : i32
      %cond3A_39 = arith.cmpi ne, %convert_element_type3A, %cond3A : i32
      scf.if %cond3A_39 {
        %add3A_112 = arith.constant 2 : i32
        %add3A_113 = arith.addi %add3A_35, %add3A_112 : i32
        %dma_start3A_114 = arith.constant 0 : i32
        %dma_start3A_115 = tpu.memref_slice %arg7[%add3A_113, %dma_start3A_114] : memref<228x88xi32, #tpu.memory_space<vmem>> -> memref<1x88xi32, #tpu.memory_space<vmem>>
        %dma_start3A_116 = tpu.memref_squeeze %dma_start3A_115 : memref<1x88xi32, #tpu.memory_space<vmem>> -> memref<88xi32, #tpu.memory_space<vmem>>
        %dma_start3A_117 = arith.constant 0 : i32
        %dma_start3A_118 = arith.constant 0 : i32
        %dma_start3A_119 = tpu.memref_slice %arg2[%arg0, %dma_start3A_117, %dma_start3A_118] : memref<2x10000x64xf32, #tpu.memory_space<hbm>> -> memref<1x10000x64xf32, #tpu.memory_space<hbm>>
        %dma_start3A_120 = tpu.memref_squeeze %dma_start3A_119 : memref<1x10000x64xf32, #tpu.memory_space<hbm>> -> memref<10000x64xf32, #tpu.memory_space<hbm>>
        %dma_start3A_121 = arith.constant 0 : i32
        %dma_start3A_122 = arith.constant 0 : i32
        %dma_start3A_123 = tpu.memref_slice %dma_start3A_120[%dma_start3A_121, %dma_start3A_122] : memref<10000x64xf32, #tpu.memory_space<hbm>> -> memref<10000x64xf32, #tpu.memory_space<hbm>>
        tpu.enqueue_indirect_dma source(%dma_start3A_123 : memref<10000x64xf32, #tpu.memory_space<hbm>>) target(%arg11 : memref<88x64xf32, #tpu.memory_space<vmem>>) offsets(%dma_start3A_116 : memref<88xi32, #tpu.memory_space<vmem>>) semaphore(%arg16 : memref<!tpu.dma_semaphore, #tpu.memory_space<semaphore_mem>>)
      } else {
      }
      %dma_wait3A = arith.constant 0 : i32
      %dma_wait3A_40 = tpu.memref_slice %arg7[%add3A_35, %dma_wait3A] : memref<228x88xi32, #tpu.memory_space<vmem>> -> memref<1x88xi32, #tpu.memory_space<vmem>>
      %dma_wait3A_41 = tpu.memref_squeeze %dma_wait3A_40 : memref<1x88xi32, #tpu.memory_space<vmem>> -> memref<88xi32, #tpu.memory_space<vmem>>
      %dma_wait3A_42 = arith.constant 0 : i32
      %dma_wait3A_43 = arith.constant 0 : i32
      %dma_wait3A_44 = tpu.memref_slice %arg2[%arg0, %dma_wait3A_42, %dma_wait3A_43] : memref<2x10000x64xf32, #tpu.memory_space<hbm>> -> memref<1x10000x64xf32, #tpu.memory_space<hbm>>
      %dma_wait3A_45 = tpu.memref_squeeze %dma_wait3A_44 : memref<1x10000x64xf32, #tpu.memory_space<hbm>> -> memref<10000x64xf32, #tpu.memory_space<hbm>>
      %dma_wait3A_46 = arith.constant 0 : i32
      %dma_wait3A_47 = arith.constant 0 : i32
      %dma_wait3A_48 = tpu.memref_slice %dma_wait3A_45[%dma_wait3A_46, %dma_wait3A_47] : memref<10000x64xf32, #tpu.memory_space<hbm>> -> memref<10000x64xf32, #tpu.memory_space<hbm>>
      tpu.wait_indirect_dma semaphore(%arg14 : memref<!tpu.dma_semaphore, #tpu.memory_space<semaphore_mem>>) src(%dma_wait3A_48 : memref<10000x64xf32, #tpu.memory_space<hbm>>) dst(%arg9 : memref<88x64xf32, #tpu.memory_space<vmem>>)
      "tpu.region"() ({
        %run_scoped3A = tpu.sem_alloc : memref<!tpu.dma_semaphore, #tpu.memory_space<semaphore_mem>>
        %dma_start3A_112 = arith.constant 0 : i32
        %dma_start3A_113 = tpu.memref_slice %arg8[%add3A_35, %dma_start3A_112] : memref<228x88xi32, #tpu.memory_space<vmem>> -> memref<1x88xi32, #tpu.memory_space<vmem>>
        %dma_start3A_114 = tpu.memref_squeeze %dma_start3A_113 : memref<1x88xi32, #tpu.memory_space<vmem>> -> memref<88xi32, #tpu.memory_space<vmem>>
        %dma_start3A_115 = arith.constant 0 : i32
        %dma_start3A_116 = arith.constant 0 : i32
        %dma_start3A_117 = tpu.memref_slice %arg13[%dma_start3A_115, %dma_start3A_116] : memref<10112x64xf32, #tpu.memory_space<vmem_shared>> -> memref<10112x64xf32, #tpu.memory_space<vmem_shared>>
        tpu.enqueue_indirect_dma source(%arg9 : memref<88x64xf32, #tpu.memory_space<vmem>>) target(%dma_start3A_117 : memref<10112x64xf32, #tpu.memory_space<vmem_shared>>) offsets(%dma_start3A_114 : memref<88xi32, #tpu.memory_space<vmem>>) semaphore(%run_scoped3A : memref<!tpu.dma_semaphore, #tpu.memory_space<semaphore_mem>>) {add = true}
        %dma_wait3A_118 = arith.constant 0 : i32
        %dma_wait3A_119 = tpu.memref_slice %arg8[%add3A_35, %dma_wait3A_118] : memref<228x88xi32, #tpu.memory_space<vmem>> -> memref<1x88xi32, #tpu.memory_space<vmem>>
        %dma_wait3A_120 = tpu.memref_squeeze %dma_wait3A_119 : memref<1x88xi32, #tpu.memory_space<vmem>> -> memref<88xi32, #tpu.memory_space<vmem>>
        %dma_wait3A_121 = arith.constant 0 : i32
        %dma_wait3A_122 = arith.constant 0 : i32
        %dma_wait3A_123 = tpu.memref_slice %arg13[%dma_wait3A_121, %dma_wait3A_122] : memref<10112x64xf32, #tpu.memory_space<vmem_shared>> -> memref<10112x64xf32, #tpu.memory_space<vmem_shared>>
        tpu.wait_indirect_dma semaphore(%run_scoped3A : memref<!tpu.dma_semaphore, #tpu.memory_space<semaphore_mem>>) src(%arg9 : memref<88x64xf32, #tpu.memory_space<vmem>>) dst(%dma_wait3A_123 : memref<10112x64xf32, #tpu.memory_space<vmem_shared>>)
        tpu.yield
      }) : () -> ()
      %mul3A_49 = arith.constant 4 : i32
      %mul3A_50 = arith.muli %scan3A_32, %mul3A_49 : i32
      %add3A_51 = arith.constant 1 : i32
      %add3A_52 = arith.addi %mul3A_50, %add3A_51 : i32
      %add3A_53 = arith.constant 2 : i32
      %add3A_54 = arith.addi %add3A_52, %add3A_53 : i32
      %lt3A_55 = arith.constant 228 : i32
      %lt3A_56 = arith.cmpi slt, %add3A_54, %lt3A_55 : i32
      %convert_element_type3A_57 = arith.extui %lt3A_56 : i1 to i32
      %cond3A_58 = arith.constant 0 : i32
      %cond3A_59 = arith.cmpi ne, %convert_element_type3A_57, %cond3A_58 : i32
      scf.if %cond3A_59 {
        %add3A_112 = arith.constant 2 : i32
        %add3A_113 = arith.addi %add3A_52, %add3A_112 : i32
        %dma_start3A_114 = arith.constant 0 : i32
        %dma_start3A_115 = tpu.memref_slice %arg7[%add3A_113, %dma_start3A_114] : memref<228x88xi32, #tpu.memory_space<vmem>> -> memref<1x88xi32, #tpu.memory_space<vmem>>
        %dma_start3A_116 = tpu.memref_squeeze %dma_start3A_115 : memref<1x88xi32, #tpu.memory_space<vmem>> -> memref<88xi32, #tpu.memory_space<vmem>>
        %dma_start3A_117 = arith.constant 0 : i32
        %dma_start3A_118 = arith.constant 0 : i32
        %dma_start3A_119 = tpu.memref_slice %arg2[%arg0, %dma_start3A_117, %dma_start3A_118] : memref<2x10000x64xf32, #tpu.memory_space<hbm>> -> memref<1x10000x64xf32, #tpu.memory_space<hbm>>
        %dma_start3A_120 = tpu.memref_squeeze %dma_start3A_119 : memref<1x10000x64xf32, #tpu.memory_space<hbm>> -> memref<10000x64xf32, #tpu.memory_space<hbm>>
        %dma_start3A_121 = arith.constant 0 : i32
        %dma_start3A_122 = arith.constant 0 : i32
        %dma_start3A_123 = tpu.memref_slice %dma_start3A_120[%dma_start3A_121, %dma_start3A_122] : memref<10000x64xf32, #tpu.memory_space<hbm>> -> memref<10000x64xf32, #tpu.memory_space<hbm>>
        tpu.enqueue_indirect_dma source(%dma_start3A_123 : memref<10000x64xf32, #tpu.memory_space<hbm>>) target(%arg12 : memref<88x64xf32, #tpu.memory_space<vmem>>) offsets(%dma_start3A_116 : memref<88xi32, #tpu.memory_space<vmem>>) semaphore(%arg17 : memref<!tpu.dma_semaphore, #tpu.memory_space<semaphore_mem>>)
      } else {
      }
      %dma_wait3A_60 = arith.constant 0 : i32
      %dma_wait3A_61 = tpu.memref_slice %arg7[%add3A_52, %dma_wait3A_60] : memref<228x88xi32, #tpu.memory_space<vmem>> -> memref<1x88xi32, #tpu.memory_space<vmem>>
      %dma_wait3A_62 = tpu.memref_squeeze %dma_wait3A_61 : memref<1x88xi32, #tpu.memory_space<vmem>> -> memref<88xi32, #tpu.memory_space<vmem>>
      %dma_wait3A_63 = arith.constant 0 : i32
      %dma_wait3A_64 = arith.constant 0 : i32
      %dma_wait3A_65 = tpu.memref_slice %arg2[%arg0, %dma_wait3A_63, %dma_wait3A_64] : memref<2x10000x64xf32, #tpu.memory_space<hbm>> -> memref<1x10000x64xf32, #tpu.memory_space<hbm>>
      %dma_wait3A_66 = tpu.memref_squeeze %dma_wait3A_65 : memref<1x10000x64xf32, #tpu.memory_space<hbm>> -> memref<10000x64xf32, #tpu.memory_space<hbm>>
      %dma_wait3A_67 = arith.constant 0 : i32
      %dma_wait3A_68 = arith.constant 0 : i32
      %dma_wait3A_69 = tpu.memref_slice %dma_wait3A_66[%dma_wait3A_67, %dma_wait3A_68] : memref<10000x64xf32, #tpu.memory_space<hbm>> -> memref<10000x64xf32, #tpu.memory_space<hbm>>
      tpu.wait_indirect_dma semaphore(%arg15 : memref<!tpu.dma_semaphore, #tpu.memory_space<semaphore_mem>>) src(%dma_wait3A_69 : memref<10000x64xf32, #tpu.memory_space<hbm>>) dst(%arg10 : memref<88x64xf32, #tpu.memory_space<vmem>>)
      "tpu.region"() ({
        %run_scoped3A = tpu.sem_alloc : memref<!tpu.dma_semaphore, #tpu.memory_space<semaphore_mem>>
        %dma_start3A_112 = arith.constant 0 : i32
        %dma_start3A_113 = tpu.memref_slice %arg8[%add3A_52, %dma_start3A_112] : memref<228x88xi32, #tpu.memory_space<vmem>> -> memref<1x88xi32, #tpu.memory_space<vmem>>
        %dma_start3A_114 = tpu.memref_squeeze %dma_start3A_113 : memref<1x88xi32, #tpu.memory_space<vmem>> -> memref<88xi32, #tpu.memory_space<vmem>>
        %dma_start3A_115 = arith.constant 0 : i32
        %dma_start3A_116 = arith.constant 0 : i32
        %dma_start3A_117 = tpu.memref_slice %arg13[%dma_start3A_115, %dma_start3A_116] : memref<10112x64xf32, #tpu.memory_space<vmem_shared>> -> memref<10112x64xf32, #tpu.memory_space<vmem_shared>>
        tpu.enqueue_indirect_dma source(%arg10 : memref<88x64xf32, #tpu.memory_space<vmem>>) target(%dma_start3A_117 : memref<10112x64xf32, #tpu.memory_space<vmem_shared>>) offsets(%dma_start3A_114 : memref<88xi32, #tpu.memory_space<vmem>>) semaphore(%run_scoped3A : memref<!tpu.dma_semaphore, #tpu.memory_space<semaphore_mem>>) {add = true}
        %dma_wait3A_118 = arith.constant 0 : i32
        %dma_wait3A_119 = tpu.memref_slice %arg8[%add3A_52, %dma_wait3A_118] : memref<228x88xi32, #tpu.memory_space<vmem>> -> memref<1x88xi32, #tpu.memory_space<vmem>>
        %dma_wait3A_120 = tpu.memref_squeeze %dma_wait3A_119 : memref<1x88xi32, #tpu.memory_space<vmem>> -> memref<88xi32, #tpu.memory_space<vmem>>
        %dma_wait3A_121 = arith.constant 0 : i32
        %dma_wait3A_122 = arith.constant 0 : i32
        %dma_wait3A_123 = tpu.memref_slice %arg13[%dma_wait3A_121, %dma_wait3A_122] : memref<10112x64xf32, #tpu.memory_space<vmem_shared>> -> memref<10112x64xf32, #tpu.memory_space<vmem_shared>>
        tpu.wait_indirect_dma semaphore(%run_scoped3A : memref<!tpu.dma_semaphore, #tpu.memory_space<semaphore_mem>>) src(%arg10 : memref<88x64xf32, #tpu.memory_space<vmem>>) dst(%dma_wait3A_123 : memref<10112x64xf32, #tpu.memory_space<vmem_shared>>)
        tpu.yield
      }) : () -> ()
      %mul3A_70 = arith.constant 4 : i32
      %mul3A_71 = arith.muli %scan3A_32, %mul3A_70 : i32
      %add3A_72 = arith.constant 2 : i32
      %add3A_73 = arith.addi %mul3A_71, %add3A_72 : i32
      %add3A_74 = arith.constant 2 : i32
      %add3A_75 = arith.addi %add3A_73, %add3A_74 : i32
      %lt3A_76 = arith.constant 228 : i32
      %lt3A_77 = arith.cmpi slt, %add3A_75, %lt3A_76 : i32
      %convert_element_type3A_78 = arith.extui %lt3A_77 : i1 to i32
      %cond3A_79 = arith.constant 0 : i32
      %cond3A_80 = arith.cmpi ne, %convert_element_type3A_78, %cond3A_79 : i32
      scf.if %cond3A_80 {
        %add3A_112 = arith.constant 2 : i32
        %add3A_113 = arith.addi %add3A_73, %add3A_112 : i32
        %dma_start3A_114 = arith.constant 0 : i32
        %dma_start3A_115 = tpu.memref_slice %arg7[%add3A_113, %dma_start3A_114] : memref<228x88xi32, #tpu.memory_space<vmem>> -> memref<1x88xi32, #tpu.memory_space<vmem>>
        %dma_start3A_116 = tpu.memref_squeeze %dma_start3A_115 : memref<1x88xi32, #tpu.memory_space<vmem>> -> memref<88xi32, #tpu.memory_space<vmem>>
        %dma_start3A_117 = arith.constant 0 : i32
        %dma_start3A_118 = arith.constant 0 : i32
        %dma_start3A_119 = tpu.memref_slice %arg2[%arg0, %dma_start3A_117, %dma_start3A_118] : memref<2x10000x64xf32, #tpu.memory_space<hbm>> -> memref<1x10000x64xf32, #tpu.memory_space<hbm>>
        %dma_start3A_120 = tpu.memref_squeeze %dma_start3A_119 : memref<1x10000x64xf32, #tpu.memory_space<hbm>> -> memref<10000x64xf32, #tpu.memory_space<hbm>>
        %dma_start3A_121 = arith.constant 0 : i32
        %dma_start3A_122 = arith.constant 0 : i32
        %dma_start3A_123 = tpu.memref_slice %dma_start3A_120[%dma_start3A_121, %dma_start3A_122] : memref<10000x64xf32, #tpu.memory_space<hbm>> -> memref<10000x64xf32, #tpu.memory_space<hbm>>
        tpu.enqueue_indirect_dma source(%dma_start3A_123 : memref<10000x64xf32, #tpu.memory_space<hbm>>) target(%arg9 : memref<88x64xf32, #tpu.memory_space<vmem>>) offsets(%dma_start3A_116 : memref<88xi32, #tpu.memory_space<vmem>>) semaphore(%arg14 : memref<!tpu.dma_semaphore, #tpu.memory_space<semaphore_mem>>)
      } else {
      }
      %dma_wait3A_81 = arith.constant 0 : i32
      %dma_wait3A_82 = tpu.memref_slice %arg7[%add3A_73, %dma_wait3A_81] : memref<228x88xi32, #tpu.memory_space<vmem>> -> memref<1x88xi32, #tpu.memory_space<vmem>>
      %dma_wait3A_83 = tpu.memref_squeeze %dma_wait3A_82 : memref<1x88xi32, #tpu.memory_space<vmem>> -> memref<88xi32, #tpu.memory_space<vmem>>
      %dma_wait3A_84 = arith.constant 0 : i32
      %dma_wait3A_85 = arith.constant 0 : i32
      %dma_wait3A_86 = tpu.memref_slice %arg2[%arg0, %dma_wait3A_84, %dma_wait3A_85] : memref<2x10000x64xf32, #tpu.memory_space<hbm>> -> memref<1x10000x64xf32, #tpu.memory_space<hbm>>
      %dma_wait3A_87 = tpu.memref_squeeze %dma_wait3A_86 : memref<1x10000x64xf32, #tpu.memory_space<hbm>> -> memref<10000x64xf32, #tpu.memory_space<hbm>>
      %dma_wait3A_88 = arith.constant 0 : i32
      %dma_wait3A_89 = arith.constant 0 : i32
      %dma_wait3A_90 = tpu.memref_slice %dma_wait3A_87[%dma_wait3A_88, %dma_wait3A_89] : memref<10000x64xf32, #tpu.memory_space<hbm>> -> memref<10000x64xf32, #tpu.memory_space<hbm>>
      tpu.wait_indirect_dma semaphore(%arg16 : memref<!tpu.dma_semaphore, #tpu.memory_space<semaphore_mem>>) src(%dma_wait3A_90 : memref<10000x64xf32, #tpu.memory_space<hbm>>) dst(%arg11 : memref<88x64xf32, #tpu.memory_space<vmem>>)
      "tpu.region"() ({
        %run_scoped3A = tpu.sem_alloc : memref<!tpu.dma_semaphore, #tpu.memory_space<semaphore_mem>>
        %dma_start3A_112 = arith.constant 0 : i32
        %dma_start3A_113 = tpu.memref_slice %arg8[%add3A_73, %dma_start3A_112] : memref<228x88xi32, #tpu.memory_space<vmem>> -> memref<1x88xi32, #tpu.memory_space<vmem>>
        %dma_start3A_114 = tpu.memref_squeeze %dma_start3A_113 : memref<1x88xi32, #tpu.memory_space<vmem>> -> memref<88xi32, #tpu.memory_space<vmem>>
        %dma_start3A_115 = arith.constant 0 : i32
        %dma_start3A_116 = arith.constant 0 : i32
        %dma_start3A_117 = tpu.memref_slice %arg13[%dma_start3A_115, %dma_start3A_116] : memref<10112x64xf32, #tpu.memory_space<vmem_shared>> -> memref<10112x64xf32, #tpu.memory_space<vmem_shared>>
        tpu.enqueue_indirect_dma source(%arg11 : memref<88x64xf32, #tpu.memory_space<vmem>>) target(%dma_start3A_117 : memref<10112x64xf32, #tpu.memory_space<vmem_shared>>) offsets(%dma_start3A_114 : memref<88xi32, #tpu.memory_space<vmem>>) semaphore(%run_scoped3A : memref<!tpu.dma_semaphore, #tpu.memory_space<semaphore_mem>>) {add = true}
        %dma_wait3A_118 = arith.constant 0 : i32
        %dma_wait3A_119 = tpu.memref_slice %arg8[%add3A_73, %dma_wait3A_118] : memref<228x88xi32, #tpu.memory_space<vmem>> -> memref<1x88xi32, #tpu.memory_space<vmem>>
        %dma_wait3A_120 = tpu.memref_squeeze %dma_wait3A_119 : memref<1x88xi32, #tpu.memory_space<vmem>> -> memref<88xi32, #tpu.memory_space<vmem>>
        %dma_wait3A_121 = arith.constant 0 : i32
        %dma_wait3A_122 = arith.constant 0 : i32
        %dma_wait3A_123 = tpu.memref_slice %arg13[%dma_wait3A_121, %dma_wait3A_122] : memref<10112x64xf32, #tpu.memory_space<vmem_shared>> -> memref<10112x64xf32, #tpu.memory_space<vmem_shared>>
        tpu.wait_indirect_dma semaphore(%run_scoped3A : memref<!tpu.dma_semaphore, #tpu.memory_space<semaphore_mem>>) src(%arg11 : memref<88x64xf32, #tpu.memory_space<vmem>>) dst(%dma_wait3A_123 : memref<10112x64xf32, #tpu.memory_space<vmem_shared>>)
        tpu.yield
      }) : () -> ()
      %mul3A_91 = arith.constant 4 : i32
      %mul3A_92 = arith.muli %scan3A_32, %mul3A_91 : i32
      %add3A_93 = arith.constant 3 : i32
      %add3A_94 = arith.addi %mul3A_92, %add3A_93 : i32
      %add3A_95 = arith.constant 2 : i32
      %add3A_96 = arith.addi %add3A_94, %add3A_95 : i32
      %lt3A_97 = arith.constant 228 : i32
      %lt3A_98 = arith.cmpi slt, %add3A_96, %lt3A_97 : i32
      %convert_element_type3A_99 = arith.extui %lt3A_98 : i1 to i32
      %cond3A_100 = arith.constant 0 : i32
      %cond3A_101 = arith.cmpi ne, %convert_element_type3A_99, %cond3A_100 : i32
      scf.if %cond3A_101 {
        %add3A_112 = arith.constant 2 : i32
        %add3A_113 = arith.addi %add3A_94, %add3A_112 : i32
        %dma_start3A_114 = arith.constant 0 : i32
        %dma_start3A_115 = tpu.memref_slice %arg7[%add3A_113, %dma_start3A_114] : memref<228x88xi32, #tpu.memory_space<vmem>> -> memref<1x88xi32, #tpu.memory_space<vmem>>
        %dma_start3A_116 = tpu.memref_squeeze %dma_start3A_115 : memref<1x88xi32, #tpu.memory_space<vmem>> -> memref<88xi32, #tpu.memory_space<vmem>>
        %dma_start3A_117 = arith.constant 0 : i32
        %dma_start3A_118 = arith.constant 0 : i32
        %dma_start3A_119 = tpu.memref_slice %arg2[%arg0, %dma_start3A_117, %dma_start3A_118] : memref<2x10000x64xf32, #tpu.memory_space<hbm>> -> memref<1x10000x64xf32, #tpu.memory_space<hbm>>
        %dma_start3A_120 = tpu.memref_squeeze %dma_start3A_119 : memref<1x10000x64xf32, #tpu.memory_space<hbm>> -> memref<10000x64xf32, #tpu.memory_space<hbm>>
        %dma_start3A_121 = arith.constant 0 : i32
        %dma_start3A_122 = arith.constant 0 : i32
        %dma_start3A_123 = tpu.memref_slice %dma_start3A_120[%dma_start3A_121, %dma_start3A_122] : memref<10000x64xf32, #tpu.memory_space<hbm>> -> memref<10000x64xf32, #tpu.memory_space<hbm>>
        tpu.enqueue_indirect_dma source(%dma_start3A_123 : memref<10000x64xf32, #tpu.memory_space<hbm>>) target(%arg10 : memref<88x64xf32, #tpu.memory_space<vmem>>) offsets(%dma_start3A_116 : memref<88xi32, #tpu.memory_space<vmem>>) semaphore(%arg15 : memref<!tpu.dma_semaphore, #tpu.memory_space<semaphore_mem>>)
      } else {
      }
      %dma_wait3A_102 = arith.constant 0 : i32
      %dma_wait3A_103 = tpu.memref_slice %arg7[%add3A_94, %dma_wait3A_102] : memref<228x88xi32, #tpu.memory_space<vmem>> -> memref<1x88xi32, #tpu.memory_space<vmem>>
      %dma_wait3A_104 = tpu.memref_squeeze %dma_wait3A_103 : memref<1x88xi32, #tpu.memory_space<vmem>> -> memref<88xi32, #tpu.memory_space<vmem>>
      %dma_wait3A_105 = arith.constant 0 : i32
      %dma_wait3A_106 = arith.constant 0 : i32
      %dma_wait3A_107 = tpu.memref_slice %arg2[%arg0, %dma_wait3A_105, %dma_wait3A_106] : memref<2x10000x64xf32, #tpu.memory_space<hbm>> -> memref<1x10000x64xf32, #tpu.memory_space<hbm>>
      %dma_wait3A_108 = tpu.memref_squeeze %dma_wait3A_107 : memref<1x10000x64xf32, #tpu.memory_space<hbm>> -> memref<10000x64xf32, #tpu.memory_space<hbm>>
      %dma_wait3A_109 = arith.constant 0 : i32
      %dma_wait3A_110 = arith.constant 0 : i32
      %dma_wait3A_111 = tpu.memref_slice %dma_wait3A_108[%dma_wait3A_109, %dma_wait3A_110] : memref<10000x64xf32, #tpu.memory_space<hbm>> -> memref<10000x64xf32, #tpu.memory_space<hbm>>
      tpu.wait_indirect_dma semaphore(%arg17 : memref<!tpu.dma_semaphore, #tpu.memory_space<semaphore_mem>>) src(%dma_wait3A_111 : memref<10000x64xf32, #tpu.memory_space<hbm>>) dst(%arg12 : memref<88x64xf32, #tpu.memory_space<vmem>>)
      "tpu.region"() ({
        %run_scoped3A = tpu.sem_alloc : memref<!tpu.dma_semaphore, #tpu.memory_space<semaphore_mem>>
        %dma_start3A_112 = arith.constant 0 : i32
        %dma_start3A_113 = tpu.memref_slice %arg8[%add3A_94, %dma_start3A_112] : memref<228x88xi32, #tpu.memory_space<vmem>> -> memref<1x88xi32, #tpu.memory_space<vmem>>
        %dma_start3A_114 = tpu.memref_squeeze %dma_start3A_113 : memref<1x88xi32, #tpu.memory_space<vmem>> -> memref<88xi32, #tpu.memory_space<vmem>>
        %dma_start3A_115 = arith.constant 0 : i32
        %dma_start3A_116 = arith.constant 0 : i32
        %dma_start3A_117 = tpu.memref_slice %arg13[%dma_start3A_115, %dma_start3A_116] : memref<10112x64xf32, #tpu.memory_space<vmem_shared>> -> memref<10112x64xf32, #tpu.memory_space<vmem_shared>>
        tpu.enqueue_indirect_dma source(%arg12 : memref<88x64xf32, #tpu.memory_space<vmem>>) target(%dma_start3A_117 : memref<10112x64xf32, #tpu.memory_space<vmem_shared>>) offsets(%dma_start3A_114 : memref<88xi32, #tpu.memory_space<vmem>>) semaphore(%run_scoped3A : memref<!tpu.dma_semaphore, #tpu.memory_space<semaphore_mem>>) {add = true}
        %dma_wait3A_118 = arith.constant 0 : i32
        %dma_wait3A_119 = tpu.memref_slice %arg8[%add3A_94, %dma_wait3A_118] : memref<228x88xi32, #tpu.memory_space<vmem>> -> memref<1x88xi32, #tpu.memory_space<vmem>>
        %dma_wait3A_120 = tpu.memref_squeeze %dma_wait3A_119 : memref<1x88xi32, #tpu.memory_space<vmem>> -> memref<88xi32, #tpu.memory_space<vmem>>
        %dma_wait3A_121 = arith.constant 0 : i32
        %dma_wait3A_122 = arith.constant 0 : i32
        %dma_wait3A_123 = tpu.memref_slice %arg13[%dma_wait3A_121, %dma_wait3A_122] : memref<10112x64xf32, #tpu.memory_space<vmem_shared>> -> memref<10112x64xf32, #tpu.memory_space<vmem_shared>>
        tpu.wait_indirect_dma semaphore(%run_scoped3A : memref<!tpu.dma_semaphore, #tpu.memory_space<semaphore_mem>>) src(%arg12 : memref<88x64xf32, #tpu.memory_space<vmem>>) dst(%dma_wait3A_123 : memref<10112x64xf32, #tpu.memory_space<vmem_shared>>)
        tpu.yield
      }) : () -> ()
    }
    %scan3A_26 = arith.constant 57 : i32
    %barrier3A_27 = arith.constant 0 : index
    tpu.barrier barrier_id(%barrier3A_27)
    %mul3A_28 = arith.constant 632 : i32
    %mul3A_29 = arith.muli %arg1, %mul3A_28 : i32
    %mul3A_30 = arith.constant 632 : i32
    %mul3A_31 = arith.muli %arg1, %mul3A_30 : i32
    "tpu.region"() ({
      %run_scoped3A = tpu.sem_alloc : memref<!tpu.dma_semaphore, #tpu.memory_space<semaphore_mem>>
      %dma_start3A_32 = arith.constant 0 : i32
      %dma_start3A_33 = tpu.memref_slice %arg6[%arg0, %mul3A_31, %dma_start3A_32] : memref<2x10112x64xf32, #tpu.memory_space<hbm>> -> memref<1x632x64xf32, #tpu.memory_space<hbm>>
      %dma_start3A_34 = tpu.memref_squeeze %dma_start3A_33 : memref<1x632x64xf32, #tpu.memory_space<hbm>> -> memref<632x64xf32, #tpu.memory_space<hbm>>
      %dma_start3A_35 = arith.constant 0 : i32
      %dma_start3A_36 = tpu.memref_slice %arg13[%mul3A_29, %dma_start3A_35] : memref<10112x64xf32, #tpu.memory_space<vmem_shared>> -> memref<632x64xf32, #tpu.memory_space<vmem_shared>>
      tpu.enqueue_dma source(%dma_start3A_36 : memref<632x64xf32, #tpu.memory_space<vmem_shared>>) target(%dma_start3A_34 : memref<632x64xf32, #tpu.memory_space<hbm>>) target_semaphore(%run_scoped3A : memref<!tpu.dma_semaphore, #tpu.memory_space<semaphore_mem>>)
      %dma_wait3A = arith.constant 0 : i32
      %dma_wait3A_37 = tpu.memref_slice %arg6[%arg0, %mul3A_31, %dma_wait3A] : memref<2x10112x64xf32, #tpu.memory_space<hbm>> -> memref<1x632x64xf32, #tpu.memory_space<hbm>>
      %dma_wait3A_38 = tpu.memref_squeeze %dma_wait3A_37 : memref<1x632x64xf32, #tpu.memory_space<hbm>> -> memref<632x64xf32, #tpu.memory_space<hbm>>
      %dma_wait3A_39 = arith.constant 0 : i32
      %dma_wait3A_40 = tpu.memref_slice %arg13[%mul3A_29, %dma_wait3A_39] : memref<10112x64xf32, #tpu.memory_space<vmem_shared>> -> memref<632x64xf32, #tpu.memory_space<vmem_shared>>
      tpu.wait_dma2 semaphore(%run_scoped3A : memref<!tpu.dma_semaphore, #tpu.memory_space<semaphore_mem>>) src(%dma_wait3A_40 : memref<632x64xf32, #tpu.memory_space<vmem_shared>>) dst(%dma_wait3A_38 : memref<632x64xf32, #tpu.memory_space<hbm>>)
      tpu.yield
    }) : () -> ()
    return
  }
}

#map = affine_map<(d0, d1) -> (0, 0, 0)>
#map1 = affine_map<(d0, d1) -> (0, 0)>
module attributes {stable_mosaic.version = 14 : i64} {
  func.func @segsum(%arg0: i32, %arg1: i32, %arg2: memref<2x10000x64xf32, #tpu.memory_space<hbm>>, %arg3: memref<16x228x88xi32, #tpu.memory_space<hbm>>, %arg4: memref<16x228x88xi32, #tpu.memory_space<hbm>>, %arg5: memref<632x64xf32, #tpu.memory_space<hbm>>, %arg6: memref<2x10112x64xf32, #tpu.memory_space<hbm>>, %arg7: memref<228x88xi32, #tpu.memory_space<vmem>>, %arg8: memref<228x88xi32, #tpu.memory_space<vmem>>, %arg9: memref<88x64xf32, #tpu.memory_space<vmem>>, %arg10: memref<88x64xf32, #tpu.memory_space<vmem>>, %arg11: memref<88x64xf32, #tpu.memory_space<vmem>>, %arg12: memref<88x64xf32, #tpu.memory_space<vmem>>, %arg13: memref<10112x64xf32, #tpu.memory_space<vmem_shared>>, %arg14: memref<!tpu.dma_semaphore, #tpu.memory_space<semaphore_mem>>, %arg15: memref<!tpu.dma_semaphore, #tpu.memory_space<semaphore_mem>>, %arg16: memref<!tpu.dma_semaphore, #tpu.memory_space<semaphore_mem>>, %arg17: memref<!tpu.dma_semaphore, #tpu.memory_space<semaphore_mem>>, %arg18: memref<!tpu.dma_semaphore, #tpu.memory_space<semaphore_mem>>, %arg19: memref<!tpu.dma_semaphore, #tpu.memory_space<semaphore_mem>>, %arg20: memref<!tpu.dma_semaphore, #tpu.memory_space<semaphore_mem>>, %arg21: memref<!tpu.dma_semaphore, #tpu.memory_space<semaphore_mem>>) attributes {dimension_semantics = [#tpu.dimension_semantics<core_parallel>, #tpu.dimension_semantics<subcore_parallel>], iteration_bounds = array<i64: 2, 16>, scalar_prefetch = 0 : i64, scratch_operands = 15 : i64, tpu.core_type = #tpu.core_type<sc_vector_subcore>, window_params = [{transform_indices = #map}, {transform_indices = #map}, {transform_indices = #map}, {transform_indices = #map1}, {transform_indices = #map}]} {
    %mul3A = arith.constant 632 : i32
    %mul3A_0 = arith.muli %arg1, %mul3A : i32
    "tpu.region"() ({
      %run_scoped3A = tpu.sem_alloc : memref<!tpu.dma_semaphore, #tpu.memory_space<semaphore_mem>>
      %dma_start3A_32 = arith.constant 0 : i32
      %dma_start3A_33 = tpu.memref_slice %arg13[%mul3A_0, %dma_start3A_32] : memref<10112x64xf32, #tpu.memory_space<vmem_shared>> -> memref<632x64xf32, #tpu.memory_space<vmem_shared>>
      tpu.enqueue_dma source(%arg5 : memref<632x64xf32, #tpu.memory_space<hbm>>) target(%dma_start3A_33 : memref<632x64xf32, #tpu.memory_space<vmem_shared>>) target_semaphore(%run_scoped3A : memref<!tpu.dma_semaphore, #tpu.memory_space<semaphore_mem>>)
      %dma_wait3A = arith.constant 0 : i32
      %dma_wait3A_34 = tpu.memref_slice %arg13[%mul3A_0, %dma_wait3A] : memref<10112x64xf32, #tpu.memory_space<vmem_shared>> -> memref<632x64xf32, #tpu.memory_space<vmem_shared>>
      tpu.wait_dma2 semaphore(%run_scoped3A : memref<!tpu.dma_semaphore, #tpu.memory_space<semaphore_mem>>) src(%arg5 : memref<632x64xf32, #tpu.memory_space<hbm>>) dst(%dma_wait3A_34 : memref<632x64xf32, #tpu.memory_space<vmem_shared>>)
      tpu.yield
    }) : () -> ()
    "tpu.region"() ({
      %run_scoped3A = tpu.sem_alloc : memref<!tpu.dma_semaphore, #tpu.memory_space<semaphore_mem>>
      %dma_start3A_32 = arith.constant 0 : i32
      %dma_start3A_33 = arith.constant 0 : i32
      %dma_start3A_34 = tpu.memref_slice %arg3[%arg1, %dma_start3A_32, %dma_start3A_33] : memref<16x228x88xi32, #tpu.memory_space<hbm>> -> memref<1x228x88xi32, #tpu.memory_space<hbm>>
      %dma_start3A_35 = tpu.memref_squeeze %dma_start3A_34 : memref<1x228x88xi32, #tpu.memory_space<hbm>> -> memref<228x88xi32, #tpu.memory_space<hbm>>
      %dma_start3A_36 = arith.constant 0 : i32
      %dma_start3A_37 = arith.constant 0 : i32
      %dma_start3A_38 = tpu.memref_slice %arg3[%arg1, %dma_start3A_36, %dma_start3A_37] : memref<16x228x88xi32, #tpu.memory_space<hbm>> -> memref<1x228x88xi32, #tpu.memory_space<hbm>>
      %dma_start3A_39 = tpu.memref_squeeze %dma_start3A_38 : memref<1x228x88xi32, #tpu.memory_space<hbm>> -> memref<228x88xi32, #tpu.memory_space<hbm>>
      tpu.enqueue_dma source(%dma_start3A_39 : memref<228x88xi32, #tpu.memory_space<hbm>>) target(%arg7 : memref<228x88xi32, #tpu.memory_space<vmem>>) target_semaphore(%run_scoped3A : memref<!tpu.dma_semaphore, #tpu.memory_space<semaphore_mem>>)
      %dma_wait3A = arith.constant 0 : i32
      %dma_wait3A_40 = arith.constant 0 : i32
      %dma_wait3A_41 = tpu.memref_slice %arg3[%arg1, %dma_wait3A, %dma_wait3A_40] : memref<16x228x88xi32, #tpu.memory_space<hbm>> -> memref<1x228x88xi32, #tpu.memory_space<hbm>>
      %dma_wait3A_42 = tpu.memref_squeeze %dma_wait3A_41 : memref<1x228x88xi32, #tpu.memory_space<hbm>> -> memref<228x88xi32, #tpu.memory_space<hbm>>
      %dma_wait3A_43 = arith.constant 0 : i32
      %dma_wait3A_44 = arith.constant 0 : i32
      %dma_wait3A_45 = tpu.memref_slice %arg3[%arg1, %dma_wait3A_43, %dma_wait3A_44] : memref<16x228x88xi32, #tpu.memory_space<hbm>> -> memref<1x228x88xi32, #tpu.memory_space<hbm>>
      %dma_wait3A_46 = tpu.memref_squeeze %dma_wait3A_45 : memref<1x228x88xi32, #tpu.memory_space<hbm>> -> memref<228x88xi32, #tpu.memory_space<hbm>>
      tpu.wait_dma2 semaphore(%run_scoped3A : memref<!tpu.dma_semaphore, #tpu.memory_space<semaphore_mem>>) src(%dma_wait3A_46 : memref<228x88xi32, #tpu.memory_space<hbm>>) dst(%arg7 : memref<228x88xi32, #tpu.memory_space<vmem>>)
      tpu.yield
    }) : () -> ()
    "tpu.region"() ({
      %run_scoped3A = tpu.sem_alloc : memref<!tpu.dma_semaphore, #tpu.memory_space<semaphore_mem>>
      %dma_start3A_32 = arith.constant 0 : i32
      %dma_start3A_33 = arith.constant 0 : i32
      %dma_start3A_34 = tpu.memref_slice %arg4[%arg1, %dma_start3A_32, %dma_start3A_33] : memref<16x228x88xi32, #tpu.memory_space<hbm>> -> memref<1x228x88xi32, #tpu.memory_space<hbm>>
      %dma_start3A_35 = tpu.memref_squeeze %dma_start3A_34 : memref<1x228x88xi32, #tpu.memory_space<hbm>> -> memref<228x88xi32, #tpu.memory_space<hbm>>
      %dma_start3A_36 = arith.constant 0 : i32
      %dma_start3A_37 = arith.constant 0 : i32
      %dma_start3A_38 = tpu.memref_slice %arg4[%arg1, %dma_start3A_36, %dma_start3A_37] : memref<16x228x88xi32, #tpu.memory_space<hbm>> -> memref<1x228x88xi32, #tpu.memory_space<hbm>>
      %dma_start3A_39 = tpu.memref_squeeze %dma_start3A_38 : memref<1x228x88xi32, #tpu.memory_space<hbm>> -> memref<228x88xi32, #tpu.memory_space<hbm>>
      tpu.enqueue_dma source(%dma_start3A_39 : memref<228x88xi32, #tpu.memory_space<hbm>>) target(%arg8 : memref<228x88xi32, #tpu.memory_space<vmem>>) target_semaphore(%run_scoped3A : memref<!tpu.dma_semaphore, #tpu.memory_space<semaphore_mem>>)
      %dma_wait3A = arith.constant 0 : i32
      %dma_wait3A_40 = arith.constant 0 : i32
      %dma_wait3A_41 = tpu.memref_slice %arg4[%arg1, %dma_wait3A, %dma_wait3A_40] : memref<16x228x88xi32, #tpu.memory_space<hbm>> -> memref<1x228x88xi32, #tpu.memory_space<hbm>>
      %dma_wait3A_42 = tpu.memref_squeeze %dma_wait3A_41 : memref<1x228x88xi32, #tpu.memory_space<hbm>> -> memref<228x88xi32, #tpu.memory_space<hbm>>
      %dma_wait3A_43 = arith.constant 0 : i32
      %dma_wait3A_44 = arith.constant 0 : i32
      %dma_wait3A_45 = tpu.memref_slice %arg4[%arg1, %dma_wait3A_43, %dma_wait3A_44] : memref<16x228x88xi32, #tpu.memory_space<hbm>> -> memref<1x228x88xi32, #tpu.memory_space<hbm>>
      %dma_wait3A_46 = tpu.memref_squeeze %dma_wait3A_45 : memref<1x228x88xi32, #tpu.memory_space<hbm>> -> memref<228x88xi32, #tpu.memory_space<hbm>>
      tpu.wait_dma2 semaphore(%run_scoped3A : memref<!tpu.dma_semaphore, #tpu.memory_space<semaphore_mem>>) src(%dma_wait3A_46 : memref<228x88xi32, #tpu.memory_space<hbm>>) dst(%arg8 : memref<228x88xi32, #tpu.memory_space<vmem>>)
      tpu.yield
    }) : () -> ()
    %dma_start3A = arith.constant 0 : i32
    %dma_start3A_1 = arith.constant 0 : i32
    %dma_start3A_2 = tpu.memref_slice %arg7[%dma_start3A, %dma_start3A_1] : memref<228x88xi32, #tpu.memory_space<vmem>> -> memref<1x88xi32, #tpu.memory_space<vmem>>
    %dma_start3A_3 = tpu.memref_squeeze %dma_start3A_2 : memref<1x88xi32, #tpu.memory_space<vmem>> -> memref<88xi32, #tpu.memory_space<vmem>>
    %dma_start3A_4 = arith.constant 0 : i32
    %dma_start3A_5 = arith.constant 0 : i32
    %dma_start3A_6 = tpu.memref_slice %arg2[%arg0, %dma_start3A_4, %dma_start3A_5] : memref<2x10000x64xf32, #tpu.memory_space<hbm>> -> memref<1x10000x64xf32, #tpu.memory_space<hbm>>
    %dma_start3A_7 = tpu.memref_squeeze %dma_start3A_6 : memref<1x10000x64xf32, #tpu.memory_space<hbm>> -> memref<10000x64xf32, #tpu.memory_space<hbm>>
    %dma_start3A_8 = arith.constant 0 : i32
    %dma_start3A_9 = arith.constant 0 : i32
    %dma_start3A_10 = tpu.memref_slice %dma_start3A_7[%dma_start3A_8, %dma_start3A_9] : memref<10000x64xf32, #tpu.memory_space<hbm>> -> memref<10000x64xf32, #tpu.memory_space<hbm>>
    tpu.enqueue_indirect_dma source(%dma_start3A_10 : memref<10000x64xf32, #tpu.memory_space<hbm>>) target(%arg9 : memref<88x64xf32, #tpu.memory_space<vmem>>) offsets(%dma_start3A_3 : memref<88xi32, #tpu.memory_space<vmem>>) semaphore(%arg14 : memref<!tpu.dma_semaphore, #tpu.memory_space<semaphore_mem>>)
    %dma_start3A_11 = arith.constant 1 : i32
    %dma_start3A_12 = arith.constant 0 : i32
    %dma_start3A_13 = tpu.memref_slice %arg7[%dma_start3A_11, %dma_start3A_12] : memref<228x88xi32, #tpu.memory_space<vmem>> -> memref<1x88xi32, #tpu.memory_space<vmem>>
    %dma_start3A_14 = tpu.memref_squeeze %dma_start3A_13 : memref<1x88xi32, #tpu.memory_space<vmem>> -> memref<88xi32, #tpu.memory_space<vmem>>
    %dma_start3A_15 = arith.constant 0 : i32
    %dma_start3A_16 = arith.constant 0 : i32
    %dma_start3A_17 = tpu.memref_slice %arg2[%arg0, %dma_start3A_15, %dma_start3A_16] : memref<2x10000x64xf32, #tpu.memory_space<hbm>> -> memref<1x10000x64xf32, #tpu.memory_space<hbm>>
    %dma_start3A_18 = tpu.memref_squeeze %dma_start3A_17 : memref<1x10000x64xf32, #tpu.memory_space<hbm>> -> memref<10000x64xf32, #tpu.memory_space<hbm>>
    %dma_start3A_19 = arith.constant 0 : i32
    %dma_start3A_20 = arith.constant 0 : i32
    %dma_start3A_21 = tpu.memref_slice %dma_start3A_18[%dma_start3A_19, %dma_start3A_20] : memref<10000x64xf32, #tpu.memory_space<hbm>> -> memref<10000x64xf32, #tpu.memory_space<hbm>>
    tpu.enqueue_indirect_dma source(%dma_start3A_21 : memref<10000x64xf32, #tpu.memory_space<hbm>>) target(%arg10 : memref<88x64xf32, #tpu.memory_space<vmem>>) offsets(%dma_start3A_14 : memref<88xi32, #tpu.memory_space<vmem>>) semaphore(%arg15 : memref<!tpu.dma_semaphore, #tpu.memory_space<semaphore_mem>>)
    %barrier3A = arith.constant 0 : index
    tpu.barrier barrier_id(%barrier3A)
    %scan3A = arith.constant 0 : i32
    %scan3A_22 = arith.constant 0 : i32
    %scan3A_23 = arith.constant 57 : i32
    %scan3A_24 = arith.addi %scan3A_22, %scan3A_23 : i32
    %scan3A_25 = arith.constant 1 : i32
    scf.for %scan3A_32 = %scan3A_22 to %scan3A_24 step %scan3A_25  : i32 {
      %mul3A_33 = arith.constant 4 : i32
      %mul3A_34 = arith.muli %scan3A_32, %mul3A_33 : i32
      %add3A = arith.constant 0 : i32
      %add3A_35 = arith.addi %mul3A_34, %add3A : i32
      %add3A_36 = arith.constant 2 : i32
      %add3A_37 = arith.addi %add3A_35, %add3A_36 : i32
      %lt3A = arith.constant 228 : i32
      %lt3A_38 = arith.cmpi slt, %add3A_37, %lt3A : i32
      %convert_element_type3A = arith.extui %lt3A_38 : i1 to i32
      %cond3A = arith.constant 0 : i32
      %cond3A_39 = arith.cmpi ne, %convert_element_type3A, %cond3A : i32
      scf.if %cond3A_39 {
        %add3A_112 = arith.constant 2 : i32
        %add3A_113 = arith.addi %add3A_35, %add3A_112 : i32
        %dma_start3A_114 = arith.constant 0 : i32
        %dma_start3A_115 = tpu.memref_slice %arg7[%add3A_113, %dma_start3A_114] : memref<228x88xi32, #tpu.memory_space<vmem>> -> memref<1x88xi32, #tpu.memory_space<vmem>>
        %dma_start3A_116 = tpu.memref_squeeze %dma_start3A_115 : memref<1x88xi32, #tpu.memory_space<vmem>> -> memref<88xi32, #tpu.memory_space<vmem>>
        %dma_start3A_117 = arith.constant 0 : i32
        %dma_start3A_118 = arith.constant 0 : i32
        %dma_start3A_119 = tpu.memref_slice %arg2[%arg0, %dma_start3A_117, %dma_start3A_118] : memref<2x10000x64xf32, #tpu.memory_space<hbm>> -> memref<1x10000x64xf32, #tpu.memory_space<hbm>>
        %dma_start3A_120 = tpu.memref_squeeze %dma_start3A_119 : memref<1x10000x64xf32, #tpu.memory_space<hbm>> -> memref<10000x64xf32, #tpu.memory_space<hbm>>
        %dma_start3A_121 = arith.constant 0 : i32
        %dma_start3A_122 = arith.constant 0 : i32
        %dma_start3A_123 = tpu.memref_slice %dma_start3A_120[%dma_start3A_121, %dma_start3A_122] : memref<10000x64xf32, #tpu.memory_space<hbm>> -> memref<10000x64xf32, #tpu.memory_space<hbm>>
        tpu.enqueue_indirect_dma source(%dma_start3A_123 : memref<10000x64xf32, #tpu.memory_space<hbm>>) target(%arg11 : memref<88x64xf32, #tpu.memory_space<vmem>>) offsets(%dma_start3A_116 : memref<88xi32, #tpu.memory_space<vmem>>) semaphore(%arg16 : memref<!tpu.dma_semaphore, #tpu.memory_space<semaphore_mem>>)
      } else {
      }
      %dma_wait3A = arith.constant 0 : i32
      %dma_wait3A_40 = tpu.memref_slice %arg7[%add3A_35, %dma_wait3A] : memref<228x88xi32, #tpu.memory_space<vmem>> -> memref<1x88xi32, #tpu.memory_space<vmem>>
      %dma_wait3A_41 = tpu.memref_squeeze %dma_wait3A_40 : memref<1x88xi32, #tpu.memory_space<vmem>> -> memref<88xi32, #tpu.memory_space<vmem>>
      %dma_wait3A_42 = arith.constant 0 : i32
      %dma_wait3A_43 = arith.constant 0 : i32
      %dma_wait3A_44 = tpu.memref_slice %arg2[%arg0, %dma_wait3A_42, %dma_wait3A_43] : memref<2x10000x64xf32, #tpu.memory_space<hbm>> -> memref<1x10000x64xf32, #tpu.memory_space<hbm>>
      %dma_wait3A_45 = tpu.memref_squeeze %dma_wait3A_44 : memref<1x10000x64xf32, #tpu.memory_space<hbm>> -> memref<10000x64xf32, #tpu.memory_space<hbm>>
      %dma_wait3A_46 = arith.constant 0 : i32
      %dma_wait3A_47 = arith.constant 0 : i32
      %dma_wait3A_48 = tpu.memref_slice %dma_wait3A_45[%dma_wait3A_46, %dma_wait3A_47] : memref<10000x64xf32, #tpu.memory_space<hbm>> -> memref<10000x64xf32, #tpu.memory_space<hbm>>
      tpu.wait_indirect_dma semaphore(%arg14 : memref<!tpu.dma_semaphore, #tpu.memory_space<semaphore_mem>>) src(%dma_wait3A_48 : memref<10000x64xf32, #tpu.memory_space<hbm>>) dst(%arg9 : memref<88x64xf32, #tpu.memory_space<vmem>>)
      "tpu.region"() ({
        %run_scoped3A = tpu.sem_alloc : memref<!tpu.dma_semaphore, #tpu.memory_space<semaphore_mem>>
        %dma_start3A_112 = arith.constant 0 : i32
        %dma_start3A_113 = tpu.memref_slice %arg8[%add3A_35, %dma_start3A_112] : memref<228x88xi32, #tpu.memory_space<vmem>> -> memref<1x88xi32, #tpu.memory_space<vmem>>
        %dma_start3A_114 = tpu.memref_squeeze %dma_start3A_113 : memref<1x88xi32, #tpu.memory_space<vmem>> -> memref<88xi32, #tpu.memory_space<vmem>>
        %dma_start3A_115 = arith.constant 0 : i32
        %dma_start3A_116 = arith.constant 0 : i32
        %dma_start3A_117 = tpu.memref_slice %arg13[%dma_start3A_115, %dma_start3A_116] : memref<10112x64xf32, #tpu.memory_space<vmem_shared>> -> memref<10112x64xf32, #tpu.memory_space<vmem_shared>>
        tpu.enqueue_indirect_dma source(%arg9 : memref<88x64xf32, #tpu.memory_space<vmem>>) target(%dma_start3A_117 : memref<10112x64xf32, #tpu.memory_space<vmem_shared>>) offsets(%dma_start3A_114 : memref<88xi32, #tpu.memory_space<vmem>>) semaphore(%run_scoped3A : memref<!tpu.dma_semaphore, #tpu.memory_space<semaphore_mem>>) {add = true}
        %dma_wait3A_118 = arith.constant 0 : i32
        %dma_wait3A_119 = tpu.memref_slice %arg8[%add3A_35, %dma_wait3A_118] : memref<228x88xi32, #tpu.memory_space<vmem>> -> memref<1x88xi32, #tpu.memory_space<vmem>>
        %dma_wait3A_120 = tpu.memref_squeeze %dma_wait3A_119 : memref<1x88xi32, #tpu.memory_space<vmem>> -> memref<88xi32, #tpu.memory_space<vmem>>
        %dma_wait3A_121 = arith.constant 0 : i32
        %dma_wait3A_122 = arith.constant 0 : i32
        %dma_wait3A_123 = tpu.memref_slice %arg13[%dma_wait3A_121, %dma_wait3A_122] : memref<10112x64xf32, #tpu.memory_space<vmem_shared>> -> memref<10112x64xf32, #tpu.memory_space<vmem_shared>>
        tpu.wait_indirect_dma semaphore(%run_scoped3A : memref<!tpu.dma_semaphore, #tpu.memory_space<semaphore_mem>>) src(%arg9 : memref<88x64xf32, #tpu.memory_space<vmem>>) dst(%dma_wait3A_123 : memref<10112x64xf32, #tpu.memory_space<vmem_shared>>)
        tpu.yield
      }) : () -> ()
      %mul3A_49 = arith.constant 4 : i32
      %mul3A_50 = arith.muli %scan3A_32, %mul3A_49 : i32
      %add3A_51 = arith.constant 1 : i32
      %add3A_52 = arith.addi %mul3A_50, %add3A_51 : i32
      %add3A_53 = arith.constant 2 : i32
      %add3A_54 = arith.addi %add3A_52, %add3A_53 : i32
      %lt3A_55 = arith.constant 228 : i32
      %lt3A_56 = arith.cmpi slt, %add3A_54, %lt3A_55 : i32
      %convert_element_type3A_57 = arith.extui %lt3A_56 : i1 to i32
      %cond3A_58 = arith.constant 0 : i32
      %cond3A_59 = arith.cmpi ne, %convert_element_type3A_57, %cond3A_58 : i32
      scf.if %cond3A_59 {
        %add3A_112 = arith.constant 2 : i32
        %add3A_113 = arith.addi %add3A_52, %add3A_112 : i32
        %dma_start3A_114 = arith.constant 0 : i32
        %dma_start3A_115 = tpu.memref_slice %arg7[%add3A_113, %dma_start3A_114] : memref<228x88xi32, #tpu.memory_space<vmem>> -> memref<1x88xi32, #tpu.memory_space<vmem>>
        %dma_start3A_116 = tpu.memref_squeeze %dma_start3A_115 : memref<1x88xi32, #tpu.memory_space<vmem>> -> memref<88xi32, #tpu.memory_space<vmem>>
        %dma_start3A_117 = arith.constant 0 : i32
        %dma_start3A_118 = arith.constant 0 : i32
        %dma_start3A_119 = tpu.memref_slice %arg2[%arg0, %dma_start3A_117, %dma_start3A_118] : memref<2x10000x64xf32, #tpu.memory_space<hbm>> -> memref<1x10000x64xf32, #tpu.memory_space<hbm>>
        %dma_start3A_120 = tpu.memref_squeeze %dma_start3A_119 : memref<1x10000x64xf32, #tpu.memory_space<hbm>> -> memref<10000x64xf32, #tpu.memory_space<hbm>>
        %dma_start3A_121 = arith.constant 0 : i32
        %dma_start3A_122 = arith.constant 0 : i32
        %dma_start3A_123 = tpu.memref_slice %dma_start3A_120[%dma_start3A_121, %dma_start3A_122] : memref<10000x64xf32, #tpu.memory_space<hbm>> -> memref<10000x64xf32, #tpu.memory_space<hbm>>
        tpu.enqueue_indirect_dma source(%dma_start3A_123 : memref<10000x64xf32, #tpu.memory_space<hbm>>) target(%arg12 : memref<88x64xf32, #tpu.memory_space<vmem>>) offsets(%dma_start3A_116 : memref<88xi32, #tpu.memory_space<vmem>>) semaphore(%arg17 : memref<!tpu.dma_semaphore, #tpu.memory_space<semaphore_mem>>)
      } else {
      }
      %dma_wait3A_60 = arith.constant 0 : i32
      %dma_wait3A_61 = tpu.memref_slice %arg7[%add3A_52, %dma_wait3A_60] : memref<228x88xi32, #tpu.memory_space<vmem>> -> memref<1x88xi32, #tpu.memory_space<vmem>>
      %dma_wait3A_62 = tpu.memref_squeeze %dma_wait3A_61 : memref<1x88xi32, #tpu.memory_space<vmem>> -> memref<88xi32, #tpu.memory_space<vmem>>
      %dma_wait3A_63 = arith.constant 0 : i32
      %dma_wait3A_64 = arith.constant 0 : i32
      %dma_wait3A_65 = tpu.memref_slice %arg2[%arg0, %dma_wait3A_63, %dma_wait3A_64] : memref<2x10000x64xf32, #tpu.memory_space<hbm>> -> memref<1x10000x64xf32, #tpu.memory_space<hbm>>
      %dma_wait3A_66 = tpu.memref_squeeze %dma_wait3A_65 : memref<1x10000x64xf32, #tpu.memory_space<hbm>> -> memref<10000x64xf32, #tpu.memory_space<hbm>>
      %dma_wait3A_67 = arith.constant 0 : i32
      %dma_wait3A_68 = arith.constant 0 : i32
      %dma_wait3A_69 = tpu.memref_slice %dma_wait3A_66[%dma_wait3A_67, %dma_wait3A_68] : memref<10000x64xf32, #tpu.memory_space<hbm>> -> memref<10000x64xf32, #tpu.memory_space<hbm>>
      tpu.wait_indirect_dma semaphore(%arg15 : memref<!tpu.dma_semaphore, #tpu.memory_space<semaphore_mem>>) src(%dma_wait3A_69 : memref<10000x64xf32, #tpu.memory_space<hbm>>) dst(%arg10 : memref<88x64xf32, #tpu.memory_space<vmem>>)
      "tpu.region"() ({
        %run_scoped3A = tpu.sem_alloc : memref<!tpu.dma_semaphore, #tpu.memory_space<semaphore_mem>>
        %dma_start3A_112 = arith.constant 0 : i32
        %dma_start3A_113 = tpu.memref_slice %arg8[%add3A_52, %dma_start3A_112] : memref<228x88xi32, #tpu.memory_space<vmem>> -> memref<1x88xi32, #tpu.memory_space<vmem>>
        %dma_start3A_114 = tpu.memref_squeeze %dma_start3A_113 : memref<1x88xi32, #tpu.memory_space<vmem>> -> memref<88xi32, #tpu.memory_space<vmem>>
        %dma_start3A_115 = arith.constant 0 : i32
        %dma_start3A_116 = arith.constant 0 : i32
        %dma_start3A_117 = tpu.memref_slice %arg13[%dma_start3A_115, %dma_start3A_116] : memref<10112x64xf32, #tpu.memory_space<vmem_shared>> -> memref<10112x64xf32, #tpu.memory_space<vmem_shared>>
        tpu.enqueue_indirect_dma source(%arg10 : memref<88x64xf32, #tpu.memory_space<vmem>>) target(%dma_start3A_117 : memref<10112x64xf32, #tpu.memory_space<vmem_shared>>) offsets(%dma_start3A_114 : memref<88xi32, #tpu.memory_space<vmem>>) semaphore(%run_scoped3A : memref<!tpu.dma_semaphore, #tpu.memory_space<semaphore_mem>>) {add = true}
        %dma_wait3A_118 = arith.constant 0 : i32
        %dma_wait3A_119 = tpu.memref_slice %arg8[%add3A_52, %dma_wait3A_118] : memref<228x88xi32, #tpu.memory_space<vmem>> -> memref<1x88xi32, #tpu.memory_space<vmem>>
        %dma_wait3A_120 = tpu.memref_squeeze %dma_wait3A_119 : memref<1x88xi32, #tpu.memory_space<vmem>> -> memref<88xi32, #tpu.memory_space<vmem>>
        %dma_wait3A_121 = arith.constant 0 : i32
        %dma_wait3A_122 = arith.constant 0 : i32
        %dma_wait3A_123 = tpu.memref_slice %arg13[%dma_wait3A_121, %dma_wait3A_122] : memref<10112x64xf32, #tpu.memory_space<vmem_shared>> -> memref<10112x64xf32, #tpu.memory_space<vmem_shared>>
        tpu.wait_indirect_dma semaphore(%run_scoped3A : memref<!tpu.dma_semaphore, #tpu.memory_space<semaphore_mem>>) src(%arg10 : memref<88x64xf32, #tpu.memory_space<vmem>>) dst(%dma_wait3A_123 : memref<10112x64xf32, #tpu.memory_space<vmem_shared>>)
        tpu.yield
      }) : () -> ()
      %mul3A_70 = arith.constant 4 : i32
      %mul3A_71 = arith.muli %scan3A_32, %mul3A_70 : i32
      %add3A_72 = arith.constant 2 : i32
      %add3A_73 = arith.addi %mul3A_71, %add3A_72 : i32
      %add3A_74 = arith.constant 2 : i32
      %add3A_75 = arith.addi %add3A_73, %add3A_74 : i32
      %lt3A_76 = arith.constant 228 : i32
      %lt3A_77 = arith.cmpi slt, %add3A_75, %lt3A_76 : i32
      %convert_element_type3A_78 = arith.extui %lt3A_77 : i1 to i32
      %cond3A_79 = arith.constant 0 : i32
      %cond3A_80 = arith.cmpi ne, %convert_element_type3A_78, %cond3A_79 : i32
      scf.if %cond3A_80 {
        %add3A_112 = arith.constant 2 : i32
        %add3A_113 = arith.addi %add3A_73, %add3A_112 : i32
        %dma_start3A_114 = arith.constant 0 : i32
        %dma_start3A_115 = tpu.memref_slice %arg7[%add3A_113, %dma_start3A_114] : memref<228x88xi32, #tpu.memory_space<vmem>> -> memref<1x88xi32, #tpu.memory_space<vmem>>
        %dma_start3A_116 = tpu.memref_squeeze %dma_start3A_115 : memref<1x88xi32, #tpu.memory_space<vmem>> -> memref<88xi32, #tpu.memory_space<vmem>>
        %dma_start3A_117 = arith.constant 0 : i32
        %dma_start3A_118 = arith.constant 0 : i32
        %dma_start3A_119 = tpu.memref_slice %arg2[%arg0, %dma_start3A_117, %dma_start3A_118] : memref<2x10000x64xf32, #tpu.memory_space<hbm>> -> memref<1x10000x64xf32, #tpu.memory_space<hbm>>
        %dma_start3A_120 = tpu.memref_squeeze %dma_start3A_119 : memref<1x10000x64xf32, #tpu.memory_space<hbm>> -> memref<10000x64xf32, #tpu.memory_space<hbm>>
        %dma_start3A_121 = arith.constant 0 : i32
        %dma_start3A_122 = arith.constant 0 : i32
        %dma_start3A_123 = tpu.memref_slice %dma_start3A_120[%dma_start3A_121, %dma_start3A_122] : memref<10000x64xf32, #tpu.memory_space<hbm>> -> memref<10000x64xf32, #tpu.memory_space<hbm>>
        tpu.enqueue_indirect_dma source(%dma_start3A_123 : memref<10000x64xf32, #tpu.memory_space<hbm>>) target(%arg9 : memref<88x64xf32, #tpu.memory_space<vmem>>) offsets(%dma_start3A_116 : memref<88xi32, #tpu.memory_space<vmem>>) semaphore(%arg14 : memref<!tpu.dma_semaphore, #tpu.memory_space<semaphore_mem>>)
      } else {
      }
      %dma_wait3A_81 = arith.constant 0 : i32
      %dma_wait3A_82 = tpu.memref_slice %arg7[%add3A_73, %dma_wait3A_81] : memref<228x88xi32, #tpu.memory_space<vmem>> -> memref<1x88xi32, #tpu.memory_space<vmem>>
      %dma_wait3A_83 = tpu.memref_squeeze %dma_wait3A_82 : memref<1x88xi32, #tpu.memory_space<vmem>> -> memref<88xi32, #tpu.memory_space<vmem>>
      %dma_wait3A_84 = arith.constant 0 : i32
      %dma_wait3A_85 = arith.constant 0 : i32
      %dma_wait3A_86 = tpu.memref_slice %arg2[%arg0, %dma_wait3A_84, %dma_wait3A_85] : memref<2x10000x64xf32, #tpu.memory_space<hbm>> -> memref<1x10000x64xf32, #tpu.memory_space<hbm>>
      %dma_wait3A_87 = tpu.memref_squeeze %dma_wait3A_86 : memref<1x10000x64xf32, #tpu.memory_space<hbm>> -> memref<10000x64xf32, #tpu.memory_space<hbm>>
      %dma_wait3A_88 = arith.constant 0 : i32
      %dma_wait3A_89 = arith.constant 0 : i32
      %dma_wait3A_90 = tpu.memref_slice %dma_wait3A_87[%dma_wait3A_88, %dma_wait3A_89] : memref<10000x64xf32, #tpu.memory_space<hbm>> -> memref<10000x64xf32, #tpu.memory_space<hbm>>
      tpu.wait_indirect_dma semaphore(%arg16 : memref<!tpu.dma_semaphore, #tpu.memory_space<semaphore_mem>>) src(%dma_wait3A_90 : memref<10000x64xf32, #tpu.memory_space<hbm>>) dst(%arg11 : memref<88x64xf32, #tpu.memory_space<vmem>>)
      "tpu.region"() ({
        %run_scoped3A = tpu.sem_alloc : memref<!tpu.dma_semaphore, #tpu.memory_space<semaphore_mem>>
        %dma_start3A_112 = arith.constant 0 : i32
        %dma_start3A_113 = tpu.memref_slice %arg8[%add3A_73, %dma_start3A_112] : memref<228x88xi32, #tpu.memory_space<vmem>> -> memref<1x88xi32, #tpu.memory_space<vmem>>
        %dma_start3A_114 = tpu.memref_squeeze %dma_start3A_113 : memref<1x88xi32, #tpu.memory_space<vmem>> -> memref<88xi32, #tpu.memory_space<vmem>>
        %dma_start3A_115 = arith.constant 0 : i32
        %dma_start3A_116 = arith.constant 0 : i32
        %dma_start3A_117 = tpu.memref_slice %arg13[%dma_start3A_115, %dma_start3A_116] : memref<10112x64xf32, #tpu.memory_space<vmem_shared>> -> memref<10112x64xf32, #tpu.memory_space<vmem_shared>>
        tpu.enqueue_indirect_dma source(%arg11 : memref<88x64xf32, #tpu.memory_space<vmem>>) target(%dma_start3A_117 : memref<10112x64xf32, #tpu.memory_space<vmem_shared>>) offsets(%dma_start3A_114 : memref<88xi32, #tpu.memory_space<vmem>>) semaphore(%run_scoped3A : memref<!tpu.dma_semaphore, #tpu.memory_space<semaphore_mem>>) {add = true}
        %dma_wait3A_118 = arith.constant 0 : i32
        %dma_wait3A_119 = tpu.memref_slice %arg8[%add3A_73, %dma_wait3A_118] : memref<228x88xi32, #tpu.memory_space<vmem>> -> memref<1x88xi32, #tpu.memory_space<vmem>>
        %dma_wait3A_120 = tpu.memref_squeeze %dma_wait3A_119 : memref<1x88xi32, #tpu.memory_space<vmem>> -> memref<88xi32, #tpu.memory_space<vmem>>
        %dma_wait3A_121 = arith.constant 0 : i32
        %dma_wait3A_122 = arith.constant 0 : i32
        %dma_wait3A_123 = tpu.memref_slice %arg13[%dma_wait3A_121, %dma_wait3A_122] : memref<10112x64xf32, #tpu.memory_space<vmem_shared>> -> memref<10112x64xf32, #tpu.memory_space<vmem_shared>>
        tpu.wait_indirect_dma semaphore(%run_scoped3A : memref<!tpu.dma_semaphore, #tpu.memory_space<semaphore_mem>>) src(%arg11 : memref<88x64xf32, #tpu.memory_space<vmem>>) dst(%dma_wait3A_123 : memref<10112x64xf32, #tpu.memory_space<vmem_shared>>)
        tpu.yield
      }) : () -> ()
      %mul3A_91 = arith.constant 4 : i32
      %mul3A_92 = arith.muli %scan3A_32, %mul3A_91 : i32
      %add3A_93 = arith.constant 3 : i32
      %add3A_94 = arith.addi %mul3A_92, %add3A_93 : i32
      %add3A_95 = arith.constant 2 : i32
      %add3A_96 = arith.addi %add3A_94, %add3A_95 : i32
      %lt3A_97 = arith.constant 228 : i32
      %lt3A_98 = arith.cmpi slt, %add3A_96, %lt3A_97 : i32
      %convert_element_type3A_99 = arith.extui %lt3A_98 : i1 to i32
      %cond3A_100 = arith.constant 0 : i32
      %cond3A_101 = arith.cmpi ne, %convert_element_type3A_99, %cond3A_100 : i32
      scf.if %cond3A_101 {
        %add3A_112 = arith.constant 2 : i32
        %add3A_113 = arith.addi %add3A_94, %add3A_112 : i32
        %dma_start3A_114 = arith.constant 0 : i32
        %dma_start3A_115 = tpu.memref_slice %arg7[%add3A_113, %dma_start3A_114] : memref<228x88xi32, #tpu.memory_space<vmem>> -> memref<1x88xi32, #tpu.memory_space<vmem>>
        %dma_start3A_116 = tpu.memref_squeeze %dma_start3A_115 : memref<1x88xi32, #tpu.memory_space<vmem>> -> memref<88xi32, #tpu.memory_space<vmem>>
        %dma_start3A_117 = arith.constant 0 : i32
        %dma_start3A_118 = arith.constant 0 : i32
        %dma_start3A_119 = tpu.memref_slice %arg2[%arg0, %dma_start3A_117, %dma_start3A_118] : memref<2x10000x64xf32, #tpu.memory_space<hbm>> -> memref<1x10000x64xf32, #tpu.memory_space<hbm>>
        %dma_start3A_120 = tpu.memref_squeeze %dma_start3A_119 : memref<1x10000x64xf32, #tpu.memory_space<hbm>> -> memref<10000x64xf32, #tpu.memory_space<hbm>>
        %dma_start3A_121 = arith.constant 0 : i32
        %dma_start3A_122 = arith.constant 0 : i32
        %dma_start3A_123 = tpu.memref_slice %dma_start3A_120[%dma_start3A_121, %dma_start3A_122] : memref<10000x64xf32, #tpu.memory_space<hbm>> -> memref<10000x64xf32, #tpu.memory_space<hbm>>
        tpu.enqueue_indirect_dma source(%dma_start3A_123 : memref<10000x64xf32, #tpu.memory_space<hbm>>) target(%arg10 : memref<88x64xf32, #tpu.memory_space<vmem>>) offsets(%dma_start3A_116 : memref<88xi32, #tpu.memory_space<vmem>>) semaphore(%arg15 : memref<!tpu.dma_semaphore, #tpu.memory_space<semaphore_mem>>)
      } else {
      }
      %dma_wait3A_102 = arith.constant 0 : i32
      %dma_wait3A_103 = tpu.memref_slice %arg7[%add3A_94, %dma_wait3A_102] : memref<228x88xi32, #tpu.memory_space<vmem>> -> memref<1x88xi32, #tpu.memory_space<vmem>>
      %dma_wait3A_104 = tpu.memref_squeeze %dma_wait3A_103 : memref<1x88xi32, #tpu.memory_space<vmem>> -> memref<88xi32, #tpu.memory_space<vmem>>
      %dma_wait3A_105 = arith.constant 0 : i32
      %dma_wait3A_106 = arith.constant 0 : i32
      %dma_wait3A_107 = tpu.memref_slice %arg2[%arg0, %dma_wait3A_105, %dma_wait3A_106] : memref<2x10000x64xf32, #tpu.memory_space<hbm>> -> memref<1x10000x64xf32, #tpu.memory_space<hbm>>
      %dma_wait3A_108 = tpu.memref_squeeze %dma_wait3A_107 : memref<1x10000x64xf32, #tpu.memory_space<hbm>> -> memref<10000x64xf32, #tpu.memory_space<hbm>>
      %dma_wait3A_109 = arith.constant 0 : i32
      %dma_wait3A_110 = arith.constant 0 : i32
      %dma_wait3A_111 = tpu.memref_slice %dma_wait3A_108[%dma_wait3A_109, %dma_wait3A_110] : memref<10000x64xf32, #tpu.memory_space<hbm>> -> memref<10000x64xf32, #tpu.memory_space<hbm>>
      tpu.wait_indirect_dma semaphore(%arg17 : memref<!tpu.dma_semaphore, #tpu.memory_space<semaphore_mem>>) src(%dma_wait3A_111 : memref<10000x64xf32, #tpu.memory_space<hbm>>) dst(%arg12 : memref<88x64xf32, #tpu.memory_space<vmem>>)
      "tpu.region"() ({
        %run_scoped3A = tpu.sem_alloc : memref<!tpu.dma_semaphore, #tpu.memory_space<semaphore_mem>>
        %dma_start3A_112 = arith.constant 0 : i32
        %dma_start3A_113 = tpu.memref_slice %arg8[%add3A_94, %dma_start3A_112] : memref<228x88xi32, #tpu.memory_space<vmem>> -> memref<1x88xi32, #tpu.memory_space<vmem>>
        %dma_start3A_114 = tpu.memref_squeeze %dma_start3A_113 : memref<1x88xi32, #tpu.memory_space<vmem>> -> memref<88xi32, #tpu.memory_space<vmem>>
        %dma_start3A_115 = arith.constant 0 : i32
        %dma_start3A_116 = arith.constant 0 : i32
        %dma_start3A_117 = tpu.memref_slice %arg13[%dma_start3A_115, %dma_start3A_116] : memref<10112x64xf32, #tpu.memory_space<vmem_shared>> -> memref<10112x64xf32, #tpu.memory_space<vmem_shared>>
        tpu.enqueue_indirect_dma source(%arg12 : memref<88x64xf32, #tpu.memory_space<vmem>>) target(%dma_start3A_117 : memref<10112x64xf32, #tpu.memory_space<vmem_shared>>) offsets(%dma_start3A_114 : memref<88xi32, #tpu.memory_space<vmem>>) semaphore(%run_scoped3A : memref<!tpu.dma_semaphore, #tpu.memory_space<semaphore_mem>>) {add = true}
        %dma_wait3A_118 = arith.constant 0 : i32
        %dma_wait3A_119 = tpu.memref_slice %arg8[%add3A_94, %dma_wait3A_118] : memref<228x88xi32, #tpu.memory_space<vmem>> -> memref<1x88xi32, #tpu.memory_space<vmem>>
        %dma_wait3A_120 = tpu.memref_squeeze %dma_wait3A_119 : memref<1x88xi32, #tpu.memory_space<vmem>> -> memref<88xi32, #tpu.memory_space<vmem>>
        %dma_wait3A_121 = arith.constant 0 : i32
        %dma_wait3A_122 = arith.constant 0 : i32
        %dma_wait3A_123 = tpu.memref_slice %arg13[%dma_wait3A_121, %dma_wait3A_122] : memref<10112x64xf32, #tpu.memory_space<vmem_shared>> -> memref<10112x64xf32, #tpu.memory_space<vmem_shared>>
        tpu.wait_indirect_dma semaphore(%run_scoped3A : memref<!tpu.dma_semaphore, #tpu.memory_space<semaphore_mem>>) src(%arg12 : memref<88x64xf32, #tpu.memory_space<vmem>>) dst(%dma_wait3A_123 : memref<10112x64xf32, #tpu.memory_space<vmem_shared>>)
        tpu.yield
      }) : () -> ()
    }
    %scan3A_26 = arith.constant 57 : i32
    %barrier3A_27 = arith.constant 0 : index
    tpu.barrier barrier_id(%barrier3A_27)
    %mul3A_28 = arith.constant 632 : i32
    %mul3A_29 = arith.muli %arg1, %mul3A_28 : i32
    %mul3A_30 = arith.constant 632 : i32
    %mul3A_31 = arith.muli %arg1, %mul3A_30 : i32
    "tpu.region"() ({
      %run_scoped3A = tpu.sem_alloc : memref<!tpu.dma_semaphore, #tpu.memory_space<semaphore_mem>>
      %dma_start3A_32 = arith.constant 0 : i32
      %dma_start3A_33 = tpu.memref_slice %arg6[%arg0, %mul3A_31, %dma_start3A_32] : memref<2x10112x64xf32, #tpu.memory_space<hbm>> -> memref<1x632x64xf32, #tpu.memory_space<hbm>>
      %dma_start3A_34 = tpu.memref_squeeze %dma_start3A_33 : memref<1x632x64xf32, #tpu.memory_space<hbm>> -> memref<632x64xf32, #tpu.memory_space<hbm>>
      %dma_start3A_35 = arith.constant 0 : i32
      %dma_start3A_36 = tpu.memref_slice %arg13[%mul3A_29, %dma_start3A_35] : memref<10112x64xf32, #tpu.memory_space<vmem_shared>> -> memref<632x64xf32, #tpu.memory_space<vmem_shared>>
      tpu.enqueue_dma source(%dma_start3A_36 : memref<632x64xf32, #tpu.memory_space<vmem_shared>>) target(%dma_start3A_34 : memref<632x64xf32, #tpu.memory_space<hbm>>) target_semaphore(%run_scoped3A : memref<!tpu.dma_semaphore, #tpu.memory_space<semaphore_mem>>)
      %dma_wait3A = arith.constant 0 : i32
      %dma_wait3A_37 = tpu.memref_slice %arg6[%arg0, %mul3A_31, %dma_wait3A] : memref<2x10112x64xf32, #tpu.memory_space<hbm>> -> memref<1x632x64xf32, #tpu.memory_space<hbm>>
      %dma_wait3A_38 = tpu.memref_squeeze %dma_wait3A_37 : memref<1x632x64xf32, #tpu.memory_space<hbm>> -> memref<632x64xf32, #tpu.memory_space<hbm>>
      %dma_wait3A_39 = arith.constant 0 : i32
      %dma_wait3A_40 = tpu.memref_slice %arg13[%mul3A_29, %dma_wait3A_39] : memref<10112x64xf32, #tpu.memory_space<vmem_shared>> -> memref<632x64xf32, #tpu.memory_space<vmem_shared>>
      tpu.wait_dma2 semaphore(%run_scoped3A : memref<!tpu.dma_semaphore, #tpu.memory_space<semaphore_mem>>) src(%dma_wait3A_40 : memref<632x64xf32, #tpu.memory_space<vmem_shared>>) dst(%dma_wait3A_38 : memref<632x64xf32, #tpu.memory_space<hbm>>)
      tpu.yield
    }) : () -> ()
    return
  }
}

module attributes {stable_mosaic.version = 14 : i64} {
  func.func @_mlp_body(%arg0: i32, %arg1: memref<2x2000x64xf32, #tpu.memory_space<vmem>>, %arg2: memref<2x2000x64xf32, #tpu.memory_space<vmem>>, %arg3: memref<128x128xf32, #tpu.memory_space<vmem>>, %arg4: memref<1x128xf32, #tpu.memory_space<vmem>>, %arg5: memref<128x128xf32, #tpu.memory_space<vmem>>, %arg6: memref<1x128xf32, #tpu.memory_space<vmem>>, %arg7: memref<2x2000x64xf32, #tpu.memory_space<vmem>>) attributes {dimension_semantics = [#tpu.dimension_semantics<arbitrary>], iteration_bounds = array<i64: 5>, scalar_prefetch = 0 : i64, scratch_operands = 0 : i64, tpu.core_type = #tpu.core_type<tc>, window_params = [{transform_indices = @transform_0, window_bounds = array<i64: 2, 2000, 64>}, {transform_indices = @transform_1, window_bounds = array<i64: 2, 2000, 64>}, {pipeline_mode = #tpu.pipeline_mode<synchronous>, transform_indices = @transform_2, window_bounds = array<i64: 128, 128>}, {pipeline_mode = #tpu.pipeline_mode<synchronous>, transform_indices = @transform_3, window_bounds = array<i64: 1, 128>}, {pipeline_mode = #tpu.pipeline_mode<synchronous>, transform_indices = @transform_4, window_bounds = array<i64: 128, 128>}, {pipeline_mode = #tpu.pipeline_mode<synchronous>, transform_indices = @transform_5, window_bounds = array<i64: 1, 128>}, {transform_indices = @transform_6, window_bounds = array<i64: 2, 2000, 64>}]} {
    %get3A = arith.constant 0 : index
    %get3A_0 = arith.constant 0 : index
    %get3A_1 = arith.constant 0 : index
    %get3A_2 = vector.load %arg1[%get3A, %get3A_0, %get3A_1] : memref<2x2000x64xf32, #tpu.memory_space<vmem>>, vector<1x2000x64xf32>
    %get3A_3 = vector.shape_cast %get3A_2 : vector<1x2000x64xf32> to vector<2000x64xf32>
    %get3A_4 = arith.constant 0 : index
    %get3A_5 = arith.constant 0 : index
    %get3A_6 = arith.constant 0 : index
    %get3A_7 = vector.load %arg2[%get3A_4, %get3A_5, %get3A_6] : memref<2x2000x64xf32, #tpu.memory_space<vmem>>, vector<1x2000x64xf32>
    %get3A_8 = vector.shape_cast %get3A_7 : vector<1x2000x64xf32> to vector<2000x64xf32>
    %add3A = arith.addf %get3A_3, %get3A_8 : vector<2000x64xf32>
    %get3A_9 = arith.constant 1 : index
    %get3A_10 = arith.constant 0 : index
    %get3A_11 = arith.constant 0 : index
    %get3A_12 = vector.load %arg1[%get3A_9, %get3A_10, %get3A_11] : memref<2x2000x64xf32, #tpu.memory_space<vmem>>, vector<1x2000x64xf32>
    %get3A_13 = vector.shape_cast %get3A_12 : vector<1x2000x64xf32> to vector<2000x64xf32>
    %get3A_14 = arith.constant 1 : index
    %get3A_15 = arith.constant 0 : index
    %get3A_16 = arith.constant 0 : index
    %get3A_17 = vector.load %arg2[%get3A_14, %get3A_15, %get3A_16] : memref<2x2000x64xf32, #tpu.memory_space<vmem>>, vector<1x2000x64xf32>
    %get3A_18 = vector.shape_cast %get3A_17 : vector<1x2000x64xf32> to vector<2000x64xf32>
    %add3A_19 = arith.addf %get3A_13, %get3A_18 : vector<2000x64xf32>
    %concatenate3A = tpu.concatenate %add3A, %add3A_19 in 1 : vector<2000x64xf32>, vector<2000x64xf32> -> vector<2000x128xf32>
    %get3A_20 = arith.constant 0 : index
    %get3A_21 = arith.constant 0 : index
    %get3A_22 = vector.load %arg3[%get3A_20, %get3A_21] : memref<128x128xf32, #tpu.memory_space<vmem>>, vector<128x128xf32>
    %dot_general3A = arith.constant dense<0.000000e+00> : vector<2000x128xf32>
    %dot_general3A_23 = tpu.matmul %concatenate3A, %get3A_22, %dot_general3A {dimension_numbers = #tpu.dot_dimension_numbers<[1], [0], [0], [1], [0, 0, 1, 1], [], []>, transpose_lhs_hint = false} : vector<2000x128xf32>, vector<128x128xf32>, vector<2000x128xf32> -> vector<2000x128xf32>
    %get3A_24 = arith.constant 0 : index
    %get3A_25 = arith.constant 0 : index
    %get3A_26 = vector.load %arg4[%get3A_24, %get3A_25] : memref<1x128xf32, #tpu.memory_space<vmem>>, vector<1x128xf32>
    %add3A_27 = vector.broadcast %get3A_26 : vector<1x128xf32> to vector<2000x128xf32>
    %add3A_28 = arith.addf %dot_general3A_23, %add3A_27 : vector<2000x128xf32>
    %max3A = arith.constant 0.000000e+00 : f32
    %max3A_29 = vector.broadcast %max3A : f32 to vector<2000x128xf32>
    %max3A_30 = arith.maximumf %add3A_28, %max3A_29 : vector<2000x128xf32>
    %get3A_31 = arith.constant 0 : index
    %get3A_32 = arith.constant 0 : index
    %get3A_33 = vector.load %arg5[%get3A_31, %get3A_32] : memref<128x128xf32, #tpu.memory_space<vmem>>, vector<128x128xf32>
    %dot_general3A_34 = arith.constant dense<0.000000e+00> : vector<2000x128xf32>
    %dot_general3A_35 = tpu.matmul %max3A_30, %get3A_33, %dot_general3A_34 {dimension_numbers = #tpu.dot_dimension_numbers<[1], [0], [0], [1], [0, 0, 1, 1], [], []>, transpose_lhs_hint = false} : vector<2000x128xf32>, vector<128x128xf32>, vector<2000x128xf32> -> vector<2000x128xf32>
    %get3A_36 = arith.constant 0 : index
    %get3A_37 = arith.constant 0 : index
    %get3A_38 = vector.load %arg6[%get3A_36, %get3A_37] : memref<1x128xf32, #tpu.memory_space<vmem>>, vector<1x128xf32>
    %add3A_39 = vector.broadcast %get3A_38 : vector<1x128xf32> to vector<2000x128xf32>
    %add3A_40 = arith.addf %dot_general3A_35, %add3A_39 : vector<2000x128xf32>
    %slice3A = vector.extract_strided_slice %add3A_40 {offsets = [0, 0], sizes = [2000, 64], strides = [1, 1]} : vector<2000x128xf32> to vector<2000x64xf32>
    %swap3A = arith.constant 0 : index
    %swap3A_41 = arith.constant 0 : index
    %swap3A_42 = arith.constant 0 : index
    %swap3A_43 = vector.load %arg7[%swap3A, %swap3A_41, %swap3A_42] : memref<2x2000x64xf32, #tpu.memory_space<vmem>>, vector<1x2000x64xf32>
    %swap3A_44 = vector.shape_cast %swap3A_43 : vector<1x2000x64xf32> to vector<2000x64xf32>
    %swap3A_45 = vector.shape_cast %slice3A : vector<2000x64xf32> to vector<1x2000x64xf32>
    tpu.vector_store %arg7[%swap3A, %swap3A_41, %swap3A_42], %swap3A_45 {strides = array<i32>} : memref<2x2000x64xf32, #tpu.memory_space<vmem>>, vector<1x2000x64xf32>,
    %slice3A_46 = vector.extract_strided_slice %add3A_40 {offsets = [0, 64], sizes = [2000, 64], strides = [1, 1]} : vector<2000x128xf32> to vector<2000x64xf32>
    %swap3A_47 = arith.constant 1 : index
    %swap3A_48 = arith.constant 0 : index
    %swap3A_49 = arith.constant 0 : index
    %swap3A_50 = vector.load %arg7[%swap3A_47, %swap3A_48, %swap3A_49] : memref<2x2000x64xf32, #tpu.memory_space<vmem>>, vector<1x2000x64xf32>
    %swap3A_51 = vector.shape_cast %swap3A_50 : vector<1x2000x64xf32> to vector<2000x64xf32>
    %swap3A_52 = vector.shape_cast %slice3A_46 : vector<2000x64xf32> to vector<1x2000x64xf32>
    tpu.vector_store %arg7[%swap3A_47, %swap3A_48, %swap3A_49], %swap3A_52 {strides = array<i32>} : memref<2x2000x64xf32, #tpu.memory_space<vmem>>, vector<1x2000x64xf32>,
    return
  }
  func.func @transform_0(%arg0: i32) -> (i32, i32, i32) {
    %c0_i32 = arith.constant 0 : i32
    %c0_i32_0 = arith.constant 0 : i32
    %c0_i32_1 = arith.constant 0 : i32
    return %c0_i32, %arg0, %c0_i32_0 : i32, i32, i32
  }
  func.func @transform_1(%arg0: i32) -> (i32, i32, i32) {
    %c0_i32 = arith.constant 0 : i32
    %c0_i32_0 = arith.constant 0 : i32
    %c0_i32_1 = arith.constant 0 : i32
    return %c0_i32, %arg0, %c0_i32_0 : i32, i32, i32
  }
  func.func @transform_2(%arg0: i32) -> (i32, i32) {
    %c0_i32 = arith.constant 0 : i32
    %c0_i32_0 = arith.constant 0 : i32
    %c0_i32_1 = arith.constant 0 : i32
    return %c0_i32, %c0_i32_0 : i32, i32
  }
  func.func @transform_3(%arg0: i32) -> (i32, i32) {
    %c0_i32 = arith.constant 0 : i32
    %c0_i32_0 = arith.constant 0 : i32
    %c0_i32_1 = arith.constant 0 : i32
    return %c0_i32, %c0_i32_0 : i32, i32
  }
  func.func @transform_4(%arg0: i32) -> (i32, i32) {
    %c0_i32 = arith.constant 0 : i32
    %c0_i32_0 = arith.constant 0 : i32
    %c0_i32_1 = arith.constant 0 : i32
    return %c0_i32, %c0_i32_0 : i32, i32
  }
  func.func @transform_5(%arg0: i32) -> (i32, i32) {
    %c0_i32 = arith.constant 0 : i32
    %c0_i32_0 = arith.constant 0 : i32
    %c0_i32_1 = arith.constant 0 : i32
    return %c0_i32, %c0_i32_0 : i32, i32
  }
  func.func @transform_6(%arg0: i32) -> (i32, i32, i32) {
    %c0_i32 = arith.constant 0 : i32
    %c0_i32_0 = arith.constant 0 : i32
    %c0_i32_1 = arith.constant 0 : i32
    return %c0_i32, %arg0, %c0_i32_0 : i32, i32, i32
  }
}

module attributes {stable_mosaic.version = 14 : i64} {
  func.func @_mlp_last_body(%arg0: i32, %arg1: memref<2x2000x64xf32, #tpu.memory_space<vmem>>, %arg2: memref<2x2000x64xf32, #tpu.memory_space<vmem>>, %arg3: memref<128x128xf32, #tpu.memory_space<vmem>>, %arg4: memref<1x128xf32, #tpu.memory_space<vmem>>, %arg5: memref<128x128xf32, #tpu.memory_space<vmem>>, %arg6: memref<1x128xf32, #tpu.memory_space<vmem>>, %arg7: memref<1x1x128xf32, #tpu.memory_space<vmem>>) attributes {dimension_semantics = [#tpu.dimension_semantics<arbitrary>], iteration_bounds = array<i64: 5>, scalar_prefetch = 0 : i64, scratch_operands = 0 : i64, tpu.core_type = #tpu.core_type<tc>, window_params = [{transform_indices = @transform_0, window_bounds = array<i64: 2, 2000, 64>}, {transform_indices = @transform_1, window_bounds = array<i64: 2, 2000, 64>}, {pipeline_mode = #tpu.pipeline_mode<synchronous>, transform_indices = @transform_2, window_bounds = array<i64: 128, 128>}, {pipeline_mode = #tpu.pipeline_mode<synchronous>, transform_indices = @transform_3, window_bounds = array<i64: 1, 128>}, {pipeline_mode = #tpu.pipeline_mode<synchronous>, transform_indices = @transform_4, window_bounds = array<i64: 128, 128>}, {pipeline_mode = #tpu.pipeline_mode<synchronous>, transform_indices = @transform_5, window_bounds = array<i64: 1, 128>}, {transform_indices = @transform_6, window_bounds = array<i64: 1, 1, 128>}]} {
    %get3A = arith.constant 0 : index
    %get3A_0 = arith.constant 0 : index
    %get3A_1 = arith.constant 0 : index
    %get3A_2 = vector.load %arg1[%get3A, %get3A_0, %get3A_1] : memref<2x2000x64xf32, #tpu.memory_space<vmem>>, vector<1x2000x64xf32>
    %get3A_3 = vector.shape_cast %get3A_2 : vector<1x2000x64xf32> to vector<2000x64xf32>
    %get3A_4 = arith.constant 0 : index
    %get3A_5 = arith.constant 0 : index
    %get3A_6 = arith.constant 0 : index
    %get3A_7 = vector.load %arg2[%get3A_4, %get3A_5, %get3A_6] : memref<2x2000x64xf32, #tpu.memory_space<vmem>>, vector<1x2000x64xf32>
    %get3A_8 = vector.shape_cast %get3A_7 : vector<1x2000x64xf32> to vector<2000x64xf32>
    %add3A = arith.addf %get3A_3, %get3A_8 : vector<2000x64xf32>
    %get3A_9 = arith.constant 1 : index
    %get3A_10 = arith.constant 0 : index
    %get3A_11 = arith.constant 0 : index
    %get3A_12 = vector.load %arg1[%get3A_9, %get3A_10, %get3A_11] : memref<2x2000x64xf32, #tpu.memory_space<vmem>>, vector<1x2000x64xf32>
    %get3A_13 = vector.shape_cast %get3A_12 : vector<1x2000x64xf32> to vector<2000x64xf32>
    %get3A_14 = arith.constant 1 : index
    %get3A_15 = arith.constant 0 : index
    %get3A_16 = arith.constant 0 : index
    %get3A_17 = vector.load %arg2[%get3A_14, %get3A_15, %get3A_16] : memref<2x2000x64xf32, #tpu.memory_space<vmem>>, vector<1x2000x64xf32>
    %get3A_18 = vector.shape_cast %get3A_17 : vector<1x2000x64xf32> to vector<2000x64xf32>
    %add3A_19 = arith.addf %get3A_13, %get3A_18 : vector<2000x64xf32>
    %concatenate3A = tpu.concatenate %add3A, %add3A_19 in 1 : vector<2000x64xf32>, vector<2000x64xf32> -> vector<2000x128xf32>
    %get3A_20 = arith.constant 0 : index
    %get3A_21 = arith.constant 0 : index
    %get3A_22 = vector.load %arg3[%get3A_20, %get3A_21] : memref<128x128xf32, #tpu.memory_space<vmem>>, vector<128x128xf32>
    %dot_general3A = arith.constant dense<0.000000e+00> : vector<2000x128xf32>
    %dot_general3A_23 = tpu.matmul %concatenate3A, %get3A_22, %dot_general3A {dimension_numbers = #tpu.dot_dimension_numbers<[1], [0], [0], [1], [0, 0, 1, 1], [], []>, transpose_lhs_hint = false} : vector<2000x128xf32>, vector<128x128xf32>, vector<2000x128xf32> -> vector<2000x128xf32>
    %get3A_24 = arith.constant 0 : index
    %get3A_25 = arith.constant 0 : index
    %get3A_26 = vector.load %arg4[%get3A_24, %get3A_25] : memref<1x128xf32, #tpu.memory_space<vmem>>, vector<1x128xf32>
    %add3A_27 = vector.broadcast %get3A_26 : vector<1x128xf32> to vector<2000x128xf32>
    %add3A_28 = arith.addf %dot_general3A_23, %add3A_27 : vector<2000x128xf32>
    %max3A = arith.constant 0.000000e+00 : f32
    %max3A_29 = vector.broadcast %max3A : f32 to vector<2000x128xf32>
    %max3A_30 = arith.maximumf %add3A_28, %max3A_29 : vector<2000x128xf32>
    %get3A_31 = arith.constant 0 : index
    %get3A_32 = arith.constant 0 : index
    %get3A_33 = vector.load %arg5[%get3A_31, %get3A_32] : memref<128x128xf32, #tpu.memory_space<vmem>>, vector<128x128xf32>
    %dot_general3A_34 = arith.constant dense<0.000000e+00> : vector<2000x128xf32>
    %dot_general3A_35 = tpu.matmul %max3A_30, %get3A_33, %dot_general3A_34 {dimension_numbers = #tpu.dot_dimension_numbers<[1], [0], [0], [1], [0, 0, 1, 1], [], []>, transpose_lhs_hint = false} : vector<2000x128xf32>, vector<128x128xf32>, vector<2000x128xf32> -> vector<2000x128xf32>
    %get3A_36 = arith.constant 0 : index
    %get3A_37 = arith.constant 0 : index
    %get3A_38 = vector.load %arg6[%get3A_36, %get3A_37] : memref<1x128xf32, #tpu.memory_space<vmem>>, vector<1x128xf32>
    %add3A_39 = vector.broadcast %get3A_38 : vector<1x128xf32> to vector<2000x128xf32>
    %add3A_40 = arith.addf %dot_general3A_35, %add3A_39 : vector<2000x128xf32>
    %reduce_sum3A = arith.constant dense<0.000000e+00> : vector<128xf32>
    %reduce_sum3A_41 = vector.multi_reduction <add>, %add3A_40, %reduce_sum3A [0] : vector<2000x128xf32> to vector<128xf32>
    %broadcast_in_dim3A = vector.shape_cast %reduce_sum3A_41 : vector<128xf32> to vector<1x128xf32>
    %broadcast_in_dim3A_42 = vector.shape_cast %broadcast_in_dim3A : vector<1x128xf32> to vector<1x1x128xf32>
    %swap3A = arith.constant 0 : index
    %swap3A_43 = arith.constant 0 : index
    %swap3A_44 = arith.constant 0 : index
    %swap3A_45 = vector.load %arg7[%swap3A, %swap3A_43, %swap3A_44] : memref<1x1x128xf32, #tpu.memory_space<vmem>>, vector<1x1x128xf32>
    tpu.vector_store %arg7[%swap3A, %swap3A_43, %swap3A_44], %broadcast_in_dim3A_42 {strides = array<i32>} : memref<1x1x128xf32, #tpu.memory_space<vmem>>, vector<1x1x128xf32>,
    return
  }
  func.func @transform_0(%arg0: i32) -> (i32, i32, i32) {
    %c0_i32 = arith.constant 0 : i32
    %c0_i32_0 = arith.constant 0 : i32
    %c0_i32_1 = arith.constant 0 : i32
    return %c0_i32, %arg0, %c0_i32_0 : i32, i32, i32
  }
  func.func @transform_1(%arg0: i32) -> (i32, i32, i32) {
    %c0_i32 = arith.constant 0 : i32
    %c0_i32_0 = arith.constant 0 : i32
    %c0_i32_1 = arith.constant 0 : i32
    return %c0_i32, %arg0, %c0_i32_0 : i32, i32, i32
  }
  func.func @transform_2(%arg0: i32) -> (i32, i32) {
    %c0_i32 = arith.constant 0 : i32
    %c0_i32_0 = arith.constant 0 : i32
    %c0_i32_1 = arith.constant 0 : i32
    return %c0_i32, %c0_i32_0 : i32, i32
  }
  func.func @transform_3(%arg0: i32) -> (i32, i32) {
    %c0_i32 = arith.constant 0 : i32
    %c0_i32_0 = arith.constant 0 : i32
    %c0_i32_1 = arith.constant 0 : i32
    return %c0_i32, %c0_i32_0 : i32, i32
  }
  func.func @transform_4(%arg0: i32) -> (i32, i32) {
    %c0_i32 = arith.constant 0 : i32
    %c0_i32_0 = arith.constant 0 : i32
    %c0_i32_1 = arith.constant 0 : i32
    return %c0_i32, %c0_i32_0 : i32, i32
  }
  func.func @transform_5(%arg0: i32) -> (i32, i32) {
    %c0_i32 = arith.constant 0 : i32
    %c0_i32_0 = arith.constant 0 : i32
    %c0_i32_1 = arith.constant 0 : i32
    return %c0_i32, %c0_i32_0 : i32, i32
  }
  func.func @transform_6(%arg0: i32) -> (i32, i32, i32) {
    %c0_i32 = arith.constant 0 : i32
    %c0_i32_0 = arith.constant 0 : i32
    %c0_i32_1 = arith.constant 0 : i32
    return %arg0, %c0_i32, %c0_i32_0 : i32, i32, i32
  }
}

module attributes {stable_mosaic.version = 14 : i64} {
  func.func @_heads_body(%arg0: i32, %arg1: memref<5x1x128xf32, #tpu.memory_space<vmem>>, %arg2: memref<128x128xf32, #tpu.memory_space<vmem>>, %arg3: memref<1x128xf32, #tpu.memory_space<vmem>>, %arg4: memref<1x128xf32, #tpu.memory_space<vmem>>, %arg5: memref<1x1xf32, #tpu.memory_space<vmem>>, %arg6: memref<128x128xf32, #tpu.memory_space<vmem>>, %arg7: memref<1x128xf32, #tpu.memory_space<vmem>>, %arg8: memref<1x128xf32, #tpu.memory_space<vmem>>, %arg9: memref<1x1xf32, #tpu.memory_space<vmem>>, %arg10: memref<1x128xf32, #tpu.memory_space<vmem>>) attributes {dimension_semantics = [#tpu.dimension_semantics<arbitrary>], iteration_bounds = array<i64: 1>, scalar_prefetch = 0 : i64, scratch_operands = 0 : i64, tpu.core_type = #tpu.core_type<tc>, window_params = [{pipeline_mode = #tpu.pipeline_mode<synchronous>, transform_indices = @transform_0, window_bounds = array<i64: 5, 1, 128>}, {pipeline_mode = #tpu.pipeline_mode<synchronous>, transform_indices = @transform_1, window_bounds = array<i64: 128, 128>}, {pipeline_mode = #tpu.pipeline_mode<synchronous>, transform_indices = @transform_2, window_bounds = array<i64: 1, 128>}, {pipeline_mode = #tpu.pipeline_mode<synchronous>, transform_indices = @transform_3, window_bounds = array<i64: 1, 128>}, {pipeline_mode = #tpu.pipeline_mode<synchronous>, transform_indices = @transform_4, window_bounds = array<i64: 1, 1>}, {pipeline_mode = #tpu.pipeline_mode<synchronous>, transform_indices = @transform_5, window_bounds = array<i64: 128, 128>}, {pipeline_mode = #tpu.pipeline_mode<synchronous>, transform_indices = @transform_6, window_bounds = array<i64: 1, 128>}, {pipeline_mode = #tpu.pipeline_mode<synchronous>, transform_indices = @transform_7, window_bounds = array<i64: 1, 128>}, {pipeline_mode = #tpu.pipeline_mode<synchronous>, transform_indices = @transform_8, window_bounds = array<i64: 1, 1>}, {pipeline_mode = #tpu.pipeline_mode<synchronous>, transform_indices = @transform_9, window_bounds = array<i64: 1, 128>}]} {
    %get3A = arith.constant 0 : index
    %get3A_0 = arith.constant 0 : index
    %get3A_1 = arith.constant 0 : index
    %get3A_2 = vector.load %arg1[%get3A, %get3A_0, %get3A_1] : memref<5x1x128xf32, #tpu.memory_space<vmem>>, vector<5x1x128xf32>
    %reduce_sum3A = arith.constant dense<0.000000e+00> : vector<1x128xf32>
    %reduce_sum3A_3 = vector.multi_reduction <add>, %get3A_2, %reduce_sum3A [0] : vector<5x1x128xf32> to vector<1x128xf32>
    %get3A_4 = arith.constant 0 : index
    %get3A_5 = arith.constant 0 : index
    %get3A_6 = vector.load %arg2[%get3A_4, %get3A_5] : memref<128x128xf32, #tpu.memory_space<vmem>>, vector<128x128xf32>
    %dot_general3A = arith.constant dense<0.000000e+00> : vector<1x128xf32>
    %dot_general3A_7 = tpu.matmul %reduce_sum3A_3, %get3A_6, %dot_general3A {dimension_numbers = #tpu.dot_dimension_numbers<[1], [0], [0], [1], [0, 0, 1, 1], [], []>, transpose_lhs_hint = false} : vector<1x128xf32>, vector<128x128xf32>, vector<1x128xf32> -> vector<1x128xf32>
    %get3A_8 = arith.constant 0 : index
    %get3A_9 = arith.constant 0 : index
    %get3A_10 = vector.load %arg3[%get3A_8, %get3A_9] : memref<1x128xf32, #tpu.memory_space<vmem>>, vector<1x128xf32>
    %add3A = arith.addf %dot_general3A_7, %get3A_10 : vector<1x128xf32>
    %max3A = arith.constant 0.000000e+00 : f32
    %max3A_11 = vector.broadcast %max3A : f32 to vector<1x128xf32>
    %max3A_12 = arith.maximumf %add3A, %max3A_11 : vector<1x128xf32>
    %get3A_13 = arith.constant 0 : index
    %get3A_14 = arith.constant 0 : index
    %get3A_15 = vector.load %arg4[%get3A_13, %get3A_14] : memref<1x128xf32, #tpu.memory_space<vmem>>, vector<1x128xf32>
    %mul3A = arith.mulf %max3A_12, %get3A_15 : vector<1x128xf32>
    %reduce_sum3A_16 = arith.constant dense<0.000000e+00> : vector<1xf32>
    %reduce_sum3A_17 = vector.multi_reduction <add>, %mul3A, %reduce_sum3A_16 [1] : vector<1x128xf32> to vector<1xf32>
    %broadcast_in_dim3A = vector.shape_cast %reduce_sum3A_17 : vector<1xf32> to vector<1x1xf32>
    %get3A_18 = arith.constant 0 : index
    %get3A_19 = arith.constant 0 : index
    %get3A_20 = vector.load %arg5[%get3A_18, %get3A_19] : memref<1x1xf32, #tpu.memory_space<vmem>>, vector<1x1xf32>
    %add3A_21 = arith.addf %broadcast_in_dim3A, %get3A_20 : vector<1x1xf32>
    %get3A_22 = arith.constant 0 : index
    %get3A_23 = arith.constant 0 : index
    %get3A_24 = vector.load %arg6[%get3A_22, %get3A_23] : memref<128x128xf32, #tpu.memory_space<vmem>>, vector<128x128xf32>
    %dot_general3A_25 = arith.constant dense<0.000000e+00> : vector<1x128xf32>
    %dot_general3A_26 = tpu.matmul %reduce_sum3A_3, %get3A_24, %dot_general3A_25 {dimension_numbers = #tpu.dot_dimension_numbers<[1], [0], [0], [1], [0, 0, 1, 1], [], []>, transpose_lhs_hint = false} : vector<1x128xf32>, vector<128x128xf32>, vector<1x128xf32> -> vector<1x128xf32>
    %get3A_27 = arith.constant 0 : index
    %get3A_28 = arith.constant 0 : index
    %get3A_29 = vector.load %arg7[%get3A_27, %get3A_28] : memref<1x128xf32, #tpu.memory_space<vmem>>, vector<1x128xf32>
    %add3A_30 = arith.addf %dot_general3A_26, %get3A_29 : vector<1x128xf32>
    %max3A_31 = arith.constant 0.000000e+00 : f32
    %max3A_32 = vector.broadcast %max3A_31 : f32 to vector<1x128xf32>
    %max3A_33 = arith.maximumf %add3A_30, %max3A_32 : vector<1x128xf32>
    %get3A_34 = arith.constant 0 : index
    %get3A_35 = arith.constant 0 : index
    %get3A_36 = vector.load %arg8[%get3A_34, %get3A_35] : memref<1x128xf32, #tpu.memory_space<vmem>>, vector<1x128xf32>
    %mul3A_37 = arith.mulf %max3A_33, %get3A_36 : vector<1x128xf32>
    %reduce_sum3A_38 = arith.constant dense<0.000000e+00> : vector<1xf32>
    %reduce_sum3A_39 = vector.multi_reduction <add>, %mul3A_37, %reduce_sum3A_38 [1] : vector<1x128xf32> to vector<1xf32>
    %broadcast_in_dim3A_40 = vector.shape_cast %reduce_sum3A_39 : vector<1xf32> to vector<1x1xf32>
    %get3A_41 = arith.constant 0 : index
    %get3A_42 = arith.constant 0 : index
    %get3A_43 = vector.load %arg9[%get3A_41, %get3A_42] : memref<1x1xf32, #tpu.memory_space<vmem>>, vector<1x1xf32>
    %add3A_44 = arith.addf %broadcast_in_dim3A_40, %get3A_43 : vector<1x1xf32>
    %iota3A = tpu.iota {dimensions = array<i32: 1>} : vector<1x128xi32>
    %eq3A = arith.constant 0 : i32
    %eq3A_45 = vector.broadcast %eq3A : i32 to vector<1x128xi32>
    %eq3A_46 = arith.cmpi eq, %iota3A, %eq3A_45 : vector<1x128xi32>
    %eq3A_47 = arith.constant 1 : i32
    %eq3A_48 = vector.broadcast %eq3A_47 : i32 to vector<1x128xi32>
    %eq3A_49 = arith.cmpi eq, %iota3A, %eq3A_48 : vector<1x128xi32>
    %jit3A = arith.constant 0.000000e+00 : f32
    %broadcast_in_dim3A_50 = vector.shape_cast %add3A_44 : vector<1x1xf32> to vector<1x1xf32>
    %broadcast_in_dim3A_51 = vector.broadcast %broadcast_in_dim3A_50 : vector<1x1xf32> to vector<1x128xf32>
    %broadcast_in_dim3A_52 = vector.broadcast %jit3A : f32 to vector<1x128xf32>
    %select_n3A = arith.select %eq3A_49, %broadcast_in_dim3A_51, %broadcast_in_dim3A_52 : vector<1x128xi1>, vector<1x128xf32>
    %broadcast_in_dim3A_53 = vector.shape_cast %add3A_21 : vector<1x1xf32> to vector<1x1xf32>
    %broadcast_in_dim3A_54 = vector.broadcast %broadcast_in_dim3A_53 : vector<1x1xf32> to vector<1x128xf32>
    %select_n3A_55 = arith.select %eq3A_46, %broadcast_in_dim3A_54, %select_n3A : vector<1x128xi1>, vector<1x128xf32>
    %swap3A = arith.constant 0 : index
    %swap3A_56 = arith.constant 0 : index
    %swap3A_57 = vector.load %arg10[%swap3A, %swap3A_56] : memref<1x128xf32, #tpu.memory_space<vmem>>, vector<1x128xf32>
    tpu.vector_store %arg10[%swap3A, %swap3A_56], %select_n3A_55 {strides = array<i32>} : memref<1x128xf32, #tpu.memory_space<vmem>>, vector<1x128xf32>,
    return
  }
  func.func @transform_0(%arg0: i32) -> (i32, i32, i32) {
    %c0_i32 = arith.constant 0 : i32
    %c0_i32_0 = arith.constant 0 : i32
    %c0_i32_1 = arith.constant 0 : i32
    %c0_i32_2 = arith.constant 0 : i32
    return %c0_i32, %c0_i32_0, %c0_i32_1 : i32, i32, i32
  }
  func.func @transform_1(%arg0: i32) -> (i32, i32) {
    %c0_i32 = arith.constant 0 : i32
    %c0_i32_0 = arith.constant 0 : i32
    %c0_i32_1 = arith.constant 0 : i32
    return %c0_i32, %c0_i32_0 : i32, i32
  }
  func.func @transform_2(%arg0: i32) -> (i32, i32) {
    %c0_i32 = arith.constant 0 : i32
    %c0_i32_0 = arith.constant 0 : i32
    %c0_i32_1 = arith.constant 0 : i32
    return %c0_i32, %c0_i32_0 : i32, i32
  }
  func.func @transform_3(%arg0: i32) -> (i32, i32) {
    %c0_i32 = arith.constant 0 : i32
    %c0_i32_0 = arith.constant 0 : i32
    %c0_i32_1 = arith.constant 0 : i32
    return %c0_i32, %c0_i32_0 : i32, i32
  }
  func.func @transform_4(%arg0: i32) -> (i32, i32) {
    %c0_i32 = arith.constant 0 : i32
    %c0_i32_0 = arith.constant 0 : i32
    %c0_i32_1 = arith.constant 0 : i32
    return %c0_i32, %c0_i32_0 : i32, i32
  }
  func.func @transform_5(%arg0: i32) -> (i32, i32) {
    %c0_i32 = arith.constant 0 : i32
    %c0_i32_0 = arith.constant 0 : i32
    %c0_i32_1 = arith.constant 0 : i32
    return %c0_i32, %c0_i32_0 : i32, i32
  }
  func.func @transform_6(%arg0: i32) -> (i32, i32) {
    %c0_i32 = arith.constant 0 : i32
    %c0_i32_0 = arith.constant 0 : i32
    %c0_i32_1 = arith.constant 0 : i32
    return %c0_i32, %c0_i32_0 : i32, i32
  }
  func.func @transform_7(%arg0: i32) -> (i32, i32) {
    %c0_i32 = arith.constant 0 : i32
    %c0_i32_0 = arith.constant 0 : i32
    %c0_i32_1 = arith.constant 0 : i32
    return %c0_i32, %c0_i32_0 : i32, i32
  }
  func.func @transform_8(%arg0: i32) -> (i32, i32) {
    %c0_i32 = arith.constant 0 : i32
    %c0_i32_0 = arith.constant 0 : i32
    %c0_i32_1 = arith.constant 0 : i32
    return %c0_i32, %c0_i32_0 : i32, i32
  }
  func.func @transform_9(%arg0: i32) -> (i32, i32) {
    %c0_i32 = arith.constant 0 : i32
    %c0_i32_0 = arith.constant 0 : i32
    %c0_i32_1 = arith.constant 0 : i32
    return %c0_i32, %c0_i32_0 : i32, i32
  }
}

</mosaic_0001>

<sc_bundles>
// kernel: kernel.13.cloned.1.call-start
scs
__scs_entry_jumppad:
0x0: {  	(pc) =	sbr.rel $0x88, $3  }
0x1: {  	(tag) =	ssettag $0x0;
	lr =	simm.s32 $0x1  }
0x2: {  	[smem:$0x3F83] =	sst lr;
	_ =	strace $0xD0000000  }
0x3: {  	_ = 	snop  }
0x4: {  	_ = 	snop  }
0x5: {  	_ = 	snop  }
0x6: {  	_ = 	snop  }
0x7: {  	_ = 	snop  }
__scs_overlays_trampoline_lowered:
0x8: {  	[smem:$0x3F92] =	sst s0  }
0x9: {  	[smem:$0x3F93] =	sst s1  }
0xa: {  	[smem:$0x3F94] =	sst s2  }
0xb: {  	[smem:$0x3F95] =	sst s3  }
0xc: {  	[smem:$0x3F96] =	sst s4  }
0xd: {  	[smem:$0x3F97] =	sst s5  }
0xe: {  	[smem:$0x3F98] =	sst s6  }
0xf: {  	[smem:$0x3F99] =	sst s7  }
0x10: {  	[smem:$0x3F9A] =	sst s8  }
0x11: {  	[smem:$0x3F9B] =	sst s9;
	s0 =	simm.s32 @!p0 $0x0  }
0x12: {  	s1 =	sld [smem:$0x3F81];
	s0 =	simm.s32 @p0 $0x1  }
0x13: {  	[smem:$0x3F9C] =	sst s0;
	s0 =	simm.s32 @!p1 $0x0  }
0x14: {  	s2 =	sld [smem:$0x3F80];
	s0 =	simm.s32 @p1 $0x1  }
0x15: {  	[smem:$0x3F9D] =	sst s0;
	s0 =	simm.s32 @!p2 $0x0  }
0x16: {  	s3 =	sld [smem:$0x3FDB];
	s0 =	simm.s32 @p2 $0x1  }
0x17: {  	s4 =	simm.s32 $0x1BF5;
	[smem:$0x3F9F] =	sst s0  }
0x18: {  	s0 =	sld [smem:$0x3F82];
	_ =	swait.ge [sflag:s4], $0x0  }
0x19: {  	s7 =	sld [smem:$0x3F83]  }
0x1a: {  	s8 =	sadd.s32 $0xFFFFE003, lr  }
0x1b: {  	s9 =	sadd.s32 $0xFFFFFEF7, lr;
	s5 =	simm.s32 $0xFFFFFFFF;
	p2 =	slt.u32 s8, $0xFFFFF086  }
0x1c: {  	p1 =	slt.u32 s9, $0xF7A;
	s5 =	simm.s32 @!p2 $0x0  }
0x1d: {  	s5 =	simm.s32 @p1 $0x1;
	p0 =	seq.s32 s7, s2  }
0x1e: {  	s7 =	smul.u32 @!p0 $0xF7A, s2;
	p2 =	seq.s32 @!p0 s5, $0x0  }
0x1f: {  	s9 =	smul.u32 $0xF7A, s1;
	s8 =	simm.s32 @!p0 $0x1BF5;
	p2 =	por !p2, p0  }
0x20: {  	[sflag:s8] =	ssyncset.s32 @!p0 $0xFFFFF086;
	s6 =	sadd.s32 @!p0 s3, s7;
	s7 =	simm.s32 @!p0 $0x108  }
0x21: {  	s3 =	sadd.s32 s3, s9;
	s6 =	sadd.s32 @!p0 $0x88, s6;
	s7 =	simm.s32 @p2 $0x1082  }
0x22: {  	[simem:s7], [sflag:s8] =	dma.local @!p0 [hbm:s6], $0xF7A  }
0x23: {  	s9 =	sor.u32 $0xD0000000, s2;
	s6 =	simm.s32 $0x108;
	_ =	swait.ge @!p0 [sflag:s8], $0x0  }
0x24: {  	s3 =	sadd.s32 $0x88, s3;
	s6 =	simm.s32 @!p1 $0x1082;
	[sflag:s4] =	ssyncset.s32 $0xFFFFF086  }
0x25: {  	[simem:s6], [sflag:s4] =	dma.local [hbm:s3], $0xF7A  }
0x26: {  	[smem:$0x3F83] =	sst s1;
	(tag) =	ssettag s2;
	_ =	strace s9  }
0x27: {  	s1 =	sld [smem:$0x3F93]  }
0x28: {  	s2 =	sld [smem:$0x3F94]  }
0x29: {  	s4 =	sld [smem:$0x3F96]  }
0x2a: {  	p0 =	seq.s32 s5, $0x0;
	s5 =	sld [smem:$0x3F97]  }
0x2b: {  	s6 =	sld [smem:$0x3F98]  }
0x2c: {  	s7 =	sld [smem:$0x3F99]  }
0x2d: {  	s3 =	simm.s32 $0x108;
	s8 =	sld [smem:$0x3F9A]  }
0x2e: {  	s3 =	simm.s32 @!p0 $0x1082;
	s9 =	sld [smem:$0x3F9B]  }
0x2f: {  	lr =	sadd.s32 s0, s3;
	s0 =	sld [smem:$0x3F92]  }
0x30: {  	s3 =	sld [smem:$0x3F95]  }
0x31: {  	[smem:$0x3F9E] =	sst s10  }
0x32: {  	s10 =	sld [smem:$0x3F9C];
	_ =	sdelay $0x3  }
0x33: {  	p0 =	seq.s32 s10, $0x1;
	s10 =	sld [smem:$0x3F9E];
	_ =	sdelay $0x3  }
0x34: {  	[smem:$0x3F9E] =	sst s10  }
0x35: {  	s10 =	sld [smem:$0x3F9D];
	_ =	sdelay $0x3  }
0x36: {  	p1 =	seq.s32 s10, $0x1;
	s10 =	sld [smem:$0x3F9E];
	_ =	sdelay $0x3  }
0x37: {  	[smem:$0x3F9E] =	sst s10  }
0x38: {  	s10 =	sld [smem:$0x3F9F]  }
0x39: {  	_ = 	snop;
	(pc) =	sbr.ind lr, $3  }
0x3a: {  	_ = 	snop  }
0x3b: {  	_ = 	snop  }
0x3c: {  	p2 =	seq.s32 s10, $0x1;
	s10 =	sld [smem:$0x3F9E]  }
0x3d: {  	_ =	shalt  }
0x3e: {  	_ =	shalt  }
0x3f: {  	_ =	shalt  }
0x40: {  	_ =	shalt  }
0x41: {  	_ =	shalt  }
0x42: {  	_ =	shalt  }
0x43: {  	_ =	shalt  }
0x44: {  	_ =	shalt  }
0x45: {  	_ =	shalt  }
0x46: {  	_ =	shalt  }
0x47: {  	_ =	shalt  }
0x48: {  	_ =	shalt  }
0x49: {  	_ =	shalt  }
0x4a: {  	_ =	shalt  }
0x4b: {  	_ =	shalt  }
0x4c: {  	_ =	shalt  }
0x4d: {  	_ =	shalt  }
0x4e: {  	_ =	shalt  }
0x4f: {  	_ =	shalt  }
0x50: {  	_ =	shalt  }
0x51: {  	_ =	shalt  }
0x52: {  	_ =	shalt  }
0x53: {  	_ =	shalt  }
0x54: {  	_ =	shalt  }
0x55: {  	_ =	shalt  }
0x56: {  	_ =	shalt  }
0x57: {  	_ =	shalt  }
0x58: {  	_ =	shalt  }
0x59: {  	_ =	shalt  }
0x5a: {  	_ =	shalt  }
0x5b: {  	_ =	shalt  }
0x5c: {  	_ =	shalt  }
0x5d: {  	_ =	shalt  }
0x5e: {  	_ =	shalt  }
0x5f: {  	_ =	shalt  }
0x60: {  	_ =	shalt  }
0x61: {  	_ =	shalt  }
0x62: {  	_ =	shalt  }
0x63: {  	_ =	shalt  }
0x64: {  	_ =	shalt  }
0x65: {  	_ =	shalt  }
0x66: {  	_ =	shalt  }
0x67: {  	_ =	shalt  }
0x68: {  	_ =	shalt  }
0x69: {  	_ =	shalt  }
0x6a: {  	_ =	shalt  }
0x6b: {  	_ =	shalt  }
0x6c: {  	_ =	shalt  }
0x6d: {  	_ =	shalt  }
0x6e: {  	_ =	shalt  }
0x6f: {  	_ =	shalt  }
0x70: {  	_ =	shalt  }
0x71: {  	_ =	shalt  }
0x72: {  	_ =	shalt  }
0x73: {  	_ =	shalt  }
0x74: {  	_ =	shalt  }
0x75: {  	_ =	shalt  }
0x76: {  	_ =	shalt  }
0x77: {  	_ =	shalt  }
0x78: {  	_ =	shalt  }
0x79: {  	_ =	shalt  }
0x7a: {  	_ =	shalt  }
0x7b: {  	_ =	shalt  }
0x7c: {  	_ =	shalt  }
0x7d: {  	_ =	shalt  }
0x7e: {  	_ =	shalt  }
0x7f: {  	_ =	shalt  }
0x80: {  	_ =	shalt  }
0x81: {  	_ =	shalt  }
0x82: {  	_ =	shalt  }
0x83: {  	_ =	shalt  }
0x84: {  	_ =	shalt  }
0x85: {  	_ =	shalt  }
0x86: {  	_ =	shalt  }
0x87: {  	_ =	shalt  }
.Lfunc_end0:
.L_simem_size_0:
called_computation_lowered:
.L_overlay_start_0:
0x88: {  	s2 =	sld [smem:$0x3FD9]  }
0x89: {  	s3 =	sld [smem:$0x3FFE];
	_ =	sdelay $0x1  }
0x8a: {  	s1 =	srdreg.scid  }
0x8b: {  	s0 =	sand.u32 $0x1, s1  }
0x8c: {  	s16 =	sshll.u32 s0, $0xA;
	s2 =	sadd.s32 s3, s2  }
0x8d: {  	s2 =	sadd.s32 s2, s16  }
0x8e: {  	[smem:$0x3FAA] =	sst s2  }
0x8f: {  	_ = 	snop  }
0x90: {  	(tm) =	ssettm $0x1  }
0x91: {  	s17 =	sld [smem:$0x3FFB];
	_ =	sdelay $0x3  }
0x92: {  	_ =	strace s17  }
0x93: {  	s2 =	sld [smem:$0x3FFC];
	_ =	sdelay $0x3  }
0x94: {  	_ =	strace s2  }
0x95: {  	s2 =	sld [smem:$0x3FFD];
	_ =	sdelay $0x3  }
0x96: {  	_ =	strace s2  }
0x97: {  	_ =	strace $0x8FFFFFFF  }
0x98: {  	s18 =	sld [smem:$0x3FDB];
	_ =	sdelay $0x1  }
0x99: {  	s19 =	simm.s32 $_scs_section_size  }
0x9a: {  	s4 =	simm.s32 $_size__tile_overlayer_lowered;
	s5 =	simm.s32 $_tile_overlayer_lowered  }
0x9b: {  	s22 =	simm.s32 $0x1BFF;
	s21 =	sshll.u32 s5, $0x1;
	s2 =	sadd.s32 s19, s18  }
0x9c: {  	s6 =	simm.s32 $0x0;
	s20 =	sshll.u32 s4, $0x1;
	s4 =	sadd.s32 s21, s2  }
0x9d: {  	[timem:s6], [sflag:s22] =	dma.local [hbm:s4], s20  }
0x9e: {  	_ =	swait.ge [sflag:s22], s20  }
0x9f: {  	s3 =	ssub.s32 $0x0, s20;
	[sflag:s22] =	ssyncset.done $0x0  }
0xa0: {  	[sflag:s22] =	ssyncadd.s32 s3;
	_ =	sdelay $0x1  }
0xa1: {  	s23 =	simm.s32 $0x1B8B  }
0xa2: {  	_ =	swait.ge [sflag:s23], $0x1  }
0xa3: {  	[sflag:s23] =	ssyncset.done $0x0  }
0xa4: {  	s25 =	simm.s32 $0x1B8E;
	s24 =	sld [smem:$0x3FFE];
	[sflag:s23] =	ssyncadd.s32 $0xFFFFFFFF  }
0xa5: {  	s26 =	simm.s32 $execute0_lowered;
	[smem:$0x3FD2] =	sst s25  }
0xa6: {  	s4 =	sshll.u32 s26, $0x1;
	_ =	strace $0x80000046;
	[dreg:$0x1] =	wrdreg $0xFFFFFFFF  }
0xa7: {  	s28 =	simm.s32 $_size_execute0_lowered;
	s2 =	sadd.s32 s2, s4;
	[dreg:$0x0] =	wrdreg $0x0  }
0xa8: {  	s4 =	sshll.u32 s28, $0x1;
	[dreg:$0x2] =	wrdreg s2  }
0xa9: {  	[dreg:$0x3] =	wrdreg s4  }
0xaa: {  	[dreg:$0x4] =	wrdreg $0xC0  }
0xab: {  	_ =	task [dreg:s6], $0x5FFFF  }
0xac: {  	[dreg:$0x1] =	wrdreg $0xFFFFFFFF  }
0xad: {  	[dreg:$0x0] =	wrdreg $0x60  }
0xae: {  	[dreg:$0x2] =	wrdreg s24  }
0xaf: {  	[dreg:$0x3] =	wrdreg $0xF4C00  }
0xb0: {  	[dreg:$0x4] =	wrdreg $0x9  }
0xb1: {  	_ =	task.clear_ibuf [dreg:s6], $0x5FFFF;
	_ =	strace $0x90000046  }
0xb2: {  	s29 =	simm.s32 $0x9;
	_ =	strace $0x80000048  }
0xb3: {  	_ =	swait.ge [sflag:s29], $0x1  }
0xb4: {  	[sflag:s29] =	ssyncadd.s32 $0xFFFFFFFF  }
0xb5: {  	_ =	strace $0x90000048  }
0xb6: {  	_ =	sfence  }
0xb7: {  	s30 =	sld [smem:$0x0];
	_ =	sdelay $0x2  }
0xb8: {  	s31 =	sshll.u32 s1, $0xD;
	s1 =	sshrl.u32 s1, $0x2  }
0xb9: {  	s3 =	sand.u32 $0x4000, s31;
	s1 =	sadd.s32 s1, s30  }
0xba: {  	s0 =	sor.u32 s3, s0;
	s1 =	sshll.u32 s1, $0x11  }
0xbb: {  	s0 =	sor.u32 s1, s0  }
0xbc: {  	s0 =	sadd.s32 $0x8F2B, s0  }
0xbd: {  	[sflag:s0] =	ssyncadd.remote.s32 $0x1  }
0xbe: {  	_ =	sfence.sel $0xFFFF  }
0xbf: {  	[dreg:$0x0] =	wrdreg $0xFFFFFFFF;
	(pc) =	sbr.abs _section_cstart, $3  }
0xc0: {  	[dreg:$0x1] =	wrdreg $0xFFFFFFFF  }
0xc1: {  	_ =	task.clear_ibuf [dreg:s6], $0x2FFFF;
	_ =	strace $0x9FFFFFFF  }
0xc2: {  	(tm) =	ssettm $0x7FFFFFFF  }
0xc3: {  	_ =	shalt  }
tec
execute0_lowered:
.L_overlay_start_1:
0x0: {  	(tag) =	ssettag $0x1  }
0x1: {  	s0 =	srdreg.scid;
	s1 =	rddreg [dreg:$0x0]  }
0x2: {  	s10 =	stileid.u32;
	s2 =	rddreg [dreg:$0x1]  }
0x3: {  	s3 =	simm.s32 $0x0;
	s12 =	simm.s32 $0x5;
	s14 =	simm.s32 $0x58  }
0x4: {  	s15 =	simm.s32 $0x9CC0;
	s16 =	simm.s32 $0xB2C0;
	s17 =	simm.s32 $0xC8C0  }
0x5: {  	s18 =	simm.s32 $0x1;
	s19 =	simm.s32 $0xDEC0;
	s20 =	simm.s32 $0x2  }
0x6: {  	s21 =	simm.s32 $0x3;
	s22 =	simm.s32 $0x4;
	s24 =	simm.s32 $0x9B60  }
0x7: {  	s28 =	simm.s32 $0x9C10;
	s29 =	simm.s32 $0x9C68;
	s5 =	smul.u32 $0x9CC, s10  }
0x8: {  	s30 =	simm.s32 $0x0;
	s0 =	sand.u32 $0x1, s0;
	s6 =	smul.u32 $0x9E00, s10  }
0x9: {  	[smem:$0x7FF] =	sst s3;
	s31 =	sshll.u32 s10, $0x6;
	s4 =	smul.u32 $0x13880, s0  }
0xa: {  	s7 =	smul.u32 $0x9E000, s0;
	_ =	strace $0x80000047;
	s0 =	ssub.s32 $0x2, s0  }
0xb: {  	s9 =	sadd.s32 s5, s1;
	s26 =	sshrl.u32 s0, $0x1;
	s11 =	sadd.s32 s6, s2  }
0xc: {  	s8 =	sadd.s32 s4, s1;
	s25 =	sadd.s32 s6, s7;
	s4 =	sadd.s32 $0x3F200, s1  }
0xd: {  	s0 =	ssub.s32 s0, s26;
	s6 =	sadd.s32 $0x35400, s9;
	s7 =	sadd.s32 $0x2B600, s9  }
0xe: {  	s11 =	sshrl.u32 s11, $0x3;
	s26 =	simm.s32 $0x9BB8;
	s5 =	sshrl.u32 s25, $0x3  }
0xf: {  	s8 =	sadd.s32 $0x4400, s8;
	s10 =	smax.u32 s0, $0x1;
	s1 =	sadd.s32 s5, s1  }
0x10: {  	s25 =	simm.s32 $0x4E08;
	s5 =	sor.u32 $0x1C05, s31;
	s9 =	sadd.s32 $0x40600, s1  }
.LBB2_1:
0x11: {  	[spmem:s11], [sflag:s5] =	dma.local [hbm:s4], $0x13C0  }
0x12: {  	_ =	swait.ge [sflag:s12], $0x13C0  }
0x13: {  	[sflag:s12] =	ssyncset.done $0x0  }
0x14: {  	[sflag:s12] =	ssyncadd.s32 $0xFFFFEC40  }
0x15: {  	[tilespmem:s3], [sflag:$0x5] =	stream.linear.gather [hbm4b:s6+s3], $0x4E60, $0x38;
	[tilespmem:$0x192C0] =	vst v63  }
0x16: {  	_ =	swait.ge [sflag:s12], $0x4E60  }
0x17: {  	[sflag:s12] =	ssyncset.done $0x0  }
0x18: {  	s0 =	simm.s32 $0x4E60;
	[sflag:s12] =	ssyncadd.s32 $0xFFFFB1A0  }
0x19: {  	[tilespmem:s0], [sflag:$0x5] =	stream.linear.gather [hbm4b:s7+s3], $0x4E60, $0x38;
	[tilespmem:$0x192C0] =	vst v63  }
0x1a: {  	_ =	swait.ge [sflag:s12], $0x4E60  }
0x1b: {  	[sflag:s12] =	ssyncset.done $0x0  }
0x1c: {  	[sflag:s12] =	ssyncadd.s32 $0xFFFFB1A0  }
0x1d: {  	[tilespmem:s15], [sflag:$0x1] =	stream.indirect.gather [hbm4b:s8+s14], $0x40, s3, s14, $0xb8;
	[tilespmem:$0x192C0] =	vst v63  }
0x1e: {  	_ = 	snop  }
0x1f: {  	[tilespmem:s16], [sflag:$0x2] =	stream.indirect.gather [hbm4b:s8+s14], $0x40, s14, s14, $0xb8;
	[tilespmem:$0x192C0] =	vst v63  }
0x20: {  	s13 =	simm.s32 $0xB0;
	[bflag:$0x0] =	sbarrier.arrive $0xFFFF  }
0x21: {  	[tilespmem:s17], [sflag:$0x3] =	stream.indirect.gather [hbm4b:s8+s14], $0x40, s13, s14, $0xb8;
	[tilespmem:$0x192C0] =	vst v63  }
0x22: {  	_ =	swait.ge [sflag:s18], $0x1600  }
0x23: {  	[sflag:s18] =	ssyncset.done $0x0  }
0x24: {  	s23 =	simm.s32 $0x4E60;
	[sflag:s18] =	ssyncadd.s32 $0xFFFFEA00  }
0x25: {  	[spmem:s2] =	stream.indirect.scatter.add.f32 [tilespmem:s15], [sflag:$0x5], $0x40, s23, s14, $0xb8;
	[tilespmem:$0x192C0] =	vst v63  }
0x26: {  	_ =	swait.ge [sflag:s12], $0x1600  }
0x27: {  	[sflag:s12] =	ssyncset.done $0x0  }
0x28: {  	s1 =	simm.s32 $0x108;
	[sflag:s12] =	ssyncadd.s32 $0xFFFFEA00  }
0x29: {  	[tilespmem:s19], [sflag:$0x4] =	stream.indirect.gather [hbm4b:s8+s14], $0x40, s1, s14, $0xb8;
	[tilespmem:$0x192C0] =	vst v63  }
0x2a: {  	_ =	swait.ge [sflag:s20], $0x1600  }
0x2b: {  	[sflag:s20] =	ssyncset.done $0x0  }
0x2c: {  	s13 =	simm.s32 $0x4EB8;
	[sflag:s20] =	ssyncadd.s32 $0xFFFFEA00  }
0x2d: {  	[spmem:s2] =	stream.indirect.scatter.add.f32 [tilespmem:s16], [sflag:$0x5], $0x40, s13, s14, $0xb8;
	[tilespmem:$0x192C0] =	vst v63  }
0x2e: {  	_ =	swait.ge [sflag:s12], $0x1600  }
0x2f: {  	[sflag:s12] =	ssyncset.done $0x0  }
0x30: {  	s23 =	simm.s32 $0x160;
	[sflag:s12] =	ssyncadd.s32 $0xFFFFEA00  }
0x31: {  	[tilespmem:s15], [sflag:$0x1] =	stream.indirect.gather [hbm4b:s8+s14], $0x40, s23, s14, $0xb8;
	[tilespmem:$0x192C0] =	vst v63  }
0x32: {  	_ =	swait.ge [sflag:s21], $0x1600  }
0x33: {  	[sflag:s21] =	ssyncset.done $0x0  }
0x34: {  	s1 =	simm.s32 $0x4F10;
	[sflag:s21] =	ssyncadd.s32 $0xFFFFEA00  }
0x35: {  	[spmem:s2] =	stream.indirect.scatter.add.f32 [tilespmem:s17], [sflag:$0x5], $0x40, s1, s14, $0xb8;
	[tilespmem:$0x192C0] =	vst v63  }
0x36: {  	_ =	swait.ge [sflag:s12], $0x1600  }
0x37: {  	[sflag:s12] =	ssyncset.done $0x0  }
0x38: {  	s13 =	simm.s32 $0x1B8;
	[sflag:s12] =	ssyncadd.s32 $0xFFFFEA00  }
0x39: {  	[tilespmem:s16], [sflag:$0x2] =	stream.indirect.gather [hbm4b:s8+s14], $0x40, s13, s14, $0xb8;
	[tilespmem:$0x192C0] =	vst v63  }
0x3a: {  	_ =	swait.ge [sflag:s22], $0x1600  }
0x3b: {  	[sflag:s22] =	ssyncset.done $0x0  }
0x3c: {  	s23 =	simm.s32 $0x4F68;
	[sflag:s22] =	ssyncadd.s32 $0xFFFFEA00  }
0x3d: {  	[spmem:s2] =	stream.indirect.scatter.add.f32 [tilespmem:s19], [sflag:$0x5], $0x40, s23, s14, $0xb8;
	[tilespmem:$0x192C0] =	vst v63  }
0x3e: {  	_ =	swait.ge [sflag:s12], $0x1600  }
0x3f: {  	s31 =	simm.s32 $0x160;
	s1 =	simm.s32 $0xB00;
	[sflag:s12] =	ssyncset.done $0x0  }
.LBB2_2:
0x40: {  	s23 =	sadd.s32 $0xB0, s31  }
0x41: {  	[sflag:s12] =	ssyncadd.s32 $0xFFFFEA00;
	s0 =	smov.u32 s1;
	s13 =	sadd.s32 $0x580, s1  }
0x42: {  	[tilespmem:s17], [sflag:$0x3] =	stream.indirect.gather [hbm4b:s8+s14], $0x40, s23, s14, $0xb8;
	[tilespmem:$0x192C0] =	vst v63  }
0x43: {  	p0 =	sne.s32 s1, $0x12E80;
	_ =	swait.ge [sflag:s18], $0x1600  }
0x44: {  	[sflag:s18] =	ssyncset.done $0x0  }
0x45: {  	s1 =	sadd.s32 $0x4E60, s31;
	[sflag:s18] =	ssyncadd.s32 $0xFFFFEA00  }
0x46: {  	[spmem:s2] =	stream.indirect.scatter.add.f32 [tilespmem:s15], [sflag:$0x5], $0x40, s1, s14, $0xb8;
	[tilespmem:$0x192C0] =	vst v63  }
0x47: {  	_ =	swait.ge [sflag:s12], $0x1600  }
0x48: {  	[sflag:s12] =	ssyncset.done $0x0  }
0x49: {  	s1 =	sadd.s32 $0x108, s31;
	[sflag:s12] =	ssyncadd.s32 $0xFFFFEA00  }
0x4a: {  	[tilespmem:s19], [sflag:$0x4] =	stream.indirect.gather [hbm4b:s8+s14], $0x40, s1, s14, $0xb8;
	[tilespmem:$0x192C0] =	vst v63  }
0x4b: {  	_ =	swait.ge [sflag:s20], $0x1600  }
0x4c: {  	[sflag:s20] =	ssyncset.done $0x0  }
0x4d: {  	s1 =	sadd.s32 $0x4EB8, s31;
	[sflag:s20] =	ssyncadd.s32 $0xFFFFEA00  }
0x4e: {  	[spmem:s2] =	stream.indirect.scatter.add.f32 [tilespmem:s16], [sflag:$0x5], $0x40, s1, s14, $0xb8;
	[tilespmem:$0x192C0] =	vst v63  }
0x4f: {  	_ =	swait.ge [sflag:s12], $0x1600  }
0x50: {  	[sflag:s12] =	ssyncset.done $0x0  }
0x51: {  	s1 =	sadd.s32 $0x160, s31;
	[sflag:s12] =	ssyncadd.s32 $0xFFFFEA00  }
0x52: {  	[tilespmem:s15], [sflag:$0x1] =	stream.indirect.gather [hbm4b:s8+s14], $0x40, s1, s14, $0xb8;
	[tilespmem:$0x192C0] =	vst v63  }
0x53: {  	_ =	swait.ge [sflag:s21], $0x1600  }
0x54: {  	[sflag:s21] =	ssyncset.done $0x0  }
0x55: {  	s1 =	sadd.s32 $0x4F10, s31;
	[sflag:s21] =	ssyncadd.s32 $0xFFFFEA00  }
0x56: {  	[spmem:s2] =	stream.indirect.scatter.add.f32 [tilespmem:s17], [sflag:$0x5], $0x40, s1, s14, $0xb8;
	[tilespmem:$0x192C0] =	vst v63  }
0x57: {  	_ =	swait.ge [sflag:s12], $0x1600  }
0x58: {  	[sflag:s12] =	ssyncset.done $0x0  }
0x59: {  	s1 =	sadd.s32 $0x1B8, s31;
	[sflag:s12] =	ssyncadd.s32 $0xFFFFEA00  }
0x5a: {  	[tilespmem:s16], [sflag:$0x2] =	stream.indirect.gather [hbm4b:s8+s14], $0x40, s1, s14, $0xb8;
	[tilespmem:$0x192C0] =	vst v63  }
0x5b: {  	_ =	swait.ge [sflag:s22], $0x1600  }
.Ltmp0:
0x5c: {  	[sflag:s22] =	ssyncset.done $0x0;
	(pc) =	sbr.rel @p0 .LBB2_2-.Ltmp0, $4  }
0x5d: {  	s1 =	sadd.s32 $0x4F68, s31;
	[sflag:s22] =	ssyncadd.s32 $0xFFFFEA00  }
0x5e: {  	[spmem:s2] =	stream.indirect.scatter.add.f32 [tilespmem:s19], [sflag:$0x5], $0x40, s1, s14, $0xb8;
	[tilespmem:$0x192C0] =	vst v63  }
0x5f: {  	_ =	swait.ge [sflag:s12], $0x1600  }
0x60: {  	s31 =	sshra.s32 s0, $0x2;
	s1 =	smov.u32 s13;
	[sflag:s12] =	ssyncset.done $0x0  }
0x61: {  	s0 =	sadd.s32 $0xB0, s31;
	[sflag:s12] =	ssyncadd.s32 $0xFFFFEA00  }
0x62: {  	[tilespmem:s17], [sflag:$0x3] =	stream.indirect.gather [hbm4b:s8+s14], $0x40, s0, s14, $0xb8;
	[tilespmem:$0x192C0] =	vst v63  }
0x63: {  	_ =	swait.ge [sflag:s18], $0x1600  }
0x64: {  	[sflag:s18] =	ssyncset.done $0x0  }
0x65: {  	s23 =	sadd.s32 $0x4E60, s31;
	[sflag:s18] =	ssyncadd.s32 $0xFFFFEA00  }
0x66: {  	[spmem:s2] =	stream.indirect.scatter.add.f32 [tilespmem:s15], [sflag:$0x5], $0x40, s23, s14, $0xb8;
	[tilespmem:$0x192C0] =	vst v63  }
0x67: {  	_ =	swait.ge [sflag:s12], $0x1600  }
0x68: {  	[sflag:s12] =	ssyncset.done $0x0  }
0x69: {  	s1 =	sadd.s32 $0x108, s31;
	[sflag:s12] =	ssyncadd.s32 $0xFFFFEA00  }
0x6a: {  	[tilespmem:s19], [sflag:$0x4] =	stream.indirect.gather [hbm4b:s8+s14], $0x40, s1, s14, $0xb8;
	[tilespmem:$0x192C0] =	vst v63  }
0x6b: {  	_ =	swait.ge [sflag:s20], $0x1600  }
0x6c: {  	[sflag:s20] =	ssyncset.done $0x0  }
0x6d: {  	s13 =	sadd.s32 $0x4EB8, s31;
	[sflag:s20] =	ssyncadd.s32 $0xFFFFEA00  }
0x6e: {  	[spmem:s2] =	stream.indirect.scatter.add.f32 [tilespmem:s16], [sflag:$0x5], $0x40, s13, s14, $0xb8;
	[tilespmem:$0x192C0] =	vst v63  }
0x6f: {  	_ =	swait.ge [sflag:s12], $0x1600  }
0x70: {  	[sflag:s12] =	ssyncset.done $0x0  }
0x71: {  	s23 =	sadd.s32 $0x160, s31;
	[sflag:s12] =	ssyncadd.s32 $0xFFFFEA00  }
0x72: {  	[tilespmem:s15], [sflag:$0x1] =	stream.indirect.gather [hbm4b:s8+s14], $0x40, s23, s14, $0xb8;
	[tilespmem:$0x192C0] =	vst v63  }
0x73: {  	_ =	swait.ge [sflag:s21], $0x1600  }
0x74: {  	[sflag:s21] =	ssyncset.done $0x0  }
0x75: {  	s1 =	sadd.s32 $0x4F10, s31;
	[sflag:s21] =	ssyncadd.s32 $0xFFFFEA00  }
0x76: {  	[spmem:s2] =	stream.indirect.scatter.add.f32 [tilespmem:s17], [sflag:$0x5], $0x40, s1, s14, $0xb8;
	[tilespmem:$0x192C0] =	vst v63  }
0x77: {  	_ =	swait.ge [sflag:s12], $0x1600  }
0x78: {  	[sflag:s12] =	ssyncset.done $0x0  }
0x79: {  	s13 =	sadd.s32 $0x1B8, s31;
	[sflag:s12] =	ssyncadd.s32 $0xFFFFEA00  }
0x7a: {  	[tilespmem:s16], [sflag:$0x2] =	stream.indirect.gather [hbm4b:s8+s14], $0x40, s13, s14, $0xb8;
	[tilespmem:$0x192C0] =	vst v63  }
0x7b: {  	_ =	swait.ge [sflag:s22], $0x1600  }
0x7c: {  	[sflag:s22] =	ssyncset.done $0x0  }
0x7d: {  	s23 =	sadd.s32 $0x4F68, s31;
	[sflag:s22] =	ssyncadd.s32 $0xFFFFEA00  }
0x7e: {  	[spmem:s2] =	stream.indirect.scatter.add.f32 [tilespmem:s19], [sflag:$0x5], $0x40, s23, s14, $0xb8;
	[tilespmem:$0x192C0] =	vst v63  }
0x7f: {  	_ =	swait.ge [sflag:s12], $0x1600  }
0x80: {  	[sflag:s12] =	ssyncset.done $0x0  }
0x81: {  	s31 =	simm.s32 $0x4DB0;
	[sflag:s12] =	ssyncadd.s32 $0xFFFFEA00  }
0x82: {  	[tilespmem:s17], [sflag:$0x3] =	stream.indirect.gather [hbm4b:s8+s14], $0x40, s31, s14, $0xb8;
	[tilespmem:$0x192C0] =	vst v63  }
0x83: {  	_ =	swait.ge [sflag:s18], $0x1600  }
0x84: {  	[sflag:s18] =	ssyncset.done $0x0  }
0x85: {  	[sflag:s18] =	ssyncadd.s32 $0xFFFFEA00  }
0x86: {  	[spmem:s2] =	stream.indirect.scatter.add.f32 [tilespmem:s15], [sflag:$0x5], $0x40, s24, s14, $0xb8;
	[tilespmem:$0x192C0] =	vst v63  }
0x87: {  	_ =	swait.ge [sflag:s12], $0x1600  }
0x88: {  	[sflag:s12] =	ssyncset.done $0x0  }
0x89: {  	[sflag:s12] =	ssyncadd.s32 $0xFFFFEA00  }
0x8a: {  	[tilespmem:s19], [sflag:$0x4] =	stream.indirect.gather [hbm4b:s8+s14], $0x40, s25, s14, $0xb8;
	[tilespmem:$0x192C0] =	vst v63  }
0x8b: {  	_ =	swait.ge [sflag:s20], $0x1600  }
0x8c: {  	[sflag:s20] =	ssyncset.done $0x0  }
0x8d: {  	[sflag:s20] =	ssyncadd.s32 $0xFFFFEA00  }
0x8e: {  	[spmem:s2] =	stream.indirect.scatter.add.f32 [tilespmem:s16], [sflag:$0x5], $0x40, s26, s14, $0xb8;
	[tilespmem:$0x192C0] =	vst v63  }
0x8f: {  	_ =	swait.ge [sflag:s12], $0x1600  }
0x90: {  	[sflag:s12] =	ssyncset.done $0x0  }
0x91: {  	[sflag:s12] =	ssyncadd.s32 $0xFFFFEA00  }
0x92: {  	_ =	swait.ge [sflag:s21], $0x1600  }
0x93: {  	[sflag:s21] =	ssyncset.done $0x0  }
0x94: {  	[sflag:s21] =	ssyncadd.s32 $0xFFFFEA00  }
0x95: {  	[spmem:s2] =	stream.indirect.scatter.add.f32 [tilespmem:s17], [sflag:$0x5], $0x40, s28, s14, $0xb8;
	[tilespmem:$0x192C0] =	vst v63  }
0x96: {  	_ =	swait.ge [sflag:s12], $0x1600  }
0x97: {  	[sflag:s12] =	ssyncset.done $0x0  }
0x98: {  	[sflag:s12] =	ssyncadd.s32 $0xFFFFEA00  }
0x99: {  	_ =	swait.ge [sflag:s22], $0x1600  }
0x9a: {  	[sflag:s22] =	ssyncset.done $0x0  }
0x9b: {  	[sflag:s22] =	ssyncadd.s32 $0xFFFFEA00  }
0x9c: {  	[spmem:s2] =	stream.indirect.scatter.add.f32 [tilespmem:s19], [sflag:$0x5], $0x40, s29, s14, $0xb8;
	[tilespmem:$0x192C0] =	vst v63  }
0x9d: {  	_ =	swait.ge [sflag:s12], $0x1600  }
0x9e: {  	s30 =	sadd.s32 $0x1, s30;
	[sflag:s12] =	ssyncset.done $0x0  }
0x9f: {  	p0 =	sne.s32 s30, s10;
	[sflag:s12] =	ssyncadd.s32 $0xFFFFEA00  }
.Ltmp1:
0xa0: {  	[bflag:$0x0] =	sbarrier.arrive $0xFFFF;
	(pc) =	sbr.rel @p0 .LBB2_1-.Ltmp1, $4  }
0xa1: {  	[hbm:s9], [sflag:s5] =	dma.local [spmem:s11], $0x13C0  }
0xa2: {  	_ =	swait.ge [sflag:s12], $0x13C0  }
0xa3: {  	[sflag:s12] =	ssyncset.done $0x0  }
0xa4: {  	[sflag:s12] =	ssyncadd.s32 $0xFFFFEC40  }
0xa5: {  	_ =	sfence.sel $0x180000  }
0xa6: {  	[bflag:$0x0] =	sbarrier.arrive $0xFFFF  }
0xa7: {  	_ =	strace $0x90000047  }
0xa8: {  	s0 =	stileid.u32;
	[bflag:$0x2] =	sbarrier.arrive $0xFFFF  }
0xa9: {  	p0 =	sne.s32 s0, $0x0;
	s0 =	rddreg [dreg:$0x2]  }
0xaa: {  	s0 =	sadd.s32 @!p0 $0x100000, s0  }
0xab: {  	[sflag:s0] =	ssyncadd.tile.s32 @!p0 $0x1;
	_ =	shalt  }
.Lfunc_end2:
_tile_overlayer_lowered:
.L_overlay_start_2:
0xac: {  	(tag) =	ssettag $0x2  }
0xad: {  	s0 =	rddreg [dreg:$0x0];
	s2 =	stileid.u32  }
0xae: {  	s1 =	rddreg [dreg:$0x1];
	p0 =	sne.s32 s2, $0x0  }
0xaf: {  	s3 =	rddreg [dreg:$0x2];
	[bflag:$0x3] =	sbarrier.arrive $0xFFFF;
	s2 =	simm.s32 @!p0 $0x1C05  }
0xb0: {  	[timem:s3], [sflag:s2] =	dma.local @!p0 [hbm:s0], s1  }
0xb1: {  	s0 =	simm.s32 @!p0 $0x5  }
0xb2: {  	_ =	swait.ge @!p0 [sflag:s0], s1  }
0xb3: {  	s1 =	ssub.s32 @!p0 $0x0, s1;
	[sflag:s0] =	ssyncset.done @!p0 $0x0  }
0xb4: {  	[sflag:s0] =	ssyncadd.s32 @!p0 s1  }
0xb5: {  	[bflag:$0x3] =	sbarrier.arrive $0xFFFF  }
0xb6: {  	_ =	shalt  }

// kernel: kernel.16.cloned.1.call-start
scs
__scs_entry_jumppad:
0x0: {  	(pc) =	sbr.rel $0x88, $3  }
0x1: {  	(tag) =	ssettag $0x0;
	lr =	simm.s32 $0x1  }
0x2: {  	[smem:$0x3F83] =	sst lr;
	_ =	strace $0xD0000000  }
0x3: {  	_ = 	snop  }
0x4: {  	_ = 	snop  }
0x5: {  	_ = 	snop  }
0x6: {  	_ = 	snop  }
0x7: {  	_ = 	snop  }
__scs_overlays_trampoline_lowered:
0x8: {  	[smem:$0x3F92] =	sst s0  }
0x9: {  	[smem:$0x3F93] =	sst s1  }
0xa: {  	[smem:$0x3F94] =	sst s2  }
0xb: {  	[smem:$0x3F95] =	sst s3  }
0xc: {  	[smem:$0x3F96] =	sst s4  }
0xd: {  	[smem:$0x3F97] =	sst s5  }
0xe: {  	[smem:$0x3F98] =	sst s6  }
0xf: {  	[smem:$0x3F99] =	sst s7  }
0x10: {  	[smem:$0x3F9A] =	sst s8  }
0x11: {  	[smem:$0x3F9B] =	sst s9;
	s0 =	simm.s32 @!p0 $0x0  }
0x12: {  	s1 =	sld [smem:$0x3F81];
	s0 =	simm.s32 @p0 $0x1  }
0x13: {  	[smem:$0x3F9C] =	sst s0;
	s0 =	simm.s32 @!p1 $0x0  }
0x14: {  	s2 =	sld [smem:$0x3F80];
	s0 =	simm.s32 @p1 $0x1  }
0x15: {  	[smem:$0x3F9D] =	sst s0;
	s0 =	simm.s32 @!p2 $0x0  }
0x16: {  	s3 =	sld [smem:$0x3FDB];
	s0 =	simm.s32 @p2 $0x1  }
0x17: {  	s4 =	simm.s32 $0x1BF5;
	[smem:$0x3F9F] =	sst s0  }
0x18: {  	s0 =	sld [smem:$0x3F82];
	_ =	swait.ge [sflag:s4], $0x0  }
0x19: {  	s7 =	sld [smem:$0x3F83]  }
0x1a: {  	s8 =	sadd.s32 $0xFFFFE003, lr  }
0x1b: {  	s9 =	sadd.s32 $0xFFFFFEF7, lr;
	s5 =	simm.s32 $0xFFFFFFFF;
	p2 =	slt.u32 s8, $0xFFFFF086  }
0x1c: {  	p1 =	slt.u32 s9, $0xF7A;
	s5 =	simm.s32 @!p2 $0x0  }
0x1d: {  	s5 =	simm.s32 @p1 $0x1;
	p0 =	seq.s32 s7, s2  }
0x1e: {  	s7 =	smul.u32 @!p0 $0xF7A, s2;
	p2 =	seq.s32 @!p0 s5, $0x0  }
0x1f: {  	s9 =	smul.u32 $0xF7A, s1;
	s8 =	simm.s32 @!p0 $0x1BF5;
	p2 =	por !p2, p0  }
0x20: {  	[sflag:s8] =	ssyncset.s32 @!p0 $0xFFFFF086;
	s6 =	sadd.s32 @!p0 s3, s7;
	s7 =	simm.s32 @!p0 $0x108  }
0x21: {  	s3 =	sadd.s32 s3, s9;
	s6 =	sadd.s32 @!p0 $0x88, s6;
	s7 =	simm.s32 @p2 $0x1082  }
0x22: {  	[simem:s7], [sflag:s8] =	dma.local @!p0 [hbm:s6], $0xF7A  }
0x23: {  	s9 =	sor.u32 $0xD0000000, s2;
	s6 =	simm.s32 $0x108;
	_ =	swait.ge @!p0 [sflag:s8], $0x0  }
0x24: {  	s3 =	sadd.s32 $0x88, s3;
	s6 =	simm.s32 @!p1 $0x1082;
	[sflag:s4] =	ssyncset.s32 $0xFFFFF086  }
0x25: {  	[simem:s6], [sflag:s4] =	dma.local [hbm:s3], $0xF7A  }
0x26: {  	[smem:$0x3F83] =	sst s1;
	(tag) =	ssettag s2;
	_ =	strace s9  }
0x27: {  	s1 =	sld [smem:$0x3F93]  }
0x28: {  	s2 =	sld [smem:$0x3F94]  }
0x29: {  	s4 =	sld [smem:$0x3F96]  }
0x2a: {  	p0 =	seq.s32 s5, $0x0;
	s5 =	sld [smem:$0x3F97]  }
0x2b: {  	s6 =	sld [smem:$0x3F98]  }
0x2c: {  	s7 =	sld [smem:$0x3F99]  }
0x2d: {  	s3 =	simm.s32 $0x108;
	s8 =	sld [smem:$0x3F9A]  }
0x2e: {  	s3 =	simm.s32 @!p0 $0x1082;
	s9 =	sld [smem:$0x3F9B]  }
0x2f: {  	lr =	sadd.s32 s0, s3;
	s0 =	sld [smem:$0x3F92]  }
0x30: {  	s3 =	sld [smem:$0x3F95]  }
0x31: {  	[smem:$0x3F9E] =	sst s10  }
0x32: {  	s10 =	sld [smem:$0x3F9C];
	_ =	sdelay $0x3  }
0x33: {  	p0 =	seq.s32 s10, $0x1;
	s10 =	sld [smem:$0x3F9E];
	_ =	sdelay $0x3  }
0x34: {  	[smem:$0x3F9E] =	sst s10  }
0x35: {  	s10 =	sld [smem:$0x3F9D];
	_ =	sdelay $0x3  }
0x36: {  	p1 =	seq.s32 s10, $0x1;
	s10 =	sld [smem:$0x3F9E];
	_ =	sdelay $0x3  }
0x37: {  	[smem:$0x3F9E] =	sst s10  }
0x38: {  	s10 =	sld [smem:$0x3F9F]  }
0x39: {  	_ = 	snop;
	(pc) =	sbr.ind lr, $3  }
0x3a: {  	_ = 	snop  }
0x3b: {  	_ = 	snop  }
0x3c: {  	p2 =	seq.s32 s10, $0x1;
	s10 =	sld [smem:$0x3F9E]  }
0x3d: {  	_ =	shalt  }
0x3e: {  	_ =	shalt  }
0x3f: {  	_ =	shalt  }
0x40: {  	_ =	shalt  }
0x41: {  	_ =	shalt  }
0x42: {  	_ =	shalt  }
0x43: {  	_ =	shalt  }
0x44: {  	_ =	shalt  }
0x45: {  	_ =	shalt  }
0x46: {  	_ =	shalt  }
0x47: {  	_ =	shalt  }
0x48: {  	_ =	shalt  }
0x49: {  	_ =	shalt  }
0x4a: {  	_ =	shalt  }
0x4b: {  	_ =	shalt  }
0x4c: {  	_ =	shalt  }
0x4d: {  	_ =	shalt  }
0x4e: {  	_ =	shalt  }
0x4f: {  	_ =	shalt  }
0x50: {  	_ =	shalt  }
0x51: {  	_ =	shalt  }
0x52: {  	_ =	shalt  }
0x53: {  	_ =	shalt  }
0x54: {  	_ =	shalt  }
0x55: {  	_ =	shalt  }
0x56: {  	_ =	shalt  }
0x57: {  	_ =	shalt  }
0x58: {  	_ =	shalt  }
0x59: {  	_ =	shalt  }
0x5a: {  	_ =	shalt  }
0x5b: {  	_ =	shalt  }
0x5c: {  	_ =	shalt  }
0x5d: {  	_ =	shalt  }
0x5e: {  	_ =	shalt  }
0x5f: {  	_ =	shalt  }
0x60: {  	_ =	shalt  }
0x61: {  	_ =	shalt  }
0x62: {  	_ =	shalt  }
0x63: {  	_ =	shalt  }
0x64: {  	_ =	shalt  }
0x65: {  	_ =	shalt  }
0x66: {  	_ =	shalt  }
0x67: {  	_ =	shalt  }
0x68: {  	_ =	shalt  }
0x69: {  	_ =	shalt  }
0x6a: {  	_ =	shalt  }
0x6b: {  	_ =	shalt  }
0x6c: {  	_ =	shalt  }
0x6d: {  	_ =	shalt  }
0x6e: {  	_ =	shalt  }
0x6f: {  	_ =	shalt  }
0x70: {  	_ =	shalt  }
0x71: {  	_ =	shalt  }
0x72: {  	_ =	shalt  }
0x73: {  	_ =	shalt  }
0x74: {  	_ =	shalt  }
0x75: {  	_ =	shalt  }
0x76: {  	_ =	shalt  }
0x77: {  	_ =	shalt  }
0x78: {  	_ =	shalt  }
0x79: {  	_ =	shalt  }
0x7a: {  	_ =	shalt  }
0x7b: {  	_ =	shalt  }
0x7c: {  	_ =	shalt  }
0x7d: {  	_ =	shalt  }
0x7e: {  	_ =	shalt  }
0x7f: {  	_ =	shalt  }
0x80: {  	_ =	shalt  }
0x81: {  	_ =	shalt  }
0x82: {  	_ =	shalt  }
0x83: {  	_ =	shalt  }
0x84: {  	_ =	shalt  }
0x85: {  	_ =	shalt  }
0x86: {  	_ =	shalt  }
0x87: {  	_ =	shalt  }
.Lfunc_end0:
.L_simem_size_0:
called_computation.1_lowered:
.L_overlay_start_0:
0x88: {  	s2 =	sld [smem:$0x3FD9]  }
0x89: {  	s3 =	sld [smem:$0x3FFE];
	_ =	sdelay $0x1  }
0x8a: {  	s1 =	srdreg.scid  }
0x8b: {  	s0 =	sand.u32 $0x1, s1  }
0x8c: {  	s16 =	sshll.u32 s0, $0xA;
	s2 =	sadd.s32 s3, s2  }
0x8d: {  	s2 =	sadd.s32 s2, s16  }
0x8e: {  	[smem:$0x3FAA] =	sst s2  }
0x8f: {  	_ = 	snop  }
0x90: {  	(tm) =	ssettm $0x1  }
0x91: {  	s17 =	sld [smem:$0x3FFB];
	_ =	sdelay $0x3  }
0x92: {  	_ =	strace s17  }
0x93: {  	s2 =	sld [smem:$0x3FFC];
	_ =	sdelay $0x3  }
0x94: {  	_ =	strace s2  }
0x95: {  	s2 =	sld [smem:$0x3FFD];
	_ =	sdelay $0x3  }
0x96: {  	_ =	strace s2  }
0x97: {  	_ =	strace $0x8FFFFFFF  }
0x98: {  	s18 =	sld [smem:$0x3FDB];
	_ =	sdelay $0x1  }
0x99: {  	s19 =	simm.s32 $_scs_section_size  }
0x9a: {  	s4 =	simm.s32 $_size__tile_overlayer_lowered;
	s5 =	simm.s32 $_tile_overlayer_lowered  }
0x9b: {  	s22 =	simm.s32 $0x1BFF;
	s21 =	sshll.u32 s5, $0x1;
	s2 =	sadd.s32 s19, s18  }
0x9c: {  	s6 =	simm.s32 $0x0;
	s20 =	sshll.u32 s4, $0x1;
	s4 =	sadd.s32 s21, s2  }
0x9d: {  	[timem:s6], [sflag:s22] =	dma.local [hbm:s4], s20  }
0x9e: {  	_ =	swait.ge [sflag:s22], s20  }
0x9f: {  	s3 =	ssub.s32 $0x0, s20;
	[sflag:s22] =	ssyncset.done $0x0  }
0xa0: {  	[sflag:s22] =	ssyncadd.s32 s3;
	_ =	sdelay $0x1  }
0xa1: {  	s23 =	simm.s32 $0x1B8B  }
0xa2: {  	_ =	swait.ge [sflag:s23], $0x1  }
0xa3: {  	[sflag:s23] =	ssyncset.done $0x0  }
0xa4: {  	s25 =	simm.s32 $0x1B8E;
	s24 =	sld [smem:$0x3FFE];
	[sflag:s23] =	ssyncadd.s32 $0xFFFFFFFF  }
0xa5: {  	s26 =	simm.s32 $execute0_lowered;
	[smem:$0x3FD2] =	sst s25  }
0xa6: {  	s4 =	sshll.u32 s26, $0x1;
	_ =	strace $0x80000049;
	[dreg:$0x1] =	wrdreg $0xFFFFFFFF  }
0xa7: {  	s28 =	simm.s32 $_size_execute0_lowered;
	s2 =	sadd.s32 s2, s4;
	[dreg:$0x0] =	wrdreg $0x0  }
0xa8: {  	s4 =	sshll.u32 s28, $0x1;
	[dreg:$0x2] =	wrdreg s2  }
0xa9: {  	[dreg:$0x3] =	wrdreg s4  }
0xaa: {  	[dreg:$0x4] =	wrdreg $0xC0  }
0xab: {  	_ =	task [dreg:s6], $0x5FFFF  }
0xac: {  	[dreg:$0x1] =	wrdreg $0xFFFFFFFF  }
0xad: {  	[dreg:$0x0] =	wrdreg $0x60  }
0xae: {  	[dreg:$0x2] =	wrdreg s24  }
0xaf: {  	[dreg:$0x3] =	wrdreg $0xF4C00  }
0xb0: {  	[dreg:$0x4] =	wrdreg $0x9  }
0xb1: {  	_ =	task.clear_ibuf [dreg:s6], $0x5FFFF;
	_ =	strace $0x90000049  }
0xb2: {  	s29 =	simm.s32 $0x9;
	_ =	strace $0x8000004B  }
0xb3: {  	_ =	swait.ge [sflag:s29], $0x1  }
0xb4: {  	[sflag:s29] =	ssyncadd.s32 $0xFFFFFFFF  }
0xb5: {  	_ =	strace $0x9000004B  }
0xb6: {  	_ =	sfence  }
0xb7: {  	s30 =	sld [smem:$0x0];
	_ =	sdelay $0x2  }
0xb8: {  	s31 =	sshll.u32 s1, $0xD;
	s1 =	sshrl.u32 s1, $0x2  }
0xb9: {  	s3 =	sand.u32 $0x4000, s31;
	s1 =	sadd.s32 s1, s30  }
0xba: {  	s0 =	sor.u32 s3, s0;
	s1 =	sshll.u32 s1, $0x11  }
0xbb: {  	s0 =	sor.u32 s1, s0  }
0xbc: {  	s0 =	sadd.s32 $0x8F2B, s0  }
0xbd: {  	[sflag:s0] =	ssyncadd.remote.s32 $0x1  }
0xbe: {  	_ =	sfence.sel $0xFFFF  }
0xbf: {  	[dreg:$0x0] =	wrdreg $0xFFFFFFFF;
	(pc) =	sbr.abs _section_cstart, $3  }
0xc0: {  	[dreg:$0x1] =	wrdreg $0xFFFFFFFF  }
0xc1: {  	_ =	task.clear_ibuf [dreg:s6], $0x2FFFF;
	_ =	strace $0x9FFFFFFF  }
0xc2: {  	(tm) =	ssettm $0x7FFFFFFF  }
0xc3: {  	_ =	shalt  }
tec
execute0_lowered:
.L_overlay_start_1:
0x0: {  	(tag) =	ssettag $0x1  }
0x1: {  	s0 =	srdreg.scid;
	s1 =	rddreg [dreg:$0x0]  }
0x2: {  	s10 =	stileid.u32;
	s2 =	rddreg [dreg:$0x1]  }
0x3: {  	s3 =	simm.s32 $0x0;
	s12 =	simm.s32 $0x5;
	s14 =	simm.s32 $0x58  }
0x4: {  	s15 =	simm.s32 $0x9CC0;
	s16 =	simm.s32 $0xB2C0;
	s17 =	simm.s32 $0xC8C0  }
0x5: {  	s18 =	simm.s32 $0x1;
	s19 =	simm.s32 $0xDEC0;
	s20 =	simm.s32 $0x2  }
0x6: {  	s21 =	simm.s32 $0x3;
	s22 =	simm.s32 $0x4;
	s24 =	simm.s32 $0x9B60  }
0x7: {  	s28 =	simm.s32 $0x9C10;
	s29 =	simm.s32 $0x9C68;
	s5 =	smul.u32 $0x9CC, s10  }
0x8: {  	s30 =	simm.s32 $0x0;
	s0 =	sand.u32 $0x1, s0;
	s6 =	smul.u32 $0x9E00, s10  }
0x9: {  	[smem:$0x7FF] =	sst s3;
	s31 =	sshll.u32 s10, $0x6;
	s4 =	smul.u32 $0x13880, s0  }
0xa: {  	s7 =	smul.u32 $0x9E000, s0;
	_ =	strace $0x8000004A;
	s0 =	ssub.s32 $0x2, s0  }
0xb: {  	s9 =	sadd.s32 s5, s1;
	s26 =	sshrl.u32 s0, $0x1;
	s11 =	sadd.s32 s6, s2  }
0xc: {  	s8 =	sadd.s32 s4, s1;
	s25 =	sadd.s32 s6, s7;
	s4 =	sadd.s32 $0x3F200, s1  }
0xd: {  	s0 =	ssub.s32 s0, s26;
	s6 =	sadd.s32 $0x35400, s9;
	s7 =	sadd.s32 $0x2B600, s9  }
0xe: {  	s11 =	sshrl.u32 s11, $0x3;
	s26 =	simm.s32 $0x9BB8;
	s5 =	sshrl.u32 s25, $0x3  }
0xf: {  	s8 =	sadd.s32 $0x4400, s8;
	s10 =	smax.u32 s0, $0x1;
	s1 =	sadd.s32 s5, s1  }
0x10: {  	s25 =	simm.s32 $0x4E08;
	s5 =	sor.u32 $0x1C05, s31;
	s9 =	sadd.s32 $0x40600, s1  }
.LBB2_1:
0x11: {  	[spmem:s11], [sflag:s5] =	dma.local [hbm:s4], $0x13C0  }
0x12: {  	_ =	swait.ge [sflag:s12], $0x13C0  }
0x13: {  	[sflag:s12] =	ssyncset.done $0x0  }
0x14: {  	[sflag:s12] =	ssyncadd.s32 $0xFFFFEC40  }
0x15: {  	[tilespmem:s3], [sflag:$0x5] =	stream.linear.gather [hbm4b:s6+s3], $0x4E60, $0x38;
	[tilespmem:$0x192C0] =	vst v63  }
0x16: {  	_ =	swait.ge [sflag:s12], $0x4E60  }
0x17: {  	[sflag:s12] =	ssyncset.done $0x0  }
0x18: {  	s0 =	simm.s32 $0x4E60;
	[sflag:s12] =	ssyncadd.s32 $0xFFFFB1A0  }
0x19: {  	[tilespmem:s0], [sflag:$0x5] =	stream.linear.gather [hbm4b:s7+s3], $0x4E60, $0x38;
	[tilespmem:$0x192C0] =	vst v63  }
0x1a: {  	_ =	swait.ge [sflag:s12], $0x4E60  }
0x1b: {  	[sflag:s12] =	ssyncset.done $0x0  }
0x1c: {  	[sflag:s12] =	ssyncadd.s32 $0xFFFFB1A0  }
0x1d: {  	[tilespmem:s15], [sflag:$0x1] =	stream.indirect.gather [hbm4b:s8+s14], $0x40, s3, s14, $0xb8;
	[tilespmem:$0x192C0] =	vst v63  }
0x1e: {  	_ = 	snop  }
0x1f: {  	[tilespmem:s16], [sflag:$0x2] =	stream.indirect.gather [hbm4b:s8+s14], $0x40, s14, s14, $0xb8;
	[tilespmem:$0x192C0] =	vst v63  }
0x20: {  	s13 =	simm.s32 $0xB0;
	[bflag:$0x0] =	sbarrier.arrive $0xFFFF  }
0x21: {  	[tilespmem:s17], [sflag:$0x3] =	stream.indirect.gather [hbm4b:s8+s14], $0x40, s13, s14, $0xb8;
	[tilespmem:$0x192C0] =	vst v63  }
0x22: {  	_ =	swait.ge [sflag:s18], $0x1600  }
0x23: {  	[sflag:s18] =	ssyncset.done $0x0  }
0x24: {  	s23 =	simm.s32 $0x4E60;
	[sflag:s18] =	ssyncadd.s32 $0xFFFFEA00  }
0x25: {  	[spmem:s2] =	stream.indirect.scatter.add.f32 [tilespmem:s15], [sflag:$0x5], $0x40, s23, s14, $0xb8;
	[tilespmem:$0x192C0] =	vst v63  }
0x26: {  	_ =	swait.ge [sflag:s12], $0x1600  }
0x27: {  	[sflag:s12] =	ssyncset.done $0x0  }
0x28: {  	s1 =	simm.s32 $0x108;
	[sflag:s12] =	ssyncadd.s32 $0xFFFFEA00  }
0x29: {  	[tilespmem:s19], [sflag:$0x4] =	stream.indirect.gather [hbm4b:s8+s14], $0x40, s1, s14, $0xb8;
	[tilespmem:$0x192C0] =	vst v63  }
0x2a: {  	_ =	swait.ge [sflag:s20], $0x1600  }
0x2b: {  	[sflag:s20] =	ssyncset.done $0x0  }
0x2c: {  	s13 =	simm.s32 $0x4EB8;
	[sflag:s20] =	ssyncadd.s32 $0xFFFFEA00  }
0x2d: {  	[spmem:s2] =	stream.indirect.scatter.add.f32 [tilespmem:s16], [sflag:$0x5], $0x40, s13, s14, $0xb8;
	[tilespmem:$0x192C0] =	vst v63  }
0x2e: {  	_ =	swait.ge [sflag:s12], $0x1600  }
0x2f: {  	[sflag:s12] =	ssyncset.done $0x0  }
0x30: {  	s23 =	simm.s32 $0x160;
	[sflag:s12] =	ssyncadd.s32 $0xFFFFEA00  }
0x31: {  	[tilespmem:s15], [sflag:$0x1] =	stream.indirect.gather [hbm4b:s8+s14], $0x40, s23, s14, $0xb8;
	[tilespmem:$0x192C0] =	vst v63  }
0x32: {  	_ =	swait.ge [sflag:s21], $0x1600  }
0x33: {  	[sflag:s21] =	ssyncset.done $0x0  }
0x34: {  	s1 =	simm.s32 $0x4F10;
	[sflag:s21] =	ssyncadd.s32 $0xFFFFEA00  }
0x35: {  	[spmem:s2] =	stream.indirect.scatter.add.f32 [tilespmem:s17], [sflag:$0x5], $0x40, s1, s14, $0xb8;
	[tilespmem:$0x192C0] =	vst v63  }
0x36: {  	_ =	swait.ge [sflag:s12], $0x1600  }
0x37: {  	[sflag:s12] =	ssyncset.done $0x0  }
0x38: {  	s13 =	simm.s32 $0x1B8;
	[sflag:s12] =	ssyncadd.s32 $0xFFFFEA00  }
0x39: {  	[tilespmem:s16], [sflag:$0x2] =	stream.indirect.gather [hbm4b:s8+s14], $0x40, s13, s14, $0xb8;
	[tilespmem:$0x192C0] =	vst v63  }
0x3a: {  	_ =	swait.ge [sflag:s22], $0x1600  }
0x3b: {  	[sflag:s22] =	ssyncset.done $0x0  }
0x3c: {  	s23 =	simm.s32 $0x4F68;
	[sflag:s22] =	ssyncadd.s32 $0xFFFFEA00  }
0x3d: {  	[spmem:s2] =	stream.indirect.scatter.add.f32 [tilespmem:s19], [sflag:$0x5], $0x40, s23, s14, $0xb8;
	[tilespmem:$0x192C0] =	vst v63  }
0x3e: {  	_ =	swait.ge [sflag:s12], $0x1600  }
0x3f: {  	s31 =	simm.s32 $0x160;
	s1 =	simm.s32 $0xB00;
	[sflag:s12] =	ssyncset.done $0x0  }
.LBB2_2:
0x40: {  	s23 =	sadd.s32 $0xB0, s31  }
0x41: {  	[sflag:s12] =	ssyncadd.s32 $0xFFFFEA00;
	s0 =	smov.u32 s1;
	s13 =	sadd.s32 $0x580, s1  }
0x42: {  	[tilespmem:s17], [sflag:$0x3] =	stream.indirect.gather [hbm4b:s8+s14], $0x40, s23, s14, $0xb8;
	[tilespmem:$0x192C0] =	vst v63  }
0x43: {  	p0 =	sne.s32 s1, $0x12E80;
	_ =	swait.ge [sflag:s18], $0x1600  }
0x44: {  	[sflag:s18] =	ssyncset.done $0x0  }
0x45: {  	s1 =	sadd.s32 $0x4E60, s31;
	[sflag:s18] =	ssyncadd.s32 $0xFFFFEA00  }
0x46: {  	[spmem:s2] =	stream.indirect.scatter.add.f32 [tilespmem:s15], [sflag:$0x5], $0x40, s1, s14, $0xb8;
	[tilespmem:$0x192C0] =	vst v63  }
0x47: {  	_ =	swait.ge [sflag:s12], $0x1600  }
0x48: {  	[sflag:s12] =	ssyncset.done $0x0  }
0x49: {  	s1 =	sadd.s32 $0x108, s31;
	[sflag:s12] =	ssyncadd.s32 $0xFFFFEA00  }
0x4a: {  	[tilespmem:s19], [sflag:$0x4] =	stream.indirect.gather [hbm4b:s8+s14], $0x40, s1, s14, $0xb8;
	[tilespmem:$0x192C0] =	vst v63  }
0x4b: {  	_ =	swait.ge [sflag:s20], $0x1600  }
0x4c: {  	[sflag:s20] =	ssyncset.done $0x0  }
0x4d: {  	s1 =	sadd.s32 $0x4EB8, s31;
	[sflag:s20] =	ssyncadd.s32 $0xFFFFEA00  }
0x4e: {  	[spmem:s2] =	stream.indirect.scatter.add.f32 [tilespmem:s16], [sflag:$0x5], $0x40, s1, s14, $0xb8;
	[tilespmem:$0x192C0] =	vst v63  }
0x4f: {  	_ =	swait.ge [sflag:s12], $0x1600  }
0x50: {  	[sflag:s12] =	ssyncset.done $0x0  }
0x51: {  	s1 =	sadd.s32 $0x160, s31;
	[sflag:s12] =	ssyncadd.s32 $0xFFFFEA00  }
0x52: {  	[tilespmem:s15], [sflag:$0x1] =	stream.indirect.gather [hbm4b:s8+s14], $0x40, s1, s14, $0xb8;
	[tilespmem:$0x192C0] =	vst v63  }
0x53: {  	_ =	swait.ge [sflag:s21], $0x1600  }
0x54: {  	[sflag:s21] =	ssyncset.done $0x0  }
0x55: {  	s1 =	sadd.s32 $0x4F10, s31;
	[sflag:s21] =	ssyncadd.s32 $0xFFFFEA00  }
0x56: {  	[spmem:s2] =	stream.indirect.scatter.add.f32 [tilespmem:s17], [sflag:$0x5], $0x40, s1, s14, $0xb8;
	[tilespmem:$0x192C0] =	vst v63  }
0x57: {  	_ =	swait.ge [sflag:s12], $0x1600  }
0x58: {  	[sflag:s12] =	ssyncset.done $0x0  }
0x59: {  	s1 =	sadd.s32 $0x1B8, s31;
	[sflag:s12] =	ssyncadd.s32 $0xFFFFEA00  }
0x5a: {  	[tilespmem:s16], [sflag:$0x2] =	stream.indirect.gather [hbm4b:s8+s14], $0x40, s1, s14, $0xb8;
	[tilespmem:$0x192C0] =	vst v63  }
0x5b: {  	_ =	swait.ge [sflag:s22], $0x1600  }
.Ltmp0:
0x5c: {  	[sflag:s22] =	ssyncset.done $0x0;
	(pc) =	sbr.rel @p0 .LBB2_2-.Ltmp0, $4  }
0x5d: {  	s1 =	sadd.s32 $0x4F68, s31;
	[sflag:s22] =	ssyncadd.s32 $0xFFFFEA00  }
0x5e: {  	[spmem:s2] =	stream.indirect.scatter.add.f32 [tilespmem:s19], [sflag:$0x5], $0x40, s1, s14, $0xb8;
	[tilespmem:$0x192C0] =	vst v63  }
0x5f: {  	_ =	swait.ge [sflag:s12], $0x1600  }
0x60: {  	s31 =	sshra.s32 s0, $0x2;
	s1 =	smov.u32 s13;
	[sflag:s12] =	ssyncset.done $0x0  }
0x61: {  	s0 =	sadd.s32 $0xB0, s31;
	[sflag:s12] =	ssyncadd.s32 $0xFFFFEA00  }
0x62: {  	[tilespmem:s17], [sflag:$0x3] =	stream.indirect.gather [hbm4b:s8+s14], $0x40, s0, s14, $0xb8;
	[tilespmem:$0x192C0] =	vst v63  }
0x63: {  	_ =	swait.ge [sflag:s18], $0x1600  }
0x64: {  	[sflag:s18] =	ssyncset.done $0x0  }
0x65: {  	s23 =	sadd.s32 $0x4E60, s31;
	[sflag:s18] =	ssyncadd.s32 $0xFFFFEA00  }
0x66: {  	[spmem:s2] =	stream.indirect.scatter.add.f32 [tilespmem:s15], [sflag:$0x5], $0x40, s23, s14, $0xb8;
	[tilespmem:$0x192C0] =	vst v63  }
0x67: {  	_ =	swait.ge [sflag:s12], $0x1600  }
0x68: {  	[sflag:s12] =	ssyncset.done $0x0  }
0x69: {  	s1 =	sadd.s32 $0x108, s31;
	[sflag:s12] =	ssyncadd.s32 $0xFFFFEA00  }
0x6a: {  	[tilespmem:s19], [sflag:$0x4] =	stream.indirect.gather [hbm4b:s8+s14], $0x40, s1, s14, $0xb8;
	[tilespmem:$0x192C0] =	vst v63  }
0x6b: {  	_ =	swait.ge [sflag:s20], $0x1600  }
0x6c: {  	[sflag:s20] =	ssyncset.done $0x0  }
0x6d: {  	s13 =	sadd.s32 $0x4EB8, s31;
	[sflag:s20] =	ssyncadd.s32 $0xFFFFEA00  }
0x6e: {  	[spmem:s2] =	stream.indirect.scatter.add.f32 [tilespmem:s16], [sflag:$0x5], $0x40, s13, s14, $0xb8;
	[tilespmem:$0x192C0] =	vst v63  }
0x6f: {  	_ =	swait.ge [sflag:s12], $0x1600  }
0x70: {  	[sflag:s12] =	ssyncset.done $0x0  }
0x71: {  	s23 =	sadd.s32 $0x160, s31;
	[sflag:s12] =	ssyncadd.s32 $0xFFFFEA00  }
0x72: {  	[tilespmem:s15], [sflag:$0x1] =	stream.indirect.gather [hbm4b:s8+s14], $0x40, s23, s14, $0xb8;
	[tilespmem:$0x192C0] =	vst v63  }
0x73: {  	_ =	swait.ge [sflag:s21], $0x1600  }
0x74: {  	[sflag:s21] =	ssyncset.done $0x0  }
0x75: {  	s1 =	sadd.s32 $0x4F10, s31;
	[sflag:s21] =	ssyncadd.s32 $0xFFFFEA00  }
0x76: {  	[spmem:s2] =	stream.indirect.scatter.add.f32 [tilespmem:s17], [sflag:$0x5], $0x40, s1, s14, $0xb8;
	[tilespmem:$0x192C0] =	vst v63  }
0x77: {  	_ =	swait.ge [sflag:s12], $0x1600  }
0x78: {  	[sflag:s12] =	ssyncset.done $0x0  }
0x79: {  	s13 =	sadd.s32 $0x1B8, s31;
	[sflag:s12] =	ssyncadd.s32 $0xFFFFEA00  }
0x7a: {  	[tilespmem:s16], [sflag:$0x2] =	stream.indirect.gather [hbm4b:s8+s14], $0x40, s13, s14, $0xb8;
	[tilespmem:$0x192C0] =	vst v63  }
0x7b: {  	_ =	swait.ge [sflag:s22], $0x1600  }
0x7c: {  	[sflag:s22] =	ssyncset.done $0x0  }
0x7d: {  	s23 =	sadd.s32 $0x4F68, s31;
	[sflag:s22] =	ssyncadd.s32 $0xFFFFEA00  }
0x7e: {  	[spmem:s2] =	stream.indirect.scatter.add.f32 [tilespmem:s19], [sflag:$0x5], $0x40, s23, s14, $0xb8;
	[tilespmem:$0x192C0] =	vst v63  }
0x7f: {  	_ =	swait.ge [sflag:s12], $0x1600  }
0x80: {  	[sflag:s12] =	ssyncset.done $0x0  }
0x81: {  	s31 =	simm.s32 $0x4DB0;
	[sflag:s12] =	ssyncadd.s32 $0xFFFFEA00  }
0x82: {  	[tilespmem:s17], [sflag:$0x3] =	stream.indirect.gather [hbm4b:s8+s14], $0x40, s31, s14, $0xb8;
	[tilespmem:$0x192C0] =	vst v63  }
0x83: {  	_ =	swait.ge [sflag:s18], $0x1600  }
0x84: {  	[sflag:s18] =	ssyncset.done $0x0  }
0x85: {  	[sflag:s18] =	ssyncadd.s32 $0xFFFFEA00  }
0x86: {  	[spmem:s2] =	stream.indirect.scatter.add.f32 [tilespmem:s15], [sflag:$0x5], $0x40, s24, s14, $0xb8;
	[tilespmem:$0x192C0] =	vst v63  }
0x87: {  	_ =	swait.ge [sflag:s12], $0x1600  }
0x88: {  	[sflag:s12] =	ssyncset.done $0x0  }
0x89: {  	[sflag:s12] =	ssyncadd.s32 $0xFFFFEA00  }
0x8a: {  	[tilespmem:s19], [sflag:$0x4] =	stream.indirect.gather [hbm4b:s8+s14], $0x40, s25, s14, $0xb8;
	[tilespmem:$0x192C0] =	vst v63  }
0x8b: {  	_ =	swait.ge [sflag:s20], $0x1600  }
0x8c: {  	[sflag:s20] =	ssyncset.done $0x0  }
0x8d: {  	[sflag:s20] =	ssyncadd.s32 $0xFFFFEA00  }
0x8e: {  	[spmem:s2] =	stream.indirect.scatter.add.f32 [tilespmem:s16], [sflag:$0x5], $0x40, s26, s14, $0xb8;
	[tilespmem:$0x192C0] =	vst v63  }
0x8f: {  	_ =	swait.ge [sflag:s12], $0x1600  }
0x90: {  	[sflag:s12] =	ssyncset.done $0x0  }
0x91: {  	[sflag:s12] =	ssyncadd.s32 $0xFFFFEA00  }
0x92: {  	_ =	swait.ge [sflag:s21], $0x1600  }
0x93: {  	[sflag:s21] =	ssyncset.done $0x0  }
0x94: {  	[sflag:s21] =	ssyncadd.s32 $0xFFFFEA00  }
0x95: {  	[spmem:s2] =	stream.indirect.scatter.add.f32 [tilespmem:s17], [sflag:$0x5], $0x40, s28, s14, $0xb8;
	[tilespmem:$0x192C0] =	vst v63  }
0x96: {  	_ =	swait.ge [sflag:s12], $0x1600  }
0x97: {  	[sflag:s12] =	ssyncset.done $0x0  }
0x98: {  	[sflag:s12] =	ssyncadd.s32 $0xFFFFEA00  }
0x99: {  	_ =	swait.ge [sflag:s22], $0x1600  }
0x9a: {  	[sflag:s22] =	ssyncset.done $0x0  }
0x9b: {  	[sflag:s22] =	ssyncadd.s32 $0xFFFFEA00  }
0x9c: {  	[spmem:s2] =	stream.indirect.scatter.add.f32 [tilespmem:s19], [sflag:$0x5], $0x40, s29, s14, $0xb8;
	[tilespmem:$0x192C0] =	vst v63  }
0x9d: {  	_ =	swait.ge [sflag:s12], $0x1600  }
0x9e: {  	s30 =	sadd.s32 $0x1, s30;
	[sflag:s12] =	ssyncset.done $0x0  }
0x9f: {  	p0 =	sne.s32 s30, s10;
	[sflag:s12] =	ssyncadd.s32 $0xFFFFEA00  }
.Ltmp1:
0xa0: {  	[bflag:$0x0] =	sbarrier.arrive $0xFFFF;
	(pc) =	sbr.rel @p0 .LBB2_1-.Ltmp1, $4  }
0xa1: {  	[hbm:s9], [sflag:s5] =	dma.local [spmem:s11], $0x13C0  }
0xa2: {  	_ =	swait.ge [sflag:s12], $0x13C0  }
0xa3: {  	[sflag:s12] =	ssyncset.done $0x0  }
0xa4: {  	[sflag:s12] =	ssyncadd.s32 $0xFFFFEC40  }
0xa5: {  	_ =	sfence.sel $0x180000  }
0xa6: {  	[bflag:$0x0] =	sbarrier.arrive $0xFFFF  }
0xa7: {  	_ =	strace $0x9000004A  }
0xa8: {  	s0 =	stileid.u32;
	[bflag:$0x2] =	sbarrier.arrive $0xFFFF  }
0xa9: {  	p0 =	sne.s32 s0, $0x0;
	s0 =	rddreg [dreg:$0x2]  }
0xaa: {  	s0 =	sadd.s32 @!p0 $0x100000, s0  }
0xab: {  	[sflag:s0] =	ssyncadd.tile.s32 @!p0 $0x1;
	_ =	shalt  }
.Lfunc_end2:
_tile_overlayer_lowered:
.L_overlay_start_2:
0xac: {  	(tag) =	ssettag $0x2  }
0xad: {  	s0 =	rddreg [dreg:$0x0];
	s2 =	stileid.u32  }
0xae: {  	s1 =	rddreg [dreg:$0x1];
	p0 =	sne.s32 s2, $0x0  }
0xaf: {  	s3 =	rddreg [dreg:$0x2];
	[bflag:$0x3] =	sbarrier.arrive $0xFFFF;
	s2 =	simm.s32 @!p0 $0x1C05  }
0xb0: {  	[timem:s3], [sflag:s2] =	dma.local @!p0 [hbm:s0], s1  }
0xb1: {  	s0 =	simm.s32 @!p0 $0x5  }
0xb2: {  	_ =	swait.ge @!p0 [sflag:s0], s1  }
0xb3: {  	s1 =	ssub.s32 @!p0 $0x0, s1;
	[sflag:s0] =	ssyncset.done @!p0 $0x0  }
0xb4: {  	[sflag:s0] =	ssyncadd.s32 @!p0 s1  }
0xb5: {  	[bflag:$0x3] =	sbarrier.arrive $0xFFFF  }
0xb6: {  	_ =	shalt  }

// kernel: kernel.19.cloned.1.call-start
scs
__scs_entry_jumppad:
0x0: {  	(pc) =	sbr.rel $0x88, $3  }
0x1: {  	(tag) =	ssettag $0x0;
	lr =	simm.s32 $0x1  }
0x2: {  	[smem:$0x3F83] =	sst lr;
	_ =	strace $0xD0000000  }
0x3: {  	_ = 	snop  }
0x4: {  	_ = 	snop  }
0x5: {  	_ = 	snop  }
0x6: {  	_ = 	snop  }
0x7: {  	_ = 	snop  }
__scs_overlays_trampoline_lowered:
0x8: {  	[smem:$0x3F92] =	sst s0  }
0x9: {  	[smem:$0x3F93] =	sst s1  }
0xa: {  	[smem:$0x3F94] =	sst s2  }
0xb: {  	[smem:$0x3F95] =	sst s3  }
0xc: {  	[smem:$0x3F96] =	sst s4  }
0xd: {  	[smem:$0x3F97] =	sst s5  }
0xe: {  	[smem:$0x3F98] =	sst s6  }
0xf: {  	[smem:$0x3F99] =	sst s7  }
0x10: {  	[smem:$0x3F9A] =	sst s8  }
0x11: {  	[smem:$0x3F9B] =	sst s9;
	s0 =	simm.s32 @!p0 $0x0  }
0x12: {  	s1 =	sld [smem:$0x3F81];
	s0 =	simm.s32 @p0 $0x1  }
0x13: {  	[smem:$0x3F9C] =	sst s0;
	s0 =	simm.s32 @!p1 $0x0  }
0x14: {  	s2 =	sld [smem:$0x3F80];
	s0 =	simm.s32 @p1 $0x1  }
0x15: {  	[smem:$0x3F9D] =	sst s0;
	s0 =	simm.s32 @!p2 $0x0  }
0x16: {  	s3 =	sld [smem:$0x3FDB];
	s0 =	simm.s32 @p2 $0x1  }
0x17: {  	s4 =	simm.s32 $0x1BF5;
	[smem:$0x3F9F] =	sst s0  }
0x18: {  	s0 =	sld [smem:$0x3F82];
	_ =	swait.ge [sflag:s4], $0x0  }
0x19: {  	s7 =	sld [smem:$0x3F83]  }
0x1a: {  	s8 =	sadd.s32 $0xFFFFE003, lr  }
0x1b: {  	s9 =	sadd.s32 $0xFFFFFEF7, lr;
	s5 =	simm.s32 $0xFFFFFFFF;
	p2 =	slt.u32 s8, $0xFFFFF086  }
0x1c: {  	p1 =	slt.u32 s9, $0xF7A;
	s5 =	simm.s32 @!p2 $0x0  }
0x1d: {  	s5 =	simm.s32 @p1 $0x1;
	p0 =	seq.s32 s7, s2  }
0x1e: {  	s7 =	smul.u32 @!p0 $0xF7A, s2;
	p2 =	seq.s32 @!p0 s5, $0x0  }
0x1f: {  	s9 =	smul.u32 $0xF7A, s1;
	s8 =	simm.s32 @!p0 $0x1BF5;
	p2 =	por !p2, p0  }
0x20: {  	[sflag:s8] =	ssyncset.s32 @!p0 $0xFFFFF086;
	s6 =	sadd.s32 @!p0 s3, s7;
	s7 =	simm.s32 @!p0 $0x108  }
0x21: {  	s3 =	sadd.s32 s3, s9;
	s6 =	sadd.s32 @!p0 $0x88, s6;
	s7 =	simm.s32 @p2 $0x1082  }
0x22: {  	[simem:s7], [sflag:s8] =	dma.local @!p0 [hbm:s6], $0xF7A  }
0x23: {  	s9 =	sor.u32 $0xD0000000, s2;
	s6 =	simm.s32 $0x108;
	_ =	swait.ge @!p0 [sflag:s8], $0x0  }
0x24: {  	s3 =	sadd.s32 $0x88, s3;
	s6 =	simm.s32 @!p1 $0x1082;
	[sflag:s4] =	ssyncset.s32 $0xFFFFF086  }
0x25: {  	[simem:s6], [sflag:s4] =	dma.local [hbm:s3], $0xF7A  }
0x26: {  	[smem:$0x3F83] =	sst s1;
	(tag) =	ssettag s2;
	_ =	strace s9  }
0x27: {  	s1 =	sld [smem:$0x3F93]  }
0x28: {  	s2 =	sld [smem:$0x3F94]  }
0x29: {  	s4 =	sld [smem:$0x3F96]  }
0x2a: {  	p0 =	seq.s32 s5, $0x0;
	s5 =	sld [smem:$0x3F97]  }
0x2b: {  	s6 =	sld [smem:$0x3F98]  }
0x2c: {  	s7 =	sld [smem:$0x3F99]  }
0x2d: {  	s3 =	simm.s32 $0x108;
	s8 =	sld [smem:$0x3F9A]  }
0x2e: {  	s3 =	simm.s32 @!p0 $0x1082;
	s9 =	sld [smem:$0x3F9B]  }
0x2f: {  	lr =	sadd.s32 s0, s3;
	s0 =	sld [smem:$0x3F92]  }
0x30: {  	s3 =	sld [smem:$0x3F95]  }
0x31: {  	[smem:$0x3F9E] =	sst s10  }
0x32: {  	s10 =	sld [smem:$0x3F9C];
	_ =	sdelay $0x3  }
0x33: {  	p0 =	seq.s32 s10, $0x1;
	s10 =	sld [smem:$0x3F9E];
	_ =	sdelay $0x3  }
0x34: {  	[smem:$0x3F9E] =	sst s10  }
0x35: {  	s10 =	sld [smem:$0x3F9D];
	_ =	sdelay $0x3  }
0x36: {  	p1 =	seq.s32 s10, $0x1;
	s10 =	sld [smem:$0x3F9E];
	_ =	sdelay $0x3  }
0x37: {  	[smem:$0x3F9E] =	sst s10  }
0x38: {  	s10 =	sld [smem:$0x3F9F]  }
0x39: {  	_ = 	snop;
	(pc) =	sbr.ind lr, $3  }
0x3a: {  	_ = 	snop  }
0x3b: {  	_ = 	snop  }
0x3c: {  	p2 =	seq.s32 s10, $0x1;
	s10 =	sld [smem:$0x3F9E]  }
0x3d: {  	_ =	shalt  }
0x3e: {  	_ =	shalt  }
0x3f: {  	_ =	shalt  }
0x40: {  	_ =	shalt  }
0x41: {  	_ =	shalt  }
0x42: {  	_ =	shalt  }
0x43: {  	_ =	shalt  }
0x44: {  	_ =	shalt  }
0x45: {  	_ =	shalt  }
0x46: {  	_ =	shalt  }
0x47: {  	_ =	shalt  }
0x48: {  	_ =	shalt  }
0x49: {  	_ =	shalt  }
0x4a: {  	_ =	shalt  }
0x4b: {  	_ =	shalt  }
0x4c: {  	_ =	shalt  }
0x4d: {  	_ =	shalt  }
0x4e: {  	_ =	shalt  }
0x4f: {  	_ =	shalt  }
0x50: {  	_ =	shalt  }
0x51: {  	_ =	shalt  }
0x52: {  	_ =	shalt  }
0x53: {  	_ =	shalt  }
0x54: {  	_ =	shalt  }
0x55: {  	_ =	shalt  }
0x56: {  	_ =	shalt  }
0x57: {  	_ =	shalt  }
0x58: {  	_ =	shalt  }
0x59: {  	_ =	shalt  }
0x5a: {  	_ =	shalt  }
0x5b: {  	_ =	shalt  }
0x5c: {  	_ =	shalt  }
0x5d: {  	_ =	shalt  }
0x5e: {  	_ =	shalt  }
0x5f: {  	_ =	shalt  }
0x60: {  	_ =	shalt  }
0x61: {  	_ =	shalt  }
0x62: {  	_ =	shalt  }
0x63: {  	_ =	shalt  }
0x64: {  	_ =	shalt  }
0x65: {  	_ =	shalt  }
0x66: {  	_ =	shalt  }
0x67: {  	_ =	shalt  }
0x68: {  	_ =	shalt  }
0x69: {  	_ =	shalt  }
0x6a: {  	_ =	shalt  }
0x6b: {  	_ =	shalt  }
0x6c: {  	_ =	shalt  }
0x6d: {  	_ =	shalt  }
0x6e: {  	_ =	shalt  }
0x6f: {  	_ =	shalt  }
0x70: {  	_ =	shalt  }
0x71: {  	_ =	shalt  }
0x72: {  	_ =	shalt  }
0x73: {  	_ =	shalt  }
0x74: {  	_ =	shalt  }
0x75: {  	_ =	shalt  }
0x76: {  	_ =	shalt  }
0x77: {  	_ =	shalt  }
0x78: {  	_ =	shalt  }
0x79: {  	_ =	shalt  }
0x7a: {  	_ =	shalt  }
0x7b: {  	_ =	shalt  }
0x7c: {  	_ =	shalt  }
0x7d: {  	_ =	shalt  }
0x7e: {  	_ =	shalt  }
0x7f: {  	_ =	shalt  }
0x80: {  	_ =	shalt  }
0x81: {  	_ =	shalt  }
0x82: {  	_ =	shalt  }
0x83: {  	_ =	shalt  }
0x84: {  	_ =	shalt  }
0x85: {  	_ =	shalt  }
0x86: {  	_ =	shalt  }
0x87: {  	_ =	shalt  }
.Lfunc_end0:
.L_simem_size_0:
called_computation.2_lowered:
.L_overlay_start_0:
0x88: {  	s2 =	sld [smem:$0x3FD9]  }
0x89: {  	s3 =	sld [smem:$0x3FFE];
	_ =	sdelay $0x1  }
0x8a: {  	s1 =	srdreg.scid  }
0x8b: {  	s0 =	sand.u32 $0x1, s1  }
0x8c: {  	s16 =	sshll.u32 s0, $0xA;
	s2 =	sadd.s32 s3, s2  }
0x8d: {  	s2 =	sadd.s32 s2, s16  }
0x8e: {  	[smem:$0x3FAA] =	sst s2  }
0x8f: {  	_ = 	snop  }
0x90: {  	(tm) =	ssettm $0x1  }
0x91: {  	s17 =	sld [smem:$0x3FFB];
	_ =	sdelay $0x3  }
0x92: {  	_ =	strace s17  }
0x93: {  	s2 =	sld [smem:$0x3FFC];
	_ =	sdelay $0x3  }
0x94: {  	_ =	strace s2  }
0x95: {  	s2 =	sld [smem:$0x3FFD];
	_ =	sdelay $0x3  }
0x96: {  	_ =	strace s2  }
0x97: {  	_ =	strace $0x8FFFFFFF  }
0x98: {  	s18 =	sld [smem:$0x3FDB];
	_ =	sdelay $0x1  }
0x99: {  	s19 =	simm.s32 $_scs_section_size  }
0x9a: {  	s4 =	simm.s32 $_size__tile_overlayer_lowered;
	s5 =	simm.s32 $_tile_overlayer_lowered  }
0x9b: {  	s22 =	simm.s32 $0x1BFF;
	s21 =	sshll.u32 s5, $0x1;
	s2 =	sadd.s32 s19, s18  }
0x9c: {  	s6 =	simm.s32 $0x0;
	s20 =	sshll.u32 s4, $0x1;
	s4 =	sadd.s32 s21, s2  }
0x9d: {  	[timem:s6], [sflag:s22] =	dma.local [hbm:s4], s20  }
0x9e: {  	_ =	swait.ge [sflag:s22], s20  }
0x9f: {  	s3 =	ssub.s32 $0x0, s20;
	[sflag:s22] =	ssyncset.done $0x0  }
0xa0: {  	[sflag:s22] =	ssyncadd.s32 s3;
	_ =	sdelay $0x1  }
0xa1: {  	s23 =	simm.s32 $0x1B8B  }
0xa2: {  	_ =	swait.ge [sflag:s23], $0x1  }
0xa3: {  	[sflag:s23] =	ssyncset.done $0x0  }
0xa4: {  	s25 =	simm.s32 $0x1B8E;
	s24 =	sld [smem:$0x3FFE];
	[sflag:s23] =	ssyncadd.s32 $0xFFFFFFFF  }
0xa5: {  	s26 =	simm.s32 $execute0_lowered;
	[smem:$0x3FD2] =	sst s25  }
0xa6: {  	s4 =	sshll.u32 s26, $0x1;
	_ =	strace $0x8000004C;
	[dreg:$0x1] =	wrdreg $0xFFFFFFFF  }
0xa7: {  	s28 =	simm.s32 $_size_execute0_lowered;
	s2 =	sadd.s32 s2, s4;
	[dreg:$0x0] =	wrdreg $0x0  }
0xa8: {  	s4 =	sshll.u32 s28, $0x1;
	[dreg:$0x2] =	wrdreg s2  }
0xa9: {  	[dreg:$0x3] =	wrdreg s4  }
0xaa: {  	[dreg:$0x4] =	wrdreg $0xC0  }
0xab: {  	_ =	task [dreg:s6], $0x5FFFF  }
0xac: {  	[dreg:$0x1] =	wrdreg $0xFFFFFFFF  }
0xad: {  	[dreg:$0x0] =	wrdreg $0x60  }
0xae: {  	[dreg:$0x2] =	wrdreg s24  }
0xaf: {  	[dreg:$0x3] =	wrdreg $0xF4C00  }
0xb0: {  	[dreg:$0x4] =	wrdreg $0x9  }
0xb1: {  	_ =	task.clear_ibuf [dreg:s6], $0x5FFFF;
	_ =	strace $0x9000004C  }
0xb2: {  	s29 =	simm.s32 $0x9;
	_ =	strace $0x8000004E  }
0xb3: {  	_ =	swait.ge [sflag:s29], $0x1  }
0xb4: {  	[sflag:s29] =	ssyncadd.s32 $0xFFFFFFFF  }
0xb5: {  	_ =	strace $0x9000004E  }
0xb6: {  	_ =	sfence  }
0xb7: {  	s30 =	sld [smem:$0x0];
	_ =	sdelay $0x2  }
0xb8: {  	s31 =	sshll.u32 s1, $0xD;
	s1 =	sshrl.u32 s1, $0x2  }
0xb9: {  	s3 =	sand.u32 $0x4000, s31;
	s1 =	sadd.s32 s1, s30  }
0xba: {  	s0 =	sor.u32 s3, s0;
	s1 =	sshll.u32 s1, $0x11  }
0xbb: {  	s0 =	sor.u32 s1, s0  }
0xbc: {  	s0 =	sadd.s32 $0x8F2B, s0  }
0xbd: {  	[sflag:s0] =	ssyncadd.remote.s32 $0x1  }
0xbe: {  	_ =	sfence.sel $0xFFFF  }
0xbf: {  	[dreg:$0x0] =	wrdreg $0xFFFFFFFF;
	(pc) =	sbr.abs _section_cstart, $3  }
0xc0: {  	[dreg:$0x1] =	wrdreg $0xFFFFFFFF  }
0xc1: {  	_ =	task.clear_ibuf [dreg:s6], $0x2FFFF;
	_ =	strace $0x9FFFFFFF  }
0xc2: {  	(tm) =	ssettm $0x7FFFFFFF  }
0xc3: {  	_ =	shalt  }
tec
execute0_lowered:
.L_overlay_start_1:
0x0: {  	(tag) =	ssettag $0x1  }
0x1: {  	s0 =	srdreg.scid;
	s1 =	rddreg [dreg:$0x0]  }
0x2: {  	s10 =	stileid.u32;
	s2 =	rddreg [dreg:$0x1]  }
0x3: {  	s3 =	simm.s32 $0x0;
	s12 =	simm.s32 $0x5;
	s14 =	simm.s32 $0x58  }
0x4: {  	s15 =	simm.s32 $0x9CC0;
	s16 =	simm.s32 $0xB2C0;
	s17 =	simm.s32 $0xC8C0  }
0x5: {  	s18 =	simm.s32 $0x1;
	s19 =	simm.s32 $0xDEC0;
	s20 =	simm.s32 $0x2  }
0x6: {  	s21 =	simm.s32 $0x3;
	s22 =	simm.s32 $0x4;
	s24 =	simm.s32 $0x9B60  }
0x7: {  	s28 =	simm.s32 $0x9C10;
	s29 =	simm.s32 $0x9C68;
	s5 =	smul.u32 $0x9CC, s10  }
0x8: {  	s30 =	simm.s32 $0x0;
	s0 =	sand.u32 $0x1, s0;
	s6 =	smul.u32 $0x9E00, s10  }
0x9: {  	[smem:$0x7FF] =	sst s3;
	s31 =	sshll.u32 s10, $0x6;
	s4 =	smul.u32 $0x13880, s0  }
0xa: {  	s7 =	smul.u32 $0x9E000, s0;
	_ =	strace $0x8000004D;
	s0 =	ssub.s32 $0x2, s0  }
0xb: {  	s9 =	sadd.s32 s5, s1;
	s26 =	sshrl.u32 s0, $0x1;
	s11 =	sadd.s32 s6, s2  }
0xc: {  	s8 =	sadd.s32 s4, s1;
	s25 =	sadd.s32 s6, s7;
	s4 =	sadd.s32 $0x3F200, s1  }
0xd: {  	s0 =	ssub.s32 s0, s26;
	s6 =	sadd.s32 $0x35400, s9;
	s7 =	sadd.s32 $0x2B600, s9  }
0xe: {  	s11 =	sshrl.u32 s11, $0x3;
	s26 =	simm.s32 $0x9BB8;
	s5 =	sshrl.u32 s25, $0x3  }
0xf: {  	s8 =	sadd.s32 $0x4400, s8;
	s10 =	smax.u32 s0, $0x1;
	s1 =	sadd.s32 s5, s1  }
0x10: {  	s25 =	simm.s32 $0x4E08;
	s5 =	sor.u32 $0x1C05, s31;
	s9 =	sadd.s32 $0x40600, s1  }
.LBB2_1:
0x11: {  	[spmem:s11], [sflag:s5] =	dma.local [hbm:s4], $0x13C0  }
0x12: {  	_ =	swait.ge [sflag:s12], $0x13C0  }
0x13: {  	[sflag:s12] =	ssyncset.done $0x0  }
0x14: {  	[sflag:s12] =	ssyncadd.s32 $0xFFFFEC40  }
0x15: {  	[tilespmem:s3], [sflag:$0x5] =	stream.linear.gather [hbm4b:s6+s3], $0x4E60, $0x38;
	[tilespmem:$0x192C0] =	vst v63  }
0x16: {  	_ =	swait.ge [sflag:s12], $0x4E60  }
0x17: {  	[sflag:s12] =	ssyncset.done $0x0  }
0x18: {  	s0 =	simm.s32 $0x4E60;
	[sflag:s12] =	ssyncadd.s32 $0xFFFFB1A0  }
0x19: {  	[tilespmem:s0], [sflag:$0x5] =	stream.linear.gather [hbm4b:s7+s3], $0x4E60, $0x38;
	[tilespmem:$0x192C0] =	vst v63  }
0x1a: {  	_ =	swait.ge [sflag:s12], $0x4E60  }
0x1b: {  	[sflag:s12] =	ssyncset.done $0x0  }
0x1c: {  	[sflag:s12] =	ssyncadd.s32 $0xFFFFB1A0  }
0x1d: {  	[tilespmem:s15], [sflag:$0x1] =	stream.indirect.gather [hbm4b:s8+s14], $0x40, s3, s14, $0xb8;
	[tilespmem:$0x192C0] =	vst v63  }
0x1e: {  	_ = 	snop  }
0x1f: {  	[tilespmem:s16], [sflag:$0x2] =	stream.indirect.gather [hbm4b:s8+s14], $0x40, s14, s14, $0xb8;
	[tilespmem:$0x192C0] =	vst v63  }
0x20: {  	s13 =	simm.s32 $0xB0;
	[bflag:$0x0] =	sbarrier.arrive $0xFFFF  }
0x21: {  	[tilespmem:s17], [sflag:$0x3] =	stream.indirect.gather [hbm4b:s8+s14], $0x40, s13, s14, $0xb8;
	[tilespmem:$0x192C0] =	vst v63  }
0x22: {  	_ =	swait.ge [sflag:s18], $0x1600  }
0x23: {  	[sflag:s18] =	ssyncset.done $0x0  }
0x24: {  	s23 =	simm.s32 $0x4E60;
	[sflag:s18] =	ssyncadd.s32 $0xFFFFEA00  }
0x25: {  	[spmem:s2] =	stream.indirect.scatter.add.f32 [tilespmem:s15], [sflag:$0x5], $0x40, s23, s14, $0xb8;
	[tilespmem:$0x192C0] =	vst v63  }
0x26: {  	_ =	swait.ge [sflag:s12], $0x1600  }
0x27: {  	[sflag:s12] =	ssyncset.done $0x0  }
0x28: {  	s1 =	simm.s32 $0x108;
	[sflag:s12] =	ssyncadd.s32 $0xFFFFEA00  }
0x29: {  	[tilespmem:s19], [sflag:$0x4] =	stream.indirect.gather [hbm4b:s8+s14], $0x40, s1, s14, $0xb8;
	[tilespmem:$0x192C0] =	vst v63  }
0x2a: {  	_ =	swait.ge [sflag:s20], $0x1600  }
0x2b: {  	[sflag:s20] =	ssyncset.done $0x0  }
0x2c: {  	s13 =	simm.s32 $0x4EB8;
	[sflag:s20] =	ssyncadd.s32 $0xFFFFEA00  }
0x2d: {  	[spmem:s2] =	stream.indirect.scatter.add.f32 [tilespmem:s16], [sflag:$0x5], $0x40, s13, s14, $0xb8;
	[tilespmem:$0x192C0] =	vst v63  }
0x2e: {  	_ =	swait.ge [sflag:s12], $0x1600  }
0x2f: {  	[sflag:s12] =	ssyncset.done $0x0  }
0x30: {  	s23 =	simm.s32 $0x160;
	[sflag:s12] =	ssyncadd.s32 $0xFFFFEA00  }
0x31: {  	[tilespmem:s15], [sflag:$0x1] =	stream.indirect.gather [hbm4b:s8+s14], $0x40, s23, s14, $0xb8;
	[tilespmem:$0x192C0] =	vst v63  }
0x32: {  	_ =	swait.ge [sflag:s21], $0x1600  }
0x33: {  	[sflag:s21] =	ssyncset.done $0x0  }
0x34: {  	s1 =	simm.s32 $0x4F10;
	[sflag:s21] =	ssyncadd.s32 $0xFFFFEA00  }
0x35: {  	[spmem:s2] =	stream.indirect.scatter.add.f32 [tilespmem:s17], [sflag:$0x5], $0x40, s1, s14, $0xb8;
	[tilespmem:$0x192C0] =	vst v63  }
0x36: {  	_ =	swait.ge [sflag:s12], $0x1600  }
0x37: {  	[sflag:s12] =	ssyncset.done $0x0  }
0x38: {  	s13 =	simm.s32 $0x1B8;
	[sflag:s12] =	ssyncadd.s32 $0xFFFFEA00  }
0x39: {  	[tilespmem:s16], [sflag:$0x2] =	stream.indirect.gather [hbm4b:s8+s14], $0x40, s13, s14, $0xb8;
	[tilespmem:$0x192C0] =	vst v63  }
0x3a: {  	_ =	swait.ge [sflag:s22], $0x1600  }
0x3b: {  	[sflag:s22] =	ssyncset.done $0x0  }
0x3c: {  	s23 =	simm.s32 $0x4F68;
	[sflag:s22] =	ssyncadd.s32 $0xFFFFEA00  }
0x3d: {  	[spmem:s2] =	stream.indirect.scatter.add.f32 [tilespmem:s19], [sflag:$0x5], $0x40, s23, s14, $0xb8;
	[tilespmem:$0x192C0] =	vst v63  }
0x3e: {  	_ =	swait.ge [sflag:s12], $0x1600  }
0x3f: {  	s31 =	simm.s32 $0x160;
	s1 =	simm.s32 $0xB00;
	[sflag:s12] =	ssyncset.done $0x0  }
.LBB2_2:
0x40: {  	s23 =	sadd.s32 $0xB0, s31  }
0x41: {  	[sflag:s12] =	ssyncadd.s32 $0xFFFFEA00;
	s0 =	smov.u32 s1;
	s13 =	sadd.s32 $0x580, s1  }
0x42: {  	[tilespmem:s17], [sflag:$0x3] =	stream.indirect.gather [hbm4b:s8+s14], $0x40, s23, s14, $0xb8;
	[tilespmem:$0x192C0] =	vst v63  }
0x43: {  	p0 =	sne.s32 s1, $0x12E80;
	_ =	swait.ge [sflag:s18], $0x1600  }
0x44: {  	[sflag:s18] =	ssyncset.done $0x0  }
0x45: {  	s1 =	sadd.s32 $0x4E60, s31;
	[sflag:s18] =	ssyncadd.s32 $0xFFFFEA00  }
0x46: {  	[spmem:s2] =	stream.indirect.scatter.add.f32 [tilespmem:s15], [sflag:$0x5], $0x40, s1, s14, $0xb8;
	[tilespmem:$0x192C0] =	vst v63  }
0x47: {  	_ =	swait.ge [sflag:s12], $0x1600  }
0x48: {  	[sflag:s12] =	ssyncset.done $0x0  }
0x49: {  	s1 =	sadd.s32 $0x108, s31;
	[sflag:s12] =	ssyncadd.s32 $0xFFFFEA00  }
0x4a: {  	[tilespmem:s19], [sflag:$0x4] =	stream.indirect.gather [hbm4b:s8+s14], $0x40, s1, s14, $0xb8;
	[tilespmem:$0x192C0] =	vst v63  }
0x4b: {  	_ =	swait.ge [sflag:s20], $0x1600  }
0x4c: {  	[sflag:s20] =	ssyncset.done $0x0  }
0x4d: {  	s1 =	sadd.s32 $0x4EB8, s31;
	[sflag:s20] =	ssyncadd.s32 $0xFFFFEA00  }
0x4e: {  	[spmem:s2] =	stream.indirect.scatter.add.f32 [tilespmem:s16], [sflag:$0x5], $0x40, s1, s14, $0xb8;
	[tilespmem:$0x192C0] =	vst v63  }
0x4f: {  	_ =	swait.ge [sflag:s12], $0x1600  }
0x50: {  	[sflag:s12] =	ssyncset.done $0x0  }
0x51: {  	s1 =	sadd.s32 $0x160, s31;
	[sflag:s12] =	ssyncadd.s32 $0xFFFFEA00  }
0x52: {  	[tilespmem:s15], [sflag:$0x1] =	stream.indirect.gather [hbm4b:s8+s14], $0x40, s1, s14, $0xb8;
	[tilespmem:$0x192C0] =	vst v63  }
0x53: {  	_ =	swait.ge [sflag:s21], $0x1600  }
0x54: {  	[sflag:s21] =	ssyncset.done $0x0  }
0x55: {  	s1 =	sadd.s32 $0x4F10, s31;
	[sflag:s21] =	ssyncadd.s32 $0xFFFFEA00  }
0x56: {  	[spmem:s2] =	stream.indirect.scatter.add.f32 [tilespmem:s17], [sflag:$0x5], $0x40, s1, s14, $0xb8;
	[tilespmem:$0x192C0] =	vst v63  }
0x57: {  	_ =	swait.ge [sflag:s12], $0x1600  }
0x58: {  	[sflag:s12] =	ssyncset.done $0x0  }
0x59: {  	s1 =	sadd.s32 $0x1B8, s31;
	[sflag:s12] =	ssyncadd.s32 $0xFFFFEA00  }
0x5a: {  	[tilespmem:s16], [sflag:$0x2] =	stream.indirect.gather [hbm4b:s8+s14], $0x40, s1, s14, $0xb8;
	[tilespmem:$0x192C0] =	vst v63  }
0x5b: {  	_ =	swait.ge [sflag:s22], $0x1600  }
.Ltmp0:
0x5c: {  	[sflag:s22] =	ssyncset.done $0x0;
	(pc) =	sbr.rel @p0 .LBB2_2-.Ltmp0, $4  }
0x5d: {  	s1 =	sadd.s32 $0x4F68, s31;
	[sflag:s22] =	ssyncadd.s32 $0xFFFFEA00  }
0x5e: {  	[spmem:s2] =	stream.indirect.scatter.add.f32 [tilespmem:s19], [sflag:$0x5], $0x40, s1, s14, $0xb8;
	[tilespmem:$0x192C0] =	vst v63  }
0x5f: {  	_ =	swait.ge [sflag:s12], $0x1600  }
0x60: {  	s31 =	sshra.s32 s0, $0x2;
	s1 =	smov.u32 s13;
	[sflag:s12] =	ssyncset.done $0x0  }
0x61: {  	s0 =	sadd.s32 $0xB0, s31;
	[sflag:s12] =	ssyncadd.s32 $0xFFFFEA00  }
0x62: {  	[tilespmem:s17], [sflag:$0x3] =	stream.indirect.gather [hbm4b:s8+s14], $0x40, s0, s14, $0xb8;
	[tilespmem:$0x192C0] =	vst v63  }
0x63: {  	_ =	swait.ge [sflag:s18], $0x1600  }
0x64: {  	[sflag:s18] =	ssyncset.done $0x0  }
0x65: {  	s23 =	sadd.s32 $0x4E60, s31;
	[sflag:s18] =	ssyncadd.s32 $0xFFFFEA00  }
0x66: {  	[spmem:s2] =	stream.indirect.scatter.add.f32 [tilespmem:s15], [sflag:$0x5], $0x40, s23, s14, $0xb8;
	[tilespmem:$0x192C0] =	vst v63  }
0x67: {  	_ =	swait.ge [sflag:s12], $0x1600  }
0x68: {  	[sflag:s12] =	ssyncset.done $0x0  }
0x69: {  	s1 =	sadd.s32 $0x108, s31;
	[sflag:s12] =	ssyncadd.s32 $0xFFFFEA00  }
0x6a: {  	[tilespmem:s19], [sflag:$0x4] =	stream.indirect.gather [hbm4b:s8+s14], $0x40, s1, s14, $0xb8;
	[tilespmem:$0x192C0] =	vst v63  }
0x6b: {  	_ =	swait.ge [sflag:s20], $0x1600  }
0x6c: {  	[sflag:s20] =	ssyncset.done $0x0  }
0x6d: {  	s13 =	sadd.s32 $0x4EB8, s31;
	[sflag:s20] =	ssyncadd.s32 $0xFFFFEA00  }
0x6e: {  	[spmem:s2] =	stream.indirect.scatter.add.f32 [tilespmem:s16], [sflag:$0x5], $0x40, s13, s14, $0xb8;
	[tilespmem:$0x192C0] =	vst v63  }
0x6f: {  	_ =	swait.ge [sflag:s12], $0x1600  }
0x70: {  	[sflag:s12] =	ssyncset.done $0x0  }
0x71: {  	s23 =	sadd.s32 $0x160, s31;
	[sflag:s12] =	ssyncadd.s32 $0xFFFFEA00  }
0x72: {  	[tilespmem:s15], [sflag:$0x1] =	stream.indirect.gather [hbm4b:s8+s14], $0x40, s23, s14, $0xb8;
	[tilespmem:$0x192C0] =	vst v63  }
0x73: {  	_ =	swait.ge [sflag:s21], $0x1600  }
0x74: {  	[sflag:s21] =	ssyncset.done $0x0  }
0x75: {  	s1 =	sadd.s32 $0x4F10, s31;
	[sflag:s21] =	ssyncadd.s32 $0xFFFFEA00  }
0x76: {  	[spmem:s2] =	stream.indirect.scatter.add.f32 [tilespmem:s17], [sflag:$0x5], $0x40, s1, s14, $0xb8;
	[tilespmem:$0x192C0] =	vst v63  }
0x77: {  	_ =	swait.ge [sflag:s12], $0x1600  }
0x78: {  	[sflag:s12] =	ssyncset.done $0x0  }
0x79: {  	s13 =	sadd.s32 $0x1B8, s31;
	[sflag:s12] =	ssyncadd.s32 $0xFFFFEA00  }
0x7a: {  	[tilespmem:s16], [sflag:$0x2] =	stream.indirect.gather [hbm4b:s8+s14], $0x40, s13, s14, $0xb8;
	[tilespmem:$0x192C0] =	vst v63  }
0x7b: {  	_ =	swait.ge [sflag:s22], $0x1600  }
0x7c: {  	[sflag:s22] =	ssyncset.done $0x0  }
0x7d: {  	s23 =	sadd.s32 $0x4F68, s31;
	[sflag:s22] =	ssyncadd.s32 $0xFFFFEA00  }
0x7e: {  	[spmem:s2] =	stream.indirect.scatter.add.f32 [tilespmem:s19], [sflag:$0x5], $0x40, s23, s14, $0xb8;
	[tilespmem:$0x192C0] =	vst v63  }
0x7f: {  	_ =	swait.ge [sflag:s12], $0x1600  }
0x80: {  	[sflag:s12] =	ssyncset.done $0x0  }
0x81: {  	s31 =	simm.s32 $0x4DB0;
	[sflag:s12] =	ssyncadd.s32 $0xFFFFEA00  }
0x82: {  	[tilespmem:s17], [sflag:$0x3] =	stream.indirect.gather [hbm4b:s8+s14], $0x40, s31, s14, $0xb8;
	[tilespmem:$0x192C0] =	vst v63  }
0x83: {  	_ =	swait.ge [sflag:s18], $0x1600  }
0x84: {  	[sflag:s18] =	ssyncset.done $0x0  }
0x85: {  	[sflag:s18] =	ssyncadd.s32 $0xFFFFEA00  }
0x86: {  	[spmem:s2] =	stream.indirect.scatter.add.f32 [tilespmem:s15], [sflag:$0x5], $0x40, s24, s14, $0xb8;
	[tilespmem:$0x192C0] =	vst v63  }
0x87: {  	_ =	swait.ge [sflag:s12], $0x1600  }
0x88: {  	[sflag:s12] =	ssyncset.done $0x0  }
0x89: {  	[sflag:s12] =	ssyncadd.s32 $0xFFFFEA00  }
0x8a: {  	[tilespmem:s19], [sflag:$0x4] =	stream.indirect.gather [hbm4b:s8+s14], $0x40, s25, s14, $0xb8;
	[tilespmem:$0x192C0] =	vst v63  }
0x8b: {  	_ =	swait.ge [sflag:s20], $0x1600  }
0x8c: {  	[sflag:s20] =	ssyncset.done $0x0  }
0x8d: {  	[sflag:s20] =	ssyncadd.s32 $0xFFFFEA00  }
0x8e: {  	[spmem:s2] =	stream.indirect.scatter.add.f32 [tilespmem:s16], [sflag:$0x5], $0x40, s26, s14, $0xb8;
	[tilespmem:$0x192C0] =	vst v63  }
0x8f: {  	_ =	swait.ge [sflag:s12], $0x1600  }
0x90: {  	[sflag:s12] =	ssyncset.done $0x0  }
0x91: {  	[sflag:s12] =	ssyncadd.s32 $0xFFFFEA00  }
0x92: {  	_ =	swait.ge [sflag:s21], $0x1600  }
0x93: {  	[sflag:s21] =	ssyncset.done $0x0  }
0x94: {  	[sflag:s21] =	ssyncadd.s32 $0xFFFFEA00  }
0x95: {  	[spmem:s2] =	stream.indirect.scatter.add.f32 [tilespmem:s17], [sflag:$0x5], $0x40, s28, s14, $0xb8;
	[tilespmem:$0x192C0] =	vst v63  }
0x96: {  	_ =	swait.ge [sflag:s12], $0x1600  }
0x97: {  	[sflag:s12] =	ssyncset.done $0x0  }
0x98: {  	[sflag:s12] =	ssyncadd.s32 $0xFFFFEA00  }
0x99: {  	_ =	swait.ge [sflag:s22], $0x1600  }
0x9a: {  	[sflag:s22] =	ssyncset.done $0x0  }
0x9b: {  	[sflag:s22] =	ssyncadd.s32 $0xFFFFEA00  }
0x9c: {  	[spmem:s2] =	stream.indirect.scatter.add.f32 [tilespmem:s19], [sflag:$0x5], $0x40, s29, s14, $0xb8;
	[tilespmem:$0x192C0] =	vst v63  }
0x9d: {  	_ =	swait.ge [sflag:s12], $0x1600  }
0x9e: {  	s30 =	sadd.s32 $0x1, s30;
	[sflag:s12] =	ssyncset.done $0x0  }
0x9f: {  	p0 =	sne.s32 s30, s10;
	[sflag:s12] =	ssyncadd.s32 $0xFFFFEA00  }
.Ltmp1:
0xa0: {  	[bflag:$0x0] =	sbarrier.arrive $0xFFFF;
	(pc) =	sbr.rel @p0 .LBB2_1-.Ltmp1, $4  }
0xa1: {  	[hbm:s9], [sflag:s5] =	dma.local [spmem:s11], $0x13C0  }
0xa2: {  	_ =	swait.ge [sflag:s12], $0x13C0  }
0xa3: {  	[sflag:s12] =	ssyncset.done $0x0  }
0xa4: {  	[sflag:s12] =	ssyncadd.s32 $0xFFFFEC40  }
0xa5: {  	_ =	sfence.sel $0x180000  }
0xa6: {  	[bflag:$0x0] =	sbarrier.arrive $0xFFFF  }
0xa7: {  	_ =	strace $0x9000004D  }
0xa8: {  	s0 =	stileid.u32;
	[bflag:$0x2] =	sbarrier.arrive $0xFFFF  }
0xa9: {  	p0 =	sne.s32 s0, $0x0;
	s0 =	rddreg [dreg:$0x2]  }
0xaa: {  	s0 =	sadd.s32 @!p0 $0x100000, s0  }
0xab: {  	[sflag:s0] =	ssyncadd.tile.s32 @!p0 $0x1;
	_ =	shalt  }
.Lfunc_end2:
_tile_overlayer_lowered:
.L_overlay_start_2:
0xac: {  	(tag) =	ssettag $0x2  }
0xad: {  	s0 =	rddreg [dreg:$0x0];
	s2 =	stileid.u32  }
0xae: {  	s1 =	rddreg [dreg:$0x1];
	p0 =	sne.s32 s2, $0x0  }
0xaf: {  	s3 =	rddreg [dreg:$0x2];
	[bflag:$0x3] =	sbarrier.arrive $0xFFFF;
	s2 =	simm.s32 @!p0 $0x1C05  }
0xb0: {  	[timem:s3], [sflag:s2] =	dma.local @!p0 [hbm:s0], s1  }
0xb1: {  	s0 =	simm.s32 @!p0 $0x5  }
0xb2: {  	_ =	swait.ge @!p0 [sflag:s0], s1  }
0xb3: {  	s1 =	ssub.s32 @!p0 $0x0, s1;
	[sflag:s0] =	ssyncset.done @!p0 $0x0  }
0xb4: {  	[sflag:s0] =	ssyncadd.s32 @!p0 s1  }
0xb5: {  	[bflag:$0x3] =	sbarrier.arrive $0xFFFF  }
0xb6: {  	_ =	shalt  }

// kernel: kernel.22.cloned.1.call-start
scs
__scs_entry_jumppad:
0x0: {  	(pc) =	sbr.rel $0x88, $3  }
0x1: {  	(tag) =	ssettag $0x0;
	lr =	simm.s32 $0x1  }
0x2: {  	[smem:$0x3F83] =	sst lr;
	_ =	strace $0xD0000000  }
0x3: {  	_ = 	snop  }
0x4: {  	_ = 	snop  }
0x5: {  	_ = 	snop  }
0x6: {  	_ = 	snop  }
0x7: {  	_ = 	snop  }
__scs_overlays_trampoline_lowered:
0x8: {  	[smem:$0x3F92] =	sst s0  }
0x9: {  	[smem:$0x3F93] =	sst s1  }
0xa: {  	[smem:$0x3F94] =	sst s2  }
0xb: {  	[smem:$0x3F95] =	sst s3  }
0xc: {  	[smem:$0x3F96] =	sst s4  }
0xd: {  	[smem:$0x3F97] =	sst s5  }
0xe: {  	[smem:$0x3F98] =	sst s6  }
0xf: {  	[smem:$0x3F99] =	sst s7  }
0x10: {  	[smem:$0x3F9A] =	sst s8  }
0x11: {  	[smem:$0x3F9B] =	sst s9;
	s0 =	simm.s32 @!p0 $0x0  }
0x12: {  	s1 =	sld [smem:$0x3F81];
	s0 =	simm.s32 @p0 $0x1  }
0x13: {  	[smem:$0x3F9C] =	sst s0;
	s0 =	simm.s32 @!p1 $0x0  }
0x14: {  	s2 =	sld [smem:$0x3F80];
	s0 =	simm.s32 @p1 $0x1  }
0x15: {  	[smem:$0x3F9D] =	sst s0;
	s0 =	simm.s32 @!p2 $0x0  }
0x16: {  	s3 =	sld [smem:$0x3FDB];
	s0 =	simm.s32 @p2 $0x1  }
0x17: {  	s4 =	simm.s32 $0x1BF5;
	[smem:$0x3F9F] =	sst s0  }
0x18: {  	s0 =	sld [smem:$0x3F82];
	_ =	swait.ge [sflag:s4], $0x0  }
0x19: {  	s7 =	sld [smem:$0x3F83]  }
0x1a: {  	s8 =	sadd.s32 $0xFFFFE003, lr  }
0x1b: {  	s9 =	sadd.s32 $0xFFFFFEF7, lr;
	s5 =	simm.s32 $0xFFFFFFFF;
	p2 =	slt.u32 s8, $0xFFFFF086  }
0x1c: {  	p1 =	slt.u32 s9, $0xF7A;
	s5 =	simm.s32 @!p2 $0x0  }
0x1d: {  	s5 =	simm.s32 @p1 $0x1;
	p0 =	seq.s32 s7, s2  }
0x1e: {  	s7 =	smul.u32 @!p0 $0xF7A, s2;
	p2 =	seq.s32 @!p0 s5, $0x0  }
0x1f: {  	s9 =	smul.u32 $0xF7A, s1;
	s8 =	simm.s32 @!p0 $0x1BF5;
	p2 =	por !p2, p0  }
0x20: {  	[sflag:s8] =	ssyncset.s32 @!p0 $0xFFFFF086;
	s6 =	sadd.s32 @!p0 s3, s7;
	s7 =	simm.s32 @!p0 $0x108  }
0x21: {  	s3 =	sadd.s32 s3, s9;
	s6 =	sadd.s32 @!p0 $0x88, s6;
	s7 =	simm.s32 @p2 $0x1082  }
0x22: {  	[simem:s7], [sflag:s8] =	dma.local @!p0 [hbm:s6], $0xF7A  }
0x23: {  	s9 =	sor.u32 $0xD0000000, s2;
	s6 =	simm.s32 $0x108;
	_ =	swait.ge @!p0 [sflag:s8], $0x0  }
0x24: {  	s3 =	sadd.s32 $0x88, s3;
	s6 =	simm.s32 @!p1 $0x1082;
	[sflag:s4] =	ssyncset.s32 $0xFFFFF086  }
0x25: {  	[simem:s6], [sflag:s4] =	dma.local [hbm:s3], $0xF7A  }
0x26: {  	[smem:$0x3F83] =	sst s1;
	(tag) =	ssettag s2;
	_ =	strace s9  }
0x27: {  	s1 =	sld [smem:$0x3F93]  }
0x28: {  	s2 =	sld [smem:$0x3F94]  }
0x29: {  	s4 =	sld [smem:$0x3F96]  }
0x2a: {  	p0 =	seq.s32 s5, $0x0;
	s5 =	sld [smem:$0x3F97]  }
0x2b: {  	s6 =	sld [smem:$0x3F98]  }
0x2c: {  	s7 =	sld [smem:$0x3F99]  }
0x2d: {  	s3 =	simm.s32 $0x108;
	s8 =	sld [smem:$0x3F9A]  }
0x2e: {  	s3 =	simm.s32 @!p0 $0x1082;
	s9 =	sld [smem:$0x3F9B]  }
0x2f: {  	lr =	sadd.s32 s0, s3;
	s0 =	sld [smem:$0x3F92]  }
0x30: {  	s3 =	sld [smem:$0x3F95]  }
0x31: {  	[smem:$0x3F9E] =	sst s10  }
0x32: {  	s10 =	sld [smem:$0x3F9C];
	_ =	sdelay $0x3  }
0x33: {  	p0 =	seq.s32 s10, $0x1;
	s10 =	sld [smem:$0x3F9E];
	_ =	sdelay $0x3  }
0x34: {  	[smem:$0x3F9E] =	sst s10  }
0x35: {  	s10 =	sld [smem:$0x3F9D];
	_ =	sdelay $0x3  }
0x36: {  	p1 =	seq.s32 s10, $0x1;
	s10 =	sld [smem:$0x3F9E];
	_ =	sdelay $0x3  }
0x37: {  	[smem:$0x3F9E] =	sst s10  }
0x38: {  	s10 =	sld [smem:$0x3F9F]  }
0x39: {  	_ = 	snop;
	(pc) =	sbr.ind lr, $3  }
0x3a: {  	_ = 	snop  }
0x3b: {  	_ = 	snop  }
0x3c: {  	p2 =	seq.s32 s10, $0x1;
	s10 =	sld [smem:$0x3F9E]  }
0x3d: {  	_ =	shalt  }
0x3e: {  	_ =	shalt  }
0x3f: {  	_ =	shalt  }
0x40: {  	_ =	shalt  }
0x41: {  	_ =	shalt  }
0x42: {  	_ =	shalt  }
0x43: {  	_ =	shalt  }
0x44: {  	_ =	shalt  }
0x45: {  	_ =	shalt  }
0x46: {  	_ =	shalt  }
0x47: {  	_ =	shalt  }
0x48: {  	_ =	shalt  }
0x49: {  	_ =	shalt  }
0x4a: {  	_ =	shalt  }
0x4b: {  	_ =	shalt  }
0x4c: {  	_ =	shalt  }
0x4d: {  	_ =	shalt  }
0x4e: {  	_ =	shalt  }
0x4f: {  	_ =	shalt  }
0x50: {  	_ =	shalt  }
0x51: {  	_ =	shalt  }
0x52: {  	_ =	shalt  }
0x53: {  	_ =	shalt  }
0x54: {  	_ =	shalt  }
0x55: {  	_ =	shalt  }
0x56: {  	_ =	shalt  }
0x57: {  	_ =	shalt  }
0x58: {  	_ =	shalt  }
0x59: {  	_ =	shalt  }
0x5a: {  	_ =	shalt  }
0x5b: {  	_ =	shalt  }
0x5c: {  	_ =	shalt  }
0x5d: {  	_ =	shalt  }
0x5e: {  	_ =	shalt  }
0x5f: {  	_ =	shalt  }
0x60: {  	_ =	shalt  }
0x61: {  	_ =	shalt  }
0x62: {  	_ =	shalt  }
0x63: {  	_ =	shalt  }
0x64: {  	_ =	shalt  }
0x65: {  	_ =	shalt  }
0x66: {  	_ =	shalt  }
0x67: {  	_ =	shalt  }
0x68: {  	_ =	shalt  }
0x69: {  	_ =	shalt  }
0x6a: {  	_ =	shalt  }
0x6b: {  	_ =	shalt  }
0x6c: {  	_ =	shalt  }
0x6d: {  	_ =	shalt  }
0x6e: {  	_ =	shalt  }
0x6f: {  	_ =	shalt  }
0x70: {  	_ =	shalt  }
0x71: {  	_ =	shalt  }
0x72: {  	_ =	shalt  }
0x73: {  	_ =	shalt  }
0x74: {  	_ =	shalt  }
0x75: {  	_ =	shalt  }
0x76: {  	_ =	shalt  }
0x77: {  	_ =	shalt  }
0x78: {  	_ =	shalt  }
0x79: {  	_ =	shalt  }
0x7a: {  	_ =	shalt  }
0x7b: {  	_ =	shalt  }
0x7c: {  	_ =	shalt  }
0x7d: {  	_ =	shalt  }
0x7e: {  	_ =	shalt  }
0x7f: {  	_ =	shalt  }
0x80: {  	_ =	shalt  }
0x81: {  	_ =	shalt  }
0x82: {  	_ =	shalt  }
0x83: {  	_ =	shalt  }
0x84: {  	_ =	shalt  }
0x85: {  	_ =	shalt  }
0x86: {  	_ =	shalt  }
0x87: {  	_ =	shalt  }
.Lfunc_end0:
.L_simem_size_0:
called_computation.3_lowered:
.L_overlay_start_0:
0x88: {  	s2 =	sld [smem:$0x3FD9]  }
0x89: {  	s3 =	sld [smem:$0x3FFE];
	_ =	sdelay $0x1  }
0x8a: {  	s1 =	srdreg.scid  }
0x8b: {  	s0 =	sand.u32 $0x1, s1  }
0x8c: {  	s16 =	sshll.u32 s0, $0xA;
	s2 =	sadd.s32 s3, s2  }
0x8d: {  	s2 =	sadd.s32 s2, s16  }
0x8e: {  	[smem:$0x3FAA] =	sst s2  }
0x8f: {  	_ = 	snop  }
0x90: {  	(tm) =	ssettm $0x1  }
0x91: {  	s17 =	sld [smem:$0x3FFB];
	_ =	sdelay $0x3  }
0x92: {  	_ =	strace s17  }
0x93: {  	s2 =	sld [smem:$0x3FFC];
	_ =	sdelay $0x3  }
0x94: {  	_ =	strace s2  }
0x95: {  	s2 =	sld [smem:$0x3FFD];
	_ =	sdelay $0x3  }
0x96: {  	_ =	strace s2  }
0x97: {  	_ =	strace $0x8FFFFFFF  }
0x98: {  	s18 =	sld [smem:$0x3FDB];
	_ =	sdelay $0x1  }
0x99: {  	s19 =	simm.s32 $_scs_section_size  }
0x9a: {  	s4 =	simm.s32 $_size__tile_overlayer_lowered;
	s5 =	simm.s32 $_tile_overlayer_lowered  }
0x9b: {  	s22 =	simm.s32 $0x1BFF;
	s21 =	sshll.u32 s5, $0x1;
	s2 =	sadd.s32 s19, s18  }
0x9c: {  	s6 =	simm.s32 $0x0;
	s20 =	sshll.u32 s4, $0x1;
	s4 =	sadd.s32 s21, s2  }
0x9d: {  	[timem:s6], [sflag:s22] =	dma.local [hbm:s4], s20  }
0x9e: {  	_ =	swait.ge [sflag:s22], s20  }
0x9f: {  	s3 =	ssub.s32 $0x0, s20;
	[sflag:s22] =	ssyncset.done $0x0  }
0xa0: {  	[sflag:s22] =	ssyncadd.s32 s3;
	_ =	sdelay $0x1  }
0xa1: {  	s23 =	simm.s32 $0x1B8B  }
0xa2: {  	_ =	swait.ge [sflag:s23], $0x1  }
0xa3: {  	[sflag:s23] =	ssyncset.done $0x0  }
0xa4: {  	s25 =	simm.s32 $0x1B8E;
	s24 =	sld [smem:$0x3FFE];
	[sflag:s23] =	ssyncadd.s32 $0xFFFFFFFF  }
0xa5: {  	s26 =	simm.s32 $execute0_lowered;
	[smem:$0x3FD2] =	sst s25  }
0xa6: {  	s4 =	sshll.u32 s26, $0x1;
	_ =	strace $0x8000004F;
	[dreg:$0x1] =	wrdreg $0xFFFFFFFF  }
0xa7: {  	s28 =	simm.s32 $_size_execute0_lowered;
	s2 =	sadd.s32 s2, s4;
	[dreg:$0x0] =	wrdreg $0x0  }
0xa8: {  	s4 =	sshll.u32 s28, $0x1;
	[dreg:$0x2] =	wrdreg s2  }
0xa9: {  	[dreg:$0x3] =	wrdreg s4  }
0xaa: {  	[dreg:$0x4] =	wrdreg $0xC0  }
0xab: {  	_ =	task [dreg:s6], $0x5FFFF  }
0xac: {  	[dreg:$0x1] =	wrdreg $0xFFFFFFFF  }
0xad: {  	[dreg:$0x0] =	wrdreg $0x60  }
0xae: {  	[dreg:$0x2] =	wrdreg s24  }
0xaf: {  	[dreg:$0x3] =	wrdreg $0xF4C00  }
0xb0: {  	[dreg:$0x4] =	wrdreg $0x9  }
0xb1: {  	_ =	task.clear_ibuf [dreg:s6], $0x5FFFF;
	_ =	strace $0x9000004F  }
0xb2: {  	s29 =	simm.s32 $0x9;
	_ =	strace $0x80000051  }
0xb3: {  	_ =	swait.ge [sflag:s29], $0x1  }
0xb4: {  	[sflag:s29] =	ssyncadd.s32 $0xFFFFFFFF  }
0xb5: {  	_ =	strace $0x90000051  }
0xb6: {  	_ =	sfence  }
0xb7: {  	s30 =	sld [smem:$0x0];
	_ =	sdelay $0x2  }
0xb8: {  	s31 =	sshll.u32 s1, $0xD;
	s1 =	sshrl.u32 s1, $0x2  }
0xb9: {  	s3 =	sand.u32 $0x4000, s31;
	s1 =	sadd.s32 s1, s30  }
0xba: {  	s0 =	sor.u32 s3, s0;
	s1 =	sshll.u32 s1, $0x11  }
0xbb: {  	s0 =	sor.u32 s1, s0  }
0xbc: {  	s0 =	sadd.s32 $0x8F2B, s0  }
0xbd: {  	[sflag:s0] =	ssyncadd.remote.s32 $0x1  }
0xbe: {  	_ =	sfence.sel $0xFFFF  }
0xbf: {  	[dreg:$0x0] =	wrdreg $0xFFFFFFFF;
	(pc) =	sbr.abs _section_cstart, $3  }
0xc0: {  	[dreg:$0x1] =	wrdreg $0xFFFFFFFF  }
0xc1: {  	_ =	task.clear_ibuf [dreg:s6], $0x2FFFF;
	_ =	strace $0x9FFFFFFF  }
0xc2: {  	(tm) =	ssettm $0x7FFFFFFF  }
0xc3: {  	_ =	shalt  }
tec
execute0_lowered:
.L_overlay_start_1:
0x0: {  	(tag) =	ssettag $0x1  }
0x1: {  	s0 =	srdreg.scid;
	s1 =	rddreg [dreg:$0x0]  }
0x2: {  	s10 =	stileid.u32;
	s2 =	rddreg [dreg:$0x1]  }
0x3: {  	s3 =	simm.s32 $0x0;
	s12 =	simm.s32 $0x5;
	s14 =	simm.s32 $0x58  }
0x4: {  	s15 =	simm.s32 $0x9CC0;
	s16 =	simm.s32 $0xB2C0;
	s17 =	simm.s32 $0xC8C0  }
0x5: {  	s18 =	simm.s32 $0x1;
	s19 =	simm.s32 $0xDEC0;
	s20 =	simm.s32 $0x2  }
0x6: {  	s21 =	simm.s32 $0x3;
	s22 =	simm.s32 $0x4;
	s24 =	simm.s32 $0x9B60  }
0x7: {  	s28 =	simm.s32 $0x9C10;
	s29 =	simm.s32 $0x9C68;
	s5 =	smul.u32 $0x9CC, s10  }
0x8: {  	s30 =	simm.s32 $0x0;
	s0 =	sand.u32 $0x1, s0;
	s6 =	smul.u32 $0x9E00, s10  }
0x9: {  	[smem:$0x7FF] =	sst s3;
	s31 =	sshll.u32 s10, $0x6;
	s4 =	smul.u32 $0x13880, s0  }
0xa: {  	s7 =	smul.u32 $0x9E000, s0;
	_ =	strace $0x80000050;
	s0 =	ssub.s32 $0x2, s0  }
0xb: {  	s9 =	sadd.s32 s5, s1;
	s26 =	sshrl.u32 s0, $0x1;
	s11 =	sadd.s32 s6, s2  }
0xc: {  	s8 =	sadd.s32 s4, s1;
	s25 =	sadd.s32 s6, s7;
	s4 =	sadd.s32 $0x3F200, s1  }
0xd: {  	s0 =	ssub.s32 s0, s26;
	s6 =	sadd.s32 $0x35400, s9;
	s7 =	sadd.s32 $0x2B600, s9  }
0xe: {  	s11 =	sshrl.u32 s11, $0x3;
	s26 =	simm.s32 $0x9BB8;
	s5 =	sshrl.u32 s25, $0x3  }
0xf: {  	s8 =	sadd.s32 $0x4400, s8;
	s10 =	smax.u32 s0, $0x1;
	s1 =	sadd.s32 s5, s1  }
0x10: {  	s25 =	simm.s32 $0x4E08;
	s5 =	sor.u32 $0x1C05, s31;
	s9 =	sadd.s32 $0x40600, s1  }
.LBB2_1:
0x11: {  	[spmem:s11], [sflag:s5] =	dma.local [hbm:s4], $0x13C0  }
0x12: {  	_ =	swait.ge [sflag:s12], $0x13C0  }
0x13: {  	[sflag:s12] =	ssyncset.done $0x0  }
0x14: {  	[sflag:s12] =	ssyncadd.s32 $0xFFFFEC40  }
0x15: {  	[tilespmem:s3], [sflag:$0x5] =	stream.linear.gather [hbm4b:s6+s3], $0x4E60, $0x38;
	[tilespmem:$0x192C0] =	vst v63  }
0x16: {  	_ =	swait.ge [sflag:s12], $0x4E60  }
0x17: {  	[sflag:s12] =	ssyncset.done $0x0  }
0x18: {  	s0 =	simm.s32 $0x4E60;
	[sflag:s12] =	ssyncadd.s32 $0xFFFFB1A0  }
0x19: {  	[tilespmem:s0], [sflag:$0x5] =	stream.linear.gather [hbm4b:s7+s3], $0x4E60, $0x38;
	[tilespmem:$0x192C0] =	vst v63  }
0x1a: {  	_ =	swait.ge [sflag:s12], $0x4E60  }
0x1b: {  	[sflag:s12] =	ssyncset.done $0x0  }
0x1c: {  	[sflag:s12] =	ssyncadd.s32 $0xFFFFB1A0  }
0x1d: {  	[tilespmem:s15], [sflag:$0x1] =	stream.indirect.gather [hbm4b:s8+s14], $0x40, s3, s14, $0xb8;
	[tilespmem:$0x192C0] =	vst v63  }
0x1e: {  	_ = 	snop  }
0x1f: {  	[tilespmem:s16], [sflag:$0x2] =	stream.indirect.gather [hbm4b:s8+s14], $0x40, s14, s14, $0xb8;
	[tilespmem:$0x192C0] =	vst v63  }
0x20: {  	s13 =	simm.s32 $0xB0;
	[bflag:$0x0] =	sbarrier.arrive $0xFFFF  }
0x21: {  	[tilespmem:s17], [sflag:$0x3] =	stream.indirect.gather [hbm4b:s8+s14], $0x40, s13, s14, $0xb8;
	[tilespmem:$0x192C0] =	vst v63  }
0x22: {  	_ =	swait.ge [sflag:s18], $0x1600  }
0x23: {  	[sflag:s18] =	ssyncset.done $0x0  }
0x24: {  	s23 =	simm.s32 $0x4E60;
	[sflag:s18] =	ssyncadd.s32 $0xFFFFEA00  }
0x25: {  	[spmem:s2] =	stream.indirect.scatter.add.f32 [tilespmem:s15], [sflag:$0x5], $0x40, s23, s14, $0xb8;
	[tilespmem:$0x192C0] =	vst v63  }
0x26: {  	_ =	swait.ge [sflag:s12], $0x1600  }
0x27: {  	[sflag:s12] =	ssyncset.done $0x0  }
0x28: {  	s1 =	simm.s32 $0x108;
	[sflag:s12] =	ssyncadd.s32 $0xFFFFEA00  }
0x29: {  	[tilespmem:s19], [sflag:$0x4] =	stream.indirect.gather [hbm4b:s8+s14], $0x40, s1, s14, $0xb8;
	[tilespmem:$0x192C0] =	vst v63  }
0x2a: {  	_ =	swait.ge [sflag:s20], $0x1600  }
0x2b: {  	[sflag:s20] =	ssyncset.done $0x0  }
0x2c: {  	s13 =	simm.s32 $0x4EB8;
	[sflag:s20] =	ssyncadd.s32 $0xFFFFEA00  }
0x2d: {  	[spmem:s2] =	stream.indirect.scatter.add.f32 [tilespmem:s16], [sflag:$0x5], $0x40, s13, s14, $0xb8;
	[tilespmem:$0x192C0] =	vst v63  }
0x2e: {  	_ =	swait.ge [sflag:s12], $0x1600  }
0x2f: {  	[sflag:s12] =	ssyncset.done $0x0  }
0x30: {  	s23 =	simm.s32 $0x160;
	[sflag:s12] =	ssyncadd.s32 $0xFFFFEA00  }
0x31: {  	[tilespmem:s15], [sflag:$0x1] =	stream.indirect.gather [hbm4b:s8+s14], $0x40, s23, s14, $0xb8;
	[tilespmem:$0x192C0] =	vst v63  }
0x32: {  	_ =	swait.ge [sflag:s21], $0x1600  }
0x33: {  	[sflag:s21] =	ssyncset.done $0x0  }
0x34: {  	s1 =	simm.s32 $0x4F10;
	[sflag:s21] =	ssyncadd.s32 $0xFFFFEA00  }
0x35: {  	[spmem:s2] =	stream.indirect.scatter.add.f32 [tilespmem:s17], [sflag:$0x5], $0x40, s1, s14, $0xb8;
	[tilespmem:$0x192C0] =	vst v63  }
0x36: {  	_ =	swait.ge [sflag:s12], $0x1600  }
0x37: {  	[sflag:s12] =	ssyncset.done $0x0  }
0x38: {  	s13 =	simm.s32 $0x1B8;
	[sflag:s12] =	ssyncadd.s32 $0xFFFFEA00  }
0x39: {  	[tilespmem:s16], [sflag:$0x2] =	stream.indirect.gather [hbm4b:s8+s14], $0x40, s13, s14, $0xb8;
	[tilespmem:$0x192C0] =	vst v63  }
0x3a: {  	_ =	swait.ge [sflag:s22], $0x1600  }
0x3b: {  	[sflag:s22] =	ssyncset.done $0x0  }
0x3c: {  	s23 =	simm.s32 $0x4F68;
	[sflag:s22] =	ssyncadd.s32 $0xFFFFEA00  }
0x3d: {  	[spmem:s2] =	stream.indirect.scatter.add.f32 [tilespmem:s19], [sflag:$0x5], $0x40, s23, s14, $0xb8;
	[tilespmem:$0x192C0] =	vst v63  }
0x3e: {  	_ =	swait.ge [sflag:s12], $0x1600  }
0x3f: {  	s31 =	simm.s32 $0x160;
	s1 =	simm.s32 $0xB00;
	[sflag:s12] =	ssyncset.done $0x0  }
.LBB2_2:
0x40: {  	s23 =	sadd.s32 $0xB0, s31  }
0x41: {  	[sflag:s12] =	ssyncadd.s32 $0xFFFFEA00;
	s0 =	smov.u32 s1;
	s13 =	sadd.s32 $0x580, s1  }
0x42: {  	[tilespmem:s17], [sflag:$0x3] =	stream.indirect.gather [hbm4b:s8+s14], $0x40, s23, s14, $0xb8;
	[tilespmem:$0x192C0] =	vst v63  }
0x43: {  	p0 =	sne.s32 s1, $0x12E80;
	_ =	swait.ge [sflag:s18], $0x1600  }
0x44: {  	[sflag:s18] =	ssyncset.done $0x0  }
0x45: {  	s1 =	sadd.s32 $0x4E60, s31;
	[sflag:s18] =	ssyncadd.s32 $0xFFFFEA00  }
0x46: {  	[spmem:s2] =	stream.indirect.scatter.add.f32 [tilespmem:s15], [sflag:$0x5], $0x40, s1, s14, $0xb8;
	[tilespmem:$0x192C0] =	vst v63  }
0x47: {  	_ =	swait.ge [sflag:s12], $0x1600  }
0x48: {  	[sflag:s12] =	ssyncset.done $0x0  }
0x49: {  	s1 =	sadd.s32 $0x108, s31;
	[sflag:s12] =	ssyncadd.s32 $0xFFFFEA00  }
0x4a: {  	[tilespmem:s19], [sflag:$0x4] =	stream.indirect.gather [hbm4b:s8+s14], $0x40, s1, s14, $0xb8;
	[tilespmem:$0x192C0] =	vst v63  }
0x4b: {  	_ =	swait.ge [sflag:s20], $0x1600  }
0x4c: {  	[sflag:s20] =	ssyncset.done $0x0  }
0x4d: {  	s1 =	sadd.s32 $0x4EB8, s31;
	[sflag:s20] =	ssyncadd.s32 $0xFFFFEA00  }
0x4e: {  	[spmem:s2] =	stream.indirect.scatter.add.f32 [tilespmem:s16], [sflag:$0x5], $0x40, s1, s14, $0xb8;
	[tilespmem:$0x192C0] =	vst v63  }
0x4f: {  	_ =	swait.ge [sflag:s12], $0x1600  }
0x50: {  	[sflag:s12] =	ssyncset.done $0x0  }
0x51: {  	s1 =	sadd.s32 $0x160, s31;
	[sflag:s12] =	ssyncadd.s32 $0xFFFFEA00  }
0x52: {  	[tilespmem:s15], [sflag:$0x1] =	stream.indirect.gather [hbm4b:s8+s14], $0x40, s1, s14, $0xb8;
	[tilespmem:$0x192C0] =	vst v63  }
0x53: {  	_ =	swait.ge [sflag:s21], $0x1600  }
0x54: {  	[sflag:s21] =	ssyncset.done $0x0  }
0x55: {  	s1 =	sadd.s32 $0x4F10, s31;
	[sflag:s21] =	ssyncadd.s32 $0xFFFFEA00  }
0x56: {  	[spmem:s2] =	stream.indirect.scatter.add.f32 [tilespmem:s17], [sflag:$0x5], $0x40, s1, s14, $0xb8;
	[tilespmem:$0x192C0] =	vst v63  }
0x57: {  	_ =	swait.ge [sflag:s12], $0x1600  }
0x58: {  	[sflag:s12] =	ssyncset.done $0x0  }
0x59: {  	s1 =	sadd.s32 $0x1B8, s31;
	[sflag:s12] =	ssyncadd.s32 $0xFFFFEA00  }
0x5a: {  	[tilespmem:s16], [sflag:$0x2] =	stream.indirect.gather [hbm4b:s8+s14], $0x40, s1, s14, $0xb8;
	[tilespmem:$0x192C0] =	vst v63  }
0x5b: {  	_ =	swait.ge [sflag:s22], $0x1600  }
.Ltmp0:
0x5c: {  	[sflag:s22] =	ssyncset.done $0x0;
	(pc) =	sbr.rel @p0 .LBB2_2-.Ltmp0, $4  }
0x5d: {  	s1 =	sadd.s32 $0x4F68, s31;
	[sflag:s22] =	ssyncadd.s32 $0xFFFFEA00  }
0x5e: {  	[spmem:s2] =	stream.indirect.scatter.add.f32 [tilespmem:s19], [sflag:$0x5], $0x40, s1, s14, $0xb8;
	[tilespmem:$0x192C0] =	vst v63  }
0x5f: {  	_ =	swait.ge [sflag:s12], $0x1600  }
0x60: {  	s31 =	sshra.s32 s0, $0x2;
	s1 =	smov.u32 s13;
	[sflag:s12] =	ssyncset.done $0x0  }
0x61: {  	s0 =	sadd.s32 $0xB0, s31;
	[sflag:s12] =	ssyncadd.s32 $0xFFFFEA00  }
0x62: {  	[tilespmem:s17], [sflag:$0x3] =	stream.indirect.gather [hbm4b:s8+s14], $0x40, s0, s14, $0xb8;
	[tilespmem:$0x192C0] =	vst v63  }
0x63: {  	_ =	swait.ge [sflag:s18], $0x1600  }
0x64: {  	[sflag:s18] =	ssyncset.done $0x0  }
0x65: {  	s23 =	sadd.s32 $0x4E60, s31;
	[sflag:s18] =	ssyncadd.s32 $0xFFFFEA00  }
0x66: {  	[spmem:s2] =	stream.indirect.scatter.add.f32 [tilespmem:s15], [sflag:$0x5], $0x40, s23, s14, $0xb8;
	[tilespmem:$0x192C0] =	vst v63  }
0x67: {  	_ =	swait.ge [sflag:s12], $0x1600  }
0x68: {  	[sflag:s12] =	ssyncset.done $0x0  }
0x69: {  	s1 =	sadd.s32 $0x108, s31;
	[sflag:s12] =	ssyncadd.s32 $0xFFFFEA00  }
0x6a: {  	[tilespmem:s19], [sflag:$0x4] =	stream.indirect.gather [hbm4b:s8+s14], $0x40, s1, s14, $0xb8;
	[tilespmem:$0x192C0] =	vst v63  }
0x6b: {  	_ =	swait.ge [sflag:s20], $0x1600  }
0x6c: {  	[sflag:s20] =	ssyncset.done $0x0  }
0x6d: {  	s13 =	sadd.s32 $0x4EB8, s31;
	[sflag:s20] =	ssyncadd.s32 $0xFFFFEA00  }
0x6e: {  	[spmem:s2] =	stream.indirect.scatter.add.f32 [tilespmem:s16], [sflag:$0x5], $0x40, s13, s14, $0xb8;
	[tilespmem:$0x192C0] =	vst v63  }
0x6f: {  	_ =	swait.ge [sflag:s12], $0x1600  }
0x70: {  	[sflag:s12] =	ssyncset.done $0x0  }
0x71: {  	s23 =	sadd.s32 $0x160, s31;
	[sflag:s12] =	ssyncadd.s32 $0xFFFFEA00  }
0x72: {  	[tilespmem:s15], [sflag:$0x1] =	stream.indirect.gather [hbm4b:s8+s14], $0x40, s23, s14, $0xb8;
	[tilespmem:$0x192C0] =	vst v63  }
0x73: {  	_ =	swait.ge [sflag:s21], $0x1600  }
0x74: {  	[sflag:s21] =	ssyncset.done $0x0  }
0x75: {  	s1 =	sadd.s32 $0x4F10, s31;
	[sflag:s21] =	ssyncadd.s32 $0xFFFFEA00  }
0x76: {  	[spmem:s2] =	stream.indirect.scatter.add.f32 [tilespmem:s17], [sflag:$0x5], $0x40, s1, s14, $0xb8;
	[tilespmem:$0x192C0] =	vst v63  }
0x77: {  	_ =	swait.ge [sflag:s12], $0x1600  }
0x78: {  	[sflag:s12] =	ssyncset.done $0x0  }
0x79: {  	s13 =	sadd.s32 $0x1B8, s31;
	[sflag:s12] =	ssyncadd.s32 $0xFFFFEA00  }
0x7a: {  	[tilespmem:s16], [sflag:$0x2] =	stream.indirect.gather [hbm4b:s8+s14], $0x40, s13, s14, $0xb8;
	[tilespmem:$0x192C0] =	vst v63  }
0x7b: {  	_ =	swait.ge [sflag:s22], $0x1600  }
0x7c: {  	[sflag:s22] =	ssyncset.done $0x0  }
0x7d: {  	s23 =	sadd.s32 $0x4F68, s31;
	[sflag:s22] =	ssyncadd.s32 $0xFFFFEA00  }
0x7e: {  	[spmem:s2] =	stream.indirect.scatter.add.f32 [tilespmem:s19], [sflag:$0x5], $0x40, s23, s14, $0xb8;
	[tilespmem:$0x192C0] =	vst v63  }
0x7f: {  	_ =	swait.ge [sflag:s12], $0x1600  }
0x80: {  	[sflag:s12] =	ssyncset.done $0x0  }
0x81: {  	s31 =	simm.s32 $0x4DB0;
	[sflag:s12] =	ssyncadd.s32 $0xFFFFEA00  }
0x82: {  	[tilespmem:s17], [sflag:$0x3] =	stream.indirect.gather [hbm4b:s8+s14], $0x40, s31, s14, $0xb8;
	[tilespmem:$0x192C0] =	vst v63  }
0x83: {  	_ =	swait.ge [sflag:s18], $0x1600  }
0x84: {  	[sflag:s18] =	ssyncset.done $0x0  }
0x85: {  	[sflag:s18] =	ssyncadd.s32 $0xFFFFEA00  }
0x86: {  	[spmem:s2] =	stream.indirect.scatter.add.f32 [tilespmem:s15], [sflag:$0x5], $0x40, s24, s14, $0xb8;
	[tilespmem:$0x192C0] =	vst v63  }
0x87: {  	_ =	swait.ge [sflag:s12], $0x1600  }
0x88: {  	[sflag:s12] =	ssyncset.done $0x0  }
0x89: {  	[sflag:s12] =	ssyncadd.s32 $0xFFFFEA00  }
0x8a: {  	[tilespmem:s19], [sflag:$0x4] =	stream.indirect.gather [hbm4b:s8+s14], $0x40, s25, s14, $0xb8;
	[tilespmem:$0x192C0] =	vst v63  }
0x8b: {  	_ =	swait.ge [sflag:s20], $0x1600  }
0x8c: {  	[sflag:s20] =	ssyncset.done $0x0  }
0x8d: {  	[sflag:s20] =	ssyncadd.s32 $0xFFFFEA00  }
0x8e: {  	[spmem:s2] =	stream.indirect.scatter.add.f32 [tilespmem:s16], [sflag:$0x5], $0x40, s26, s14, $0xb8;
	[tilespmem:$0x192C0] =	vst v63  }
0x8f: {  	_ =	swait.ge [sflag:s12], $0x1600  }
0x90: {  	[sflag:s12] =	ssyncset.done $0x0  }
0x91: {  	[sflag:s12] =	ssyncadd.s32 $0xFFFFEA00  }
0x92: {  	_ =	swait.ge [sflag:s21], $0x1600  }
0x93: {  	[sflag:s21] =	ssyncset.done $0x0  }
0x94: {  	[sflag:s21] =	ssyncadd.s32 $0xFFFFEA00  }
0x95: {  	[spmem:s2] =	stream.indirect.scatter.add.f32 [tilespmem:s17], [sflag:$0x5], $0x40, s28, s14, $0xb8;
	[tilespmem:$0x192C0] =	vst v63  }
0x96: {  	_ =	swait.ge [sflag:s12], $0x1600  }
0x97: {  	[sflag:s12] =	ssyncset.done $0x0  }
0x98: {  	[sflag:s12] =	ssyncadd.s32 $0xFFFFEA00  }
0x99: {  	_ =	swait.ge [sflag:s22], $0x1600  }
0x9a: {  	[sflag:s22] =	ssyncset.done $0x0  }
0x9b: {  	[sflag:s22] =	ssyncadd.s32 $0xFFFFEA00  }
0x9c: {  	[spmem:s2] =	stream.indirect.scatter.add.f32 [tilespmem:s19], [sflag:$0x5], $0x40, s29, s14, $0xb8;
	[tilespmem:$0x192C0] =	vst v63  }
0x9d: {  	_ =	swait.ge [sflag:s12], $0x1600  }
0x9e: {  	s30 =	sadd.s32 $0x1, s30;
	[sflag:s12] =	ssyncset.done $0x0  }
0x9f: {  	p0 =	sne.s32 s30, s10;
	[sflag:s12] =	ssyncadd.s32 $0xFFFFEA00  }
.Ltmp1:
0xa0: {  	[bflag:$0x0] =	sbarrier.arrive $0xFFFF;
	(pc) =	sbr.rel @p0 .LBB2_1-.Ltmp1, $4  }
0xa1: {  	[hbm:s9], [sflag:s5] =	dma.local [spmem:s11], $0x13C0  }
0xa2: {  	_ =	swait.ge [sflag:s12], $0x13C0  }
0xa3: {  	[sflag:s12] =	ssyncset.done $0x0  }
0xa4: {  	[sflag:s12] =	ssyncadd.s32 $0xFFFFEC40  }
0xa5: {  	_ =	sfence.sel $0x180000  }
0xa6: {  	[bflag:$0x0] =	sbarrier.arrive $0xFFFF  }
0xa7: {  	_ =	strace $0x90000050  }
0xa8: {  	s0 =	stileid.u32;
	[bflag:$0x2] =	sbarrier.arrive $0xFFFF  }
0xa9: {  	p0 =	sne.s32 s0, $0x0;
	s0 =	rddreg [dreg:$0x2]  }
0xaa: {  	s0 =	sadd.s32 @!p0 $0x100000, s0  }
0xab: {  	[sflag:s0] =	ssyncadd.tile.s32 @!p0 $0x1;
	_ =	shalt  }
.Lfunc_end2:
_tile_overlayer_lowered:
.L_overlay_start_2:
0xac: {  	(tag) =	ssettag $0x2  }
0xad: {  	s0 =	rddreg [dreg:$0x0];
	s2 =	stileid.u32  }
0xae: {  	s1 =	rddreg [dreg:$0x1];
	p0 =	sne.s32 s2, $0x0  }
0xaf: {  	s3 =	rddreg [dreg:$0x2];
	[bflag:$0x3] =	sbarrier.arrive $0xFFFF;
	s2 =	simm.s32 @!p0 $0x1C05  }
0xb0: {  	[timem:s3], [sflag:s2] =	dma.local @!p0 [hbm:s0], s1  }
0xb1: {  	s0 =	simm.s32 @!p0 $0x5  }
0xb2: {  	_ =	swait.ge @!p0 [sflag:s0], s1  }
0xb3: {  	s1 =	ssub.s32 @!p0 $0x0, s1;
	[sflag:s0] =	ssyncset.done @!p0 $0x0  }
0xb4: {  	[sflag:s0] =	ssyncadd.s32 @!p0 s1  }
0xb5: {  	[bflag:$0x3] =	sbarrier.arrive $0xFFFF  }
0xb6: {  	_ =	shalt  }

// kernel: kernel.25.cloned.1.call-start
scs
__scs_entry_jumppad:
0x0: {  	(pc) =	sbr.rel $0x88, $3  }
0x1: {  	(tag) =	ssettag $0x0;
	lr =	simm.s32 $0x1  }
0x2: {  	[smem:$0x3F83] =	sst lr;
	_ =	strace $0xD0000000  }
0x3: {  	_ = 	snop  }
0x4: {  	_ = 	snop  }
0x5: {  	_ = 	snop  }
0x6: {  	_ = 	snop  }
0x7: {  	_ = 	snop  }
__scs_overlays_trampoline_lowered:
0x8: {  	[smem:$0x3F92] =	sst s0  }
0x9: {  	[smem:$0x3F93] =	sst s1  }
0xa: {  	[smem:$0x3F94] =	sst s2  }
0xb: {  	[smem:$0x3F95] =	sst s3  }
0xc: {  	[smem:$0x3F96] =	sst s4  }
0xd: {  	[smem:$0x3F97] =	sst s5  }
0xe: {  	[smem:$0x3F98] =	sst s6  }
0xf: {  	[smem:$0x3F99] =	sst s7  }
0x10: {  	[smem:$0x3F9A] =	sst s8  }
0x11: {  	[smem:$0x3F9B] =	sst s9;
	s0 =	simm.s32 @!p0 $0x0  }
0x12: {  	s1 =	sld [smem:$0x3F81];
	s0 =	simm.s32 @p0 $0x1  }
0x13: {  	[smem:$0x3F9C] =	sst s0;
	s0 =	simm.s32 @!p1 $0x0  }
0x14: {  	s2 =	sld [smem:$0x3F80];
	s0 =	simm.s32 @p1 $0x1  }
0x15: {  	[smem:$0x3F9D] =	sst s0;
	s0 =	simm.s32 @!p2 $0x0  }
0x16: {  	s3 =	sld [smem:$0x3FDB];
	s0 =	simm.s32 @p2 $0x1  }
0x17: {  	s4 =	simm.s32 $0x1BF5;
	[smem:$0x3F9F] =	sst s0  }
0x18: {  	s0 =	sld [smem:$0x3F82];
	_ =	swait.ge [sflag:s4], $0x0  }
0x19: {  	s7 =	sld [smem:$0x3F83]  }
0x1a: {  	s8 =	sadd.s32 $0xFFFFE003, lr  }
0x1b: {  	s9 =	sadd.s32 $0xFFFFFEF7, lr;
	s5 =	simm.s32 $0xFFFFFFFF;
	p2 =	slt.u32 s8, $0xFFFFF086  }
0x1c: {  	p1 =	slt.u32 s9, $0xF7A;
	s5 =	simm.s32 @!p2 $0x0  }
0x1d: {  	s5 =	simm.s32 @p1 $0x1;
	p0 =	seq.s32 s7, s2  }
0x1e: {  	s7 =	smul.u32 @!p0 $0xF7A, s2;
	p2 =	seq.s32 @!p0 s5, $0x0  }
0x1f: {  	s9 =	smul.u32 $0xF7A, s1;
	s8 =	simm.s32 @!p0 $0x1BF5;
	p2 =	por !p2, p0  }
0x20: {  	[sflag:s8] =	ssyncset.s32 @!p0 $0xFFFFF086;
	s6 =	sadd.s32 @!p0 s3, s7;
	s7 =	simm.s32 @!p0 $0x108  }
0x21: {  	s3 =	sadd.s32 s3, s9;
	s6 =	sadd.s32 @!p0 $0x88, s6;
	s7 =	simm.s32 @p2 $0x1082  }
0x22: {  	[simem:s7], [sflag:s8] =	dma.local @!p0 [hbm:s6], $0xF7A  }
0x23: {  	s9 =	sor.u32 $0xD0000000, s2;
	s6 =	simm.s32 $0x108;
	_ =	swait.ge @!p0 [sflag:s8], $0x0  }
0x24: {  	s3 =	sadd.s32 $0x88, s3;
	s6 =	simm.s32 @!p1 $0x1082;
	[sflag:s4] =	ssyncset.s32 $0xFFFFF086  }
0x25: {  	[simem:s6], [sflag:s4] =	dma.local [hbm:s3], $0xF7A  }
0x26: {  	[smem:$0x3F83] =	sst s1;
	(tag) =	ssettag s2;
	_ =	strace s9  }
0x27: {  	s1 =	sld [smem:$0x3F93]  }
0x28: {  	s2 =	sld [smem:$0x3F94]  }
0x29: {  	s4 =	sld [smem:$0x3F96]  }
0x2a: {  	p0 =	seq.s32 s5, $0x0;
	s5 =	sld [smem:$0x3F97]  }
0x2b: {  	s6 =	sld [smem:$0x3F98]  }
0x2c: {  	s7 =	sld [smem:$0x3F99]  }
0x2d: {  	s3 =	simm.s32 $0x108;
	s8 =	sld [smem:$0x3F9A]  }
0x2e: {  	s3 =	simm.s32 @!p0 $0x1082;
	s9 =	sld [smem:$0x3F9B]  }
0x2f: {  	lr =	sadd.s32 s0, s3;
	s0 =	sld [smem:$0x3F92]  }
0x30: {  	s3 =	sld [smem:$0x3F95]  }
0x31: {  	[smem:$0x3F9E] =	sst s10  }
0x32: {  	s10 =	sld [smem:$0x3F9C];
	_ =	sdelay $0x3  }
0x33: {  	p0 =	seq.s32 s10, $0x1;
	s10 =	sld [smem:$0x3F9E];
	_ =	sdelay $0x3  }
0x34: {  	[smem:$0x3F9E] =	sst s10  }
0x35: {  	s10 =	sld [smem:$0x3F9D];
	_ =	sdelay $0x3  }
0x36: {  	p1 =	seq.s32 s10, $0x1;
	s10 =	sld [smem:$0x3F9E];
	_ =	sdelay $0x3  }
0x37: {  	[smem:$0x3F9E] =	sst s10  }
0x38: {  	s10 =	sld [smem:$0x3F9F]  }
0x39: {  	_ = 	snop;
	(pc) =	sbr.ind lr, $3  }
0x3a: {  	_ = 	snop  }
0x3b: {  	_ = 	snop  }
0x3c: {  	p2 =	seq.s32 s10, $0x1;
	s10 =	sld [smem:$0x3F9E]  }
0x3d: {  	_ =	shalt  }
0x3e: {  	_ =	shalt  }
0x3f: {  	_ =	shalt  }
0x40: {  	_ =	shalt  }
0x41: {  	_ =	shalt  }
0x42: {  	_ =	shalt  }
0x43: {  	_ =	shalt  }
0x44: {  	_ =	shalt  }
0x45: {  	_ =	shalt  }
0x46: {  	_ =	shalt  }
0x47: {  	_ =	shalt  }
0x48: {  	_ =	shalt  }
0x49: {  	_ =	shalt  }
0x4a: {  	_ =	shalt  }
0x4b: {  	_ =	shalt  }
0x4c: {  	_ =	shalt  }
0x4d: {  	_ =	shalt  }
0x4e: {  	_ =	shalt  }
0x4f: {  	_ =	shalt  }
0x50: {  	_ =	shalt  }
0x51: {  	_ =	shalt  }
0x52: {  	_ =	shalt  }
0x53: {  	_ =	shalt  }
0x54: {  	_ =	shalt  }
0x55: {  	_ =	shalt  }
0x56: {  	_ =	shalt  }
0x57: {  	_ =	shalt  }
0x58: {  	_ =	shalt  }
0x59: {  	_ =	shalt  }
0x5a: {  	_ =	shalt  }
0x5b: {  	_ =	shalt  }
0x5c: {  	_ =	shalt  }
0x5d: {  	_ =	shalt  }
0x5e: {  	_ =	shalt  }
0x5f: {  	_ =	shalt  }
0x60: {  	_ =	shalt  }
0x61: {  	_ =	shalt  }
0x62: {  	_ =	shalt  }
0x63: {  	_ =	shalt  }
0x64: {  	_ =	shalt  }
0x65: {  	_ =	shalt  }
0x66: {  	_ =	shalt  }
0x67: {  	_ =	shalt  }
0x68: {  	_ =	shalt  }
0x69: {  	_ =	shalt  }
0x6a: {  	_ =	shalt  }
0x6b: {  	_ =	shalt  }
0x6c: {  	_ =	shalt  }
0x6d: {  	_ =	shalt  }
0x6e: {  	_ =	shalt  }
0x6f: {  	_ =	shalt  }
0x70: {  	_ =	shalt  }
0x71: {  	_ =	shalt  }
0x72: {  	_ =	shalt  }
0x73: {  	_ =	shalt  }
0x74: {  	_ =	shalt  }
0x75: {  	_ =	shalt  }
0x76: {  	_ =	shalt  }
0x77: {  	_ =	shalt  }
0x78: {  	_ =	shalt  }
0x79: {  	_ =	shalt  }
0x7a: {  	_ =	shalt  }
0x7b: {  	_ =	shalt  }
0x7c: {  	_ =	shalt  }
0x7d: {  	_ =	shalt  }
0x7e: {  	_ =	shalt  }
0x7f: {  	_ =	shalt  }
0x80: {  	_ =	shalt  }
0x81: {  	_ =	shalt  }
0x82: {  	_ =	shalt  }
0x83: {  	_ =	shalt  }
0x84: {  	_ =	shalt  }
0x85: {  	_ =	shalt  }
0x86: {  	_ =	shalt  }
0x87: {  	_ =	shalt  }
.Lfunc_end0:
.L_simem_size_0:
called_computation.4_lowered:
.L_overlay_start_0:
0x88: {  	s2 =	sld [smem:$0x3FD9]  }
0x89: {  	s3 =	sld [smem:$0x3FFE];
	_ =	sdelay $0x1  }
0x8a: {  	s1 =	srdreg.scid  }
0x8b: {  	s0 =	sand.u32 $0x1, s1  }
0x8c: {  	s16 =	sshll.u32 s0, $0xA;
	s2 =	sadd.s32 s3, s2  }
0x8d: {  	s2 =	sadd.s32 s2, s16  }
0x8e: {  	[smem:$0x3FAA] =	sst s2  }
0x8f: {  	_ = 	snop  }
0x90: {  	(tm) =	ssettm $0x1  }
0x91: {  	s17 =	sld [smem:$0x3FFB];
	_ =	sdelay $0x3  }
0x92: {  	_ =	strace s17  }
0x93: {  	s2 =	sld [smem:$0x3FFC];
	_ =	sdelay $0x3  }
0x94: {  	_ =	strace s2  }
0x95: {  	s2 =	sld [smem:$0x3FFD];
	_ =	sdelay $0x3  }
0x96: {  	_ =	strace s2  }
0x97: {  	_ =	strace $0x8FFFFFFF  }
0x98: {  	s18 =	sld [smem:$0x3FDB];
	_ =	sdelay $0x1  }
0x99: {  	s19 =	simm.s32 $_scs_section_size  }
0x9a: {  	s4 =	simm.s32 $_size__tile_overlayer_lowered;
	s5 =	simm.s32 $_tile_overlayer_lowered  }
0x9b: {  	s22 =	simm.s32 $0x1BFF;
	s21 =	sshll.u32 s5, $0x1;
	s2 =	sadd.s32 s19, s18  }
0x9c: {  	s6 =	simm.s32 $0x0;
	s20 =	sshll.u32 s4, $0x1;
	s4 =	sadd.s32 s21, s2  }
0x9d: {  	[timem:s6], [sflag:s22] =	dma.local [hbm:s4], s20  }
0x9e: {  	_ =	swait.ge [sflag:s22], s20  }
0x9f: {  	s3 =	ssub.s32 $0x0, s20;
	[sflag:s22] =	ssyncset.done $0x0  }
0xa0: {  	[sflag:s22] =	ssyncadd.s32 s3;
	_ =	sdelay $0x1  }
0xa1: {  	s23 =	simm.s32 $0x1B8B  }
0xa2: {  	_ =	swait.ge [sflag:s23], $0x1  }
0xa3: {  	[sflag:s23] =	ssyncset.done $0x0  }
0xa4: {  	s25 =	simm.s32 $0x1B8E;
	s24 =	sld [smem:$0x3FFE];
	[sflag:s23] =	ssyncadd.s32 $0xFFFFFFFF  }
0xa5: {  	s26 =	simm.s32 $execute0_lowered;
	[smem:$0x3FD2] =	sst s25  }
0xa6: {  	s4 =	sshll.u32 s26, $0x1;
	_ =	strace $0x80000052;
	[dreg:$0x1] =	wrdreg $0xFFFFFFFF  }
0xa7: {  	s28 =	simm.s32 $_size_execute0_lowered;
	s2 =	sadd.s32 s2, s4;
	[dreg:$0x0] =	wrdreg $0x0  }
0xa8: {  	s4 =	sshll.u32 s28, $0x1;
	[dreg:$0x2] =	wrdreg s2  }
0xa9: {  	[dreg:$0x3] =	wrdreg s4  }
0xaa: {  	[dreg:$0x4] =	wrdreg $0xC0  }
0xab: {  	_ =	task [dreg:s6], $0x5FFFF  }
0xac: {  	[dreg:$0x1] =	wrdreg $0xFFFFFFFF  }
0xad: {  	[dreg:$0x0] =	wrdreg $0x60  }
0xae: {  	[dreg:$0x2] =	wrdreg s24  }
0xaf: {  	[dreg:$0x3] =	wrdreg $0xF4C00  }
0xb0: {  	[dreg:$0x4] =	wrdreg $0x9  }
0xb1: {  	_ =	task.clear_ibuf [dreg:s6], $0x5FFFF;
	_ =	strace $0x90000052  }
0xb2: {  	s29 =	simm.s32 $0x9;
	_ =	strace $0x80000054  }
0xb3: {  	_ =	swait.ge [sflag:s29], $0x1  }
0xb4: {  	[sflag:s29] =	ssyncadd.s32 $0xFFFFFFFF  }
0xb5: {  	_ =	strace $0x90000054  }
0xb6: {  	_ =	sfence  }
0xb7: {  	s30 =	sld [smem:$0x0];
	_ =	sdelay $0x2  }
0xb8: {  	s31 =	sshll.u32 s1, $0xD;
	s1 =	sshrl.u32 s1, $0x2  }
0xb9: {  	s3 =	sand.u32 $0x4000, s31;
	s1 =	sadd.s32 s1, s30  }
0xba: {  	s0 =	sor.u32 s3, s0;
	s1 =	sshll.u32 s1, $0x11  }
0xbb: {  	s0 =	sor.u32 s1, s0  }
0xbc: {  	s0 =	sadd.s32 $0x8F2B, s0  }
0xbd: {  	[sflag:s0] =	ssyncadd.remote.s32 $0x1  }
0xbe: {  	_ =	sfence.sel $0xFFFF  }
0xbf: {  	[dreg:$0x0] =	wrdreg $0xFFFFFFFF;
	(pc) =	sbr.abs _section_cstart, $3  }
0xc0: {  	[dreg:$0x1] =	wrdreg $0xFFFFFFFF  }
0xc1: {  	_ =	task.clear_ibuf [dreg:s6], $0x2FFFF;
	_ =	strace $0x9FFFFFFF  }
0xc2: {  	(tm) =	ssettm $0x7FFFFFFF  }
0xc3: {  	_ =	shalt  }
tec
execute0_lowered:
.L_overlay_start_1:
0x0: {  	(tag) =	ssettag $0x1  }
0x1: {  	s0 =	srdreg.scid;
	s1 =	rddreg [dreg:$0x0]  }
0x2: {  	s10 =	stileid.u32;
	s2 =	rddreg [dreg:$0x1]  }
0x3: {  	s3 =	simm.s32 $0x0;
	s12 =	simm.s32 $0x5;
	s14 =	simm.s32 $0x58  }
0x4: {  	s15 =	simm.s32 $0x9CC0;
	s16 =	simm.s32 $0xB2C0;
	s17 =	simm.s32 $0xC8C0  }
0x5: {  	s18 =	simm.s32 $0x1;
	s19 =	simm.s32 $0xDEC0;
	s20 =	simm.s32 $0x2  }
0x6: {  	s21 =	simm.s32 $0x3;
	s22 =	simm.s32 $0x4;
	s24 =	simm.s32 $0x9B60  }
0x7: {  	s28 =	simm.s32 $0x9C10;
	s29 =	simm.s32 $0x9C68;
	s5 =	smul.u32 $0x9CC, s10  }
0x8: {  	s30 =	simm.s32 $0x0;
	s0 =	sand.u32 $0x1, s0;
	s6 =	smul.u32 $0x9E00, s10  }
0x9: {  	[smem:$0x7FF] =	sst s3;
	s31 =	sshll.u32 s10, $0x6;
	s4 =	smul.u32 $0x13880, s0  }
0xa: {  	s7 =	smul.u32 $0x9E000, s0;
	_ =	strace $0x80000053;
	s0 =	ssub.s32 $0x2, s0  }
0xb: {  	s9 =	sadd.s32 s5, s1;
	s26 =	sshrl.u32 s0, $0x1;
	s11 =	sadd.s32 s6, s2  }
0xc: {  	s8 =	sadd.s32 s4, s1;
	s25 =	sadd.s32 s6, s7;
	s4 =	sadd.s32 $0x3F200, s1  }
0xd: {  	s0 =	ssub.s32 s0, s26;
	s6 =	sadd.s32 $0x35400, s9;
	s7 =	sadd.s32 $0x2B600, s9  }
0xe: {  	s11 =	sshrl.u32 s11, $0x3;
	s26 =	simm.s32 $0x9BB8;
	s5 =	sshrl.u32 s25, $0x3  }
0xf: {  	s8 =	sadd.s32 $0x4400, s8;
	s10 =	smax.u32 s0, $0x1;
	s1 =	sadd.s32 s5, s1  }
0x10: {  	s25 =	simm.s32 $0x4E08;
	s5 =	sor.u32 $0x1C05, s31;
	s9 =	sadd.s32 $0x40600, s1  }
.LBB2_1:
0x11: {  	[spmem:s11], [sflag:s5] =	dma.local [hbm:s4], $0x13C0  }
0x12: {  	_ =	swait.ge [sflag:s12], $0x13C0  }
0x13: {  	[sflag:s12] =	ssyncset.done $0x0  }
0x14: {  	[sflag:s12] =	ssyncadd.s32 $0xFFFFEC40  }
0x15: {  	[tilespmem:s3], [sflag:$0x5] =	stream.linear.gather [hbm4b:s6+s3], $0x4E60, $0x38;
	[tilespmem:$0x192C0] =	vst v63  }
0x16: {  	_ =	swait.ge [sflag:s12], $0x4E60  }
0x17: {  	[sflag:s12] =	ssyncset.done $0x0  }
0x18: {  	s0 =	simm.s32 $0x4E60;
	[sflag:s12] =	ssyncadd.s32 $0xFFFFB1A0  }
0x19: {  	[tilespmem:s0], [sflag:$0x5] =	stream.linear.gather [hbm4b:s7+s3], $0x4E60, $0x38;
	[tilespmem:$0x192C0] =	vst v63  }
0x1a: {  	_ =	swait.ge [sflag:s12], $0x4E60  }
0x1b: {  	[sflag:s12] =	ssyncset.done $0x0  }
0x1c: {  	[sflag:s12] =	ssyncadd.s32 $0xFFFFB1A0  }
0x1d: {  	[tilespmem:s15], [sflag:$0x1] =	stream.indirect.gather [hbm4b:s8+s14], $0x40, s3, s14, $0xb8;
	[tilespmem:$0x192C0] =	vst v63  }
0x1e: {  	_ = 	snop  }
0x1f: {  	[tilespmem:s16], [sflag:$0x2] =	stream.indirect.gather [hbm4b:s8+s14], $0x40, s14, s14, $0xb8;
	[tilespmem:$0x192C0] =	vst v63  }
0x20: {  	s13 =	simm.s32 $0xB0;
	[bflag:$0x0] =	sbarrier.arrive $0xFFFF  }
0x21: {  	[tilespmem:s17], [sflag:$0x3] =	stream.indirect.gather [hbm4b:s8+s14], $0x40, s13, s14, $0xb8;
	[tilespmem:$0x192C0] =	vst v63  }
0x22: {  	_ =	swait.ge [sflag:s18], $0x1600  }
0x23: {  	[sflag:s18] =	ssyncset.done $0x0  }
0x24: {  	s23 =	simm.s32 $0x4E60;
	[sflag:s18] =	ssyncadd.s32 $0xFFFFEA00  }
0x25: {  	[spmem:s2] =	stream.indirect.scatter.add.f32 [tilespmem:s15], [sflag:$0x5], $0x40, s23, s14, $0xb8;
	[tilespmem:$0x192C0] =	vst v63  }
0x26: {  	_ =	swait.ge [sflag:s12], $0x1600  }
0x27: {  	[sflag:s12] =	ssyncset.done $0x0  }
0x28: {  	s1 =	simm.s32 $0x108;
	[sflag:s12] =	ssyncadd.s32 $0xFFFFEA00  }
0x29: {  	[tilespmem:s19], [sflag:$0x4] =	stream.indirect.gather [hbm4b:s8+s14], $0x40, s1, s14, $0xb8;
	[tilespmem:$0x192C0] =	vst v63  }
0x2a: {  	_ =	swait.ge [sflag:s20], $0x1600  }
0x2b: {  	[sflag:s20] =	ssyncset.done $0x0  }
0x2c: {  	s13 =	simm.s32 $0x4EB8;
	[sflag:s20] =	ssyncadd.s32 $0xFFFFEA00  }
0x2d: {  	[spmem:s2] =	stream.indirect.scatter.add.f32 [tilespmem:s16], [sflag:$0x5], $0x40, s13, s14, $0xb8;
	[tilespmem:$0x192C0] =	vst v63  }
0x2e: {  	_ =	swait.ge [sflag:s12], $0x1600  }
0x2f: {  	[sflag:s12] =	ssyncset.done $0x0  }
0x30: {  	s23 =	simm.s32 $0x160;
	[sflag:s12] =	ssyncadd.s32 $0xFFFFEA00  }
0x31: {  	[tilespmem:s15], [sflag:$0x1] =	stream.indirect.gather [hbm4b:s8+s14], $0x40, s23, s14, $0xb8;
	[tilespmem:$0x192C0] =	vst v63  }
0x32: {  	_ =	swait.ge [sflag:s21], $0x1600  }
0x33: {  	[sflag:s21] =	ssyncset.done $0x0  }
0x34: {  	s1 =	simm.s32 $0x4F10;
	[sflag:s21] =	ssyncadd.s32 $0xFFFFEA00  }
0x35: {  	[spmem:s2] =	stream.indirect.scatter.add.f32 [tilespmem:s17], [sflag:$0x5], $0x40, s1, s14, $0xb8;
	[tilespmem:$0x192C0] =	vst v63  }
0x36: {  	_ =	swait.ge [sflag:s12], $0x1600  }
0x37: {  	[sflag:s12] =	ssyncset.done $0x0  }
0x38: {  	s13 =	simm.s32 $0x1B8;
	[sflag:s12] =	ssyncadd.s32 $0xFFFFEA00  }
0x39: {  	[tilespmem:s16], [sflag:$0x2] =	stream.indirect.gather [hbm4b:s8+s14], $0x40, s13, s14, $0xb8;
	[tilespmem:$0x192C0] =	vst v63  }
0x3a: {  	_ =	swait.ge [sflag:s22], $0x1600  }
0x3b: {  	[sflag:s22] =	ssyncset.done $0x0  }
0x3c: {  	s23 =	simm.s32 $0x4F68;
	[sflag:s22] =	ssyncadd.s32 $0xFFFFEA00  }
0x3d: {  	[spmem:s2] =	stream.indirect.scatter.add.f32 [tilespmem:s19], [sflag:$0x5], $0x40, s23, s14, $0xb8;
	[tilespmem:$0x192C0] =	vst v63  }
0x3e: {  	_ =	swait.ge [sflag:s12], $0x1600  }
0x3f: {  	s31 =	simm.s32 $0x160;
	s1 =	simm.s32 $0xB00;
	[sflag:s12] =	ssyncset.done $0x0  }
.LBB2_2:
0x40: {  	s23 =	sadd.s32 $0xB0, s31  }
0x41: {  	[sflag:s12] =	ssyncadd.s32 $0xFFFFEA00;
	s0 =	smov.u32 s1;
	s13 =	sadd.s32 $0x580, s1  }
0x42: {  	[tilespmem:s17], [sflag:$0x3] =	stream.indirect.gather [hbm4b:s8+s14], $0x40, s23, s14, $0xb8;
	[tilespmem:$0x192C0] =	vst v63  }
0x43: {  	p0 =	sne.s32 s1, $0x12E80;
	_ =	swait.ge [sflag:s18], $0x1600  }
0x44: {  	[sflag:s18] =	ssyncset.done $0x0  }
0x45: {  	s1 =	sadd.s32 $0x4E60, s31;
	[sflag:s18] =	ssyncadd.s32 $0xFFFFEA00  }
0x46: {  	[spmem:s2] =	stream.indirect.scatter.add.f32 [tilespmem:s15], [sflag:$0x5], $0x40, s1, s14, $0xb8;
	[tilespmem:$0x192C0] =	vst v63  }
0x47: {  	_ =	swait.ge [sflag:s12], $0x1600  }
0x48: {  	[sflag:s12] =	ssyncset.done $0x0  }
0x49: {  	s1 =	sadd.s32 $0x108, s31;
	[sflag:s12] =	ssyncadd.s32 $0xFFFFEA00  }
0x4a: {  	[tilespmem:s19], [sflag:$0x4] =	stream.indirect.gather [hbm4b:s8+s14], $0x40, s1, s14, $0xb8;
	[tilespmem:$0x192C0] =	vst v63  }
0x4b: {  	_ =	swait.ge [sflag:s20], $0x1600  }
0x4c: {  	[sflag:s20] =	ssyncset.done $0x0  }
0x4d: {  	s1 =	sadd.s32 $0x4EB8, s31;
	[sflag:s20] =	ssyncadd.s32 $0xFFFFEA00  }
0x4e: {  	[spmem:s2] =	stream.indirect.scatter.add.f32 [tilespmem:s16], [sflag:$0x5], $0x40, s1, s14, $0xb8;
	[tilespmem:$0x192C0] =	vst v63  }
0x4f: {  	_ =	swait.ge [sflag:s12], $0x1600  }
0x50: {  	[sflag:s12] =	ssyncset.done $0x0  }
0x51: {  	s1 =	sadd.s32 $0x160, s31;
	[sflag:s12] =	ssyncadd.s32 $0xFFFFEA00  }
0x52: {  	[tilespmem:s15], [sflag:$0x1] =	stream.indirect.gather [hbm4b:s8+s14], $0x40, s1, s14, $0xb8;
	[tilespmem:$0x192C0] =	vst v63  }
0x53: {  	_ =	swait.ge [sflag:s21], $0x1600  }
0x54: {  	[sflag:s21] =	ssyncset.done $0x0  }
0x55: {  	s1 =	sadd.s32 $0x4F10, s31;
	[sflag:s21] =	ssyncadd.s32 $0xFFFFEA00  }
0x56: {  	[spmem:s2] =	stream.indirect.scatter.add.f32 [tilespmem:s17], [sflag:$0x5], $0x40, s1, s14, $0xb8;
	[tilespmem:$0x192C0] =	vst v63  }
0x57: {  	_ =	swait.ge [sflag:s12], $0x1600  }
0x58: {  	[sflag:s12] =	ssyncset.done $0x0  }
0x59: {  	s1 =	sadd.s32 $0x1B8, s31;
	[sflag:s12] =	ssyncadd.s32 $0xFFFFEA00  }
0x5a: {  	[tilespmem:s16], [sflag:$0x2] =	stream.indirect.gather [hbm4b:s8+s14], $0x40, s1, s14, $0xb8;
	[tilespmem:$0x192C0] =	vst v63  }
0x5b: {  	_ =	swait.ge [sflag:s22], $0x1600  }
.Ltmp0:
0x5c: {  	[sflag:s22] =	ssyncset.done $0x0;
	(pc) =	sbr.rel @p0 .LBB2_2-.Ltmp0, $4  }
0x5d: {  	s1 =	sadd.s32 $0x4F68, s31;
	[sflag:s22] =	ssyncadd.s32 $0xFFFFEA00  }
0x5e: {  	[spmem:s2] =	stream.indirect.scatter.add.f32 [tilespmem:s19], [sflag:$0x5], $0x40, s1, s14, $0xb8;
	[tilespmem:$0x192C0] =	vst v63  }
0x5f: {  	_ =	swait.ge [sflag:s12], $0x1600  }
0x60: {  	s31 =	sshra.s32 s0, $0x2;
	s1 =	smov.u32 s13;
	[sflag:s12] =	ssyncset.done $0x0  }
0x61: {  	s0 =	sadd.s32 $0xB0, s31;
	[sflag:s12] =	ssyncadd.s32 $0xFFFFEA00  }
0x62: {  	[tilespmem:s17], [sflag:$0x3] =	stream.indirect.gather [hbm4b:s8+s14], $0x40, s0, s14, $0xb8;
	[tilespmem:$0x192C0] =	vst v63  }
0x63: {  	_ =	swait.ge [sflag:s18], $0x1600  }
0x64: {  	[sflag:s18] =	ssyncset.done $0x0  }
0x65: {  	s23 =	sadd.s32 $0x4E60, s31;
	[sflag:s18] =	ssyncadd.s32 $0xFFFFEA00  }
0x66: {  	[spmem:s2] =	stream.indirect.scatter.add.f32 [tilespmem:s15], [sflag:$0x5], $0x40, s23, s14, $0xb8;
	[tilespmem:$0x192C0] =	vst v63  }
0x67: {  	_ =	swait.ge [sflag:s12], $0x1600  }
0x68: {  	[sflag:s12] =	ssyncset.done $0x0  }
0x69: {  	s1 =	sadd.s32 $0x108, s31;
	[sflag:s12] =	ssyncadd.s32 $0xFFFFEA00  }
0x6a: {  	[tilespmem:s19], [sflag:$0x4] =	stream.indirect.gather [hbm4b:s8+s14], $0x40, s1, s14, $0xb8;
	[tilespmem:$0x192C0] =	vst v63  }
0x6b: {  	_ =	swait.ge [sflag:s20], $0x1600  }
0x6c: {  	[sflag:s20] =	ssyncset.done $0x0  }
0x6d: {  	s13 =	sadd.s32 $0x4EB8, s31;
	[sflag:s20] =	ssyncadd.s32 $0xFFFFEA00  }
0x6e: {  	[spmem:s2] =	stream.indirect.scatter.add.f32 [tilespmem:s16], [sflag:$0x5], $0x40, s13, s14, $0xb8;
	[tilespmem:$0x192C0] =	vst v63  }
0x6f: {  	_ =	swait.ge [sflag:s12], $0x1600  }
0x70: {  	[sflag:s12] =	ssyncset.done $0x0  }
0x71: {  	s23 =	sadd.s32 $0x160, s31;
	[sflag:s12] =	ssyncadd.s32 $0xFFFFEA00  }
0x72: {  	[tilespmem:s15], [sflag:$0x1] =	stream.indirect.gather [hbm4b:s8+s14], $0x40, s23, s14, $0xb8;
	[tilespmem:$0x192C0] =	vst v63  }
0x73: {  	_ =	swait.ge [sflag:s21], $0x1600  }
0x74: {  	[sflag:s21] =	ssyncset.done $0x0  }
0x75: {  	s1 =	sadd.s32 $0x4F10, s31;
	[sflag:s21] =	ssyncadd.s32 $0xFFFFEA00  }
0x76: {  	[spmem:s2] =	stream.indirect.scatter.add.f32 [tilespmem:s17], [sflag:$0x5], $0x40, s1, s14, $0xb8;
	[tilespmem:$0x192C0] =	vst v63  }
0x77: {  	_ =	swait.ge [sflag:s12], $0x1600  }
0x78: {  	[sflag:s12] =	ssyncset.done $0x0  }
0x79: {  	s13 =	sadd.s32 $0x1B8, s31;
	[sflag:s12] =	ssyncadd.s32 $0xFFFFEA00  }
0x7a: {  	[tilespmem:s16], [sflag:$0x2] =	stream.indirect.gather [hbm4b:s8+s14], $0x40, s13, s14, $0xb8;
	[tilespmem:$0x192C0] =	vst v63  }
0x7b: {  	_ =	swait.ge [sflag:s22], $0x1600  }
0x7c: {  	[sflag:s22] =	ssyncset.done $0x0  }
0x7d: {  	s23 =	sadd.s32 $0x4F68, s31;
	[sflag:s22] =	ssyncadd.s32 $0xFFFFEA00  }
0x7e: {  	[spmem:s2] =	stream.indirect.scatter.add.f32 [tilespmem:s19], [sflag:$0x5], $0x40, s23, s14, $0xb8;
	[tilespmem:$0x192C0] =	vst v63  }
0x7f: {  	_ =	swait.ge [sflag:s12], $0x1600  }
0x80: {  	[sflag:s12] =	ssyncset.done $0x0  }
0x81: {  	s31 =	simm.s32 $0x4DB0;
	[sflag:s12] =	ssyncadd.s32 $0xFFFFEA00  }
0x82: {  	[tilespmem:s17], [sflag:$0x3] =	stream.indirect.gather [hbm4b:s8+s14], $0x40, s31, s14, $0xb8;
	[tilespmem:$0x192C0] =	vst v63  }
0x83: {  	_ =	swait.ge [sflag:s18], $0x1600  }
0x84: {  	[sflag:s18] =	ssyncset.done $0x0  }
0x85: {  	[sflag:s18] =	ssyncadd.s32 $0xFFFFEA00  }
0x86: {  	[spmem:s2] =	stream.indirect.scatter.add.f32 [tilespmem:s15], [sflag:$0x5], $0x40, s24, s14, $0xb8;
	[tilespmem:$0x192C0] =	vst v63  }
0x87: {  	_ =	swait.ge [sflag:s12], $0x1600  }
0x88: {  	[sflag:s12] =	ssyncset.done $0x0  }
0x89: {  	[sflag:s12] =	ssyncadd.s32 $0xFFFFEA00  }
0x8a: {  	[tilespmem:s19], [sflag:$0x4] =	stream.indirect.gather [hbm4b:s8+s14], $0x40, s25, s14, $0xb8;
	[tilespmem:$0x192C0] =	vst v63  }
0x8b: {  	_ =	swait.ge [sflag:s20], $0x1600  }
0x8c: {  	[sflag:s20] =	ssyncset.done $0x0  }
0x8d: {  	[sflag:s20] =	ssyncadd.s32 $0xFFFFEA00  }
0x8e: {  	[spmem:s2] =	stream.indirect.scatter.add.f32 [tilespmem:s16], [sflag:$0x5], $0x40, s26, s14, $0xb8;
	[tilespmem:$0x192C0] =	vst v63  }
0x8f: {  	_ =	swait.ge [sflag:s12], $0x1600  }
0x90: {  	[sflag:s12] =	ssyncset.done $0x0  }
0x91: {  	[sflag:s12] =	ssyncadd.s32 $0xFFFFEA00  }
0x92: {  	_ =	swait.ge [sflag:s21], $0x1600  }
0x93: {  	[sflag:s21] =	ssyncset.done $0x0  }
0x94: {  	[sflag:s21] =	ssyncadd.s32 $0xFFFFEA00  }
0x95: {  	[spmem:s2] =	stream.indirect.scatter.add.f32 [tilespmem:s17], [sflag:$0x5], $0x40, s28, s14, $0xb8;
	[tilespmem:$0x192C0] =	vst v63  }
0x96: {  	_ =	swait.ge [sflag:s12], $0x1600  }
0x97: {  	[sflag:s12] =	ssyncset.done $0x0  }
0x98: {  	[sflag:s12] =	ssyncadd.s32 $0xFFFFEA00  }
0x99: {  	_ =	swait.ge [sflag:s22], $0x1600  }
0x9a: {  	[sflag:s22] =	ssyncset.done $0x0  }
0x9b: {  	[sflag:s22] =	ssyncadd.s32 $0xFFFFEA00  }
0x9c: {  	[spmem:s2] =	stream.indirect.scatter.add.f32 [tilespmem:s19], [sflag:$0x5], $0x40, s29, s14, $0xb8;
	[tilespmem:$0x192C0] =	vst v63  }
0x9d: {  	_ =	swait.ge [sflag:s12], $0x1600  }
0x9e: {  	s30 =	sadd.s32 $0x1, s30;
	[sflag:s12] =	ssyncset.done $0x0  }
0x9f: {  	p0 =	sne.s32 s30, s10;
	[sflag:s12] =	ssyncadd.s32 $0xFFFFEA00  }
.Ltmp1:
0xa0: {  	[bflag:$0x0] =	sbarrier.arrive $0xFFFF;
	(pc) =	sbr.rel @p0 .LBB2_1-.Ltmp1, $4  }
0xa1: {  	[hbm:s9], [sflag:s5] =	dma.local [spmem:s11], $0x13C0  }
0xa2: {  	_ =	swait.ge [sflag:s12], $0x13C0  }
0xa3: {  	[sflag:s12] =	ssyncset.done $0x0  }
0xa4: {  	[sflag:s12] =	ssyncadd.s32 $0xFFFFEC40  }
0xa5: {  	_ =	sfence.sel $0x180000  }
0xa6: {  	[bflag:$0x0] =	sbarrier.arrive $0xFFFF  }
0xa7: {  	_ =	strace $0x90000053  }
0xa8: {  	s0 =	stileid.u32;
	[bflag:$0x2] =	sbarrier.arrive $0xFFFF  }
0xa9: {  	p0 =	sne.s32 s0, $0x0;
	s0 =	rddreg [dreg:$0x2]  }
0xaa: {  	s0 =	sadd.s32 @!p0 $0x100000, s0  }
0xab: {  	[sflag:s0] =	ssyncadd.tile.s32 @!p0 $0x1;
	_ =	shalt  }
.Lfunc_end2:
_tile_overlayer_lowered:
.L_overlay_start_2:
0xac: {  	(tag) =	ssettag $0x2  }
0xad: {  	s0 =	rddreg [dreg:$0x0];
	s2 =	stileid.u32  }
0xae: {  	s1 =	rddreg [dreg:$0x1];
	p0 =	sne.s32 s2, $0x0  }
0xaf: {  	s3 =	rddreg [dreg:$0x2];
	[bflag:$0x3] =	sbarrier.arrive $0xFFFF;
	s2 =	simm.s32 @!p0 $0x1C05  }
0xb0: {  	[timem:s3], [sflag:s2] =	dma.local @!p0 [hbm:s0], s1  }
0xb1: {  	s0 =	simm.s32 @!p0 $0x5  }
0xb2: {  	_ =	swait.ge @!p0 [sflag:s0], s1  }
0xb3: {  	s1 =	ssub.s32 @!p0 $0x0, s1;
	[sflag:s0] =	ssyncset.done @!p0 $0x0  }
0xb4: {  	[sflag:s0] =	ssyncadd.s32 @!p0 s1  }
0xb5: {  	[bflag:$0x3] =	sbarrier.arrive $0xFFFF  }
0xb6: {  	_ =	shalt  }

</sc_bundles>
